<compile_context>
chip_gen: v7x
topology: tpu7x:2x2x1
jax: 0.10.2.dev20260603
libtpu: 0.0.44.dev20260713+nightly
codegen_flags: <defaults>
</compile_context>

<pallas_src>
import jax
import jax.numpy as jnp
from jax import lax
from jax.experimental import pallas as pl
from jax.experimental.pallas import tpu as pltpu
from jax.experimental.pallas import tpu_sc as plsc

VOCAB = 1000000
EMBED_DIM = 32
BATCH = 4096
HIST_LEN = 200

NC = 2
NS = 16
NW = NC * NS
LANES = 16

GRAN = 16
NGRAN = VOCAB * 128 // GRAN
BB = BATCH // NW
GH = 4
GROUPS = HIST_LEN // GH
GIDX = GH * BB * 2
PITCH = 129


def _make_gather():
    mesh = plsc.VectorSubcoreMesh(core_axis_name="c", subcore_axis_name="s")

    def body(idx_hbm, table_hbm, out_hbm, idx_v, idx2_v, rows_v, rowst_v,
             sem_g, sem_o):
        wid = lax.axis_index("s") * NC + lax.axis_index("c")
        pltpu.sync_copy(idx_hbm.at[:, pl.ds(wid * BB, BB)], idx_v)

        lane = lax.iota(jnp.int32, LANES)
        dt_lo = lax.shift_right_logical(lane, 3)
        dt_hi = dt_lo + 2
        dr = lax.rem(lane, 8)

        def gather_desc(slot):
            return pltpu.make_async_copy(
                table_hbm.at[idx2_v.at[slot]], rows_v.at[slot], sem_g)

        def out_desc(g, hh, slot):
            return pltpu.make_async_copy(
                rowst_v.at[slot, hh, :, :, pl.ds(0, BB)],
                out_hbm.at[g * GH + hh, :, wid],
                sem_o,
            )

        def expand(g, slot):
            dst = idx2_v.at[slot]
            for hh in range(GH):
                h = g * GH + hh
                for c in range(BB // LANES):
                    v = idx_v[h, pl.ds(c * LANES, LANES)]
                    v2 = v * 8
                    pos = (hh * 2 * BB + 2 * c * LANES) + 2 * lane
                    plsc.store_scatter(dst, [pos], v2)
                    plsc.store_scatter(dst, [pos + 1], v2 + 1)

        def transpose(g, slot):
            for hh in range(GH):
                tref = rowst_v.at[slot, hh]
                base = hh * 2 * BB

                def tbody(b, carry):
                    bvec = lane * 0 + b
                    v0 = rows_v[slot, base + 2 * b]
                    v1 = rows_v[slot, base + 2 * b + 1]
                    plsc.store_scatter(tref, [dt_lo, dr, bvec], v0)
                    plsc.store_scatter(tref, [dt_hi, dr, bvec], v1)
                    return carry

                lax.fori_loop(0, BB, tbody, 0, unroll=8)

        expand(0, 0)
        gather_desc(0).start()

        def group(g, carry):
            slot = lax.rem(g, 2)

            @pl.when(g + 1 < GROUPS)
            def _():
                nslot = lax.rem(g + 1, 2)
                expand(g + 1, nslot)
                gather_desc(nslot).start()

            gather_desc(slot).wait()

            @pl.when(g >= 2)
            def _():
                for hh in range(GH):
                    out_desc(g - 2, hh, slot).wait()

            transpose(g, slot)
            for hh in range(GH):
                out_desc(g, hh, slot).start()
            return carry

        lax.fori_loop(0, GROUPS, group, 0)
        for g in (GROUPS - 2, GROUPS - 1):
            for hh in range(GH):
                out_desc(g, hh, g % 2).wait()

    kern = pl.kernel(
        body,
        out_type=jax.ShapeDtypeStruct(
            (HIST_LEN, EMBED_DIM // 8, NW, 8, BB), jnp.float32),
        mesh=mesh,
        scratch_types=[
            pltpu.VMEM((HIST_LEN, BB), jnp.int32),
            pltpu.VMEM((2, GIDX), jnp.int32),
            pltpu.VMEM((2, GIDX, GRAN), jnp.float32),
            pltpu.VMEM((2, GH, EMBED_DIM // 8, 8, PITCH), jnp.float32),
            pltpu.SemaphoreType.DMA,
            pltpu.SemaphoreType.DMA,
        ],
        compiler_params=pltpu.CompilerParams(
            use_tc_tiling_on_sc=False, needs_layout_passes=False),
    )
    return kern


_gather = _make_gather()


def kernel(inputs, embedding_matrix):
    idx = inputs.astype(jnp.int32).T
    table = jnp.pad(embedding_matrix, ((0, 0), (0, 96))).reshape(NGRAN, GRAN)
    out5 = _gather(idx, table)
    return out5.transpose(2, 4, 0, 1, 3).reshape(BATCH, HIST_LEN, EMBED_DIM)

# --- scband reference (transcript-rebuilt; emitter-appended) ---
"""Pipeline reference for scband-word-embeddings-13262859010098 (READ-ONLY COPY).

The authoritative reference and input builder live on the scoring server;
editing this copy changes nothing except your own understanding.
"""

import jax, jax.numpy as jnp
import numpy as np

VOCAB = 1000000
EMBED_DIM = 32
BATCH = 4096
HIST_LEN = 200


def setup_inputs(seed: int = 0) -> dict:
    key = jax.random.key(seed)
    k_idx, k_tab = jax.random.split(key)
    inputs = jax.random.randint(k_idx, (BATCH, HIST_LEN), 0, VOCAB, dtype=jnp.int64 if jax.config.jax_enable_x64 else jnp.int32)
    embedding_matrix = jax.random.normal(k_tab, (VOCAB, EMBED_DIM), dtype=jnp.float32)
    return {"inputs": inputs, "embedding_matrix": embedding_matrix}


def reference(inputs, embedding_matrix):
    # Faithful to nn.Embedding.from_pretrained(...)(inputs): pure row gather.
    embeddings = jnp.take(embedding_matrix, inputs, axis=0)
    return embeddings

if __name__ == "__main__":
    import jax
    _d = setup_inputs()
    print(jax.jit(kernel)(*tuple(_d.values())))

</pallas_src>

<mosaic_0001>
#map = affine_map<(d0, d1) -> (0, 0)>
#map1 = affine_map<(d0, d1) -> (0, 0, 0, 0, 0)>
module attributes {stable_mosaic.version = 14 : i64} {
  func.func @body(%arg0: i32, %arg1: i32, %arg2: memref<200x4096xi32, #tpu.memory_space<hbm>>, %arg3: memref<8000000x16xf32, #tpu.memory_space<hbm>>, %arg4: memref<200x4x32x8x128xf32, #tpu.memory_space<hbm>>, %arg5: memref<200x128xi32, #tpu.memory_space<vmem>>, %arg6: memref<2x1024xi32, #tpu.memory_space<vmem>>, %arg7: memref<2x1024x16xf32, #tpu.memory_space<vmem>>, %arg8: memref<2x4x4x8x129xf32, #tpu.memory_space<vmem>>, %arg9: memref<!tpu.dma_semaphore, #tpu.memory_space<semaphore_mem>>, %arg10: memref<!tpu.dma_semaphore, #tpu.memory_space<semaphore_mem>>) attributes {dimension_semantics = [#tpu.dimension_semantics<core_parallel>, #tpu.dimension_semantics<subcore_parallel>], iteration_bounds = array<i64: 2, 16>, scalar_prefetch = 0 : i64, scratch_operands = 6 : i64, tpu.core_type = #tpu.core_type<sc_vector_subcore>, window_params = [{transform_indices = #map}, {transform_indices = #map}, {transform_indices = #map1}]} {
    %mul3A = arith.constant 2 : i32
    %mul3A_0 = arith.muli %arg1, %mul3A : i32
    %add3A = arith.addi %mul3A_0, %arg0 : i32
    %mul3A_1 = arith.constant 128 : i32
    %mul3A_2 = arith.muli %add3A, %mul3A_1 : i32
    "tpu.region"() ({
      %run_scoped3A = tpu.sem_alloc : memref<!tpu.dma_semaphore, #tpu.memory_space<semaphore_mem>>
      %dma_start3A_1071 = arith.constant 0 : i32
      %dma_start3A_1072 = tpu.memref_slice %arg2[%dma_start3A_1071, %mul3A_2] : memref<200x4096xi32, #tpu.memory_space<hbm>> -> memref<200x128xi32, #tpu.memory_space<hbm>>
      %dma_start3A_1073 = arith.constant 0 : i32
      %dma_start3A_1074 = tpu.memref_slice %arg2[%dma_start3A_1073, %mul3A_2] : memref<200x4096xi32, #tpu.memory_space<hbm>> -> memref<200x128xi32, #tpu.memory_space<hbm>>
      tpu.enqueue_dma source(%dma_start3A_1074 : memref<200x128xi32, #tpu.memory_space<hbm>>) target(%arg5 : memref<200x128xi32, #tpu.memory_space<vmem>>) target_semaphore(%run_scoped3A : memref<!tpu.dma_semaphore, #tpu.memory_space<semaphore_mem>>)
      %dma_wait3A_1075 = arith.constant 0 : i32
      %dma_wait3A_1076 = tpu.memref_slice %arg2[%dma_wait3A_1075, %mul3A_2] : memref<200x4096xi32, #tpu.memory_space<hbm>> -> memref<200x128xi32, #tpu.memory_space<hbm>>
      %dma_wait3A_1077 = arith.constant 0 : i32
      %dma_wait3A_1078 = tpu.memref_slice %arg2[%dma_wait3A_1077, %mul3A_2] : memref<200x4096xi32, #tpu.memory_space<hbm>> -> memref<200x128xi32, #tpu.memory_space<hbm>>
      tpu.wait_dma2 semaphore(%run_scoped3A : memref<!tpu.dma_semaphore, #tpu.memory_space<semaphore_mem>>) src(%dma_wait3A_1078 : memref<200x128xi32, #tpu.memory_space<hbm>>) dst(%arg5 : memref<200x128xi32, #tpu.memory_space<vmem>>)
      tpu.yield
    }) : () -> ()
    %iota3A = tpu.iota {dimensions = array<i32: 0>} : vector<16xi32>
    %shift_right_logical3A = arith.constant 3 : i32
    %shift_right_logical3A_3 = vector.broadcast %shift_right_logical3A : i32 to vector<16xi32>
    %shift_right_logical3A_4 = arith.shrui %iota3A, %shift_right_logical3A_3 : vector<16xi32>
    %add3A_5 = arith.constant 2 : i32
    %add3A_6 = vector.broadcast %add3A_5 : i32 to vector<16xi32>
    %add3A_7 = arith.addi %shift_right_logical3A_4, %add3A_6 : vector<16xi32>
    %rem3A = arith.constant 8 : i32
    %rem3A_8 = vector.broadcast %rem3A : i32 to vector<16xi32>
    %rem3A_9 = arith.remsi %iota3A, %rem3A_8 : vector<16xi32>
    %get3A = arith.constant 0 : i32
    %get3A_10 = arith.index_cast %get3A : i32 to index
    %get3A_11 = arith.constant 0 : index
    %get3A_12 = tpu.vector_load %arg5[%get3A_10, %get3A_11] {strides = array<i32>} : memref<200x128xi32, #tpu.memory_space<vmem>>, vector<16xi32>,
    %mul3A_13 = arith.constant 8 : i32
    %mul3A_14 = vector.broadcast %mul3A_13 : i32 to vector<16xi32>
    %mul3A_15 = arith.muli %get3A_12, %mul3A_14 : vector<16xi32>
    %mul3A_16 = arith.constant 2 : i32
    %mul3A_17 = vector.broadcast %mul3A_16 : i32 to vector<16xi32>
    %mul3A_18 = arith.muli %mul3A_17, %iota3A : vector<16xi32>
    %add3A_19 = arith.constant 0 : i32
    %add3A_20 = vector.broadcast %add3A_19 : i32 to vector<16xi32>
    %add3A_21 = arith.addi %add3A_20, %mul3A_18 : vector<16xi32>
    %scatter3A = arith.constant 0 : i32
    %scatter3A_22 = arith.constant 0 : i32
    %scatter3A_23 = tpu.memref_slice %arg6[%scatter3A, %scatter3A_22] : memref<2x1024xi32, #tpu.memory_space<vmem>> -> memref<1x1024xi32, #tpu.memory_space<vmem>>
    %scatter3A_24 = tpu.memref_squeeze %scatter3A_23 : memref<1x1024xi32, #tpu.memory_space<vmem>> -> memref<1024xi32, #tpu.memory_space<vmem>>
    tpu.vector_store_idx %scatter3A_24[%add3A_21], %mul3A_15 : memref<1024xi32, #tpu.memory_space<vmem>>[vector<16xi32>], vector<16xi32>,
    %add3A_25 = arith.constant 1 : i32
    %add3A_26 = vector.broadcast %add3A_25 : i32 to vector<16xi32>
    %add3A_27 = arith.addi %add3A_21, %add3A_26 : vector<16xi32>
    %add3A_28 = arith.constant 1 : i32
    %add3A_29 = vector.broadcast %add3A_28 : i32 to vector<16xi32>
    %add3A_30 = arith.addi %mul3A_15, %add3A_29 : vector<16xi32>
    %scatter3A_31 = arith.constant 0 : i32
    %scatter3A_32 = arith.constant 0 : i32
    %scatter3A_33 = tpu.memref_slice %arg6[%scatter3A_31, %scatter3A_32] : memref<2x1024xi32, #tpu.memory_space<vmem>> -> memref<1x1024xi32, #tpu.memory_space<vmem>>
    %scatter3A_34 = tpu.memref_squeeze %scatter3A_33 : memref<1x1024xi32, #tpu.memory_space<vmem>> -> memref<1024xi32, #tpu.memory_space<vmem>>
    tpu.vector_store_idx %scatter3A_34[%add3A_27], %add3A_30 : memref<1024xi32, #tpu.memory_space<vmem>>[vector<16xi32>], vector<16xi32>,
    %get3A_35 = arith.constant 0 : i32
    %get3A_36 = arith.index_cast %get3A_35 : i32 to index
    %get3A_37 = arith.constant 16 : index
    %get3A_38 = tpu.vector_load %arg5[%get3A_36, %get3A_37] {strides = array<i32>} : memref<200x128xi32, #tpu.memory_space<vmem>>, vector<16xi32>,
    %mul3A_39 = arith.constant 8 : i32
    %mul3A_40 = vector.broadcast %mul3A_39 : i32 to vector<16xi32>
    %mul3A_41 = arith.muli %get3A_38, %mul3A_40 : vector<16xi32>
    %mul3A_42 = arith.constant 2 : i32
    %mul3A_43 = vector.broadcast %mul3A_42 : i32 to vector<16xi32>
    %mul3A_44 = arith.muli %mul3A_43, %iota3A : vector<16xi32>
    %add3A_45 = arith.constant 32 : i32
    %add3A_46 = vector.broadcast %add3A_45 : i32 to vector<16xi32>
    %add3A_47 = arith.addi %add3A_46, %mul3A_44 : vector<16xi32>
    %scatter3A_48 = arith.constant 0 : i32
    %scatter3A_49 = arith.constant 0 : i32
    %scatter3A_50 = tpu.memref_slice %arg6[%scatter3A_48, %scatter3A_49] : memref<2x1024xi32, #tpu.memory_space<vmem>> -> memref<1x1024xi32, #tpu.memory_space<vmem>>
    %scatter3A_51 = tpu.memref_squeeze %scatter3A_50 : memref<1x1024xi32, #tpu.memory_space<vmem>> -> memref<1024xi32, #tpu.memory_space<vmem>>
    tpu.vector_store_idx %scatter3A_51[%add3A_47], %mul3A_41 : memref<1024xi32, #tpu.memory_space<vmem>>[vector<16xi32>], vector<16xi32>,
    %add3A_52 = arith.constant 1 : i32
    %add3A_53 = vector.broadcast %add3A_52 : i32 to vector<16xi32>
    %add3A_54 = arith.addi %add3A_47, %add3A_53 : vector<16xi32>
    %add3A_55 = arith.constant 1 : i32
    %add3A_56 = vector.broadcast %add3A_55 : i32 to vector<16xi32>
    %add3A_57 = arith.addi %mul3A_41, %add3A_56 : vector<16xi32>
    %scatter3A_58 = arith.constant 0 : i32
    %scatter3A_59 = arith.constant 0 : i32
    %scatter3A_60 = tpu.memref_slice %arg6[%scatter3A_58, %scatter3A_59] : memref<2x1024xi32, #tpu.memory_space<vmem>> -> memref<1x1024xi32, #tpu.memory_space<vmem>>
    %scatter3A_61 = tpu.memref_squeeze %scatter3A_60 : memref<1x1024xi32, #tpu.memory_space<vmem>> -> memref<1024xi32, #tpu.memory_space<vmem>>
    tpu.vector_store_idx %scatter3A_61[%add3A_54], %add3A_57 : memref<1024xi32, #tpu.memory_space<vmem>>[vector<16xi32>], vector<16xi32>,
    %get3A_62 = arith.constant 0 : i32
    %get3A_63 = arith.index_cast %get3A_62 : i32 to index
    %get3A_64 = arith.constant 32 : index
    %get3A_65 = tpu.vector_load %arg5[%get3A_63, %get3A_64] {strides = array<i32>} : memref<200x128xi32, #tpu.memory_space<vmem>>, vector<16xi32>,
    %mul3A_66 = arith.constant 8 : i32
    %mul3A_67 = vector.broadcast %mul3A_66 : i32 to vector<16xi32>
    %mul3A_68 = arith.muli %get3A_65, %mul3A_67 : vector<16xi32>
    %mul3A_69 = arith.constant 2 : i32
    %mul3A_70 = vector.broadcast %mul3A_69 : i32 to vector<16xi32>
    %mul3A_71 = arith.muli %mul3A_70, %iota3A : vector<16xi32>
    %add3A_72 = arith.constant 64 : i32
    %add3A_73 = vector.broadcast %add3A_72 : i32 to vector<16xi32>
    %add3A_74 = arith.addi %add3A_73, %mul3A_71 : vector<16xi32>
    %scatter3A_75 = arith.constant 0 : i32
    %scatter3A_76 = arith.constant 0 : i32
    %scatter3A_77 = tpu.memref_slice %arg6[%scatter3A_75, %scatter3A_76] : memref<2x1024xi32, #tpu.memory_space<vmem>> -> memref<1x1024xi32, #tpu.memory_space<vmem>>
    %scatter3A_78 = tpu.memref_squeeze %scatter3A_77 : memref<1x1024xi32, #tpu.memory_space<vmem>> -> memref<1024xi32, #tpu.memory_space<vmem>>
    tpu.vector_store_idx %scatter3A_78[%add3A_74], %mul3A_68 : memref<1024xi32, #tpu.memory_space<vmem>>[vector<16xi32>], vector<16xi32>,
    %add3A_79 = arith.constant 1 : i32
    %add3A_80 = vector.broadcast %add3A_79 : i32 to vector<16xi32>
    %add3A_81 = arith.addi %add3A_74, %add3A_80 : vector<16xi32>
    %add3A_82 = arith.constant 1 : i32
    %add3A_83 = vector.broadcast %add3A_82 : i32 to vector<16xi32>
    %add3A_84 = arith.addi %mul3A_68, %add3A_83 : vector<16xi32>
    %scatter3A_85 = arith.constant 0 : i32
    %scatter3A_86 = arith.constant 0 : i32
    %scatter3A_87 = tpu.memref_slice %arg6[%scatter3A_85, %scatter3A_86] : memref<2x1024xi32, #tpu.memory_space<vmem>> -> memref<1x1024xi32, #tpu.memory_space<vmem>>
    %scatter3A_88 = tpu.memref_squeeze %scatter3A_87 : memref<1x1024xi32, #tpu.memory_space<vmem>> -> memref<1024xi32, #tpu.memory_space<vmem>>
    tpu.vector_store_idx %scatter3A_88[%add3A_81], %add3A_84 : memref<1024xi32, #tpu.memory_space<vmem>>[vector<16xi32>], vector<16xi32>,
    %get3A_89 = arith.constant 0 : i32
    %get3A_90 = arith.index_cast %get3A_89 : i32 to index
    %get3A_91 = arith.constant 48 : index
    %get3A_92 = tpu.vector_load %arg5[%get3A_90, %get3A_91] {strides = array<i32>} : memref<200x128xi32, #tpu.memory_space<vmem>>, vector<16xi32>,
    %mul3A_93 = arith.constant 8 : i32
    %mul3A_94 = vector.broadcast %mul3A_93 : i32 to vector<16xi32>
    %mul3A_95 = arith.muli %get3A_92, %mul3A_94 : vector<16xi32>
    %mul3A_96 = arith.constant 2 : i32
    %mul3A_97 = vector.broadcast %mul3A_96 : i32 to vector<16xi32>
    %mul3A_98 = arith.muli %mul3A_97, %iota3A : vector<16xi32>
    %add3A_99 = arith.constant 96 : i32
    %add3A_100 = vector.broadcast %add3A_99 : i32 to vector<16xi32>
    %add3A_101 = arith.addi %add3A_100, %mul3A_98 : vector<16xi32>
    %scatter3A_102 = arith.constant 0 : i32
    %scatter3A_103 = arith.constant 0 : i32
    %scatter3A_104 = tpu.memref_slice %arg6[%scatter3A_102, %scatter3A_103] : memref<2x1024xi32, #tpu.memory_space<vmem>> -> memref<1x1024xi32, #tpu.memory_space<vmem>>
    %scatter3A_105 = tpu.memref_squeeze %scatter3A_104 : memref<1x1024xi32, #tpu.memory_space<vmem>> -> memref<1024xi32, #tpu.memory_space<vmem>>
    tpu.vector_store_idx %scatter3A_105[%add3A_101], %mul3A_95 : memref<1024xi32, #tpu.memory_space<vmem>>[vector<16xi32>], vector<16xi32>,
    %add3A_106 = arith.constant 1 : i32
    %add3A_107 = vector.broadcast %add3A_106 : i32 to vector<16xi32>
    %add3A_108 = arith.addi %add3A_101, %add3A_107 : vector<16xi32>
    %add3A_109 = arith.constant 1 : i32
    %add3A_110 = vector.broadcast %add3A_109 : i32 to vector<16xi32>
    %add3A_111 = arith.addi %mul3A_95, %add3A_110 : vector<16xi32>
    %scatter3A_112 = arith.constant 0 : i32
    %scatter3A_113 = arith.constant 0 : i32
    %scatter3A_114 = tpu.memref_slice %arg6[%scatter3A_112, %scatter3A_113] : memref<2x1024xi32, #tpu.memory_space<vmem>> -> memref<1x1024xi32, #tpu.memory_space<vmem>>
    %scatter3A_115 = tpu.memref_squeeze %scatter3A_114 : memref<1x1024xi32, #tpu.memory_space<vmem>> -> memref<1024xi32, #tpu.memory_space<vmem>>
    tpu.vector_store_idx %scatter3A_115[%add3A_108], %add3A_111 : memref<1024xi32, #tpu.memory_space<vmem>>[vector<16xi32>], vector<16xi32>,
    %get3A_116 = arith.constant 0 : i32
    %get3A_117 = arith.index_cast %get3A_116 : i32 to index
    %get3A_118 = arith.constant 64 : index
    %get3A_119 = tpu.vector_load %arg5[%get3A_117, %get3A_118] {strides = array<i32>} : memref<200x128xi32, #tpu.memory_space<vmem>>, vector<16xi32>,
    %mul3A_120 = arith.constant 8 : i32
    %mul3A_121 = vector.broadcast %mul3A_120 : i32 to vector<16xi32>
    %mul3A_122 = arith.muli %get3A_119, %mul3A_121 : vector<16xi32>
    %mul3A_123 = arith.constant 2 : i32
    %mul3A_124 = vector.broadcast %mul3A_123 : i32 to vector<16xi32>
    %mul3A_125 = arith.muli %mul3A_124, %iota3A : vector<16xi32>
    %add3A_126 = arith.constant 128 : i32
    %add3A_127 = vector.broadcast %add3A_126 : i32 to vector<16xi32>
    %add3A_128 = arith.addi %add3A_127, %mul3A_125 : vector<16xi32>
    %scatter3A_129 = arith.constant 0 : i32
    %scatter3A_130 = arith.constant 0 : i32
    %scatter3A_131 = tpu.memref_slice %arg6[%scatter3A_129, %scatter3A_130] : memref<2x1024xi32, #tpu.memory_space<vmem>> -> memref<1x1024xi32, #tpu.memory_space<vmem>>
    %scatter3A_132 = tpu.memref_squeeze %scatter3A_131 : memref<1x1024xi32, #tpu.memory_space<vmem>> -> memref<1024xi32, #tpu.memory_space<vmem>>
    tpu.vector_store_idx %scatter3A_132[%add3A_128], %mul3A_122 : memref<1024xi32, #tpu.memory_space<vmem>>[vector<16xi32>], vector<16xi32>,
    %add3A_133 = arith.constant 1 : i32
    %add3A_134 = vector.broadcast %add3A_133 : i32 to vector<16xi32>
    %add3A_135 = arith.addi %add3A_128, %add3A_134 : vector<16xi32>
    %add3A_136 = arith.constant 1 : i32
    %add3A_137 = vector.broadcast %add3A_136 : i32 to vector<16xi32>
    %add3A_138 = arith.addi %mul3A_122, %add3A_137 : vector<16xi32>
    %scatter3A_139 = arith.constant 0 : i32
    %scatter3A_140 = arith.constant 0 : i32
    %scatter3A_141 = tpu.memref_slice %arg6[%scatter3A_139, %scatter3A_140] : memref<2x1024xi32, #tpu.memory_space<vmem>> -> memref<1x1024xi32, #tpu.memory_space<vmem>>
    %scatter3A_142 = tpu.memref_squeeze %scatter3A_141 : memref<1x1024xi32, #tpu.memory_space<vmem>> -> memref<1024xi32, #tpu.memory_space<vmem>>
    tpu.vector_store_idx %scatter3A_142[%add3A_135], %add3A_138 : memref<1024xi32, #tpu.memory_space<vmem>>[vector<16xi32>], vector<16xi32>,
    %get3A_143 = arith.constant 0 : i32
    %get3A_144 = arith.index_cast %get3A_143 : i32 to index
    %get3A_145 = arith.constant 80 : index
    %get3A_146 = tpu.vector_load %arg5[%get3A_144, %get3A_145] {strides = array<i32>} : memref<200x128xi32, #tpu.memory_space<vmem>>, vector<16xi32>,
    %mul3A_147 = arith.constant 8 : i32
    %mul3A_148 = vector.broadcast %mul3A_147 : i32 to vector<16xi32>
    %mul3A_149 = arith.muli %get3A_146, %mul3A_148 : vector<16xi32>
    %mul3A_150 = arith.constant 2 : i32
    %mul3A_151 = vector.broadcast %mul3A_150 : i32 to vector<16xi32>
    %mul3A_152 = arith.muli %mul3A_151, %iota3A : vector<16xi32>
    %add3A_153 = arith.constant 160 : i32
    %add3A_154 = vector.broadcast %add3A_153 : i32 to vector<16xi32>
    %add3A_155 = arith.addi %add3A_154, %mul3A_152 : vector<16xi32>
    %scatter3A_156 = arith.constant 0 : i32
    %scatter3A_157 = arith.constant 0 : i32
    %scatter3A_158 = tpu.memref_slice %arg6[%scatter3A_156, %scatter3A_157] : memref<2x1024xi32, #tpu.memory_space<vmem>> -> memref<1x1024xi32, #tpu.memory_space<vmem>>
    %scatter3A_159 = tpu.memref_squeeze %scatter3A_158 : memref<1x1024xi32, #tpu.memory_space<vmem>> -> memref<1024xi32, #tpu.memory_space<vmem>>
    tpu.vector_store_idx %scatter3A_159[%add3A_155], %mul3A_149 : memref<1024xi32, #tpu.memory_space<vmem>>[vector<16xi32>], vector<16xi32>,
    %add3A_160 = arith.constant 1 : i32
    %add3A_161 = vector.broadcast %add3A_160 : i32 to vector<16xi32>
    %add3A_162 = arith.addi %add3A_155, %add3A_161 : vector<16xi32>
    %add3A_163 = arith.constant 1 : i32
    %add3A_164 = vector.broadcast %add3A_163 : i32 to vector<16xi32>
    %add3A_165 = arith.addi %mul3A_149, %add3A_164 : vector<16xi32>
    %scatter3A_166 = arith.constant 0 : i32
    %scatter3A_167 = arith.constant 0 : i32
    %scatter3A_168 = tpu.memref_slice %arg6[%scatter3A_166, %scatter3A_167] : memref<2x1024xi32, #tpu.memory_space<vmem>> -> memref<1x1024xi32, #tpu.memory_space<vmem>>
    %scatter3A_169 = tpu.memref_squeeze %scatter3A_168 : memref<1x1024xi32, #tpu.memory_space<vmem>> -> memref<1024xi32, #tpu.memory_space<vmem>>
    tpu.vector_store_idx %scatter3A_169[%add3A_162], %add3A_165 : memref<1024xi32, #tpu.memory_space<vmem>>[vector<16xi32>], vector<16xi32>,
    %get3A_170 = arith.constant 0 : i32
    %get3A_171 = arith.index_cast %get3A_170 : i32 to index
    %get3A_172 = arith.constant 96 : index
    %get3A_173 = tpu.vector_load %arg5[%get3A_171, %get3A_172] {strides = array<i32>} : memref<200x128xi32, #tpu.memory_space<vmem>>, vector<16xi32>,
    %mul3A_174 = arith.constant 8 : i32
    %mul3A_175 = vector.broadcast %mul3A_174 : i32 to vector<16xi32>
    %mul3A_176 = arith.muli %get3A_173, %mul3A_175 : vector<16xi32>
    %mul3A_177 = arith.constant 2 : i32
    %mul3A_178 = vector.broadcast %mul3A_177 : i32 to vector<16xi32>
    %mul3A_179 = arith.muli %mul3A_178, %iota3A : vector<16xi32>
    %add3A_180 = arith.constant 192 : i32
    %add3A_181 = vector.broadcast %add3A_180 : i32 to vector<16xi32>
    %add3A_182 = arith.addi %add3A_181, %mul3A_179 : vector<16xi32>
    %scatter3A_183 = arith.constant 0 : i32
    %scatter3A_184 = arith.constant 0 : i32
    %scatter3A_185 = tpu.memref_slice %arg6[%scatter3A_183, %scatter3A_184] : memref<2x1024xi32, #tpu.memory_space<vmem>> -> memref<1x1024xi32, #tpu.memory_space<vmem>>
    %scatter3A_186 = tpu.memref_squeeze %scatter3A_185 : memref<1x1024xi32, #tpu.memory_space<vmem>> -> memref<1024xi32, #tpu.memory_space<vmem>>
    tpu.vector_store_idx %scatter3A_186[%add3A_182], %mul3A_176 : memref<1024xi32, #tpu.memory_space<vmem>>[vector<16xi32>], vector<16xi32>,
    %add3A_187 = arith.constant 1 : i32
    %add3A_188 = vector.broadcast %add3A_187 : i32 to vector<16xi32>
    %add3A_189 = arith.addi %add3A_182, %add3A_188 : vector<16xi32>
    %add3A_190 = arith.constant 1 : i32
    %add3A_191 = vector.broadcast %add3A_190 : i32 to vector<16xi32>
    %add3A_192 = arith.addi %mul3A_176, %add3A_191 : vector<16xi32>
    %scatter3A_193 = arith.constant 0 : i32
    %scatter3A_194 = arith.constant 0 : i32
    %scatter3A_195 = tpu.memref_slice %arg6[%scatter3A_193, %scatter3A_194] : memref<2x1024xi32, #tpu.memory_space<vmem>> -> memref<1x1024xi32, #tpu.memory_space<vmem>>
    %scatter3A_196 = tpu.memref_squeeze %scatter3A_195 : memref<1x1024xi32, #tpu.memory_space<vmem>> -> memref<1024xi32, #tpu.memory_space<vmem>>
    tpu.vector_store_idx %scatter3A_196[%add3A_189], %add3A_192 : memref<1024xi32, #tpu.memory_space<vmem>>[vector<16xi32>], vector<16xi32>,
    %get3A_197 = arith.constant 0 : i32
    %get3A_198 = arith.index_cast %get3A_197 : i32 to index
    %get3A_199 = arith.constant 112 : index
    %get3A_200 = tpu.vector_load %arg5[%get3A_198, %get3A_199] {strides = array<i32>} : memref<200x128xi32, #tpu.memory_space<vmem>>, vector<16xi32>,
    %mul3A_201 = arith.constant 8 : i32
    %mul3A_202 = vector.broadcast %mul3A_201 : i32 to vector<16xi32>
    %mul3A_203 = arith.muli %get3A_200, %mul3A_202 : vector<16xi32>
    %mul3A_204 = arith.constant 2 : i32
    %mul3A_205 = vector.broadcast %mul3A_204 : i32 to vector<16xi32>
    %mul3A_206 = arith.muli %mul3A_205, %iota3A : vector<16xi32>
    %add3A_207 = arith.constant 224 : i32
    %add3A_208 = vector.broadcast %add3A_207 : i32 to vector<16xi32>
    %add3A_209 = arith.addi %add3A_208, %mul3A_206 : vector<16xi32>
    %scatter3A_210 = arith.constant 0 : i32
    %scatter3A_211 = arith.constant 0 : i32
    %scatter3A_212 = tpu.memref_slice %arg6[%scatter3A_210, %scatter3A_211] : memref<2x1024xi32, #tpu.memory_space<vmem>> -> memref<1x1024xi32, #tpu.memory_space<vmem>>
    %scatter3A_213 = tpu.memref_squeeze %scatter3A_212 : memref<1x1024xi32, #tpu.memory_space<vmem>> -> memref<1024xi32, #tpu.memory_space<vmem>>
    tpu.vector_store_idx %scatter3A_213[%add3A_209], %mul3A_203 : memref<1024xi32, #tpu.memory_space<vmem>>[vector<16xi32>], vector<16xi32>,
    %add3A_214 = arith.constant 1 : i32
    %add3A_215 = vector.broadcast %add3A_214 : i32 to vector<16xi32>
    %add3A_216 = arith.addi %add3A_209, %add3A_215 : vector<16xi32>
    %add3A_217 = arith.constant 1 : i32
    %add3A_218 = vector.broadcast %add3A_217 : i32 to vector<16xi32>
    %add3A_219 = arith.addi %mul3A_203, %add3A_218 : vector<16xi32>
    %scatter3A_220 = arith.constant 0 : i32
    %scatter3A_221 = arith.constant 0 : i32
    %scatter3A_222 = tpu.memref_slice %arg6[%scatter3A_220, %scatter3A_221] : memref<2x1024xi32, #tpu.memory_space<vmem>> -> memref<1x1024xi32, #tpu.memory_space<vmem>>
    %scatter3A_223 = tpu.memref_squeeze %scatter3A_222 : memref<1x1024xi32, #tpu.memory_space<vmem>> -> memref<1024xi32, #tpu.memory_space<vmem>>
    tpu.vector_store_idx %scatter3A_223[%add3A_216], %add3A_219 : memref<1024xi32, #tpu.memory_space<vmem>>[vector<16xi32>], vector<16xi32>,
    %get3A_224 = arith.constant 1 : i32
    %get3A_225 = arith.index_cast %get3A_224 : i32 to index
    %get3A_226 = arith.constant 0 : index
    %get3A_227 = tpu.vector_load %arg5[%get3A_225, %get3A_226] {strides = array<i32>} : memref<200x128xi32, #tpu.memory_space<vmem>>, vector<16xi32>,
    %mul3A_228 = arith.constant 8 : i32
    %mul3A_229 = vector.broadcast %mul3A_228 : i32 to vector<16xi32>
    %mul3A_230 = arith.muli %get3A_227, %mul3A_229 : vector<16xi32>
    %mul3A_231 = arith.constant 2 : i32
    %mul3A_232 = vector.broadcast %mul3A_231 : i32 to vector<16xi32>
    %mul3A_233 = arith.muli %mul3A_232, %iota3A : vector<16xi32>
    %add3A_234 = arith.constant 256 : i32
    %add3A_235 = vector.broadcast %add3A_234 : i32 to vector<16xi32>
    %add3A_236 = arith.addi %add3A_235, %mul3A_233 : vector<16xi32>
    %scatter3A_237 = arith.constant 0 : i32
    %scatter3A_238 = arith.constant 0 : i32
    %scatter3A_239 = tpu.memref_slice %arg6[%scatter3A_237, %scatter3A_238] : memref<2x1024xi32, #tpu.memory_space<vmem>> -> memref<1x1024xi32, #tpu.memory_space<vmem>>
    %scatter3A_240 = tpu.memref_squeeze %scatter3A_239 : memref<1x1024xi32, #tpu.memory_space<vmem>> -> memref<1024xi32, #tpu.memory_space<vmem>>
    tpu.vector_store_idx %scatter3A_240[%add3A_236], %mul3A_230 : memref<1024xi32, #tpu.memory_space<vmem>>[vector<16xi32>], vector<16xi32>,
    %add3A_241 = arith.constant 1 : i32
    %add3A_242 = vector.broadcast %add3A_241 : i32 to vector<16xi32>
    %add3A_243 = arith.addi %add3A_236, %add3A_242 : vector<16xi32>
    %add3A_244 = arith.constant 1 : i32
    %add3A_245 = vector.broadcast %add3A_244 : i32 to vector<16xi32>
    %add3A_246 = arith.addi %mul3A_230, %add3A_245 : vector<16xi32>
    %scatter3A_247 = arith.constant 0 : i32
    %scatter3A_248 = arith.constant 0 : i32
    %scatter3A_249 = tpu.memref_slice %arg6[%scatter3A_247, %scatter3A_248] : memref<2x1024xi32, #tpu.memory_space<vmem>> -> memref<1x1024xi32, #tpu.memory_space<vmem>>
    %scatter3A_250 = tpu.memref_squeeze %scatter3A_249 : memref<1x1024xi32, #tpu.memory_space<vmem>> -> memref<1024xi32, #tpu.memory_space<vmem>>
    tpu.vector_store_idx %scatter3A_250[%add3A_243], %add3A_246 : memref<1024xi32, #tpu.memory_space<vmem>>[vector<16xi32>], vector<16xi32>,
    %get3A_251 = arith.constant 1 : i32
    %get3A_252 = arith.index_cast %get3A_251 : i32 to index
    %get3A_253 = arith.constant 16 : index
    %get3A_254 = tpu.vector_load %arg5[%get3A_252, %get3A_253] {strides = array<i32>} : memref<200x128xi32, #tpu.memory_space<vmem>>, vector<16xi32>,
    %mul3A_255 = arith.constant 8 : i32
    %mul3A_256 = vector.broadcast %mul3A_255 : i32 to vector<16xi32>
    %mul3A_257 = arith.muli %get3A_254, %mul3A_256 : vector<16xi32>
    %mul3A_258 = arith.constant 2 : i32
    %mul3A_259 = vector.broadcast %mul3A_258 : i32 to vector<16xi32>
    %mul3A_260 = arith.muli %mul3A_259, %iota3A : vector<16xi32>
    %add3A_261 = arith.constant 288 : i32
    %add3A_262 = vector.broadcast %add3A_261 : i32 to vector<16xi32>
    %add3A_263 = arith.addi %add3A_262, %mul3A_260 : vector<16xi32>
    %scatter3A_264 = arith.constant 0 : i32
    %scatter3A_265 = arith.constant 0 : i32
    %scatter3A_266 = tpu.memref_slice %arg6[%scatter3A_264, %scatter3A_265] : memref<2x1024xi32, #tpu.memory_space<vmem>> -> memref<1x1024xi32, #tpu.memory_space<vmem>>
    %scatter3A_267 = tpu.memref_squeeze %scatter3A_266 : memref<1x1024xi32, #tpu.memory_space<vmem>> -> memref<1024xi32, #tpu.memory_space<vmem>>
    tpu.vector_store_idx %scatter3A_267[%add3A_263], %mul3A_257 : memref<1024xi32, #tpu.memory_space<vmem>>[vector<16xi32>], vector<16xi32>,
    %add3A_268 = arith.constant 1 : i32
    %add3A_269 = vector.broadcast %add3A_268 : i32 to vector<16xi32>
    %add3A_270 = arith.addi %add3A_263, %add3A_269 : vector<16xi32>
    %add3A_271 = arith.constant 1 : i32
    %add3A_272 = vector.broadcast %add3A_271 : i32 to vector<16xi32>
    %add3A_273 = arith.addi %mul3A_257, %add3A_272 : vector<16xi32>
    %scatter3A_274 = arith.constant 0 : i32
    %scatter3A_275 = arith.constant 0 : i32
    %scatter3A_276 = tpu.memref_slice %arg6[%scatter3A_274, %scatter3A_275] : memref<2x1024xi32, #tpu.memory_space<vmem>> -> memref<1x1024xi32, #tpu.memory_space<vmem>>
    %scatter3A_277 = tpu.memref_squeeze %scatter3A_276 : memref<1x1024xi32, #tpu.memory_space<vmem>> -> memref<1024xi32, #tpu.memory_space<vmem>>
    tpu.vector_store_idx %scatter3A_277[%add3A_270], %add3A_273 : memref<1024xi32, #tpu.memory_space<vmem>>[vector<16xi32>], vector<16xi32>,
    %get3A_278 = arith.constant 1 : i32
    %get3A_279 = arith.index_cast %get3A_278 : i32 to index
    %get3A_280 = arith.constant 32 : index
    %get3A_281 = tpu.vector_load %arg5[%get3A_279, %get3A_280] {strides = array<i32>} : memref<200x128xi32, #tpu.memory_space<vmem>>, vector<16xi32>,
    %mul3A_282 = arith.constant 8 : i32
    %mul3A_283 = vector.broadcast %mul3A_282 : i32 to vector<16xi32>
    %mul3A_284 = arith.muli %get3A_281, %mul3A_283 : vector<16xi32>
    %mul3A_285 = arith.constant 2 : i32
    %mul3A_286 = vector.broadcast %mul3A_285 : i32 to vector<16xi32>
    %mul3A_287 = arith.muli %mul3A_286, %iota3A : vector<16xi32>
    %add3A_288 = arith.constant 320 : i32
    %add3A_289 = vector.broadcast %add3A_288 : i32 to vector<16xi32>
    %add3A_290 = arith.addi %add3A_289, %mul3A_287 : vector<16xi32>
    %scatter3A_291 = arith.constant 0 : i32
    %scatter3A_292 = arith.constant 0 : i32
    %scatter3A_293 = tpu.memref_slice %arg6[%scatter3A_291, %scatter3A_292] : memref<2x1024xi32, #tpu.memory_space<vmem>> -> memref<1x1024xi32, #tpu.memory_space<vmem>>
    %scatter3A_294 = tpu.memref_squeeze %scatter3A_293 : memref<1x1024xi32, #tpu.memory_space<vmem>> -> memref<1024xi32, #tpu.memory_space<vmem>>
    tpu.vector_store_idx %scatter3A_294[%add3A_290], %mul3A_284 : memref<1024xi32, #tpu.memory_space<vmem>>[vector<16xi32>], vector<16xi32>,
    %add3A_295 = arith.constant 1 : i32
    %add3A_296 = vector.broadcast %add3A_295 : i32 to vector<16xi32>
    %add3A_297 = arith.addi %add3A_290, %add3A_296 : vector<16xi32>
    %add3A_298 = arith.constant 1 : i32
    %add3A_299 = vector.broadcast %add3A_298 : i32 to vector<16xi32>
    %add3A_300 = arith.addi %mul3A_284, %add3A_299 : vector<16xi32>
    %scatter3A_301 = arith.constant 0 : i32
    %scatter3A_302 = arith.constant 0 : i32
    %scatter3A_303 = tpu.memref_slice %arg6[%scatter3A_301, %scatter3A_302] : memref<2x1024xi32, #tpu.memory_space<vmem>> -> memref<1x1024xi32, #tpu.memory_space<vmem>>
    %scatter3A_304 = tpu.memref_squeeze %scatter3A_303 : memref<1x1024xi32, #tpu.memory_space<vmem>> -> memref<1024xi32, #tpu.memory_space<vmem>>
    tpu.vector_store_idx %scatter3A_304[%add3A_297], %add3A_300 : memref<1024xi32, #tpu.memory_space<vmem>>[vector<16xi32>], vector<16xi32>,
    %get3A_305 = arith.constant 1 : i32
    %get3A_306 = arith.index_cast %get3A_305 : i32 to index
    %get3A_307 = arith.constant 48 : index
    %get3A_308 = tpu.vector_load %arg5[%get3A_306, %get3A_307] {strides = array<i32>} : memref<200x128xi32, #tpu.memory_space<vmem>>, vector<16xi32>,
    %mul3A_309 = arith.constant 8 : i32
    %mul3A_310 = vector.broadcast %mul3A_309 : i32 to vector<16xi32>
    %mul3A_311 = arith.muli %get3A_308, %mul3A_310 : vector<16xi32>
    %mul3A_312 = arith.constant 2 : i32
    %mul3A_313 = vector.broadcast %mul3A_312 : i32 to vector<16xi32>
    %mul3A_314 = arith.muli %mul3A_313, %iota3A : vector<16xi32>
    %add3A_315 = arith.constant 352 : i32
    %add3A_316 = vector.broadcast %add3A_315 : i32 to vector<16xi32>
    %add3A_317 = arith.addi %add3A_316, %mul3A_314 : vector<16xi32>
    %scatter3A_318 = arith.constant 0 : i32
    %scatter3A_319 = arith.constant 0 : i32
    %scatter3A_320 = tpu.memref_slice %arg6[%scatter3A_318, %scatter3A_319] : memref<2x1024xi32, #tpu.memory_space<vmem>> -> memref<1x1024xi32, #tpu.memory_space<vmem>>
    %scatter3A_321 = tpu.memref_squeeze %scatter3A_320 : memref<1x1024xi32, #tpu.memory_space<vmem>> -> memref<1024xi32, #tpu.memory_space<vmem>>
    tpu.vector_store_idx %scatter3A_321[%add3A_317], %mul3A_311 : memref<1024xi32, #tpu.memory_space<vmem>>[vector<16xi32>], vector<16xi32>,
    %add3A_322 = arith.constant 1 : i32
    %add3A_323 = vector.broadcast %add3A_322 : i32 to vector<16xi32>
    %add3A_324 = arith.addi %add3A_317, %add3A_323 : vector<16xi32>
    %add3A_325 = arith.constant 1 : i32
    %add3A_326 = vector.broadcast %add3A_325 : i32 to vector<16xi32>
    %add3A_327 = arith.addi %mul3A_311, %add3A_326 : vector<16xi32>
    %scatter3A_328 = arith.constant 0 : i32
    %scatter3A_329 = arith.constant 0 : i32
    %scatter3A_330 = tpu.memref_slice %arg6[%scatter3A_328, %scatter3A_329] : memref<2x1024xi32, #tpu.memory_space<vmem>> -> memref<1x1024xi32, #tpu.memory_space<vmem>>
    %scatter3A_331 = tpu.memref_squeeze %scatter3A_330 : memref<1x1024xi32, #tpu.memory_space<vmem>> -> memref<1024xi32, #tpu.memory_space<vmem>>
    tpu.vector_store_idx %scatter3A_331[%add3A_324], %add3A_327 : memref<1024xi32, #tpu.memory_space<vmem>>[vector<16xi32>], vector<16xi32>,
    %get3A_332 = arith.constant 1 : i32
    %get3A_333 = arith.index_cast %get3A_332 : i32 to index
    %get3A_334 = arith.constant 64 : index
    %get3A_335 = tpu.vector_load %arg5[%get3A_333, %get3A_334] {strides = array<i32>} : memref<200x128xi32, #tpu.memory_space<vmem>>, vector<16xi32>,
    %mul3A_336 = arith.constant 8 : i32
    %mul3A_337 = vector.broadcast %mul3A_336 : i32 to vector<16xi32>
    %mul3A_338 = arith.muli %get3A_335, %mul3A_337 : vector<16xi32>
    %mul3A_339 = arith.constant 2 : i32
    %mul3A_340 = vector.broadcast %mul3A_339 : i32 to vector<16xi32>
    %mul3A_341 = arith.muli %mul3A_340, %iota3A : vector<16xi32>
    %add3A_342 = arith.constant 384 : i32
    %add3A_343 = vector.broadcast %add3A_342 : i32 to vector<16xi32>
    %add3A_344 = arith.addi %add3A_343, %mul3A_341 : vector<16xi32>
    %scatter3A_345 = arith.constant 0 : i32
    %scatter3A_346 = arith.constant 0 : i32
    %scatter3A_347 = tpu.memref_slice %arg6[%scatter3A_345, %scatter3A_346] : memref<2x1024xi32, #tpu.memory_space<vmem>> -> memref<1x1024xi32, #tpu.memory_space<vmem>>
    %scatter3A_348 = tpu.memref_squeeze %scatter3A_347 : memref<1x1024xi32, #tpu.memory_space<vmem>> -> memref<1024xi32, #tpu.memory_space<vmem>>
    tpu.vector_store_idx %scatter3A_348[%add3A_344], %mul3A_338 : memref<1024xi32, #tpu.memory_space<vmem>>[vector<16xi32>], vector<16xi32>,
    %add3A_349 = arith.constant 1 : i32
    %add3A_350 = vector.broadcast %add3A_349 : i32 to vector<16xi32>
    %add3A_351 = arith.addi %add3A_344, %add3A_350 : vector<16xi32>
    %add3A_352 = arith.constant 1 : i32
    %add3A_353 = vector.broadcast %add3A_352 : i32 to vector<16xi32>
    %add3A_354 = arith.addi %mul3A_338, %add3A_353 : vector<16xi32>
    %scatter3A_355 = arith.constant 0 : i32
    %scatter3A_356 = arith.constant 0 : i32
    %scatter3A_357 = tpu.memref_slice %arg6[%scatter3A_355, %scatter3A_356] : memref<2x1024xi32, #tpu.memory_space<vmem>> -> memref<1x1024xi32, #tpu.memory_space<vmem>>
    %scatter3A_358 = tpu.memref_squeeze %scatter3A_357 : memref<1x1024xi32, #tpu.memory_space<vmem>> -> memref<1024xi32, #tpu.memory_space<vmem>>
    tpu.vector_store_idx %scatter3A_358[%add3A_351], %add3A_354 : memref<1024xi32, #tpu.memory_space<vmem>>[vector<16xi32>], vector<16xi32>,
    %get3A_359 = arith.constant 1 : i32
    %get3A_360 = arith.index_cast %get3A_359 : i32 to index
    %get3A_361 = arith.constant 80 : index
    %get3A_362 = tpu.vector_load %arg5[%get3A_360, %get3A_361] {strides = array<i32>} : memref<200x128xi32, #tpu.memory_space<vmem>>, vector<16xi32>,
    %mul3A_363 = arith.constant 8 : i32
    %mul3A_364 = vector.broadcast %mul3A_363 : i32 to vector<16xi32>
    %mul3A_365 = arith.muli %get3A_362, %mul3A_364 : vector<16xi32>
    %mul3A_366 = arith.constant 2 : i32
    %mul3A_367 = vector.broadcast %mul3A_366 : i32 to vector<16xi32>
    %mul3A_368 = arith.muli %mul3A_367, %iota3A : vector<16xi32>
    %add3A_369 = arith.constant 416 : i32
    %add3A_370 = vector.broadcast %add3A_369 : i32 to vector<16xi32>
    %add3A_371 = arith.addi %add3A_370, %mul3A_368 : vector<16xi32>
    %scatter3A_372 = arith.constant 0 : i32
    %scatter3A_373 = arith.constant 0 : i32
    %scatter3A_374 = tpu.memref_slice %arg6[%scatter3A_372, %scatter3A_373] : memref<2x1024xi32, #tpu.memory_space<vmem>> -> memref<1x1024xi32, #tpu.memory_space<vmem>>
    %scatter3A_375 = tpu.memref_squeeze %scatter3A_374 : memref<1x1024xi32, #tpu.memory_space<vmem>> -> memref<1024xi32, #tpu.memory_space<vmem>>
    tpu.vector_store_idx %scatter3A_375[%add3A_371], %mul3A_365 : memref<1024xi32, #tpu.memory_space<vmem>>[vector<16xi32>], vector<16xi32>,
    %add3A_376 = arith.constant 1 : i32
    %add3A_377 = vector.broadcast %add3A_376 : i32 to vector<16xi32>
    %add3A_378 = arith.addi %add3A_371, %add3A_377 : vector<16xi32>
    %add3A_379 = arith.constant 1 : i32
    %add3A_380 = vector.broadcast %add3A_379 : i32 to vector<16xi32>
    %add3A_381 = arith.addi %mul3A_365, %add3A_380 : vector<16xi32>
    %scatter3A_382 = arith.constant 0 : i32
    %scatter3A_383 = arith.constant 0 : i32
    %scatter3A_384 = tpu.memref_slice %arg6[%scatter3A_382, %scatter3A_383] : memref<2x1024xi32, #tpu.memory_space<vmem>> -> memref<1x1024xi32, #tpu.memory_space<vmem>>
    %scatter3A_385 = tpu.memref_squeeze %scatter3A_384 : memref<1x1024xi32, #tpu.memory_space<vmem>> -> memref<1024xi32, #tpu.memory_space<vmem>>
    tpu.vector_store_idx %scatter3A_385[%add3A_378], %add3A_381 : memref<1024xi32, #tpu.memory_space<vmem>>[vector<16xi32>], vector<16xi32>,
    %get3A_386 = arith.constant 1 : i32
    %get3A_387 = arith.index_cast %get3A_386 : i32 to index
    %get3A_388 = arith.constant 96 : index
    %get3A_389 = tpu.vector_load %arg5[%get3A_387, %get3A_388] {strides = array<i32>} : memref<200x128xi32, #tpu.memory_space<vmem>>, vector<16xi32>,
    %mul3A_390 = arith.constant 8 : i32
    %mul3A_391 = vector.broadcast %mul3A_390 : i32 to vector<16xi32>
    %mul3A_392 = arith.muli %get3A_389, %mul3A_391 : vector<16xi32>
    %mul3A_393 = arith.constant 2 : i32
    %mul3A_394 = vector.broadcast %mul3A_393 : i32 to vector<16xi32>
    %mul3A_395 = arith.muli %mul3A_394, %iota3A : vector<16xi32>
    %add3A_396 = arith.constant 448 : i32
    %add3A_397 = vector.broadcast %add3A_396 : i32 to vector<16xi32>
    %add3A_398 = arith.addi %add3A_397, %mul3A_395 : vector<16xi32>
    %scatter3A_399 = arith.constant 0 : i32
    %scatter3A_400 = arith.constant 0 : i32
    %scatter3A_401 = tpu.memref_slice %arg6[%scatter3A_399, %scatter3A_400] : memref<2x1024xi32, #tpu.memory_space<vmem>> -> memref<1x1024xi32, #tpu.memory_space<vmem>>
    %scatter3A_402 = tpu.memref_squeeze %scatter3A_401 : memref<1x1024xi32, #tpu.memory_space<vmem>> -> memref<1024xi32, #tpu.memory_space<vmem>>
    tpu.vector_store_idx %scatter3A_402[%add3A_398], %mul3A_392 : memref<1024xi32, #tpu.memory_space<vmem>>[vector<16xi32>], vector<16xi32>,
    %add3A_403 = arith.constant 1 : i32
    %add3A_404 = vector.broadcast %add3A_403 : i32 to vector<16xi32>
    %add3A_405 = arith.addi %add3A_398, %add3A_404 : vector<16xi32>
    %add3A_406 = arith.constant 1 : i32
    %add3A_407 = vector.broadcast %add3A_406 : i32 to vector<16xi32>
    %add3A_408 = arith.addi %mul3A_392, %add3A_407 : vector<16xi32>
    %scatter3A_409 = arith.constant 0 : i32
    %scatter3A_410 = arith.constant 0 : i32
    %scatter3A_411 = tpu.memref_slice %arg6[%scatter3A_409, %scatter3A_410] : memref<2x1024xi32, #tpu.memory_space<vmem>> -> memref<1x1024xi32, #tpu.memory_space<vmem>>
    %scatter3A_412 = tpu.memref_squeeze %scatter3A_411 : memref<1x1024xi32, #tpu.memory_space<vmem>> -> memref<1024xi32, #tpu.memory_space<vmem>>
    tpu.vector_store_idx %scatter3A_412[%add3A_405], %add3A_408 : memref<1024xi32, #tpu.memory_space<vmem>>[vector<16xi32>], vector<16xi32>,
    %get3A_413 = arith.constant 1 : i32
    %get3A_414 = arith.index_cast %get3A_413 : i32 to index
    %get3A_415 = arith.constant 112 : index
    %get3A_416 = tpu.vector_load %arg5[%get3A_414, %get3A_415] {strides = array<i32>} : memref<200x128xi32, #tpu.memory_space<vmem>>, vector<16xi32>,
    %mul3A_417 = arith.constant 8 : i32
    %mul3A_418 = vector.broadcast %mul3A_417 : i32 to vector<16xi32>
    %mul3A_419 = arith.muli %get3A_416, %mul3A_418 : vector<16xi32>
    %mul3A_420 = arith.constant 2 : i32
    %mul3A_421 = vector.broadcast %mul3A_420 : i32 to vector<16xi32>
    %mul3A_422 = arith.muli %mul3A_421, %iota3A : vector<16xi32>
    %add3A_423 = arith.constant 480 : i32
    %add3A_424 = vector.broadcast %add3A_423 : i32 to vector<16xi32>
    %add3A_425 = arith.addi %add3A_424, %mul3A_422 : vector<16xi32>
    %scatter3A_426 = arith.constant 0 : i32
    %scatter3A_427 = arith.constant 0 : i32
    %scatter3A_428 = tpu.memref_slice %arg6[%scatter3A_426, %scatter3A_427] : memref<2x1024xi32, #tpu.memory_space<vmem>> -> memref<1x1024xi32, #tpu.memory_space<vmem>>
    %scatter3A_429 = tpu.memref_squeeze %scatter3A_428 : memref<1x1024xi32, #tpu.memory_space<vmem>> -> memref<1024xi32, #tpu.memory_space<vmem>>
    tpu.vector_store_idx %scatter3A_429[%add3A_425], %mul3A_419 : memref<1024xi32, #tpu.memory_space<vmem>>[vector<16xi32>], vector<16xi32>,
    %add3A_430 = arith.constant 1 : i32
    %add3A_431 = vector.broadcast %add3A_430 : i32 to vector<16xi32>
    %add3A_432 = arith.addi %add3A_425, %add3A_431 : vector<16xi32>
    %add3A_433 = arith.constant 1 : i32
    %add3A_434 = vector.broadcast %add3A_433 : i32 to vector<16xi32>
    %add3A_435 = arith.addi %mul3A_419, %add3A_434 : vector<16xi32>
    %scatter3A_436 = arith.constant 0 : i32
    %scatter3A_437 = arith.constant 0 : i32
    %scatter3A_438 = tpu.memref_slice %arg6[%scatter3A_436, %scatter3A_437] : memref<2x1024xi32, #tpu.memory_space<vmem>> -> memref<1x1024xi32, #tpu.memory_space<vmem>>
    %scatter3A_439 = tpu.memref_squeeze %scatter3A_438 : memref<1x1024xi32, #tpu.memory_space<vmem>> -> memref<1024xi32, #tpu.memory_space<vmem>>
    tpu.vector_store_idx %scatter3A_439[%add3A_432], %add3A_435 : memref<1024xi32, #tpu.memory_space<vmem>>[vector<16xi32>], vector<16xi32>,
    %get3A_440 = arith.constant 2 : i32
    %get3A_441 = arith.index_cast %get3A_440 : i32 to index
    %get3A_442 = arith.constant 0 : index
    %get3A_443 = tpu.vector_load %arg5[%get3A_441, %get3A_442] {strides = array<i32>} : memref<200x128xi32, #tpu.memory_space<vmem>>, vector<16xi32>,
    %mul3A_444 = arith.constant 8 : i32
    %mul3A_445 = vector.broadcast %mul3A_444 : i32 to vector<16xi32>
    %mul3A_446 = arith.muli %get3A_443, %mul3A_445 : vector<16xi32>
    %mul3A_447 = arith.constant 2 : i32
    %mul3A_448 = vector.broadcast %mul3A_447 : i32 to vector<16xi32>
    %mul3A_449 = arith.muli %mul3A_448, %iota3A : vector<16xi32>
    %add3A_450 = arith.constant 512 : i32
    %add3A_451 = vector.broadcast %add3A_450 : i32 to vector<16xi32>
    %add3A_452 = arith.addi %add3A_451, %mul3A_449 : vector<16xi32>
    %scatter3A_453 = arith.constant 0 : i32
    %scatter3A_454 = arith.constant 0 : i32
    %scatter3A_455 = tpu.memref_slice %arg6[%scatter3A_453, %scatter3A_454] : memref<2x1024xi32, #tpu.memory_space<vmem>> -> memref<1x1024xi32, #tpu.memory_space<vmem>>
    %scatter3A_456 = tpu.memref_squeeze %scatter3A_455 : memref<1x1024xi32, #tpu.memory_space<vmem>> -> memref<1024xi32, #tpu.memory_space<vmem>>
    tpu.vector_store_idx %scatter3A_456[%add3A_452], %mul3A_446 : memref<1024xi32, #tpu.memory_space<vmem>>[vector<16xi32>], vector<16xi32>,
    %add3A_457 = arith.constant 1 : i32
    %add3A_458 = vector.broadcast %add3A_457 : i32 to vector<16xi32>
    %add3A_459 = arith.addi %add3A_452, %add3A_458 : vector<16xi32>
    %add3A_460 = arith.constant 1 : i32
    %add3A_461 = vector.broadcast %add3A_460 : i32 to vector<16xi32>
    %add3A_462 = arith.addi %mul3A_446, %add3A_461 : vector<16xi32>
    %scatter3A_463 = arith.constant 0 : i32
    %scatter3A_464 = arith.constant 0 : i32
    %scatter3A_465 = tpu.memref_slice %arg6[%scatter3A_463, %scatter3A_464] : memref<2x1024xi32, #tpu.memory_space<vmem>> -> memref<1x1024xi32, #tpu.memory_space<vmem>>
    %scatter3A_466 = tpu.memref_squeeze %scatter3A_465 : memref<1x1024xi32, #tpu.memory_space<vmem>> -> memref<1024xi32, #tpu.memory_space<vmem>>
    tpu.vector_store_idx %scatter3A_466[%add3A_459], %add3A_462 : memref<1024xi32, #tpu.memory_space<vmem>>[vector<16xi32>], vector<16xi32>,
    %get3A_467 = arith.constant 2 : i32
    %get3A_468 = arith.index_cast %get3A_467 : i32 to index
    %get3A_469 = arith.constant 16 : index
    %get3A_470 = tpu.vector_load %arg5[%get3A_468, %get3A_469] {strides = array<i32>} : memref<200x128xi32, #tpu.memory_space<vmem>>, vector<16xi32>,
    %mul3A_471 = arith.constant 8 : i32
    %mul3A_472 = vector.broadcast %mul3A_471 : i32 to vector<16xi32>
    %mul3A_473 = arith.muli %get3A_470, %mul3A_472 : vector<16xi32>
    %mul3A_474 = arith.constant 2 : i32
    %mul3A_475 = vector.broadcast %mul3A_474 : i32 to vector<16xi32>
    %mul3A_476 = arith.muli %mul3A_475, %iota3A : vector<16xi32>
    %add3A_477 = arith.constant 544 : i32
    %add3A_478 = vector.broadcast %add3A_477 : i32 to vector<16xi32>
    %add3A_479 = arith.addi %add3A_478, %mul3A_476 : vector<16xi32>
    %scatter3A_480 = arith.constant 0 : i32
    %scatter3A_481 = arith.constant 0 : i32
    %scatter3A_482 = tpu.memref_slice %arg6[%scatter3A_480, %scatter3A_481] : memref<2x1024xi32, #tpu.memory_space<vmem>> -> memref<1x1024xi32, #tpu.memory_space<vmem>>
    %scatter3A_483 = tpu.memref_squeeze %scatter3A_482 : memref<1x1024xi32, #tpu.memory_space<vmem>> -> memref<1024xi32, #tpu.memory_space<vmem>>
    tpu.vector_store_idx %scatter3A_483[%add3A_479], %mul3A_473 : memref<1024xi32, #tpu.memory_space<vmem>>[vector<16xi32>], vector<16xi32>,
    %add3A_484 = arith.constant 1 : i32
    %add3A_485 = vector.broadcast %add3A_484 : i32 to vector<16xi32>
    %add3A_486 = arith.addi %add3A_479, %add3A_485 : vector<16xi32>
    %add3A_487 = arith.constant 1 : i32
    %add3A_488 = vector.broadcast %add3A_487 : i32 to vector<16xi32>
    %add3A_489 = arith.addi %mul3A_473, %add3A_488 : vector<16xi32>
    %scatter3A_490 = arith.constant 0 : i32
    %scatter3A_491 = arith.constant 0 : i32
    %scatter3A_492 = tpu.memref_slice %arg6[%scatter3A_490, %scatter3A_491] : memref<2x1024xi32, #tpu.memory_space<vmem>> -> memref<1x1024xi32, #tpu.memory_space<vmem>>
    %scatter3A_493 = tpu.memref_squeeze %scatter3A_492 : memref<1x1024xi32, #tpu.memory_space<vmem>> -> memref<1024xi32, #tpu.memory_space<vmem>>
    tpu.vector_store_idx %scatter3A_493[%add3A_486], %add3A_489 : memref<1024xi32, #tpu.memory_space<vmem>>[vector<16xi32>], vector<16xi32>,
    %get3A_494 = arith.constant 2 : i32
    %get3A_495 = arith.index_cast %get3A_494 : i32 to index
    %get3A_496 = arith.constant 32 : index
    %get3A_497 = tpu.vector_load %arg5[%get3A_495, %get3A_496] {strides = array<i32>} : memref<200x128xi32, #tpu.memory_space<vmem>>, vector<16xi32>,
    %mul3A_498 = arith.constant 8 : i32
    %mul3A_499 = vector.broadcast %mul3A_498 : i32 to vector<16xi32>
    %mul3A_500 = arith.muli %get3A_497, %mul3A_499 : vector<16xi32>
    %mul3A_501 = arith.constant 2 : i32
    %mul3A_502 = vector.broadcast %mul3A_501 : i32 to vector<16xi32>
    %mul3A_503 = arith.muli %mul3A_502, %iota3A : vector<16xi32>
    %add3A_504 = arith.constant 576 : i32
    %add3A_505 = vector.broadcast %add3A_504 : i32 to vector<16xi32>
    %add3A_506 = arith.addi %add3A_505, %mul3A_503 : vector<16xi32>
    %scatter3A_507 = arith.constant 0 : i32
    %scatter3A_508 = arith.constant 0 : i32
    %scatter3A_509 = tpu.memref_slice %arg6[%scatter3A_507, %scatter3A_508] : memref<2x1024xi32, #tpu.memory_space<vmem>> -> memref<1x1024xi32, #tpu.memory_space<vmem>>
    %scatter3A_510 = tpu.memref_squeeze %scatter3A_509 : memref<1x1024xi32, #tpu.memory_space<vmem>> -> memref<1024xi32, #tpu.memory_space<vmem>>
    tpu.vector_store_idx %scatter3A_510[%add3A_506], %mul3A_500 : memref<1024xi32, #tpu.memory_space<vmem>>[vector<16xi32>], vector<16xi32>,
    %add3A_511 = arith.constant 1 : i32
    %add3A_512 = vector.broadcast %add3A_511 : i32 to vector<16xi32>
    %add3A_513 = arith.addi %add3A_506, %add3A_512 : vector<16xi32>
    %add3A_514 = arith.constant 1 : i32
    %add3A_515 = vector.broadcast %add3A_514 : i32 to vector<16xi32>
    %add3A_516 = arith.addi %mul3A_500, %add3A_515 : vector<16xi32>
    %scatter3A_517 = arith.constant 0 : i32
    %scatter3A_518 = arith.constant 0 : i32
    %scatter3A_519 = tpu.memref_slice %arg6[%scatter3A_517, %scatter3A_518] : memref<2x1024xi32, #tpu.memory_space<vmem>> -> memref<1x1024xi32, #tpu.memory_space<vmem>>
    %scatter3A_520 = tpu.memref_squeeze %scatter3A_519 : memref<1x1024xi32, #tpu.memory_space<vmem>> -> memref<1024xi32, #tpu.memory_space<vmem>>
    tpu.vector_store_idx %scatter3A_520[%add3A_513], %add3A_516 : memref<1024xi32, #tpu.memory_space<vmem>>[vector<16xi32>], vector<16xi32>,
    %get3A_521 = arith.constant 2 : i32
    %get3A_522 = arith.index_cast %get3A_521 : i32 to index
    %get3A_523 = arith.constant 48 : index
    %get3A_524 = tpu.vector_load %arg5[%get3A_522, %get3A_523] {strides = array<i32>} : memref<200x128xi32, #tpu.memory_space<vmem>>, vector<16xi32>,
    %mul3A_525 = arith.constant 8 : i32
    %mul3A_526 = vector.broadcast %mul3A_525 : i32 to vector<16xi32>
    %mul3A_527 = arith.muli %get3A_524, %mul3A_526 : vector<16xi32>
    %mul3A_528 = arith.constant 2 : i32
    %mul3A_529 = vector.broadcast %mul3A_528 : i32 to vector<16xi32>
    %mul3A_530 = arith.muli %mul3A_529, %iota3A : vector<16xi32>
    %add3A_531 = arith.constant 608 : i32
    %add3A_532 = vector.broadcast %add3A_531 : i32 to vector<16xi32>
    %add3A_533 = arith.addi %add3A_532, %mul3A_530 : vector<16xi32>
    %scatter3A_534 = arith.constant 0 : i32
    %scatter3A_535 = arith.constant 0 : i32
    %scatter3A_536 = tpu.memref_slice %arg6[%scatter3A_534, %scatter3A_535] : memref<2x1024xi32, #tpu.memory_space<vmem>> -> memref<1x1024xi32, #tpu.memory_space<vmem>>
    %scatter3A_537 = tpu.memref_squeeze %scatter3A_536 : memref<1x1024xi32, #tpu.memory_space<vmem>> -> memref<1024xi32, #tpu.memory_space<vmem>>
    tpu.vector_store_idx %scatter3A_537[%add3A_533], %mul3A_527 : memref<1024xi32, #tpu.memory_space<vmem>>[vector<16xi32>], vector<16xi32>,
    %add3A_538 = arith.constant 1 : i32
    %add3A_539 = vector.broadcast %add3A_538 : i32 to vector<16xi32>
    %add3A_540 = arith.addi %add3A_533, %add3A_539 : vector<16xi32>
    %add3A_541 = arith.constant 1 : i32
    %add3A_542 = vector.broadcast %add3A_541 : i32 to vector<16xi32>
    %add3A_543 = arith.addi %mul3A_527, %add3A_542 : vector<16xi32>
    %scatter3A_544 = arith.constant 0 : i32
    %scatter3A_545 = arith.constant 0 : i32
    %scatter3A_546 = tpu.memref_slice %arg6[%scatter3A_544, %scatter3A_545] : memref<2x1024xi32, #tpu.memory_space<vmem>> -> memref<1x1024xi32, #tpu.memory_space<vmem>>
    %scatter3A_547 = tpu.memref_squeeze %scatter3A_546 : memref<1x1024xi32, #tpu.memory_space<vmem>> -> memref<1024xi32, #tpu.memory_space<vmem>>
    tpu.vector_store_idx %scatter3A_547[%add3A_540], %add3A_543 : memref<1024xi32, #tpu.memory_space<vmem>>[vector<16xi32>], vector<16xi32>,
    %get3A_548 = arith.constant 2 : i32
    %get3A_549 = arith.index_cast %get3A_548 : i32 to index
    %get3A_550 = arith.constant 64 : index
    %get3A_551 = tpu.vector_load %arg5[%get3A_549, %get3A_550] {strides = array<i32>} : memref<200x128xi32, #tpu.memory_space<vmem>>, vector<16xi32>,
    %mul3A_552 = arith.constant 8 : i32
    %mul3A_553 = vector.broadcast %mul3A_552 : i32 to vector<16xi32>
    %mul3A_554 = arith.muli %get3A_551, %mul3A_553 : vector<16xi32>
    %mul3A_555 = arith.constant 2 : i32
    %mul3A_556 = vector.broadcast %mul3A_555 : i32 to vector<16xi32>
    %mul3A_557 = arith.muli %mul3A_556, %iota3A : vector<16xi32>
    %add3A_558 = arith.constant 640 : i32
    %add3A_559 = vector.broadcast %add3A_558 : i32 to vector<16xi32>
    %add3A_560 = arith.addi %add3A_559, %mul3A_557 : vector<16xi32>
    %scatter3A_561 = arith.constant 0 : i32
    %scatter3A_562 = arith.constant 0 : i32
    %scatter3A_563 = tpu.memref_slice %arg6[%scatter3A_561, %scatter3A_562] : memref<2x1024xi32, #tpu.memory_space<vmem>> -> memref<1x1024xi32, #tpu.memory_space<vmem>>
    %scatter3A_564 = tpu.memref_squeeze %scatter3A_563 : memref<1x1024xi32, #tpu.memory_space<vmem>> -> memref<1024xi32, #tpu.memory_space<vmem>>
    tpu.vector_store_idx %scatter3A_564[%add3A_560], %mul3A_554 : memref<1024xi32, #tpu.memory_space<vmem>>[vector<16xi32>], vector<16xi32>,
    %add3A_565 = arith.constant 1 : i32
    %add3A_566 = vector.broadcast %add3A_565 : i32 to vector<16xi32>
    %add3A_567 = arith.addi %add3A_560, %add3A_566 : vector<16xi32>
    %add3A_568 = arith.constant 1 : i32
    %add3A_569 = vector.broadcast %add3A_568 : i32 to vector<16xi32>
    %add3A_570 = arith.addi %mul3A_554, %add3A_569 : vector<16xi32>
    %scatter3A_571 = arith.constant 0 : i32
    %scatter3A_572 = arith.constant 0 : i32
    %scatter3A_573 = tpu.memref_slice %arg6[%scatter3A_571, %scatter3A_572] : memref<2x1024xi32, #tpu.memory_space<vmem>> -> memref<1x1024xi32, #tpu.memory_space<vmem>>
    %scatter3A_574 = tpu.memref_squeeze %scatter3A_573 : memref<1x1024xi32, #tpu.memory_space<vmem>> -> memref<1024xi32, #tpu.memory_space<vmem>>
    tpu.vector_store_idx %scatter3A_574[%add3A_567], %add3A_570 : memref<1024xi32, #tpu.memory_space<vmem>>[vector<16xi32>], vector<16xi32>,
    %get3A_575 = arith.constant 2 : i32
    %get3A_576 = arith.index_cast %get3A_575 : i32 to index
    %get3A_577 = arith.constant 80 : index
    %get3A_578 = tpu.vector_load %arg5[%get3A_576, %get3A_577] {strides = array<i32>} : memref<200x128xi32, #tpu.memory_space<vmem>>, vector<16xi32>,
    %mul3A_579 = arith.constant 8 : i32
    %mul3A_580 = vector.broadcast %mul3A_579 : i32 to vector<16xi32>
    %mul3A_581 = arith.muli %get3A_578, %mul3A_580 : vector<16xi32>
    %mul3A_582 = arith.constant 2 : i32
    %mul3A_583 = vector.broadcast %mul3A_582 : i32 to vector<16xi32>
    %mul3A_584 = arith.muli %mul3A_583, %iota3A : vector<16xi32>
    %add3A_585 = arith.constant 672 : i32
    %add3A_586 = vector.broadcast %add3A_585 : i32 to vector<16xi32>
    %add3A_587 = arith.addi %add3A_586, %mul3A_584 : vector<16xi32>
    %scatter3A_588 = arith.constant 0 : i32
    %scatter3A_589 = arith.constant 0 : i32
    %scatter3A_590 = tpu.memref_slice %arg6[%scatter3A_588, %scatter3A_589] : memref<2x1024xi32, #tpu.memory_space<vmem>> -> memref<1x1024xi32, #tpu.memory_space<vmem>>
    %scatter3A_591 = tpu.memref_squeeze %scatter3A_590 : memref<1x1024xi32, #tpu.memory_space<vmem>> -> memref<1024xi32, #tpu.memory_space<vmem>>
    tpu.vector_store_idx %scatter3A_591[%add3A_587], %mul3A_581 : memref<1024xi32, #tpu.memory_space<vmem>>[vector<16xi32>], vector<16xi32>,
    %add3A_592 = arith.constant 1 : i32
    %add3A_593 = vector.broadcast %add3A_592 : i32 to vector<16xi32>
    %add3A_594 = arith.addi %add3A_587, %add3A_593 : vector<16xi32>
    %add3A_595 = arith.constant 1 : i32
    %add3A_596 = vector.broadcast %add3A_595 : i32 to vector<16xi32>
    %add3A_597 = arith.addi %mul3A_581, %add3A_596 : vector<16xi32>
    %scatter3A_598 = arith.constant 0 : i32
    %scatter3A_599 = arith.constant 0 : i32
    %scatter3A_600 = tpu.memref_slice %arg6[%scatter3A_598, %scatter3A_599] : memref<2x1024xi32, #tpu.memory_space<vmem>> -> memref<1x1024xi32, #tpu.memory_space<vmem>>
    %scatter3A_601 = tpu.memref_squeeze %scatter3A_600 : memref<1x1024xi32, #tpu.memory_space<vmem>> -> memref<1024xi32, #tpu.memory_space<vmem>>
    tpu.vector_store_idx %scatter3A_601[%add3A_594], %add3A_597 : memref<1024xi32, #tpu.memory_space<vmem>>[vector<16xi32>], vector<16xi32>,
    %get3A_602 = arith.constant 2 : i32
    %get3A_603 = arith.index_cast %get3A_602 : i32 to index
    %get3A_604 = arith.constant 96 : index
    %get3A_605 = tpu.vector_load %arg5[%get3A_603, %get3A_604] {strides = array<i32>} : memref<200x128xi32, #tpu.memory_space<vmem>>, vector<16xi32>,
    %mul3A_606 = arith.constant 8 : i32
    %mul3A_607 = vector.broadcast %mul3A_606 : i32 to vector<16xi32>
    %mul3A_608 = arith.muli %get3A_605, %mul3A_607 : vector<16xi32>
    %mul3A_609 = arith.constant 2 : i32
    %mul3A_610 = vector.broadcast %mul3A_609 : i32 to vector<16xi32>
    %mul3A_611 = arith.muli %mul3A_610, %iota3A : vector<16xi32>
    %add3A_612 = arith.constant 704 : i32
    %add3A_613 = vector.broadcast %add3A_612 : i32 to vector<16xi32>
    %add3A_614 = arith.addi %add3A_613, %mul3A_611 : vector<16xi32>
    %scatter3A_615 = arith.constant 0 : i32
    %scatter3A_616 = arith.constant 0 : i32
    %scatter3A_617 = tpu.memref_slice %arg6[%scatter3A_615, %scatter3A_616] : memref<2x1024xi32, #tpu.memory_space<vmem>> -> memref<1x1024xi32, #tpu.memory_space<vmem>>
    %scatter3A_618 = tpu.memref_squeeze %scatter3A_617 : memref<1x1024xi32, #tpu.memory_space<vmem>> -> memref<1024xi32, #tpu.memory_space<vmem>>
    tpu.vector_store_idx %scatter3A_618[%add3A_614], %mul3A_608 : memref<1024xi32, #tpu.memory_space<vmem>>[vector<16xi32>], vector<16xi32>,
    %add3A_619 = arith.constant 1 : i32
    %add3A_620 = vector.broadcast %add3A_619 : i32 to vector<16xi32>
    %add3A_621 = arith.addi %add3A_614, %add3A_620 : vector<16xi32>
    %add3A_622 = arith.constant 1 : i32
    %add3A_623 = vector.broadcast %add3A_622 : i32 to vector<16xi32>
    %add3A_624 = arith.addi %mul3A_608, %add3A_623 : vector<16xi32>
    %scatter3A_625 = arith.constant 0 : i32
    %scatter3A_626 = arith.constant 0 : i32
    %scatter3A_627 = tpu.memref_slice %arg6[%scatter3A_625, %scatter3A_626] : memref<2x1024xi32, #tpu.memory_space<vmem>> -> memref<1x1024xi32, #tpu.memory_space<vmem>>
    %scatter3A_628 = tpu.memref_squeeze %scatter3A_627 : memref<1x1024xi32, #tpu.memory_space<vmem>> -> memref<1024xi32, #tpu.memory_space<vmem>>
    tpu.vector_store_idx %scatter3A_628[%add3A_621], %add3A_624 : memref<1024xi32, #tpu.memory_space<vmem>>[vector<16xi32>], vector<16xi32>,
    %get3A_629 = arith.constant 2 : i32
    %get3A_630 = arith.index_cast %get3A_629 : i32 to index
    %get3A_631 = arith.constant 112 : index
    %get3A_632 = tpu.vector_load %arg5[%get3A_630, %get3A_631] {strides = array<i32>} : memref<200x128xi32, #tpu.memory_space<vmem>>, vector<16xi32>,
    %mul3A_633 = arith.constant 8 : i32
    %mul3A_634 = vector.broadcast %mul3A_633 : i32 to vector<16xi32>
    %mul3A_635 = arith.muli %get3A_632, %mul3A_634 : vector<16xi32>
    %mul3A_636 = arith.constant 2 : i32
    %mul3A_637 = vector.broadcast %mul3A_636 : i32 to vector<16xi32>
    %mul3A_638 = arith.muli %mul3A_637, %iota3A : vector<16xi32>
    %add3A_639 = arith.constant 736 : i32
    %add3A_640 = vector.broadcast %add3A_639 : i32 to vector<16xi32>
    %add3A_641 = arith.addi %add3A_640, %mul3A_638 : vector<16xi32>
    %scatter3A_642 = arith.constant 0 : i32
    %scatter3A_643 = arith.constant 0 : i32
    %scatter3A_644 = tpu.memref_slice %arg6[%scatter3A_642, %scatter3A_643] : memref<2x1024xi32, #tpu.memory_space<vmem>> -> memref<1x1024xi32, #tpu.memory_space<vmem>>
    %scatter3A_645 = tpu.memref_squeeze %scatter3A_644 : memref<1x1024xi32, #tpu.memory_space<vmem>> -> memref<1024xi32, #tpu.memory_space<vmem>>
    tpu.vector_store_idx %scatter3A_645[%add3A_641], %mul3A_635 : memref<1024xi32, #tpu.memory_space<vmem>>[vector<16xi32>], vector<16xi32>,
    %add3A_646 = arith.constant 1 : i32
    %add3A_647 = vector.broadcast %add3A_646 : i32 to vector<16xi32>
    %add3A_648 = arith.addi %add3A_641, %add3A_647 : vector<16xi32>
    %add3A_649 = arith.constant 1 : i32
    %add3A_650 = vector.broadcast %add3A_649 : i32 to vector<16xi32>
    %add3A_651 = arith.addi %mul3A_635, %add3A_650 : vector<16xi32>
    %scatter3A_652 = arith.constant 0 : i32
    %scatter3A_653 = arith.constant 0 : i32
    %scatter3A_654 = tpu.memref_slice %arg6[%scatter3A_652, %scatter3A_653] : memref<2x1024xi32, #tpu.memory_space<vmem>> -> memref<1x1024xi32, #tpu.memory_space<vmem>>
    %scatter3A_655 = tpu.memref_squeeze %scatter3A_654 : memref<1x1024xi32, #tpu.memory_space<vmem>> -> memref<1024xi32, #tpu.memory_space<vmem>>
    tpu.vector_store_idx %scatter3A_655[%add3A_648], %add3A_651 : memref<1024xi32, #tpu.memory_space<vmem>>[vector<16xi32>], vector<16xi32>,
    %get3A_656 = arith.constant 3 : i32
    %get3A_657 = arith.index_cast %get3A_656 : i32 to index
    %get3A_658 = arith.constant 0 : index
    %get3A_659 = tpu.vector_load %arg5[%get3A_657, %get3A_658] {strides = array<i32>} : memref<200x128xi32, #tpu.memory_space<vmem>>, vector<16xi32>,
    %mul3A_660 = arith.constant 8 : i32
    %mul3A_661 = vector.broadcast %mul3A_660 : i32 to vector<16xi32>
    %mul3A_662 = arith.muli %get3A_659, %mul3A_661 : vector<16xi32>
    %mul3A_663 = arith.constant 2 : i32
    %mul3A_664 = vector.broadcast %mul3A_663 : i32 to vector<16xi32>
    %mul3A_665 = arith.muli %mul3A_664, %iota3A : vector<16xi32>
    %add3A_666 = arith.constant 768 : i32
    %add3A_667 = vector.broadcast %add3A_666 : i32 to vector<16xi32>
    %add3A_668 = arith.addi %add3A_667, %mul3A_665 : vector<16xi32>
    %scatter3A_669 = arith.constant 0 : i32
    %scatter3A_670 = arith.constant 0 : i32
    %scatter3A_671 = tpu.memref_slice %arg6[%scatter3A_669, %scatter3A_670] : memref<2x1024xi32, #tpu.memory_space<vmem>> -> memref<1x1024xi32, #tpu.memory_space<vmem>>
    %scatter3A_672 = tpu.memref_squeeze %scatter3A_671 : memref<1x1024xi32, #tpu.memory_space<vmem>> -> memref<1024xi32, #tpu.memory_space<vmem>>
    tpu.vector_store_idx %scatter3A_672[%add3A_668], %mul3A_662 : memref<1024xi32, #tpu.memory_space<vmem>>[vector<16xi32>], vector<16xi32>,
    %add3A_673 = arith.constant 1 : i32
    %add3A_674 = vector.broadcast %add3A_673 : i32 to vector<16xi32>
    %add3A_675 = arith.addi %add3A_668, %add3A_674 : vector<16xi32>
    %add3A_676 = arith.constant 1 : i32
    %add3A_677 = vector.broadcast %add3A_676 : i32 to vector<16xi32>
    %add3A_678 = arith.addi %mul3A_662, %add3A_677 : vector<16xi32>
    %scatter3A_679 = arith.constant 0 : i32
    %scatter3A_680 = arith.constant 0 : i32
    %scatter3A_681 = tpu.memref_slice %arg6[%scatter3A_679, %scatter3A_680] : memref<2x1024xi32, #tpu.memory_space<vmem>> -> memref<1x1024xi32, #tpu.memory_space<vmem>>
    %scatter3A_682 = tpu.memref_squeeze %scatter3A_681 : memref<1x1024xi32, #tpu.memory_space<vmem>> -> memref<1024xi32, #tpu.memory_space<vmem>>
    tpu.vector_store_idx %scatter3A_682[%add3A_675], %add3A_678 : memref<1024xi32, #tpu.memory_space<vmem>>[vector<16xi32>], vector<16xi32>,
    %get3A_683 = arith.constant 3 : i32
    %get3A_684 = arith.index_cast %get3A_683 : i32 to index
    %get3A_685 = arith.constant 16 : index
    %get3A_686 = tpu.vector_load %arg5[%get3A_684, %get3A_685] {strides = array<i32>} : memref<200x128xi32, #tpu.memory_space<vmem>>, vector<16xi32>,
    %mul3A_687 = arith.constant 8 : i32
    %mul3A_688 = vector.broadcast %mul3A_687 : i32 to vector<16xi32>
    %mul3A_689 = arith.muli %get3A_686, %mul3A_688 : vector<16xi32>
    %mul3A_690 = arith.constant 2 : i32
    %mul3A_691 = vector.broadcast %mul3A_690 : i32 to vector<16xi32>
    %mul3A_692 = arith.muli %mul3A_691, %iota3A : vector<16xi32>
    %add3A_693 = arith.constant 800 : i32
    %add3A_694 = vector.broadcast %add3A_693 : i32 to vector<16xi32>
    %add3A_695 = arith.addi %add3A_694, %mul3A_692 : vector<16xi32>
    %scatter3A_696 = arith.constant 0 : i32
    %scatter3A_697 = arith.constant 0 : i32
    %scatter3A_698 = tpu.memref_slice %arg6[%scatter3A_696, %scatter3A_697] : memref<2x1024xi32, #tpu.memory_space<vmem>> -> memref<1x1024xi32, #tpu.memory_space<vmem>>
    %scatter3A_699 = tpu.memref_squeeze %scatter3A_698 : memref<1x1024xi32, #tpu.memory_space<vmem>> -> memref<1024xi32, #tpu.memory_space<vmem>>
    tpu.vector_store_idx %scatter3A_699[%add3A_695], %mul3A_689 : memref<1024xi32, #tpu.memory_space<vmem>>[vector<16xi32>], vector<16xi32>,
    %add3A_700 = arith.constant 1 : i32
    %add3A_701 = vector.broadcast %add3A_700 : i32 to vector<16xi32>
    %add3A_702 = arith.addi %add3A_695, %add3A_701 : vector<16xi32>
    %add3A_703 = arith.constant 1 : i32
    %add3A_704 = vector.broadcast %add3A_703 : i32 to vector<16xi32>
    %add3A_705 = arith.addi %mul3A_689, %add3A_704 : vector<16xi32>
    %scatter3A_706 = arith.constant 0 : i32
    %scatter3A_707 = arith.constant 0 : i32
    %scatter3A_708 = tpu.memref_slice %arg6[%scatter3A_706, %scatter3A_707] : memref<2x1024xi32, #tpu.memory_space<vmem>> -> memref<1x1024xi32, #tpu.memory_space<vmem>>
    %scatter3A_709 = tpu.memref_squeeze %scatter3A_708 : memref<1x1024xi32, #tpu.memory_space<vmem>> -> memref<1024xi32, #tpu.memory_space<vmem>>
    tpu.vector_store_idx %scatter3A_709[%add3A_702], %add3A_705 : memref<1024xi32, #tpu.memory_space<vmem>>[vector<16xi32>], vector<16xi32>,
    %get3A_710 = arith.constant 3 : i32
    %get3A_711 = arith.index_cast %get3A_710 : i32 to index
    %get3A_712 = arith.constant 32 : index
    %get3A_713 = tpu.vector_load %arg5[%get3A_711, %get3A_712] {strides = array<i32>} : memref<200x128xi32, #tpu.memory_space<vmem>>, vector<16xi32>,
    %mul3A_714 = arith.constant 8 : i32
    %mul3A_715 = vector.broadcast %mul3A_714 : i32 to vector<16xi32>
    %mul3A_716 = arith.muli %get3A_713, %mul3A_715 : vector<16xi32>
    %mul3A_717 = arith.constant 2 : i32
    %mul3A_718 = vector.broadcast %mul3A_717 : i32 to vector<16xi32>
    %mul3A_719 = arith.muli %mul3A_718, %iota3A : vector<16xi32>
    %add3A_720 = arith.constant 832 : i32
    %add3A_721 = vector.broadcast %add3A_720 : i32 to vector<16xi32>
    %add3A_722 = arith.addi %add3A_721, %mul3A_719 : vector<16xi32>
    %scatter3A_723 = arith.constant 0 : i32
    %scatter3A_724 = arith.constant 0 : i32
    %scatter3A_725 = tpu.memref_slice %arg6[%scatter3A_723, %scatter3A_724] : memref<2x1024xi32, #tpu.memory_space<vmem>> -> memref<1x1024xi32, #tpu.memory_space<vmem>>
    %scatter3A_726 = tpu.memref_squeeze %scatter3A_725 : memref<1x1024xi32, #tpu.memory_space<vmem>> -> memref<1024xi32, #tpu.memory_space<vmem>>
    tpu.vector_store_idx %scatter3A_726[%add3A_722], %mul3A_716 : memref<1024xi32, #tpu.memory_space<vmem>>[vector<16xi32>], vector<16xi32>,
    %add3A_727 = arith.constant 1 : i32
    %add3A_728 = vector.broadcast %add3A_727 : i32 to vector<16xi32>
    %add3A_729 = arith.addi %add3A_722, %add3A_728 : vector<16xi32>
    %add3A_730 = arith.constant 1 : i32
    %add3A_731 = vector.broadcast %add3A_730 : i32 to vector<16xi32>
    %add3A_732 = arith.addi %mul3A_716, %add3A_731 : vector<16xi32>
    %scatter3A_733 = arith.constant 0 : i32
    %scatter3A_734 = arith.constant 0 : i32
    %scatter3A_735 = tpu.memref_slice %arg6[%scatter3A_733, %scatter3A_734] : memref<2x1024xi32, #tpu.memory_space<vmem>> -> memref<1x1024xi32, #tpu.memory_space<vmem>>
    %scatter3A_736 = tpu.memref_squeeze %scatter3A_735 : memref<1x1024xi32, #tpu.memory_space<vmem>> -> memref<1024xi32, #tpu.memory_space<vmem>>
    tpu.vector_store_idx %scatter3A_736[%add3A_729], %add3A_732 : memref<1024xi32, #tpu.memory_space<vmem>>[vector<16xi32>], vector<16xi32>,
    %get3A_737 = arith.constant 3 : i32
    %get3A_738 = arith.index_cast %get3A_737 : i32 to index
    %get3A_739 = arith.constant 48 : index
    %get3A_740 = tpu.vector_load %arg5[%get3A_738, %get3A_739] {strides = array<i32>} : memref<200x128xi32, #tpu.memory_space<vmem>>, vector<16xi32>,
    %mul3A_741 = arith.constant 8 : i32
    %mul3A_742 = vector.broadcast %mul3A_741 : i32 to vector<16xi32>
    %mul3A_743 = arith.muli %get3A_740, %mul3A_742 : vector<16xi32>
    %mul3A_744 = arith.constant 2 : i32
    %mul3A_745 = vector.broadcast %mul3A_744 : i32 to vector<16xi32>
    %mul3A_746 = arith.muli %mul3A_745, %iota3A : vector<16xi32>
    %add3A_747 = arith.constant 864 : i32
    %add3A_748 = vector.broadcast %add3A_747 : i32 to vector<16xi32>
    %add3A_749 = arith.addi %add3A_748, %mul3A_746 : vector<16xi32>
    %scatter3A_750 = arith.constant 0 : i32
    %scatter3A_751 = arith.constant 0 : i32
    %scatter3A_752 = tpu.memref_slice %arg6[%scatter3A_750, %scatter3A_751] : memref<2x1024xi32, #tpu.memory_space<vmem>> -> memref<1x1024xi32, #tpu.memory_space<vmem>>
    %scatter3A_753 = tpu.memref_squeeze %scatter3A_752 : memref<1x1024xi32, #tpu.memory_space<vmem>> -> memref<1024xi32, #tpu.memory_space<vmem>>
    tpu.vector_store_idx %scatter3A_753[%add3A_749], %mul3A_743 : memref<1024xi32, #tpu.memory_space<vmem>>[vector<16xi32>], vector<16xi32>,
    %add3A_754 = arith.constant 1 : i32
    %add3A_755 = vector.broadcast %add3A_754 : i32 to vector<16xi32>
    %add3A_756 = arith.addi %add3A_749, %add3A_755 : vector<16xi32>
    %add3A_757 = arith.constant 1 : i32
    %add3A_758 = vector.broadcast %add3A_757 : i32 to vector<16xi32>
    %add3A_759 = arith.addi %mul3A_743, %add3A_758 : vector<16xi32>
    %scatter3A_760 = arith.constant 0 : i32
    %scatter3A_761 = arith.constant 0 : i32
    %scatter3A_762 = tpu.memref_slice %arg6[%scatter3A_760, %scatter3A_761] : memref<2x1024xi32, #tpu.memory_space<vmem>> -> memref<1x1024xi32, #tpu.memory_space<vmem>>
    %scatter3A_763 = tpu.memref_squeeze %scatter3A_762 : memref<1x1024xi32, #tpu.memory_space<vmem>> -> memref<1024xi32, #tpu.memory_space<vmem>>
    tpu.vector_store_idx %scatter3A_763[%add3A_756], %add3A_759 : memref<1024xi32, #tpu.memory_space<vmem>>[vector<16xi32>], vector<16xi32>,
    %get3A_764 = arith.constant 3 : i32
    %get3A_765 = arith.index_cast %get3A_764 : i32 to index
    %get3A_766 = arith.constant 64 : index
    %get3A_767 = tpu.vector_load %arg5[%get3A_765, %get3A_766] {strides = array<i32>} : memref<200x128xi32, #tpu.memory_space<vmem>>, vector<16xi32>,
    %mul3A_768 = arith.constant 8 : i32
    %mul3A_769 = vector.broadcast %mul3A_768 : i32 to vector<16xi32>
    %mul3A_770 = arith.muli %get3A_767, %mul3A_769 : vector<16xi32>
    %mul3A_771 = arith.constant 2 : i32
    %mul3A_772 = vector.broadcast %mul3A_771 : i32 to vector<16xi32>
    %mul3A_773 = arith.muli %mul3A_772, %iota3A : vector<16xi32>
    %add3A_774 = arith.constant 896 : i32
    %add3A_775 = vector.broadcast %add3A_774 : i32 to vector<16xi32>
    %add3A_776 = arith.addi %add3A_775, %mul3A_773 : vector<16xi32>
    %scatter3A_777 = arith.constant 0 : i32
    %scatter3A_778 = arith.constant 0 : i32
    %scatter3A_779 = tpu.memref_slice %arg6[%scatter3A_777, %scatter3A_778] : memref<2x1024xi32, #tpu.memory_space<vmem>> -> memref<1x1024xi32, #tpu.memory_space<vmem>>
    %scatter3A_780 = tpu.memref_squeeze %scatter3A_779 : memref<1x1024xi32, #tpu.memory_space<vmem>> -> memref<1024xi32, #tpu.memory_space<vmem>>
    tpu.vector_store_idx %scatter3A_780[%add3A_776], %mul3A_770 : memref<1024xi32, #tpu.memory_space<vmem>>[vector<16xi32>], vector<16xi32>,
    %add3A_781 = arith.constant 1 : i32
    %add3A_782 = vector.broadcast %add3A_781 : i32 to vector<16xi32>
    %add3A_783 = arith.addi %add3A_776, %add3A_782 : vector<16xi32>
    %add3A_784 = arith.constant 1 : i32
    %add3A_785 = vector.broadcast %add3A_784 : i32 to vector<16xi32>
    %add3A_786 = arith.addi %mul3A_770, %add3A_785 : vector<16xi32>
    %scatter3A_787 = arith.constant 0 : i32
    %scatter3A_788 = arith.constant 0 : i32
    %scatter3A_789 = tpu.memref_slice %arg6[%scatter3A_787, %scatter3A_788] : memref<2x1024xi32, #tpu.memory_space<vmem>> -> memref<1x1024xi32, #tpu.memory_space<vmem>>
    %scatter3A_790 = tpu.memref_squeeze %scatter3A_789 : memref<1x1024xi32, #tpu.memory_space<vmem>> -> memref<1024xi32, #tpu.memory_space<vmem>>
    tpu.vector_store_idx %scatter3A_790[%add3A_783], %add3A_786 : memref<1024xi32, #tpu.memory_space<vmem>>[vector<16xi32>], vector<16xi32>,
    %get3A_791 = arith.constant 3 : i32
    %get3A_792 = arith.index_cast %get3A_791 : i32 to index
    %get3A_793 = arith.constant 80 : index
    %get3A_794 = tpu.vector_load %arg5[%get3A_792, %get3A_793] {strides = array<i32>} : memref<200x128xi32, #tpu.memory_space<vmem>>, vector<16xi32>,
    %mul3A_795 = arith.constant 8 : i32
    %mul3A_796 = vector.broadcast %mul3A_795 : i32 to vector<16xi32>
    %mul3A_797 = arith.muli %get3A_794, %mul3A_796 : vector<16xi32>
    %mul3A_798 = arith.constant 2 : i32
    %mul3A_799 = vector.broadcast %mul3A_798 : i32 to vector<16xi32>
    %mul3A_800 = arith.muli %mul3A_799, %iota3A : vector<16xi32>
    %add3A_801 = arith.constant 928 : i32
    %add3A_802 = vector.broadcast %add3A_801 : i32 to vector<16xi32>
    %add3A_803 = arith.addi %add3A_802, %mul3A_800 : vector<16xi32>
    %scatter3A_804 = arith.constant 0 : i32
    %scatter3A_805 = arith.constant 0 : i32
    %scatter3A_806 = tpu.memref_slice %arg6[%scatter3A_804, %scatter3A_805] : memref<2x1024xi32, #tpu.memory_space<vmem>> -> memref<1x1024xi32, #tpu.memory_space<vmem>>
    %scatter3A_807 = tpu.memref_squeeze %scatter3A_806 : memref<1x1024xi32, #tpu.memory_space<vmem>> -> memref<1024xi32, #tpu.memory_space<vmem>>
    tpu.vector_store_idx %scatter3A_807[%add3A_803], %mul3A_797 : memref<1024xi32, #tpu.memory_space<vmem>>[vector<16xi32>], vector<16xi32>,
    %add3A_808 = arith.constant 1 : i32
    %add3A_809 = vector.broadcast %add3A_808 : i32 to vector<16xi32>
    %add3A_810 = arith.addi %add3A_803, %add3A_809 : vector<16xi32>
    %add3A_811 = arith.constant 1 : i32
    %add3A_812 = vector.broadcast %add3A_811 : i32 to vector<16xi32>
    %add3A_813 = arith.addi %mul3A_797, %add3A_812 : vector<16xi32>
    %scatter3A_814 = arith.constant 0 : i32
    %scatter3A_815 = arith.constant 0 : i32
    %scatter3A_816 = tpu.memref_slice %arg6[%scatter3A_814, %scatter3A_815] : memref<2x1024xi32, #tpu.memory_space<vmem>> -> memref<1x1024xi32, #tpu.memory_space<vmem>>
    %scatter3A_817 = tpu.memref_squeeze %scatter3A_816 : memref<1x1024xi32, #tpu.memory_space<vmem>> -> memref<1024xi32, #tpu.memory_space<vmem>>
    tpu.vector_store_idx %scatter3A_817[%add3A_810], %add3A_813 : memref<1024xi32, #tpu.memory_space<vmem>>[vector<16xi32>], vector<16xi32>,
    %get3A_818 = arith.constant 3 : i32
    %get3A_819 = arith.index_cast %get3A_818 : i32 to index
    %get3A_820 = arith.constant 96 : index
    %get3A_821 = tpu.vector_load %arg5[%get3A_819, %get3A_820] {strides = array<i32>} : memref<200x128xi32, #tpu.memory_space<vmem>>, vector<16xi32>,
    %mul3A_822 = arith.constant 8 : i32
    %mul3A_823 = vector.broadcast %mul3A_822 : i32 to vector<16xi32>
    %mul3A_824 = arith.muli %get3A_821, %mul3A_823 : vector<16xi32>
    %mul3A_825 = arith.constant 2 : i32
    %mul3A_826 = vector.broadcast %mul3A_825 : i32 to vector<16xi32>
    %mul3A_827 = arith.muli %mul3A_826, %iota3A : vector<16xi32>
    %add3A_828 = arith.constant 960 : i32
    %add3A_829 = vector.broadcast %add3A_828 : i32 to vector<16xi32>
    %add3A_830 = arith.addi %add3A_829, %mul3A_827 : vector<16xi32>
    %scatter3A_831 = arith.constant 0 : i32
    %scatter3A_832 = arith.constant 0 : i32
    %scatter3A_833 = tpu.memref_slice %arg6[%scatter3A_831, %scatter3A_832] : memref<2x1024xi32, #tpu.memory_space<vmem>> -> memref<1x1024xi32, #tpu.memory_space<vmem>>
    %scatter3A_834 = tpu.memref_squeeze %scatter3A_833 : memref<1x1024xi32, #tpu.memory_space<vmem>> -> memref<1024xi32, #tpu.memory_space<vmem>>
    tpu.vector_store_idx %scatter3A_834[%add3A_830], %mul3A_824 : memref<1024xi32, #tpu.memory_space<vmem>>[vector<16xi32>], vector<16xi32>,
    %add3A_835 = arith.constant 1 : i32
    %add3A_836 = vector.broadcast %add3A_835 : i32 to vector<16xi32>
    %add3A_837 = arith.addi %add3A_830, %add3A_836 : vector<16xi32>
    %add3A_838 = arith.constant 1 : i32
    %add3A_839 = vector.broadcast %add3A_838 : i32 to vector<16xi32>
    %add3A_840 = arith.addi %mul3A_824, %add3A_839 : vector<16xi32>
    %scatter3A_841 = arith.constant 0 : i32
    %scatter3A_842 = arith.constant 0 : i32
    %scatter3A_843 = tpu.memref_slice %arg6[%scatter3A_841, %scatter3A_842] : memref<2x1024xi32, #tpu.memory_space<vmem>> -> memref<1x1024xi32, #tpu.memory_space<vmem>>
    %scatter3A_844 = tpu.memref_squeeze %scatter3A_843 : memref<1x1024xi32, #tpu.memory_space<vmem>> -> memref<1024xi32, #tpu.memory_space<vmem>>
    tpu.vector_store_idx %scatter3A_844[%add3A_837], %add3A_840 : memref<1024xi32, #tpu.memory_space<vmem>>[vector<16xi32>], vector<16xi32>,
    %get3A_845 = arith.constant 3 : i32
    %get3A_846 = arith.index_cast %get3A_845 : i32 to index
    %get3A_847 = arith.constant 112 : index
    %get3A_848 = tpu.vector_load %arg5[%get3A_846, %get3A_847] {strides = array<i32>} : memref<200x128xi32, #tpu.memory_space<vmem>>, vector<16xi32>,
    %mul3A_849 = arith.constant 8 : i32
    %mul3A_850 = vector.broadcast %mul3A_849 : i32 to vector<16xi32>
    %mul3A_851 = arith.muli %get3A_848, %mul3A_850 : vector<16xi32>
    %mul3A_852 = arith.constant 2 : i32
    %mul3A_853 = vector.broadcast %mul3A_852 : i32 to vector<16xi32>
    %mul3A_854 = arith.muli %mul3A_853, %iota3A : vector<16xi32>
    %add3A_855 = arith.constant 992 : i32
    %add3A_856 = vector.broadcast %add3A_855 : i32 to vector<16xi32>
    %add3A_857 = arith.addi %add3A_856, %mul3A_854 : vector<16xi32>
    %scatter3A_858 = arith.constant 0 : i32
    %scatter3A_859 = arith.constant 0 : i32
    %scatter3A_860 = tpu.memref_slice %arg6[%scatter3A_858, %scatter3A_859] : memref<2x1024xi32, #tpu.memory_space<vmem>> -> memref<1x1024xi32, #tpu.memory_space<vmem>>
    %scatter3A_861 = tpu.memref_squeeze %scatter3A_860 : memref<1x1024xi32, #tpu.memory_space<vmem>> -> memref<1024xi32, #tpu.memory_space<vmem>>
    tpu.vector_store_idx %scatter3A_861[%add3A_857], %mul3A_851 : memref<1024xi32, #tpu.memory_space<vmem>>[vector<16xi32>], vector<16xi32>,
    %add3A_862 = arith.constant 1 : i32
    %add3A_863 = vector.broadcast %add3A_862 : i32 to vector<16xi32>
    %add3A_864 = arith.addi %add3A_857, %add3A_863 : vector<16xi32>
    %add3A_865 = arith.constant 1 : i32
    %add3A_866 = vector.broadcast %add3A_865 : i32 to vector<16xi32>
    %add3A_867 = arith.addi %mul3A_851, %add3A_866 : vector<16xi32>
    %scatter3A_868 = arith.constant 0 : i32
    %scatter3A_869 = arith.constant 0 : i32
    %scatter3A_870 = tpu.memref_slice %arg6[%scatter3A_868, %scatter3A_869] : memref<2x1024xi32, #tpu.memory_space<vmem>> -> memref<1x1024xi32, #tpu.memory_space<vmem>>
    %scatter3A_871 = tpu.memref_squeeze %scatter3A_870 : memref<1x1024xi32, #tpu.memory_space<vmem>> -> memref<1024xi32, #tpu.memory_space<vmem>>
    tpu.vector_store_idx %scatter3A_871[%add3A_864], %add3A_867 : memref<1024xi32, #tpu.memory_space<vmem>>[vector<16xi32>], vector<16xi32>,
    %dma_start3A = arith.constant 0 : i32
    %dma_start3A_872 = arith.constant 0 : i32
    %dma_start3A_873 = arith.constant 0 : i32
    %dma_start3A_874 = arith.constant 0 : i32
    %dma_start3A_875 = tpu.memref_slice %arg7[%dma_start3A_872, %dma_start3A_873, %dma_start3A_874] : memref<2x1024x16xf32, #tpu.memory_space<vmem>> -> memref<1x1024x16xf32, #tpu.memory_space<vmem>>
    %dma_start3A_876 = tpu.memref_squeeze %dma_start3A_875 : memref<1x1024x16xf32, #tpu.memory_space<vmem>> -> memref<1024x16xf32, #tpu.memory_space<vmem>>
    %dma_start3A_877 = arith.constant 0 : i32
    %dma_start3A_878 = tpu.memref_slice %arg6[%dma_start3A, %dma_start3A_877] : memref<2x1024xi32, #tpu.memory_space<vmem>> -> memref<1x1024xi32, #tpu.memory_space<vmem>>
    %dma_start3A_879 = tpu.memref_squeeze %dma_start3A_878 : memref<1x1024xi32, #tpu.memory_space<vmem>> -> memref<1024xi32, #tpu.memory_space<vmem>>
    %dma_start3A_880 = arith.constant 0 : i32
    %dma_start3A_881 = arith.constant 0 : i32
    %dma_start3A_882 = tpu.memref_slice %arg3[%dma_start3A_880, %dma_start3A_881] : memref<8000000x16xf32, #tpu.memory_space<hbm>> -> memref<8000000x16xf32, #tpu.memory_space<hbm>>
    tpu.enqueue_indirect_dma source(%dma_start3A_882 : memref<8000000x16xf32, #tpu.memory_space<hbm>>) target(%dma_start3A_876 : memref<1024x16xf32, #tpu.memory_space<vmem>>) offsets(%dma_start3A_879 : memref<1024xi32, #tpu.memory_space<vmem>>) semaphore(%arg9 : memref<!tpu.dma_semaphore, #tpu.memory_space<semaphore_mem>>)
    %scan3A = arith.constant 0 : i32
    %scan3A_883 = arith.constant 0 : i32
    %scan3A_884 = arith.constant 50 : i32
    %scan3A_885 = arith.addi %scan3A_883, %scan3A_884 : i32
    %scan3A_886 = arith.constant 1 : i32
    scf.for %scan3A_1071 = %scan3A_883 to %scan3A_885 step %scan3A_886  : i32 {
      %rem3A_1072 = arith.constant 2 : i32
      %rem3A_1073 = arith.remsi %scan3A_1071, %rem3A_1072 : i32
      %add3A_1074 = arith.constant 1 : i32
      %add3A_1075 = arith.addi %scan3A_1071, %add3A_1074 : i32
      %lt3A = arith.constant 50 : i32
      %lt3A_1076 = arith.cmpi slt, %add3A_1075, %lt3A : i32
      %convert_element_type3A = arith.extui %lt3A_1076 : i1 to i32
      %cond3A = arith.constant 0 : i32
      %cond3A_1077 = arith.cmpi ne, %convert_element_type3A, %cond3A : i32
      scf.if %cond3A_1077 {
        %add3A_1220 = arith.constant 1 : i32
        %add3A_1221 = arith.addi %scan3A_1071, %add3A_1220 : i32
        %rem3A_1222 = arith.constant 2 : i32
        %rem3A_1223 = arith.remsi %add3A_1221, %rem3A_1222 : i32
        %add3A_1224 = arith.constant 1 : i32
        %add3A_1225 = arith.addi %scan3A_1071, %add3A_1224 : i32
        %mul3A_1226 = arith.constant 4 : i32
        %mul3A_1227 = arith.muli %add3A_1225, %mul3A_1226 : i32
        %add3A_1228 = arith.constant 0 : i32
        %add3A_1229 = arith.addi %mul3A_1227, %add3A_1228 : i32
        %get3A_1230 = arith.index_cast %add3A_1229 : i32 to index
        %get3A_1231 = arith.constant 0 : index
        %get3A_1232 = tpu.vector_load %arg5[%get3A_1230, %get3A_1231] {strides = array<i32>} : memref<200x128xi32, #tpu.memory_space<vmem>>, vector<16xi32>,
        %mul3A_1233 = arith.constant 8 : i32
        %mul3A_1234 = vector.broadcast %mul3A_1233 : i32 to vector<16xi32>
        %mul3A_1235 = arith.muli %get3A_1232, %mul3A_1234 : vector<16xi32>
        %mul3A_1236 = arith.constant 2 : i32
        %mul3A_1237 = vector.broadcast %mul3A_1236 : i32 to vector<16xi32>
        %mul3A_1238 = arith.muli %mul3A_1237, %iota3A : vector<16xi32>
        %add3A_1239 = arith.constant 0 : i32
        %add3A_1240 = vector.broadcast %add3A_1239 : i32 to vector<16xi32>
        %add3A_1241 = arith.addi %add3A_1240, %mul3A_1238 : vector<16xi32>
        %scatter3A_1242 = arith.constant 0 : i32
        %scatter3A_1243 = tpu.memref_slice %arg6[%rem3A_1223, %scatter3A_1242] : memref<2x1024xi32, #tpu.memory_space<vmem>> -> memref<1x1024xi32, #tpu.memory_space<vmem>>
        %scatter3A_1244 = tpu.memref_squeeze %scatter3A_1243 : memref<1x1024xi32, #tpu.memory_space<vmem>> -> memref<1024xi32, #tpu.memory_space<vmem>>
        tpu.vector_store_idx %scatter3A_1244[%add3A_1241], %mul3A_1235 : memref<1024xi32, #tpu.memory_space<vmem>>[vector<16xi32>], vector<16xi32>,
        %add3A_1245 = arith.constant 1 : i32
        %add3A_1246 = vector.broadcast %add3A_1245 : i32 to vector<16xi32>
        %add3A_1247 = arith.addi %add3A_1241, %add3A_1246 : vector<16xi32>
        %add3A_1248 = arith.constant 1 : i32
        %add3A_1249 = vector.broadcast %add3A_1248 : i32 to vector<16xi32>
        %add3A_1250 = arith.addi %mul3A_1235, %add3A_1249 : vector<16xi32>
        %scatter3A_1251 = arith.constant 0 : i32
        %scatter3A_1252 = tpu.memref_slice %arg6[%rem3A_1223, %scatter3A_1251] : memref<2x1024xi32, #tpu.memory_space<vmem>> -> memref<1x1024xi32, #tpu.memory_space<vmem>>
        %scatter3A_1253 = tpu.memref_squeeze %scatter3A_1252 : memref<1x1024xi32, #tpu.memory_space<vmem>> -> memref<1024xi32, #tpu.memory_space<vmem>>
        tpu.vector_store_idx %scatter3A_1253[%add3A_1247], %add3A_1250 : memref<1024xi32, #tpu.memory_space<vmem>>[vector<16xi32>], vector<16xi32>,
        %get3A_1254 = arith.index_cast %add3A_1229 : i32 to index
        %get3A_1255 = arith.constant 16 : index
        %get3A_1256 = tpu.vector_load %arg5[%get3A_1254, %get3A_1255] {strides = array<i32>} : memref<200x128xi32, #tpu.memory_space<vmem>>, vector<16xi32>,
        %mul3A_1257 = arith.constant 8 : i32
        %mul3A_1258 = vector.broadcast %mul3A_1257 : i32 to vector<16xi32>
        %mul3A_1259 = arith.muli %get3A_1256, %mul3A_1258 : vector<16xi32>
        %mul3A_1260 = arith.constant 2 : i32
        %mul3A_1261 = vector.broadcast %mul3A_1260 : i32 to vector<16xi32>
        %mul3A_1262 = arith.muli %mul3A_1261, %iota3A : vector<16xi32>
        %add3A_1263 = arith.constant 32 : i32
        %add3A_1264 = vector.broadcast %add3A_1263 : i32 to vector<16xi32>
        %add3A_1265 = arith.addi %add3A_1264, %mul3A_1262 : vector<16xi32>
        %scatter3A_1266 = arith.constant 0 : i32
        %scatter3A_1267 = tpu.memref_slice %arg6[%rem3A_1223, %scatter3A_1266] : memref<2x1024xi32, #tpu.memory_space<vmem>> -> memref<1x1024xi32, #tpu.memory_space<vmem>>
        %scatter3A_1268 = tpu.memref_squeeze %scatter3A_1267 : memref<1x1024xi32, #tpu.memory_space<vmem>> -> memref<1024xi32, #tpu.memory_space<vmem>>
        tpu.vector_store_idx %scatter3A_1268[%add3A_1265], %mul3A_1259 : memref<1024xi32, #tpu.memory_space<vmem>>[vector<16xi32>], vector<16xi32>,
        %add3A_1269 = arith.constant 1 : i32
        %add3A_1270 = vector.broadcast %add3A_1269 : i32 to vector<16xi32>
        %add3A_1271 = arith.addi %add3A_1265, %add3A_1270 : vector<16xi32>
        %add3A_1272 = arith.constant 1 : i32
        %add3A_1273 = vector.broadcast %add3A_1272 : i32 to vector<16xi32>
        %add3A_1274 = arith.addi %mul3A_1259, %add3A_1273 : vector<16xi32>
        %scatter3A_1275 = arith.constant 0 : i32
        %scatter3A_1276 = tpu.memref_slice %arg6[%rem3A_1223, %scatter3A_1275] : memref<2x1024xi32, #tpu.memory_space<vmem>> -> memref<1x1024xi32, #tpu.memory_space<vmem>>
        %scatter3A_1277 = tpu.memref_squeeze %scatter3A_1276 : memref<1x1024xi32, #tpu.memory_space<vmem>> -> memref<1024xi32, #tpu.memory_space<vmem>>
        tpu.vector_store_idx %scatter3A_1277[%add3A_1271], %add3A_1274 : memref<1024xi32, #tpu.memory_space<vmem>>[vector<16xi32>], vector<16xi32>,
        %get3A_1278 = arith.index_cast %add3A_1229 : i32 to index
        %get3A_1279 = arith.constant 32 : index
        %get3A_1280 = tpu.vector_load %arg5[%get3A_1278, %get3A_1279] {strides = array<i32>} : memref<200x128xi32, #tpu.memory_space<vmem>>, vector<16xi32>,
        %mul3A_1281 = arith.constant 8 : i32
        %mul3A_1282 = vector.broadcast %mul3A_1281 : i32 to vector<16xi32>
        %mul3A_1283 = arith.muli %get3A_1280, %mul3A_1282 : vector<16xi32>
        %mul3A_1284 = arith.constant 2 : i32
        %mul3A_1285 = vector.broadcast %mul3A_1284 : i32 to vector<16xi32>
        %mul3A_1286 = arith.muli %mul3A_1285, %iota3A : vector<16xi32>
        %add3A_1287 = arith.constant 64 : i32
        %add3A_1288 = vector.broadcast %add3A_1287 : i32 to vector<16xi32>
        %add3A_1289 = arith.addi %add3A_1288, %mul3A_1286 : vector<16xi32>
        %scatter3A_1290 = arith.constant 0 : i32
        %scatter3A_1291 = tpu.memref_slice %arg6[%rem3A_1223, %scatter3A_1290] : memref<2x1024xi32, #tpu.memory_space<vmem>> -> memref<1x1024xi32, #tpu.memory_space<vmem>>
        %scatter3A_1292 = tpu.memref_squeeze %scatter3A_1291 : memref<1x1024xi32, #tpu.memory_space<vmem>> -> memref<1024xi32, #tpu.memory_space<vmem>>
        tpu.vector_store_idx %scatter3A_1292[%add3A_1289], %mul3A_1283 : memref<1024xi32, #tpu.memory_space<vmem>>[vector<16xi32>], vector<16xi32>,
        %add3A_1293 = arith.constant 1 : i32
        %add3A_1294 = vector.broadcast %add3A_1293 : i32 to vector<16xi32>
        %add3A_1295 = arith.addi %add3A_1289, %add3A_1294 : vector<16xi32>
        %add3A_1296 = arith.constant 1 : i32
        %add3A_1297 = vector.broadcast %add3A_1296 : i32 to vector<16xi32>
        %add3A_1298 = arith.addi %mul3A_1283, %add3A_1297 : vector<16xi32>
        %scatter3A_1299 = arith.constant 0 : i32
        %scatter3A_1300 = tpu.memref_slice %arg6[%rem3A_1223, %scatter3A_1299] : memref<2x1024xi32, #tpu.memory_space<vmem>> -> memref<1x1024xi32, #tpu.memory_space<vmem>>
        %scatter3A_1301 = tpu.memref_squeeze %scatter3A_1300 : memref<1x1024xi32, #tpu.memory_space<vmem>> -> memref<1024xi32, #tpu.memory_space<vmem>>
        tpu.vector_store_idx %scatter3A_1301[%add3A_1295], %add3A_1298 : memref<1024xi32, #tpu.memory_space<vmem>>[vector<16xi32>], vector<16xi32>,
        %get3A_1302 = arith.index_cast %add3A_1229 : i32 to index
        %get3A_1303 = arith.constant 48 : index
        %get3A_1304 = tpu.vector_load %arg5[%get3A_1302, %get3A_1303] {strides = array<i32>} : memref<200x128xi32, #tpu.memory_space<vmem>>, vector<16xi32>,
        %mul3A_1305 = arith.constant 8 : i32
        %mul3A_1306 = vector.broadcast %mul3A_1305 : i32 to vector<16xi32>
        %mul3A_1307 = arith.muli %get3A_1304, %mul3A_1306 : vector<16xi32>
        %mul3A_1308 = arith.constant 2 : i32
        %mul3A_1309 = vector.broadcast %mul3A_1308 : i32 to vector<16xi32>
        %mul3A_1310 = arith.muli %mul3A_1309, %iota3A : vector<16xi32>
        %add3A_1311 = arith.constant 96 : i32
        %add3A_1312 = vector.broadcast %add3A_1311 : i32 to vector<16xi32>
        %add3A_1313 = arith.addi %add3A_1312, %mul3A_1310 : vector<16xi32>
        %scatter3A_1314 = arith.constant 0 : i32
        %scatter3A_1315 = tpu.memref_slice %arg6[%rem3A_1223, %scatter3A_1314] : memref<2x1024xi32, #tpu.memory_space<vmem>> -> memref<1x1024xi32, #tpu.memory_space<vmem>>
        %scatter3A_1316 = tpu.memref_squeeze %scatter3A_1315 : memref<1x1024xi32, #tpu.memory_space<vmem>> -> memref<1024xi32, #tpu.memory_space<vmem>>
        tpu.vector_store_idx %scatter3A_1316[%add3A_1313], %mul3A_1307 : memref<1024xi32, #tpu.memory_space<vmem>>[vector<16xi32>], vector<16xi32>,
        %add3A_1317 = arith.constant 1 : i32
        %add3A_1318 = vector.broadcast %add3A_1317 : i32 to vector<16xi32>
        %add3A_1319 = arith.addi %add3A_1313, %add3A_1318 : vector<16xi32>
        %add3A_1320 = arith.constant 1 : i32
        %add3A_1321 = vector.broadcast %add3A_1320 : i32 to vector<16xi32>
        %add3A_1322 = arith.addi %mul3A_1307, %add3A_1321 : vector<16xi32>
        %scatter3A_1323 = arith.constant 0 : i32
        %scatter3A_1324 = tpu.memref_slice %arg6[%rem3A_1223, %scatter3A_1323] : memref<2x1024xi32, #tpu.memory_space<vmem>> -> memref<1x1024xi32, #tpu.memory_space<vmem>>
        %scatter3A_1325 = tpu.memref_squeeze %scatter3A_1324 : memref<1x1024xi32, #tpu.memory_space<vmem>> -> memref<1024xi32, #tpu.memory_space<vmem>>
        tpu.vector_store_idx %scatter3A_1325[%add3A_1319], %add3A_1322 : memref<1024xi32, #tpu.memory_space<vmem>>[vector<16xi32>], vector<16xi32>,
        %get3A_1326 = arith.index_cast %add3A_1229 : i32 to index
        %get3A_1327 = arith.constant 64 : index
        %get3A_1328 = tpu.vector_load %arg5[%get3A_1326, %get3A_1327] {strides = array<i32>} : memref<200x128xi32, #tpu.memory_space<vmem>>, vector<16xi32>,
        %mul3A_1329 = arith.constant 8 : i32
        %mul3A_1330 = vector.broadcast %mul3A_1329 : i32 to vector<16xi32>
        %mul3A_1331 = arith.muli %get3A_1328, %mul3A_1330 : vector<16xi32>
        %mul3A_1332 = arith.constant 2 : i32
        %mul3A_1333 = vector.broadcast %mul3A_1332 : i32 to vector<16xi32>
        %mul3A_1334 = arith.muli %mul3A_1333, %iota3A : vector<16xi32>
        %add3A_1335 = arith.constant 128 : i32
        %add3A_1336 = vector.broadcast %add3A_1335 : i32 to vector<16xi32>
        %add3A_1337 = arith.addi %add3A_1336, %mul3A_1334 : vector<16xi32>
        %scatter3A_1338 = arith.constant 0 : i32
        %scatter3A_1339 = tpu.memref_slice %arg6[%rem3A_1223, %scatter3A_1338] : memref<2x1024xi32, #tpu.memory_space<vmem>> -> memref<1x1024xi32, #tpu.memory_space<vmem>>
        %scatter3A_1340 = tpu.memref_squeeze %scatter3A_1339 : memref<1x1024xi32, #tpu.memory_space<vmem>> -> memref<1024xi32, #tpu.memory_space<vmem>>
        tpu.vector_store_idx %scatter3A_1340[%add3A_1337], %mul3A_1331 : memref<1024xi32, #tpu.memory_space<vmem>>[vector<16xi32>], vector<16xi32>,
        %add3A_1341 = arith.constant 1 : i32
        %add3A_1342 = vector.broadcast %add3A_1341 : i32 to vector<16xi32>
        %add3A_1343 = arith.addi %add3A_1337, %add3A_1342 : vector<16xi32>
        %add3A_1344 = arith.constant 1 : i32
        %add3A_1345 = vector.broadcast %add3A_1344 : i32 to vector<16xi32>
        %add3A_1346 = arith.addi %mul3A_1331, %add3A_1345 : vector<16xi32>
        %scatter3A_1347 = arith.constant 0 : i32
        %scatter3A_1348 = tpu.memref_slice %arg6[%rem3A_1223, %scatter3A_1347] : memref<2x1024xi32, #tpu.memory_space<vmem>> -> memref<1x1024xi32, #tpu.memory_space<vmem>>
        %scatter3A_1349 = tpu.memref_squeeze %scatter3A_1348 : memref<1x1024xi32, #tpu.memory_space<vmem>> -> memref<1024xi32, #tpu.memory_space<vmem>>
        tpu.vector_store_idx %scatter3A_1349[%add3A_1343], %add3A_1346 : memref<1024xi32, #tpu.memory_space<vmem>>[vector<16xi32>], vector<16xi32>,
        %get3A_1350 = arith.index_cast %add3A_1229 : i32 to index
        %get3A_1351 = arith.constant 80 : index
        %get3A_1352 = tpu.vector_load %arg5[%get3A_1350, %get3A_1351] {strides = array<i32>} : memref<200x128xi32, #tpu.memory_space<vmem>>, vector<16xi32>,
        %mul3A_1353 = arith.constant 8 : i32
        %mul3A_1354 = vector.broadcast %mul3A_1353 : i32 to vector<16xi32>
        %mul3A_1355 = arith.muli %get3A_1352, %mul3A_1354 : vector<16xi32>
        %mul3A_1356 = arith.constant 2 : i32
        %mul3A_1357 = vector.broadcast %mul3A_1356 : i32 to vector<16xi32>
        %mul3A_1358 = arith.muli %mul3A_1357, %iota3A : vector<16xi32>
        %add3A_1359 = arith.constant 160 : i32
        %add3A_1360 = vector.broadcast %add3A_1359 : i32 to vector<16xi32>
        %add3A_1361 = arith.addi %add3A_1360, %mul3A_1358 : vector<16xi32>
        %scatter3A_1362 = arith.constant 0 : i32
        %scatter3A_1363 = tpu.memref_slice %arg6[%rem3A_1223, %scatter3A_1362] : memref<2x1024xi32, #tpu.memory_space<vmem>> -> memref<1x1024xi32, #tpu.memory_space<vmem>>
        %scatter3A_1364 = tpu.memref_squeeze %scatter3A_1363 : memref<1x1024xi32, #tpu.memory_space<vmem>> -> memref<1024xi32, #tpu.memory_space<vmem>>
        tpu.vector_store_idx %scatter3A_1364[%add3A_1361], %mul3A_1355 : memref<1024xi32, #tpu.memory_space<vmem>>[vector<16xi32>], vector<16xi32>,
        %add3A_1365 = arith.constant 1 : i32
        %add3A_1366 = vector.broadcast %add3A_1365 : i32 to vector<16xi32>
        %add3A_1367 = arith.addi %add3A_1361, %add3A_1366 : vector<16xi32>
        %add3A_1368 = arith.constant 1 : i32
        %add3A_1369 = vector.broadcast %add3A_1368 : i32 to vector<16xi32>
        %add3A_1370 = arith.addi %mul3A_1355, %add3A_1369 : vector<16xi32>
        %scatter3A_1371 = arith.constant 0 : i32
        %scatter3A_1372 = tpu.memref_slice %arg6[%rem3A_1223, %scatter3A_1371] : memref<2x1024xi32, #tpu.memory_space<vmem>> -> memref<1x1024xi32, #tpu.memory_space<vmem>>
        %scatter3A_1373 = tpu.memref_squeeze %scatter3A_1372 : memref<1x1024xi32, #tpu.memory_space<vmem>> -> memref<1024xi32, #tpu.memory_space<vmem>>
        tpu.vector_store_idx %scatter3A_1373[%add3A_1367], %add3A_1370 : memref<1024xi32, #tpu.memory_space<vmem>>[vector<16xi32>], vector<16xi32>,
        %get3A_1374 = arith.index_cast %add3A_1229 : i32 to index
        %get3A_1375 = arith.constant 96 : index
        %get3A_1376 = tpu.vector_load %arg5[%get3A_1374, %get3A_1375] {strides = array<i32>} : memref<200x128xi32, #tpu.memory_space<vmem>>, vector<16xi32>,
        %mul3A_1377 = arith.constant 8 : i32
        %mul3A_1378 = vector.broadcast %mul3A_1377 : i32 to vector<16xi32>
        %mul3A_1379 = arith.muli %get3A_1376, %mul3A_1378 : vector<16xi32>
        %mul3A_1380 = arith.constant 2 : i32
        %mul3A_1381 = vector.broadcast %mul3A_1380 : i32 to vector<16xi32>
        %mul3A_1382 = arith.muli %mul3A_1381, %iota3A : vector<16xi32>
        %add3A_1383 = arith.constant 192 : i32
        %add3A_1384 = vector.broadcast %add3A_1383 : i32 to vector<16xi32>
        %add3A_1385 = arith.addi %add3A_1384, %mul3A_1382 : vector<16xi32>
        %scatter3A_1386 = arith.constant 0 : i32
        %scatter3A_1387 = tpu.memref_slice %arg6[%rem3A_1223, %scatter3A_1386] : memref<2x1024xi32, #tpu.memory_space<vmem>> -> memref<1x1024xi32, #tpu.memory_space<vmem>>
        %scatter3A_1388 = tpu.memref_squeeze %scatter3A_1387 : memref<1x1024xi32, #tpu.memory_space<vmem>> -> memref<1024xi32, #tpu.memory_space<vmem>>
        tpu.vector_store_idx %scatter3A_1388[%add3A_1385], %mul3A_1379 : memref<1024xi32, #tpu.memory_space<vmem>>[vector<16xi32>], vector<16xi32>,
        %add3A_1389 = arith.constant 1 : i32
        %add3A_1390 = vector.broadcast %add3A_1389 : i32 to vector<16xi32>
        %add3A_1391 = arith.addi %add3A_1385, %add3A_1390 : vector<16xi32>
        %add3A_1392 = arith.constant 1 : i32
        %add3A_1393 = vector.broadcast %add3A_1392 : i32 to vector<16xi32>
        %add3A_1394 = arith.addi %mul3A_1379, %add3A_1393 : vector<16xi32>
        %scatter3A_1395 = arith.constant 0 : i32
        %scatter3A_1396 = tpu.memref_slice %arg6[%rem3A_1223, %scatter3A_1395] : memref<2x1024xi32, #tpu.memory_space<vmem>> -> memref<1x1024xi32, #tpu.memory_space<vmem>>
        %scatter3A_1397 = tpu.memref_squeeze %scatter3A_1396 : memref<1x1024xi32, #tpu.memory_space<vmem>> -> memref<1024xi32, #tpu.memory_space<vmem>>
        tpu.vector_store_idx %scatter3A_1397[%add3A_1391], %add3A_1394 : memref<1024xi32, #tpu.memory_space<vmem>>[vector<16xi32>], vector<16xi32>,
        %get3A_1398 = arith.index_cast %add3A_1229 : i32 to index
        %get3A_1399 = arith.constant 112 : index
        %get3A_1400 = tpu.vector_load %arg5[%get3A_1398, %get3A_1399] {strides = array<i32>} : memref<200x128xi32, #tpu.memory_space<vmem>>, vector<16xi32>,
        %mul3A_1401 = arith.constant 8 : i32
        %mul3A_1402 = vector.broadcast %mul3A_1401 : i32 to vector<16xi32>
        %mul3A_1403 = arith.muli %get3A_1400, %mul3A_1402 : vector<16xi32>
        %mul3A_1404 = arith.constant 2 : i32
        %mul3A_1405 = vector.broadcast %mul3A_1404 : i32 to vector<16xi32>
        %mul3A_1406 = arith.muli %mul3A_1405, %iota3A : vector<16xi32>
        %add3A_1407 = arith.constant 224 : i32
        %add3A_1408 = vector.broadcast %add3A_1407 : i32 to vector<16xi32>
        %add3A_1409 = arith.addi %add3A_1408, %mul3A_1406 : vector<16xi32>
        %scatter3A_1410 = arith.constant 0 : i32
        %scatter3A_1411 = tpu.memref_slice %arg6[%rem3A_1223, %scatter3A_1410] : memref<2x1024xi32, #tpu.memory_space<vmem>> -> memref<1x1024xi32, #tpu.memory_space<vmem>>
        %scatter3A_1412 = tpu.memref_squeeze %scatter3A_1411 : memref<1x1024xi32, #tpu.memory_space<vmem>> -> memref<1024xi32, #tpu.memory_space<vmem>>
        tpu.vector_store_idx %scatter3A_1412[%add3A_1409], %mul3A_1403 : memref<1024xi32, #tpu.memory_space<vmem>>[vector<16xi32>], vector<16xi32>,
        %add3A_1413 = arith.constant 1 : i32
        %add3A_1414 = vector.broadcast %add3A_1413 : i32 to vector<16xi32>
        %add3A_1415 = arith.addi %add3A_1409, %add3A_1414 : vector<16xi32>
        %add3A_1416 = arith.constant 1 : i32
        %add3A_1417 = vector.broadcast %add3A_1416 : i32 to vector<16xi32>
        %add3A_1418 = arith.addi %mul3A_1403, %add3A_1417 : vector<16xi32>
        %scatter3A_1419 = arith.constant 0 : i32
        %scatter3A_1420 = tpu.memref_slice %arg6[%rem3A_1223, %scatter3A_1419] : memref<2x1024xi32, #tpu.memory_space<vmem>> -> memref<1x1024xi32, #tpu.memory_space<vmem>>
        %scatter3A_1421 = tpu.memref_squeeze %scatter3A_1420 : memref<1x1024xi32, #tpu.memory_space<vmem>> -> memref<1024xi32, #tpu.memory_space<vmem>>
        tpu.vector_store_idx %scatter3A_1421[%add3A_1415], %add3A_1418 : memref<1024xi32, #tpu.memory_space<vmem>>[vector<16xi32>], vector<16xi32>,
        %mul3A_1422 = arith.constant 4 : i32
        %mul3A_1423 = arith.muli %add3A_1225, %mul3A_1422 : i32
        %add3A_1424 = arith.constant 1 : i32
        %add3A_1425 = arith.addi %mul3A_1423, %add3A_1424 : i32
        %get3A_1426 = arith.index_cast %add3A_1425 : i32 to index
        %get3A_1427 = arith.constant 0 : index
        %get3A_1428 = tpu.vector_load %arg5[%get3A_1426, %get3A_1427] {strides = array<i32>} : memref<200x128xi32, #tpu.memory_space<vmem>>, vector<16xi32>,
        %mul3A_1429 = arith.constant 8 : i32
        %mul3A_1430 = vector.broadcast %mul3A_1429 : i32 to vector<16xi32>
        %mul3A_1431 = arith.muli %get3A_1428, %mul3A_1430 : vector<16xi32>
        %mul3A_1432 = arith.constant 2 : i32
        %mul3A_1433 = vector.broadcast %mul3A_1432 : i32 to vector<16xi32>
        %mul3A_1434 = arith.muli %mul3A_1433, %iota3A : vector<16xi32>
        %add3A_1435 = arith.constant 256 : i32
        %add3A_1436 = vector.broadcast %add3A_1435 : i32 to vector<16xi32>
        %add3A_1437 = arith.addi %add3A_1436, %mul3A_1434 : vector<16xi32>
        %scatter3A_1438 = arith.constant 0 : i32
        %scatter3A_1439 = tpu.memref_slice %arg6[%rem3A_1223, %scatter3A_1438] : memref<2x1024xi32, #tpu.memory_space<vmem>> -> memref<1x1024xi32, #tpu.memory_space<vmem>>
        %scatter3A_1440 = tpu.memref_squeeze %scatter3A_1439 : memref<1x1024xi32, #tpu.memory_space<vmem>> -> memref<1024xi32, #tpu.memory_space<vmem>>
        tpu.vector_store_idx %scatter3A_1440[%add3A_1437], %mul3A_1431 : memref<1024xi32, #tpu.memory_space<vmem>>[vector<16xi32>], vector<16xi32>,
        %add3A_1441 = arith.constant 1 : i32
        %add3A_1442 = vector.broadcast %add3A_1441 : i32 to vector<16xi32>
        %add3A_1443 = arith.addi %add3A_1437, %add3A_1442 : vector<16xi32>
        %add3A_1444 = arith.constant 1 : i32
        %add3A_1445 = vector.broadcast %add3A_1444 : i32 to vector<16xi32>
        %add3A_1446 = arith.addi %mul3A_1431, %add3A_1445 : vector<16xi32>
        %scatter3A_1447 = arith.constant 0 : i32
        %scatter3A_1448 = tpu.memref_slice %arg6[%rem3A_1223, %scatter3A_1447] : memref<2x1024xi32, #tpu.memory_space<vmem>> -> memref<1x1024xi32, #tpu.memory_space<vmem>>
        %scatter3A_1449 = tpu.memref_squeeze %scatter3A_1448 : memref<1x1024xi32, #tpu.memory_space<vmem>> -> memref<1024xi32, #tpu.memory_space<vmem>>
        tpu.vector_store_idx %scatter3A_1449[%add3A_1443], %add3A_1446 : memref<1024xi32, #tpu.memory_space<vmem>>[vector<16xi32>], vector<16xi32>,
        %get3A_1450 = arith.index_cast %add3A_1425 : i32 to index
        %get3A_1451 = arith.constant 16 : index
        %get3A_1452 = tpu.vector_load %arg5[%get3A_1450, %get3A_1451] {strides = array<i32>} : memref<200x128xi32, #tpu.memory_space<vmem>>, vector<16xi32>,
        %mul3A_1453 = arith.constant 8 : i32
        %mul3A_1454 = vector.broadcast %mul3A_1453 : i32 to vector<16xi32>
        %mul3A_1455 = arith.muli %get3A_1452, %mul3A_1454 : vector<16xi32>
        %mul3A_1456 = arith.constant 2 : i32
        %mul3A_1457 = vector.broadcast %mul3A_1456 : i32 to vector<16xi32>
        %mul3A_1458 = arith.muli %mul3A_1457, %iota3A : vector<16xi32>
        %add3A_1459 = arith.constant 288 : i32
        %add3A_1460 = vector.broadcast %add3A_1459 : i32 to vector<16xi32>
        %add3A_1461 = arith.addi %add3A_1460, %mul3A_1458 : vector<16xi32>
        %scatter3A_1462 = arith.constant 0 : i32
        %scatter3A_1463 = tpu.memref_slice %arg6[%rem3A_1223, %scatter3A_1462] : memref<2x1024xi32, #tpu.memory_space<vmem>> -> memref<1x1024xi32, #tpu.memory_space<vmem>>
        %scatter3A_1464 = tpu.memref_squeeze %scatter3A_1463 : memref<1x1024xi32, #tpu.memory_space<vmem>> -> memref<1024xi32, #tpu.memory_space<vmem>>
        tpu.vector_store_idx %scatter3A_1464[%add3A_1461], %mul3A_1455 : memref<1024xi32, #tpu.memory_space<vmem>>[vector<16xi32>], vector<16xi32>,
        %add3A_1465 = arith.constant 1 : i32
        %add3A_1466 = vector.broadcast %add3A_1465 : i32 to vector<16xi32>
        %add3A_1467 = arith.addi %add3A_1461, %add3A_1466 : vector<16xi32>
        %add3A_1468 = arith.constant 1 : i32
        %add3A_1469 = vector.broadcast %add3A_1468 : i32 to vector<16xi32>
        %add3A_1470 = arith.addi %mul3A_1455, %add3A_1469 : vector<16xi32>
        %scatter3A_1471 = arith.constant 0 : i32
        %scatter3A_1472 = tpu.memref_slice %arg6[%rem3A_1223, %scatter3A_1471] : memref<2x1024xi32, #tpu.memory_space<vmem>> -> memref<1x1024xi32, #tpu.memory_space<vmem>>
        %scatter3A_1473 = tpu.memref_squeeze %scatter3A_1472 : memref<1x1024xi32, #tpu.memory_space<vmem>> -> memref<1024xi32, #tpu.memory_space<vmem>>
        tpu.vector_store_idx %scatter3A_1473[%add3A_1467], %add3A_1470 : memref<1024xi32, #tpu.memory_space<vmem>>[vector<16xi32>], vector<16xi32>,
        %get3A_1474 = arith.index_cast %add3A_1425 : i32 to index
        %get3A_1475 = arith.constant 32 : index
        %get3A_1476 = tpu.vector_load %arg5[%get3A_1474, %get3A_1475] {strides = array<i32>} : memref<200x128xi32, #tpu.memory_space<vmem>>, vector<16xi32>,
        %mul3A_1477 = arith.constant 8 : i32
        %mul3A_1478 = vector.broadcast %mul3A_1477 : i32 to vector<16xi32>
        %mul3A_1479 = arith.muli %get3A_1476, %mul3A_1478 : vector<16xi32>
        %mul3A_1480 = arith.constant 2 : i32
        %mul3A_1481 = vector.broadcast %mul3A_1480 : i32 to vector<16xi32>
        %mul3A_1482 = arith.muli %mul3A_1481, %iota3A : vector<16xi32>
        %add3A_1483 = arith.constant 320 : i32
        %add3A_1484 = vector.broadcast %add3A_1483 : i32 to vector<16xi32>
        %add3A_1485 = arith.addi %add3A_1484, %mul3A_1482 : vector<16xi32>
        %scatter3A_1486 = arith.constant 0 : i32
        %scatter3A_1487 = tpu.memref_slice %arg6[%rem3A_1223, %scatter3A_1486] : memref<2x1024xi32, #tpu.memory_space<vmem>> -> memref<1x1024xi32, #tpu.memory_space<vmem>>
        %scatter3A_1488 = tpu.memref_squeeze %scatter3A_1487 : memref<1x1024xi32, #tpu.memory_space<vmem>> -> memref<1024xi32, #tpu.memory_space<vmem>>
        tpu.vector_store_idx %scatter3A_1488[%add3A_1485], %mul3A_1479 : memref<1024xi32, #tpu.memory_space<vmem>>[vector<16xi32>], vector<16xi32>,
        %add3A_1489 = arith.constant 1 : i32
        %add3A_1490 = vector.broadcast %add3A_1489 : i32 to vector<16xi32>
        %add3A_1491 = arith.addi %add3A_1485, %add3A_1490 : vector<16xi32>
        %add3A_1492 = arith.constant 1 : i32
        %add3A_1493 = vector.broadcast %add3A_1492 : i32 to vector<16xi32>
        %add3A_1494 = arith.addi %mul3A_1479, %add3A_1493 : vector<16xi32>
        %scatter3A_1495 = arith.constant 0 : i32
        %scatter3A_1496 = tpu.memref_slice %arg6[%rem3A_1223, %scatter3A_1495] : memref<2x1024xi32, #tpu.memory_space<vmem>> -> memref<1x1024xi32, #tpu.memory_space<vmem>>
        %scatter3A_1497 = tpu.memref_squeeze %scatter3A_1496 : memref<1x1024xi32, #tpu.memory_space<vmem>> -> memref<1024xi32, #tpu.memory_space<vmem>>
        tpu.vector_store_idx %scatter3A_1497[%add3A_1491], %add3A_1494 : memref<1024xi32, #tpu.memory_space<vmem>>[vector<16xi32>], vector<16xi32>,
        %get3A_1498 = arith.index_cast %add3A_1425 : i32 to index
        %get3A_1499 = arith.constant 48 : index
        %get3A_1500 = tpu.vector_load %arg5[%get3A_1498, %get3A_1499] {strides = array<i32>} : memref<200x128xi32, #tpu.memory_space<vmem>>, vector<16xi32>,
        %mul3A_1501 = arith.constant 8 : i32
        %mul3A_1502 = vector.broadcast %mul3A_1501 : i32 to vector<16xi32>
        %mul3A_1503 = arith.muli %get3A_1500, %mul3A_1502 : vector<16xi32>
        %mul3A_1504 = arith.constant 2 : i32
        %mul3A_1505 = vector.broadcast %mul3A_1504 : i32 to vector<16xi32>
        %mul3A_1506 = arith.muli %mul3A_1505, %iota3A : vector<16xi32>
        %add3A_1507 = arith.constant 352 : i32
        %add3A_1508 = vector.broadcast %add3A_1507 : i32 to vector<16xi32>
        %add3A_1509 = arith.addi %add3A_1508, %mul3A_1506 : vector<16xi32>
        %scatter3A_1510 = arith.constant 0 : i32
        %scatter3A_1511 = tpu.memref_slice %arg6[%rem3A_1223, %scatter3A_1510] : memref<2x1024xi32, #tpu.memory_space<vmem>> -> memref<1x1024xi32, #tpu.memory_space<vmem>>
        %scatter3A_1512 = tpu.memref_squeeze %scatter3A_1511 : memref<1x1024xi32, #tpu.memory_space<vmem>> -> memref<1024xi32, #tpu.memory_space<vmem>>
        tpu.vector_store_idx %scatter3A_1512[%add3A_1509], %mul3A_1503 : memref<1024xi32, #tpu.memory_space<vmem>>[vector<16xi32>], vector<16xi32>,
        %add3A_1513 = arith.constant 1 : i32
        %add3A_1514 = vector.broadcast %add3A_1513 : i32 to vector<16xi32>
        %add3A_1515 = arith.addi %add3A_1509, %add3A_1514 : vector<16xi32>
        %add3A_1516 = arith.constant 1 : i32
        %add3A_1517 = vector.broadcast %add3A_1516 : i32 to vector<16xi32>
        %add3A_1518 = arith.addi %mul3A_1503, %add3A_1517 : vector<16xi32>
        %scatter3A_1519 = arith.constant 0 : i32
        %scatter3A_1520 = tpu.memref_slice %arg6[%rem3A_1223, %scatter3A_1519] : memref<2x1024xi32, #tpu.memory_space<vmem>> -> memref<1x1024xi32, #tpu.memory_space<vmem>>
        %scatter3A_1521 = tpu.memref_squeeze %scatter3A_1520 : memref<1x1024xi32, #tpu.memory_space<vmem>> -> memref<1024xi32, #tpu.memory_space<vmem>>
        tpu.vector_store_idx %scatter3A_1521[%add3A_1515], %add3A_1518 : memref<1024xi32, #tpu.memory_space<vmem>>[vector<16xi32>], vector<16xi32>,
        %get3A_1522 = arith.index_cast %add3A_1425 : i32 to index
        %get3A_1523 = arith.constant 64 : index
        %get3A_1524 = tpu.vector_load %arg5[%get3A_1522, %get3A_1523] {strides = array<i32>} : memref<200x128xi32, #tpu.memory_space<vmem>>, vector<16xi32>,
        %mul3A_1525 = arith.constant 8 : i32
        %mul3A_1526 = vector.broadcast %mul3A_1525 : i32 to vector<16xi32>
        %mul3A_1527 = arith.muli %get3A_1524, %mul3A_1526 : vector<16xi32>
        %mul3A_1528 = arith.constant 2 : i32
        %mul3A_1529 = vector.broadcast %mul3A_1528 : i32 to vector<16xi32>
        %mul3A_1530 = arith.muli %mul3A_1529, %iota3A : vector<16xi32>
        %add3A_1531 = arith.constant 384 : i32
        %add3A_1532 = vector.broadcast %add3A_1531 : i32 to vector<16xi32>
        %add3A_1533 = arith.addi %add3A_1532, %mul3A_1530 : vector<16xi32>
        %scatter3A_1534 = arith.constant 0 : i32
        %scatter3A_1535 = tpu.memref_slice %arg6[%rem3A_1223, %scatter3A_1534] : memref<2x1024xi32, #tpu.memory_space<vmem>> -> memref<1x1024xi32, #tpu.memory_space<vmem>>
        %scatter3A_1536 = tpu.memref_squeeze %scatter3A_1535 : memref<1x1024xi32, #tpu.memory_space<vmem>> -> memref<1024xi32, #tpu.memory_space<vmem>>
        tpu.vector_store_idx %scatter3A_1536[%add3A_1533], %mul3A_1527 : memref<1024xi32, #tpu.memory_space<vmem>>[vector<16xi32>], vector<16xi32>,
        %add3A_1537 = arith.constant 1 : i32
        %add3A_1538 = vector.broadcast %add3A_1537 : i32 to vector<16xi32>
        %add3A_1539 = arith.addi %add3A_1533, %add3A_1538 : vector<16xi32>
        %add3A_1540 = arith.constant 1 : i32
        %add3A_1541 = vector.broadcast %add3A_1540 : i32 to vector<16xi32>
        %add3A_1542 = arith.addi %mul3A_1527, %add3A_1541 : vector<16xi32>
        %scatter3A_1543 = arith.constant 0 : i32
        %scatter3A_1544 = tpu.memref_slice %arg6[%rem3A_1223, %scatter3A_1543] : memref<2x1024xi32, #tpu.memory_space<vmem>> -> memref<1x1024xi32, #tpu.memory_space<vmem>>
        %scatter3A_1545 = tpu.memref_squeeze %scatter3A_1544 : memref<1x1024xi32, #tpu.memory_space<vmem>> -> memref<1024xi32, #tpu.memory_space<vmem>>
        tpu.vector_store_idx %scatter3A_1545[%add3A_1539], %add3A_1542 : memref<1024xi32, #tpu.memory_space<vmem>>[vector<16xi32>], vector<16xi32>,
        %get3A_1546 = arith.index_cast %add3A_1425 : i32 to index
        %get3A_1547 = arith.constant 80 : index
        %get3A_1548 = tpu.vector_load %arg5[%get3A_1546, %get3A_1547] {strides = array<i32>} : memref<200x128xi32, #tpu.memory_space<vmem>>, vector<16xi32>,
        %mul3A_1549 = arith.constant 8 : i32
        %mul3A_1550 = vector.broadcast %mul3A_1549 : i32 to vector<16xi32>
        %mul3A_1551 = arith.muli %get3A_1548, %mul3A_1550 : vector<16xi32>
        %mul3A_1552 = arith.constant 2 : i32
        %mul3A_1553 = vector.broadcast %mul3A_1552 : i32 to vector<16xi32>
        %mul3A_1554 = arith.muli %mul3A_1553, %iota3A : vector<16xi32>
        %add3A_1555 = arith.constant 416 : i32
        %add3A_1556 = vector.broadcast %add3A_1555 : i32 to vector<16xi32>
        %add3A_1557 = arith.addi %add3A_1556, %mul3A_1554 : vector<16xi32>
        %scatter3A_1558 = arith.constant 0 : i32
        %scatter3A_1559 = tpu.memref_slice %arg6[%rem3A_1223, %scatter3A_1558] : memref<2x1024xi32, #tpu.memory_space<vmem>> -> memref<1x1024xi32, #tpu.memory_space<vmem>>
        %scatter3A_1560 = tpu.memref_squeeze %scatter3A_1559 : memref<1x1024xi32, #tpu.memory_space<vmem>> -> memref<1024xi32, #tpu.memory_space<vmem>>
        tpu.vector_store_idx %scatter3A_1560[%add3A_1557], %mul3A_1551 : memref<1024xi32, #tpu.memory_space<vmem>>[vector<16xi32>], vector<16xi32>,
        %add3A_1561 = arith.constant 1 : i32
        %add3A_1562 = vector.broadcast %add3A_1561 : i32 to vector<16xi32>
        %add3A_1563 = arith.addi %add3A_1557, %add3A_1562 : vector<16xi32>
        %add3A_1564 = arith.constant 1 : i32
        %add3A_1565 = vector.broadcast %add3A_1564 : i32 to vector<16xi32>
        %add3A_1566 = arith.addi %mul3A_1551, %add3A_1565 : vector<16xi32>
        %scatter3A_1567 = arith.constant 0 : i32
        %scatter3A_1568 = tpu.memref_slice %arg6[%rem3A_1223, %scatter3A_1567] : memref<2x1024xi32, #tpu.memory_space<vmem>> -> memref<1x1024xi32, #tpu.memory_space<vmem>>
        %scatter3A_1569 = tpu.memref_squeeze %scatter3A_1568 : memref<1x1024xi32, #tpu.memory_space<vmem>> -> memref<1024xi32, #tpu.memory_space<vmem>>
        tpu.vector_store_idx %scatter3A_1569[%add3A_1563], %add3A_1566 : memref<1024xi32, #tpu.memory_space<vmem>>[vector<16xi32>], vector<16xi32>,
        %get3A_1570 = arith.index_cast %add3A_1425 : i32 to index
        %get3A_1571 = arith.constant 96 : index
        %get3A_1572 = tpu.vector_load %arg5[%get3A_1570, %get3A_1571] {strides = array<i32>} : memref<200x128xi32, #tpu.memory_space<vmem>>, vector<16xi32>,
        %mul3A_1573 = arith.constant 8 : i32
        %mul3A_1574 = vector.broadcast %mul3A_1573 : i32 to vector<16xi32>
        %mul3A_1575 = arith.muli %get3A_1572, %mul3A_1574 : vector<16xi32>
        %mul3A_1576 = arith.constant 2 : i32
        %mul3A_1577 = vector.broadcast %mul3A_1576 : i32 to vector<16xi32>
        %mul3A_1578 = arith.muli %mul3A_1577, %iota3A : vector<16xi32>
        %add3A_1579 = arith.constant 448 : i32
        %add3A_1580 = vector.broadcast %add3A_1579 : i32 to vector<16xi32>
        %add3A_1581 = arith.addi %add3A_1580, %mul3A_1578 : vector<16xi32>
        %scatter3A_1582 = arith.constant 0 : i32
        %scatter3A_1583 = tpu.memref_slice %arg6[%rem3A_1223, %scatter3A_1582] : memref<2x1024xi32, #tpu.memory_space<vmem>> -> memref<1x1024xi32, #tpu.memory_space<vmem>>
        %scatter3A_1584 = tpu.memref_squeeze %scatter3A_1583 : memref<1x1024xi32, #tpu.memory_space<vmem>> -> memref<1024xi32, #tpu.memory_space<vmem>>
        tpu.vector_store_idx %scatter3A_1584[%add3A_1581], %mul3A_1575 : memref<1024xi32, #tpu.memory_space<vmem>>[vector<16xi32>], vector<16xi32>,
        %add3A_1585 = arith.constant 1 : i32
        %add3A_1586 = vector.broadcast %add3A_1585 : i32 to vector<16xi32>
        %add3A_1587 = arith.addi %add3A_1581, %add3A_1586 : vector<16xi32>
        %add3A_1588 = arith.constant 1 : i32
        %add3A_1589 = vector.broadcast %add3A_1588 : i32 to vector<16xi32>
        %add3A_1590 = arith.addi %mul3A_1575, %add3A_1589 : vector<16xi32>
        %scatter3A_1591 = arith.constant 0 : i32
        %scatter3A_1592 = tpu.memref_slice %arg6[%rem3A_1223, %scatter3A_1591] : memref<2x1024xi32, #tpu.memory_space<vmem>> -> memref<1x1024xi32, #tpu.memory_space<vmem>>
        %scatter3A_1593 = tpu.memref_squeeze %scatter3A_1592 : memref<1x1024xi32, #tpu.memory_space<vmem>> -> memref<1024xi32, #tpu.memory_space<vmem>>
        tpu.vector_store_idx %scatter3A_1593[%add3A_1587], %add3A_1590 : memref<1024xi32, #tpu.memory_space<vmem>>[vector<16xi32>], vector<16xi32>,
        %get3A_1594 = arith.index_cast %add3A_1425 : i32 to index
        %get3A_1595 = arith.constant 112 : index
        %get3A_1596 = tpu.vector_load %arg5[%get3A_1594, %get3A_1595] {strides = array<i32>} : memref<200x128xi32, #tpu.memory_space<vmem>>, vector<16xi32>,
        %mul3A_1597 = arith.constant 8 : i32
        %mul3A_1598 = vector.broadcast %mul3A_1597 : i32 to vector<16xi32>
        %mul3A_1599 = arith.muli %get3A_1596, %mul3A_1598 : vector<16xi32>
        %mul3A_1600 = arith.constant 2 : i32
        %mul3A_1601 = vector.broadcast %mul3A_1600 : i32 to vector<16xi32>
        %mul3A_1602 = arith.muli %mul3A_1601, %iota3A : vector<16xi32>
        %add3A_1603 = arith.constant 480 : i32
        %add3A_1604 = vector.broadcast %add3A_1603 : i32 to vector<16xi32>
        %add3A_1605 = arith.addi %add3A_1604, %mul3A_1602 : vector<16xi32>
        %scatter3A_1606 = arith.constant 0 : i32
        %scatter3A_1607 = tpu.memref_slice %arg6[%rem3A_1223, %scatter3A_1606] : memref<2x1024xi32, #tpu.memory_space<vmem>> -> memref<1x1024xi32, #tpu.memory_space<vmem>>
        %scatter3A_1608 = tpu.memref_squeeze %scatter3A_1607 : memref<1x1024xi32, #tpu.memory_space<vmem>> -> memref<1024xi32, #tpu.memory_space<vmem>>
        tpu.vector_store_idx %scatter3A_1608[%add3A_1605], %mul3A_1599 : memref<1024xi32, #tpu.memory_space<vmem>>[vector<16xi32>], vector<16xi32>,
        %add3A_1609 = arith.constant 1 : i32
        %add3A_1610 = vector.broadcast %add3A_1609 : i32 to vector<16xi32>
        %add3A_1611 = arith.addi %add3A_1605, %add3A_1610 : vector<16xi32>
        %add3A_1612 = arith.constant 1 : i32
        %add3A_1613 = vector.broadcast %add3A_1612 : i32 to vector<16xi32>
        %add3A_1614 = arith.addi %mul3A_1599, %add3A_1613 : vector<16xi32>
        %scatter3A_1615 = arith.constant 0 : i32
        %scatter3A_1616 = tpu.memref_slice %arg6[%rem3A_1223, %scatter3A_1615] : memref<2x1024xi32, #tpu.memory_space<vmem>> -> memref<1x1024xi32, #tpu.memory_space<vmem>>
        %scatter3A_1617 = tpu.memref_squeeze %scatter3A_1616 : memref<1x1024xi32, #tpu.memory_space<vmem>> -> memref<1024xi32, #tpu.memory_space<vmem>>
        tpu.vector_store_idx %scatter3A_1617[%add3A_1611], %add3A_1614 : memref<1024xi32, #tpu.memory_space<vmem>>[vector<16xi32>], vector<16xi32>,
        %mul3A_1618 = arith.constant 4 : i32
        %mul3A_1619 = arith.muli %add3A_1225, %mul3A_1618 : i32
        %add3A_1620 = arith.constant 2 : i32
        %add3A_1621 = arith.addi %mul3A_1619, %add3A_1620 : i32
        %get3A_1622 = arith.index_cast %add3A_1621 : i32 to index
        %get3A_1623 = arith.constant 0 : index
        %get3A_1624 = tpu.vector_load %arg5[%get3A_1622, %get3A_1623] {strides = array<i32>} : memref<200x128xi32, #tpu.memory_space<vmem>>, vector<16xi32>,
        %mul3A_1625 = arith.constant 8 : i32
        %mul3A_1626 = vector.broadcast %mul3A_1625 : i32 to vector<16xi32>
        %mul3A_1627 = arith.muli %get3A_1624, %mul3A_1626 : vector<16xi32>
        %mul3A_1628 = arith.constant 2 : i32
        %mul3A_1629 = vector.broadcast %mul3A_1628 : i32 to vector<16xi32>
        %mul3A_1630 = arith.muli %mul3A_1629, %iota3A : vector<16xi32>
        %add3A_1631 = arith.constant 512 : i32
        %add3A_1632 = vector.broadcast %add3A_1631 : i32 to vector<16xi32>
        %add3A_1633 = arith.addi %add3A_1632, %mul3A_1630 : vector<16xi32>
        %scatter3A_1634 = arith.constant 0 : i32
        %scatter3A_1635 = tpu.memref_slice %arg6[%rem3A_1223, %scatter3A_1634] : memref<2x1024xi32, #tpu.memory_space<vmem>> -> memref<1x1024xi32, #tpu.memory_space<vmem>>
        %scatter3A_1636 = tpu.memref_squeeze %scatter3A_1635 : memref<1x1024xi32, #tpu.memory_space<vmem>> -> memref<1024xi32, #tpu.memory_space<vmem>>
        tpu.vector_store_idx %scatter3A_1636[%add3A_1633], %mul3A_1627 : memref<1024xi32, #tpu.memory_space<vmem>>[vector<16xi32>], vector<16xi32>,
        %add3A_1637 = arith.constant 1 : i32
        %add3A_1638 = vector.broadcast %add3A_1637 : i32 to vector<16xi32>
        %add3A_1639 = arith.addi %add3A_1633, %add3A_1638 : vector<16xi32>
        %add3A_1640 = arith.constant 1 : i32
        %add3A_1641 = vector.broadcast %add3A_1640 : i32 to vector<16xi32>
        %add3A_1642 = arith.addi %mul3A_1627, %add3A_1641 : vector<16xi32>
        %scatter3A_1643 = arith.constant 0 : i32
        %scatter3A_1644 = tpu.memref_slice %arg6[%rem3A_1223, %scatter3A_1643] : memref<2x1024xi32, #tpu.memory_space<vmem>> -> memref<1x1024xi32, #tpu.memory_space<vmem>>
        %scatter3A_1645 = tpu.memref_squeeze %scatter3A_1644 : memref<1x1024xi32, #tpu.memory_space<vmem>> -> memref<1024xi32, #tpu.memory_space<vmem>>
        tpu.vector_store_idx %scatter3A_1645[%add3A_1639], %add3A_1642 : memref<1024xi32, #tpu.memory_space<vmem>>[vector<16xi32>], vector<16xi32>,
        %get3A_1646 = arith.index_cast %add3A_1621 : i32 to index
        %get3A_1647 = arith.constant 16 : index
        %get3A_1648 = tpu.vector_load %arg5[%get3A_1646, %get3A_1647] {strides = array<i32>} : memref<200x128xi32, #tpu.memory_space<vmem>>, vector<16xi32>,
        %mul3A_1649 = arith.constant 8 : i32
        %mul3A_1650 = vector.broadcast %mul3A_1649 : i32 to vector<16xi32>
        %mul3A_1651 = arith.muli %get3A_1648, %mul3A_1650 : vector<16xi32>
        %mul3A_1652 = arith.constant 2 : i32
        %mul3A_1653 = vector.broadcast %mul3A_1652 : i32 to vector<16xi32>
        %mul3A_1654 = arith.muli %mul3A_1653, %iota3A : vector<16xi32>
        %add3A_1655 = arith.constant 544 : i32
        %add3A_1656 = vector.broadcast %add3A_1655 : i32 to vector<16xi32>
        %add3A_1657 = arith.addi %add3A_1656, %mul3A_1654 : vector<16xi32>
        %scatter3A_1658 = arith.constant 0 : i32
        %scatter3A_1659 = tpu.memref_slice %arg6[%rem3A_1223, %scatter3A_1658] : memref<2x1024xi32, #tpu.memory_space<vmem>> -> memref<1x1024xi32, #tpu.memory_space<vmem>>
        %scatter3A_1660 = tpu.memref_squeeze %scatter3A_1659 : memref<1x1024xi32, #tpu.memory_space<vmem>> -> memref<1024xi32, #tpu.memory_space<vmem>>
        tpu.vector_store_idx %scatter3A_1660[%add3A_1657], %mul3A_1651 : memref<1024xi32, #tpu.memory_space<vmem>>[vector<16xi32>], vector<16xi32>,
        %add3A_1661 = arith.constant 1 : i32
        %add3A_1662 = vector.broadcast %add3A_1661 : i32 to vector<16xi32>
        %add3A_1663 = arith.addi %add3A_1657, %add3A_1662 : vector<16xi32>
        %add3A_1664 = arith.constant 1 : i32
        %add3A_1665 = vector.broadcast %add3A_1664 : i32 to vector<16xi32>
        %add3A_1666 = arith.addi %mul3A_1651, %add3A_1665 : vector<16xi32>
        %scatter3A_1667 = arith.constant 0 : i32
        %scatter3A_1668 = tpu.memref_slice %arg6[%rem3A_1223, %scatter3A_1667] : memref<2x1024xi32, #tpu.memory_space<vmem>> -> memref<1x1024xi32, #tpu.memory_space<vmem>>
        %scatter3A_1669 = tpu.memref_squeeze %scatter3A_1668 : memref<1x1024xi32, #tpu.memory_space<vmem>> -> memref<1024xi32, #tpu.memory_space<vmem>>
        tpu.vector_store_idx %scatter3A_1669[%add3A_1663], %add3A_1666 : memref<1024xi32, #tpu.memory_space<vmem>>[vector<16xi32>], vector<16xi32>,
        %get3A_1670 = arith.index_cast %add3A_1621 : i32 to index
        %get3A_1671 = arith.constant 32 : index
        %get3A_1672 = tpu.vector_load %arg5[%get3A_1670, %get3A_1671] {strides = array<i32>} : memref<200x128xi32, #tpu.memory_space<vmem>>, vector<16xi32>,
        %mul3A_1673 = arith.constant 8 : i32
        %mul3A_1674 = vector.broadcast %mul3A_1673 : i32 to vector<16xi32>
        %mul3A_1675 = arith.muli %get3A_1672, %mul3A_1674 : vector<16xi32>
        %mul3A_1676 = arith.constant 2 : i32
        %mul3A_1677 = vector.broadcast %mul3A_1676 : i32 to vector<16xi32>
        %mul3A_1678 = arith.muli %mul3A_1677, %iota3A : vector<16xi32>
        %add3A_1679 = arith.constant 576 : i32
        %add3A_1680 = vector.broadcast %add3A_1679 : i32 to vector<16xi32>
        %add3A_1681 = arith.addi %add3A_1680, %mul3A_1678 : vector<16xi32>
        %scatter3A_1682 = arith.constant 0 : i32
        %scatter3A_1683 = tpu.memref_slice %arg6[%rem3A_1223, %scatter3A_1682] : memref<2x1024xi32, #tpu.memory_space<vmem>> -> memref<1x1024xi32, #tpu.memory_space<vmem>>
        %scatter3A_1684 = tpu.memref_squeeze %scatter3A_1683 : memref<1x1024xi32, #tpu.memory_space<vmem>> -> memref<1024xi32, #tpu.memory_space<vmem>>
        tpu.vector_store_idx %scatter3A_1684[%add3A_1681], %mul3A_1675 : memref<1024xi32, #tpu.memory_space<vmem>>[vector<16xi32>], vector<16xi32>,
        %add3A_1685 = arith.constant 1 : i32
        %add3A_1686 = vector.broadcast %add3A_1685 : i32 to vector<16xi32>
        %add3A_1687 = arith.addi %add3A_1681, %add3A_1686 : vector<16xi32>
        %add3A_1688 = arith.constant 1 : i32
        %add3A_1689 = vector.broadcast %add3A_1688 : i32 to vector<16xi32>
        %add3A_1690 = arith.addi %mul3A_1675, %add3A_1689 : vector<16xi32>
        %scatter3A_1691 = arith.constant 0 : i32
        %scatter3A_1692 = tpu.memref_slice %arg6[%rem3A_1223, %scatter3A_1691] : memref<2x1024xi32, #tpu.memory_space<vmem>> -> memref<1x1024xi32, #tpu.memory_space<vmem>>
        %scatter3A_1693 = tpu.memref_squeeze %scatter3A_1692 : memref<1x1024xi32, #tpu.memory_space<vmem>> -> memref<1024xi32, #tpu.memory_space<vmem>>
        tpu.vector_store_idx %scatter3A_1693[%add3A_1687], %add3A_1690 : memref<1024xi32, #tpu.memory_space<vmem>>[vector<16xi32>], vector<16xi32>,
        %get3A_1694 = arith.index_cast %add3A_1621 : i32 to index
        %get3A_1695 = arith.constant 48 : index
        %get3A_1696 = tpu.vector_load %arg5[%get3A_1694, %get3A_1695] {strides = array<i32>} : memref<200x128xi32, #tpu.memory_space<vmem>>, vector<16xi32>,
        %mul3A_1697 = arith.constant 8 : i32
        %mul3A_1698 = vector.broadcast %mul3A_1697 : i32 to vector<16xi32>
        %mul3A_1699 = arith.muli %get3A_1696, %mul3A_1698 : vector<16xi32>
        %mul3A_1700 = arith.constant 2 : i32
        %mul3A_1701 = vector.broadcast %mul3A_1700 : i32 to vector<16xi32>
        %mul3A_1702 = arith.muli %mul3A_1701, %iota3A : vector<16xi32>
        %add3A_1703 = arith.constant 608 : i32
        %add3A_1704 = vector.broadcast %add3A_1703 : i32 to vector<16xi32>
        %add3A_1705 = arith.addi %add3A_1704, %mul3A_1702 : vector<16xi32>
        %scatter3A_1706 = arith.constant 0 : i32
        %scatter3A_1707 = tpu.memref_slice %arg6[%rem3A_1223, %scatter3A_1706] : memref<2x1024xi32, #tpu.memory_space<vmem>> -> memref<1x1024xi32, #tpu.memory_space<vmem>>
        %scatter3A_1708 = tpu.memref_squeeze %scatter3A_1707 : memref<1x1024xi32, #tpu.memory_space<vmem>> -> memref<1024xi32, #tpu.memory_space<vmem>>
        tpu.vector_store_idx %scatter3A_1708[%add3A_1705], %mul3A_1699 : memref<1024xi32, #tpu.memory_space<vmem>>[vector<16xi32>], vector<16xi32>,
        %add3A_1709 = arith.constant 1 : i32
        %add3A_1710 = vector.broadcast %add3A_1709 : i32 to vector<16xi32>
        %add3A_1711 = arith.addi %add3A_1705, %add3A_1710 : vector<16xi32>
        %add3A_1712 = arith.constant 1 : i32
        %add3A_1713 = vector.broadcast %add3A_1712 : i32 to vector<16xi32>
        %add3A_1714 = arith.addi %mul3A_1699, %add3A_1713 : vector<16xi32>
        %scatter3A_1715 = arith.constant 0 : i32
        %scatter3A_1716 = tpu.memref_slice %arg6[%rem3A_1223, %scatter3A_1715] : memref<2x1024xi32, #tpu.memory_space<vmem>> -> memref<1x1024xi32, #tpu.memory_space<vmem>>
        %scatter3A_1717 = tpu.memref_squeeze %scatter3A_1716 : memref<1x1024xi32, #tpu.memory_space<vmem>> -> memref<1024xi32, #tpu.memory_space<vmem>>
        tpu.vector_store_idx %scatter3A_1717[%add3A_1711], %add3A_1714 : memref<1024xi32, #tpu.memory_space<vmem>>[vector<16xi32>], vector<16xi32>,
        %get3A_1718 = arith.index_cast %add3A_1621 : i32 to index
        %get3A_1719 = arith.constant 64 : index
        %get3A_1720 = tpu.vector_load %arg5[%get3A_1718, %get3A_1719] {strides = array<i32>} : memref<200x128xi32, #tpu.memory_space<vmem>>, vector<16xi32>,
        %mul3A_1721 = arith.constant 8 : i32
        %mul3A_1722 = vector.broadcast %mul3A_1721 : i32 to vector<16xi32>
        %mul3A_1723 = arith.muli %get3A_1720, %mul3A_1722 : vector<16xi32>
        %mul3A_1724 = arith.constant 2 : i32
        %mul3A_1725 = vector.broadcast %mul3A_1724 : i32 to vector<16xi32>
        %mul3A_1726 = arith.muli %mul3A_1725, %iota3A : vector<16xi32>
        %add3A_1727 = arith.constant 640 : i32
        %add3A_1728 = vector.broadcast %add3A_1727 : i32 to vector<16xi32>
        %add3A_1729 = arith.addi %add3A_1728, %mul3A_1726 : vector<16xi32>
        %scatter3A_1730 = arith.constant 0 : i32
        %scatter3A_1731 = tpu.memref_slice %arg6[%rem3A_1223, %scatter3A_1730] : memref<2x1024xi32, #tpu.memory_space<vmem>> -> memref<1x1024xi32, #tpu.memory_space<vmem>>
        %scatter3A_1732 = tpu.memref_squeeze %scatter3A_1731 : memref<1x1024xi32, #tpu.memory_space<vmem>> -> memref<1024xi32, #tpu.memory_space<vmem>>
        tpu.vector_store_idx %scatter3A_1732[%add3A_1729], %mul3A_1723 : memref<1024xi32, #tpu.memory_space<vmem>>[vector<16xi32>], vector<16xi32>,
        %add3A_1733 = arith.constant 1 : i32
        %add3A_1734 = vector.broadcast %add3A_1733 : i32 to vector<16xi32>
        %add3A_1735 = arith.addi %add3A_1729, %add3A_1734 : vector<16xi32>
        %add3A_1736 = arith.constant 1 : i32
        %add3A_1737 = vector.broadcast %add3A_1736 : i32 to vector<16xi32>
        %add3A_1738 = arith.addi %mul3A_1723, %add3A_1737 : vector<16xi32>
        %scatter3A_1739 = arith.constant 0 : i32
        %scatter3A_1740 = tpu.memref_slice %arg6[%rem3A_1223, %scatter3A_1739] : memref<2x1024xi32, #tpu.memory_space<vmem>> -> memref<1x1024xi32, #tpu.memory_space<vmem>>
        %scatter3A_1741 = tpu.memref_squeeze %scatter3A_1740 : memref<1x1024xi32, #tpu.memory_space<vmem>> -> memref<1024xi32, #tpu.memory_space<vmem>>
        tpu.vector_store_idx %scatter3A_1741[%add3A_1735], %add3A_1738 : memref<1024xi32, #tpu.memory_space<vmem>>[vector<16xi32>], vector<16xi32>,
        %get3A_1742 = arith.index_cast %add3A_1621 : i32 to index
        %get3A_1743 = arith.constant 80 : index
        %get3A_1744 = tpu.vector_load %arg5[%get3A_1742, %get3A_1743] {strides = array<i32>} : memref<200x128xi32, #tpu.memory_space<vmem>>, vector<16xi32>,
        %mul3A_1745 = arith.constant 8 : i32
        %mul3A_1746 = vector.broadcast %mul3A_1745 : i32 to vector<16xi32>
        %mul3A_1747 = arith.muli %get3A_1744, %mul3A_1746 : vector<16xi32>
        %mul3A_1748 = arith.constant 2 : i32
        %mul3A_1749 = vector.broadcast %mul3A_1748 : i32 to vector<16xi32>
        %mul3A_1750 = arith.muli %mul3A_1749, %iota3A : vector<16xi32>
        %add3A_1751 = arith.constant 672 : i32
        %add3A_1752 = vector.broadcast %add3A_1751 : i32 to vector<16xi32>
        %add3A_1753 = arith.addi %add3A_1752, %mul3A_1750 : vector<16xi32>
        %scatter3A_1754 = arith.constant 0 : i32
        %scatter3A_1755 = tpu.memref_slice %arg6[%rem3A_1223, %scatter3A_1754] : memref<2x1024xi32, #tpu.memory_space<vmem>> -> memref<1x1024xi32, #tpu.memory_space<vmem>>
        %scatter3A_1756 = tpu.memref_squeeze %scatter3A_1755 : memref<1x1024xi32, #tpu.memory_space<vmem>> -> memref<1024xi32, #tpu.memory_space<vmem>>
        tpu.vector_store_idx %scatter3A_1756[%add3A_1753], %mul3A_1747 : memref<1024xi32, #tpu.memory_space<vmem>>[vector<16xi32>], vector<16xi32>,
        %add3A_1757 = arith.constant 1 : i32
        %add3A_1758 = vector.broadcast %add3A_1757 : i32 to vector<16xi32>
        %add3A_1759 = arith.addi %add3A_1753, %add3A_1758 : vector<16xi32>
        %add3A_1760 = arith.constant 1 : i32
        %add3A_1761 = vector.broadcast %add3A_1760 : i32 to vector<16xi32>
        %add3A_1762 = arith.addi %mul3A_1747, %add3A_1761 : vector<16xi32>
        %scatter3A_1763 = arith.constant 0 : i32
        %scatter3A_1764 = tpu.memref_slice %arg6[%rem3A_1223, %scatter3A_1763] : memref<2x1024xi32, #tpu.memory_space<vmem>> -> memref<1x1024xi32, #tpu.memory_space<vmem>>
        %scatter3A_1765 = tpu.memref_squeeze %scatter3A_1764 : memref<1x1024xi32, #tpu.memory_space<vmem>> -> memref<1024xi32, #tpu.memory_space<vmem>>
        tpu.vector_store_idx %scatter3A_1765[%add3A_1759], %add3A_1762 : memref<1024xi32, #tpu.memory_space<vmem>>[vector<16xi32>], vector<16xi32>,
        %get3A_1766 = arith.index_cast %add3A_1621 : i32 to index
        %get3A_1767 = arith.constant 96 : index
        %get3A_1768 = tpu.vector_load %arg5[%get3A_1766, %get3A_1767] {strides = array<i32>} : memref<200x128xi32, #tpu.memory_space<vmem>>, vector<16xi32>,
        %mul3A_1769 = arith.constant 8 : i32
        %mul3A_1770 = vector.broadcast %mul3A_1769 : i32 to vector<16xi32>
        %mul3A_1771 = arith.muli %get3A_1768, %mul3A_1770 : vector<16xi32>
        %mul3A_1772 = arith.constant 2 : i32
        %mul3A_1773 = vector.broadcast %mul3A_1772 : i32 to vector<16xi32>
        %mul3A_1774 = arith.muli %mul3A_1773, %iota3A : vector<16xi32>
        %add3A_1775 = arith.constant 704 : i32
        %add3A_1776 = vector.broadcast %add3A_1775 : i32 to vector<16xi32>
        %add3A_1777 = arith.addi %add3A_1776, %mul3A_1774 : vector<16xi32>
        %scatter3A_1778 = arith.constant 0 : i32
        %scatter3A_1779 = tpu.memref_slice %arg6[%rem3A_1223, %scatter3A_1778] : memref<2x1024xi32, #tpu.memory_space<vmem>> -> memref<1x1024xi32, #tpu.memory_space<vmem>>
        %scatter3A_1780 = tpu.memref_squeeze %scatter3A_1779 : memref<1x1024xi32, #tpu.memory_space<vmem>> -> memref<1024xi32, #tpu.memory_space<vmem>>
        tpu.vector_store_idx %scatter3A_1780[%add3A_1777], %mul3A_1771 : memref<1024xi32, #tpu.memory_space<vmem>>[vector<16xi32>], vector<16xi32>,
        %add3A_1781 = arith.constant 1 : i32
        %add3A_1782 = vector.broadcast %add3A_1781 : i32 to vector<16xi32>
        %add3A_1783 = arith.addi %add3A_1777, %add3A_1782 : vector<16xi32>
        %add3A_1784 = arith.constant 1 : i32
        %add3A_1785 = vector.broadcast %add3A_1784 : i32 to vector<16xi32>
        %add3A_1786 = arith.addi %mul3A_1771, %add3A_1785 : vector<16xi32>
        %scatter3A_1787 = arith.constant 0 : i32
        %scatter3A_1788 = tpu.memref_slice %arg6[%rem3A_1223, %scatter3A_1787] : memref<2x1024xi32, #tpu.memory_space<vmem>> -> memref<1x1024xi32, #tpu.memory_space<vmem>>
        %scatter3A_1789 = tpu.memref_squeeze %scatter3A_1788 : memref<1x1024xi32, #tpu.memory_space<vmem>> -> memref<1024xi32, #tpu.memory_space<vmem>>
        tpu.vector_store_idx %scatter3A_1789[%add3A_1783], %add3A_1786 : memref<1024xi32, #tpu.memory_space<vmem>>[vector<16xi32>], vector<16xi32>,
        %get3A_1790 = arith.index_cast %add3A_1621 : i32 to index
        %get3A_1791 = arith.constant 112 : index
        %get3A_1792 = tpu.vector_load %arg5[%get3A_1790, %get3A_1791] {strides = array<i32>} : memref<200x128xi32, #tpu.memory_space<vmem>>, vector<16xi32>,
        %mul3A_1793 = arith.constant 8 : i32
        %mul3A_1794 = vector.broadcast %mul3A_1793 : i32 to vector<16xi32>
        %mul3A_1795 = arith.muli %get3A_1792, %mul3A_1794 : vector<16xi32>
        %mul3A_1796 = arith.constant 2 : i32
        %mul3A_1797 = vector.broadcast %mul3A_1796 : i32 to vector<16xi32>
        %mul3A_1798 = arith.muli %mul3A_1797, %iota3A : vector<16xi32>
        %add3A_1799 = arith.constant 736 : i32
        %add3A_1800 = vector.broadcast %add3A_1799 : i32 to vector<16xi32>
        %add3A_1801 = arith.addi %add3A_1800, %mul3A_1798 : vector<16xi32>
        %scatter3A_1802 = arith.constant 0 : i32
        %scatter3A_1803 = tpu.memref_slice %arg6[%rem3A_1223, %scatter3A_1802] : memref<2x1024xi32, #tpu.memory_space<vmem>> -> memref<1x1024xi32, #tpu.memory_space<vmem>>
        %scatter3A_1804 = tpu.memref_squeeze %scatter3A_1803 : memref<1x1024xi32, #tpu.memory_space<vmem>> -> memref<1024xi32, #tpu.memory_space<vmem>>
        tpu.vector_store_idx %scatter3A_1804[%add3A_1801], %mul3A_1795 : memref<1024xi32, #tpu.memory_space<vmem>>[vector<16xi32>], vector<16xi32>,
        %add3A_1805 = arith.constant 1 : i32
        %add3A_1806 = vector.broadcast %add3A_1805 : i32 to vector<16xi32>
        %add3A_1807 = arith.addi %add3A_1801, %add3A_1806 : vector<16xi32>
        %add3A_1808 = arith.constant 1 : i32
        %add3A_1809 = vector.broadcast %add3A_1808 : i32 to vector<16xi32>
        %add3A_1810 = arith.addi %mul3A_1795, %add3A_1809 : vector<16xi32>
        %scatter3A_1811 = arith.constant 0 : i32
        %scatter3A_1812 = tpu.memref_slice %arg6[%rem3A_1223, %scatter3A_1811] : memref<2x1024xi32, #tpu.memory_space<vmem>> -> memref<1x1024xi32, #tpu.memory_space<vmem>>
        %scatter3A_1813 = tpu.memref_squeeze %scatter3A_1812 : memref<1x1024xi32, #tpu.memory_space<vmem>> -> memref<1024xi32, #tpu.memory_space<vmem>>
        tpu.vector_store_idx %scatter3A_1813[%add3A_1807], %add3A_1810 : memref<1024xi32, #tpu.memory_space<vmem>>[vector<16xi32>], vector<16xi32>,
        %mul3A_1814 = arith.constant 4 : i32
        %mul3A_1815 = arith.muli %add3A_1225, %mul3A_1814 : i32
        %add3A_1816 = arith.constant 3 : i32
        %add3A_1817 = arith.addi %mul3A_1815, %add3A_1816 : i32
        %get3A_1818 = arith.index_cast %add3A_1817 : i32 to index
        %get3A_1819 = arith.constant 0 : index
        %get3A_1820 = tpu.vector_load %arg5[%get3A_1818, %get3A_1819] {strides = array<i32>} : memref<200x128xi32, #tpu.memory_space<vmem>>, vector<16xi32>,
        %mul3A_1821 = arith.constant 8 : i32
        %mul3A_1822 = vector.broadcast %mul3A_1821 : i32 to vector<16xi32>
        %mul3A_1823 = arith.muli %get3A_1820, %mul3A_1822 : vector<16xi32>
        %mul3A_1824 = arith.constant 2 : i32
        %mul3A_1825 = vector.broadcast %mul3A_1824 : i32 to vector<16xi32>
        %mul3A_1826 = arith.muli %mul3A_1825, %iota3A : vector<16xi32>
        %add3A_1827 = arith.constant 768 : i32
        %add3A_1828 = vector.broadcast %add3A_1827 : i32 to vector<16xi32>
        %add3A_1829 = arith.addi %add3A_1828, %mul3A_1826 : vector<16xi32>
        %scatter3A_1830 = arith.constant 0 : i32
        %scatter3A_1831 = tpu.memref_slice %arg6[%rem3A_1223, %scatter3A_1830] : memref<2x1024xi32, #tpu.memory_space<vmem>> -> memref<1x1024xi32, #tpu.memory_space<vmem>>
        %scatter3A_1832 = tpu.memref_squeeze %scatter3A_1831 : memref<1x1024xi32, #tpu.memory_space<vmem>> -> memref<1024xi32, #tpu.memory_space<vmem>>
        tpu.vector_store_idx %scatter3A_1832[%add3A_1829], %mul3A_1823 : memref<1024xi32, #tpu.memory_space<vmem>>[vector<16xi32>], vector<16xi32>,
        %add3A_1833 = arith.constant 1 : i32
        %add3A_1834 = vector.broadcast %add3A_1833 : i32 to vector<16xi32>
        %add3A_1835 = arith.addi %add3A_1829, %add3A_1834 : vector<16xi32>
        %add3A_1836 = arith.constant 1 : i32
        %add3A_1837 = vector.broadcast %add3A_1836 : i32 to vector<16xi32>
        %add3A_1838 = arith.addi %mul3A_1823, %add3A_1837 : vector<16xi32>
        %scatter3A_1839 = arith.constant 0 : i32
        %scatter3A_1840 = tpu.memref_slice %arg6[%rem3A_1223, %scatter3A_1839] : memref<2x1024xi32, #tpu.memory_space<vmem>> -> memref<1x1024xi32, #tpu.memory_space<vmem>>
        %scatter3A_1841 = tpu.memref_squeeze %scatter3A_1840 : memref<1x1024xi32, #tpu.memory_space<vmem>> -> memref<1024xi32, #tpu.memory_space<vmem>>
        tpu.vector_store_idx %scatter3A_1841[%add3A_1835], %add3A_1838 : memref<1024xi32, #tpu.memory_space<vmem>>[vector<16xi32>], vector<16xi32>,
        %get3A_1842 = arith.index_cast %add3A_1817 : i32 to index
        %get3A_1843 = arith.constant 16 : index
        %get3A_1844 = tpu.vector_load %arg5[%get3A_1842, %get3A_1843] {strides = array<i32>} : memref<200x128xi32, #tpu.memory_space<vmem>>, vector<16xi32>,
        %mul3A_1845 = arith.constant 8 : i32
        %mul3A_1846 = vector.broadcast %mul3A_1845 : i32 to vector<16xi32>
        %mul3A_1847 = arith.muli %get3A_1844, %mul3A_1846 : vector<16xi32>
        %mul3A_1848 = arith.constant 2 : i32
        %mul3A_1849 = vector.broadcast %mul3A_1848 : i32 to vector<16xi32>
        %mul3A_1850 = arith.muli %mul3A_1849, %iota3A : vector<16xi32>
        %add3A_1851 = arith.constant 800 : i32
        %add3A_1852 = vector.broadcast %add3A_1851 : i32 to vector<16xi32>
        %add3A_1853 = arith.addi %add3A_1852, %mul3A_1850 : vector<16xi32>
        %scatter3A_1854 = arith.constant 0 : i32
        %scatter3A_1855 = tpu.memref_slice %arg6[%rem3A_1223, %scatter3A_1854] : memref<2x1024xi32, #tpu.memory_space<vmem>> -> memref<1x1024xi32, #tpu.memory_space<vmem>>
        %scatter3A_1856 = tpu.memref_squeeze %scatter3A_1855 : memref<1x1024xi32, #tpu.memory_space<vmem>> -> memref<1024xi32, #tpu.memory_space<vmem>>
        tpu.vector_store_idx %scatter3A_1856[%add3A_1853], %mul3A_1847 : memref<1024xi32, #tpu.memory_space<vmem>>[vector<16xi32>], vector<16xi32>,
        %add3A_1857 = arith.constant 1 : i32
        %add3A_1858 = vector.broadcast %add3A_1857 : i32 to vector<16xi32>
        %add3A_1859 = arith.addi %add3A_1853, %add3A_1858 : vector<16xi32>
        %add3A_1860 = arith.constant 1 : i32
        %add3A_1861 = vector.broadcast %add3A_1860 : i32 to vector<16xi32>
        %add3A_1862 = arith.addi %mul3A_1847, %add3A_1861 : vector<16xi32>
        %scatter3A_1863 = arith.constant 0 : i32
        %scatter3A_1864 = tpu.memref_slice %arg6[%rem3A_1223, %scatter3A_1863] : memref<2x1024xi32, #tpu.memory_space<vmem>> -> memref<1x1024xi32, #tpu.memory_space<vmem>>
        %scatter3A_1865 = tpu.memref_squeeze %scatter3A_1864 : memref<1x1024xi32, #tpu.memory_space<vmem>> -> memref<1024xi32, #tpu.memory_space<vmem>>
        tpu.vector_store_idx %scatter3A_1865[%add3A_1859], %add3A_1862 : memref<1024xi32, #tpu.memory_space<vmem>>[vector<16xi32>], vector<16xi32>,
        %get3A_1866 = arith.index_cast %add3A_1817 : i32 to index
        %get3A_1867 = arith.constant 32 : index
        %get3A_1868 = tpu.vector_load %arg5[%get3A_1866, %get3A_1867] {strides = array<i32>} : memref<200x128xi32, #tpu.memory_space<vmem>>, vector<16xi32>,
        %mul3A_1869 = arith.constant 8 : i32
        %mul3A_1870 = vector.broadcast %mul3A_1869 : i32 to vector<16xi32>
        %mul3A_1871 = arith.muli %get3A_1868, %mul3A_1870 : vector<16xi32>
        %mul3A_1872 = arith.constant 2 : i32
        %mul3A_1873 = vector.broadcast %mul3A_1872 : i32 to vector<16xi32>
        %mul3A_1874 = arith.muli %mul3A_1873, %iota3A : vector<16xi32>
        %add3A_1875 = arith.constant 832 : i32
        %add3A_1876 = vector.broadcast %add3A_1875 : i32 to vector<16xi32>
        %add3A_1877 = arith.addi %add3A_1876, %mul3A_1874 : vector<16xi32>
        %scatter3A_1878 = arith.constant 0 : i32
        %scatter3A_1879 = tpu.memref_slice %arg6[%rem3A_1223, %scatter3A_1878] : memref<2x1024xi32, #tpu.memory_space<vmem>> -> memref<1x1024xi32, #tpu.memory_space<vmem>>
        %scatter3A_1880 = tpu.memref_squeeze %scatter3A_1879 : memref<1x1024xi32, #tpu.memory_space<vmem>> -> memref<1024xi32, #tpu.memory_space<vmem>>
        tpu.vector_store_idx %scatter3A_1880[%add3A_1877], %mul3A_1871 : memref<1024xi32, #tpu.memory_space<vmem>>[vector<16xi32>], vector<16xi32>,
        %add3A_1881 = arith.constant 1 : i32
        %add3A_1882 = vector.broadcast %add3A_1881 : i32 to vector<16xi32>
        %add3A_1883 = arith.addi %add3A_1877, %add3A_1882 : vector<16xi32>
        %add3A_1884 = arith.constant 1 : i32
        %add3A_1885 = vector.broadcast %add3A_1884 : i32 to vector<16xi32>
        %add3A_1886 = arith.addi %mul3A_1871, %add3A_1885 : vector<16xi32>
        %scatter3A_1887 = arith.constant 0 : i32
        %scatter3A_1888 = tpu.memref_slice %arg6[%rem3A_1223, %scatter3A_1887] : memref<2x1024xi32, #tpu.memory_space<vmem>> -> memref<1x1024xi32, #tpu.memory_space<vmem>>
        %scatter3A_1889 = tpu.memref_squeeze %scatter3A_1888 : memref<1x1024xi32, #tpu.memory_space<vmem>> -> memref<1024xi32, #tpu.memory_space<vmem>>
        tpu.vector_store_idx %scatter3A_1889[%add3A_1883], %add3A_1886 : memref<1024xi32, #tpu.memory_space<vmem>>[vector<16xi32>], vector<16xi32>,
        %get3A_1890 = arith.index_cast %add3A_1817 : i32 to index
        %get3A_1891 = arith.constant 48 : index
        %get3A_1892 = tpu.vector_load %arg5[%get3A_1890, %get3A_1891] {strides = array<i32>} : memref<200x128xi32, #tpu.memory_space<vmem>>, vector<16xi32>,
        %mul3A_1893 = arith.constant 8 : i32
        %mul3A_1894 = vector.broadcast %mul3A_1893 : i32 to vector<16xi32>
        %mul3A_1895 = arith.muli %get3A_1892, %mul3A_1894 : vector<16xi32>
        %mul3A_1896 = arith.constant 2 : i32
        %mul3A_1897 = vector.broadcast %mul3A_1896 : i32 to vector<16xi32>
        %mul3A_1898 = arith.muli %mul3A_1897, %iota3A : vector<16xi32>
        %add3A_1899 = arith.constant 864 : i32
        %add3A_1900 = vector.broadcast %add3A_1899 : i32 to vector<16xi32>
        %add3A_1901 = arith.addi %add3A_1900, %mul3A_1898 : vector<16xi32>
        %scatter3A_1902 = arith.constant 0 : i32
        %scatter3A_1903 = tpu.memref_slice %arg6[%rem3A_1223, %scatter3A_1902] : memref<2x1024xi32, #tpu.memory_space<vmem>> -> memref<1x1024xi32, #tpu.memory_space<vmem>>
        %scatter3A_1904 = tpu.memref_squeeze %scatter3A_1903 : memref<1x1024xi32, #tpu.memory_space<vmem>> -> memref<1024xi32, #tpu.memory_space<vmem>>
        tpu.vector_store_idx %scatter3A_1904[%add3A_1901], %mul3A_1895 : memref<1024xi32, #tpu.memory_space<vmem>>[vector<16xi32>], vector<16xi32>,
        %add3A_1905 = arith.constant 1 : i32
        %add3A_1906 = vector.broadcast %add3A_1905 : i32 to vector<16xi32>
        %add3A_1907 = arith.addi %add3A_1901, %add3A_1906 : vector<16xi32>
        %add3A_1908 = arith.constant 1 : i32
        %add3A_1909 = vector.broadcast %add3A_1908 : i32 to vector<16xi32>
        %add3A_1910 = arith.addi %mul3A_1895, %add3A_1909 : vector<16xi32>
        %scatter3A_1911 = arith.constant 0 : i32
        %scatter3A_1912 = tpu.memref_slice %arg6[%rem3A_1223, %scatter3A_1911] : memref<2x1024xi32, #tpu.memory_space<vmem>> -> memref<1x1024xi32, #tpu.memory_space<vmem>>
        %scatter3A_1913 = tpu.memref_squeeze %scatter3A_1912 : memref<1x1024xi32, #tpu.memory_space<vmem>> -> memref<1024xi32, #tpu.memory_space<vmem>>
        tpu.vector_store_idx %scatter3A_1913[%add3A_1907], %add3A_1910 : memref<1024xi32, #tpu.memory_space<vmem>>[vector<16xi32>], vector<16xi32>,
        %get3A_1914 = arith.index_cast %add3A_1817 : i32 to index
        %get3A_1915 = arith.constant 64 : index
        %get3A_1916 = tpu.vector_load %arg5[%get3A_1914, %get3A_1915] {strides = array<i32>} : memref<200x128xi32, #tpu.memory_space<vmem>>, vector<16xi32>,
        %mul3A_1917 = arith.constant 8 : i32
        %mul3A_1918 = vector.broadcast %mul3A_1917 : i32 to vector<16xi32>
        %mul3A_1919 = arith.muli %get3A_1916, %mul3A_1918 : vector<16xi32>
        %mul3A_1920 = arith.constant 2 : i32
        %mul3A_1921 = vector.broadcast %mul3A_1920 : i32 to vector<16xi32>
        %mul3A_1922 = arith.muli %mul3A_1921, %iota3A : vector<16xi32>
        %add3A_1923 = arith.constant 896 : i32
        %add3A_1924 = vector.broadcast %add3A_1923 : i32 to vector<16xi32>
        %add3A_1925 = arith.addi %add3A_1924, %mul3A_1922 : vector<16xi32>
        %scatter3A_1926 = arith.constant 0 : i32
        %scatter3A_1927 = tpu.memref_slice %arg6[%rem3A_1223, %scatter3A_1926] : memref<2x1024xi32, #tpu.memory_space<vmem>> -> memref<1x1024xi32, #tpu.memory_space<vmem>>
        %scatter3A_1928 = tpu.memref_squeeze %scatter3A_1927 : memref<1x1024xi32, #tpu.memory_space<vmem>> -> memref<1024xi32, #tpu.memory_space<vmem>>
        tpu.vector_store_idx %scatter3A_1928[%add3A_1925], %mul3A_1919 : memref<1024xi32, #tpu.memory_space<vmem>>[vector<16xi32>], vector<16xi32>,
        %add3A_1929 = arith.constant 1 : i32
        %add3A_1930 = vector.broadcast %add3A_1929 : i32 to vector<16xi32>
        %add3A_1931 = arith.addi %add3A_1925, %add3A_1930 : vector<16xi32>
        %add3A_1932 = arith.constant 1 : i32
        %add3A_1933 = vector.broadcast %add3A_1932 : i32 to vector<16xi32>
        %add3A_1934 = arith.addi %mul3A_1919, %add3A_1933 : vector<16xi32>
        %scatter3A_1935 = arith.constant 0 : i32
        %scatter3A_1936 = tpu.memref_slice %arg6[%rem3A_1223, %scatter3A_1935] : memref<2x1024xi32, #tpu.memory_space<vmem>> -> memref<1x1024xi32, #tpu.memory_space<vmem>>
        %scatter3A_1937 = tpu.memref_squeeze %scatter3A_1936 : memref<1x1024xi32, #tpu.memory_space<vmem>> -> memref<1024xi32, #tpu.memory_space<vmem>>
        tpu.vector_store_idx %scatter3A_1937[%add3A_1931], %add3A_1934 : memref<1024xi32, #tpu.memory_space<vmem>>[vector<16xi32>], vector<16xi32>,
        %get3A_1938 = arith.index_cast %add3A_1817 : i32 to index
        %get3A_1939 = arith.constant 80 : index
        %get3A_1940 = tpu.vector_load %arg5[%get3A_1938, %get3A_1939] {strides = array<i32>} : memref<200x128xi32, #tpu.memory_space<vmem>>, vector<16xi32>,
        %mul3A_1941 = arith.constant 8 : i32
        %mul3A_1942 = vector.broadcast %mul3A_1941 : i32 to vector<16xi32>
        %mul3A_1943 = arith.muli %get3A_1940, %mul3A_1942 : vector<16xi32>
        %mul3A_1944 = arith.constant 2 : i32
        %mul3A_1945 = vector.broadcast %mul3A_1944 : i32 to vector<16xi32>
        %mul3A_1946 = arith.muli %mul3A_1945, %iota3A : vector<16xi32>
        %add3A_1947 = arith.constant 928 : i32
        %add3A_1948 = vector.broadcast %add3A_1947 : i32 to vector<16xi32>
        %add3A_1949 = arith.addi %add3A_1948, %mul3A_1946 : vector<16xi32>
        %scatter3A_1950 = arith.constant 0 : i32
        %scatter3A_1951 = tpu.memref_slice %arg6[%rem3A_1223, %scatter3A_1950] : memref<2x1024xi32, #tpu.memory_space<vmem>> -> memref<1x1024xi32, #tpu.memory_space<vmem>>
        %scatter3A_1952 = tpu.memref_squeeze %scatter3A_1951 : memref<1x1024xi32, #tpu.memory_space<vmem>> -> memref<1024xi32, #tpu.memory_space<vmem>>
        tpu.vector_store_idx %scatter3A_1952[%add3A_1949], %mul3A_1943 : memref<1024xi32, #tpu.memory_space<vmem>>[vector<16xi32>], vector<16xi32>,
        %add3A_1953 = arith.constant 1 : i32
        %add3A_1954 = vector.broadcast %add3A_1953 : i32 to vector<16xi32>
        %add3A_1955 = arith.addi %add3A_1949, %add3A_1954 : vector<16xi32>
        %add3A_1956 = arith.constant 1 : i32
        %add3A_1957 = vector.broadcast %add3A_1956 : i32 to vector<16xi32>
        %add3A_1958 = arith.addi %mul3A_1943, %add3A_1957 : vector<16xi32>
        %scatter3A_1959 = arith.constant 0 : i32
        %scatter3A_1960 = tpu.memref_slice %arg6[%rem3A_1223, %scatter3A_1959] : memref<2x1024xi32, #tpu.memory_space<vmem>> -> memref<1x1024xi32, #tpu.memory_space<vmem>>
        %scatter3A_1961 = tpu.memref_squeeze %scatter3A_1960 : memref<1x1024xi32, #tpu.memory_space<vmem>> -> memref<1024xi32, #tpu.memory_space<vmem>>
        tpu.vector_store_idx %scatter3A_1961[%add3A_1955], %add3A_1958 : memref<1024xi32, #tpu.memory_space<vmem>>[vector<16xi32>], vector<16xi32>,
        %get3A_1962 = arith.index_cast %add3A_1817 : i32 to index
        %get3A_1963 = arith.constant 96 : index
        %get3A_1964 = tpu.vector_load %arg5[%get3A_1962, %get3A_1963] {strides = array<i32>} : memref<200x128xi32, #tpu.memory_space<vmem>>, vector<16xi32>,
        %mul3A_1965 = arith.constant 8 : i32
        %mul3A_1966 = vector.broadcast %mul3A_1965 : i32 to vector<16xi32>
        %mul3A_1967 = arith.muli %get3A_1964, %mul3A_1966 : vector<16xi32>
        %mul3A_1968 = arith.constant 2 : i32
        %mul3A_1969 = vector.broadcast %mul3A_1968 : i32 to vector<16xi32>
        %mul3A_1970 = arith.muli %mul3A_1969, %iota3A : vector<16xi32>
        %add3A_1971 = arith.constant 960 : i32
        %add3A_1972 = vector.broadcast %add3A_1971 : i32 to vector<16xi32>
        %add3A_1973 = arith.addi %add3A_1972, %mul3A_1970 : vector<16xi32>
        %scatter3A_1974 = arith.constant 0 : i32
        %scatter3A_1975 = tpu.memref_slice %arg6[%rem3A_1223, %scatter3A_1974] : memref<2x1024xi32, #tpu.memory_space<vmem>> -> memref<1x1024xi32, #tpu.memory_space<vmem>>
        %scatter3A_1976 = tpu.memref_squeeze %scatter3A_1975 : memref<1x1024xi32, #tpu.memory_space<vmem>> -> memref<1024xi32, #tpu.memory_space<vmem>>
        tpu.vector_store_idx %scatter3A_1976[%add3A_1973], %mul3A_1967 : memref<1024xi32, #tpu.memory_space<vmem>>[vector<16xi32>], vector<16xi32>,
        %add3A_1977 = arith.constant 1 : i32
        %add3A_1978 = vector.broadcast %add3A_1977 : i32 to vector<16xi32>
        %add3A_1979 = arith.addi %add3A_1973, %add3A_1978 : vector<16xi32>
        %add3A_1980 = arith.constant 1 : i32
        %add3A_1981 = vector.broadcast %add3A_1980 : i32 to vector<16xi32>
        %add3A_1982 = arith.addi %mul3A_1967, %add3A_1981 : vector<16xi32>
        %scatter3A_1983 = arith.constant 0 : i32
        %scatter3A_1984 = tpu.memref_slice %arg6[%rem3A_1223, %scatter3A_1983] : memref<2x1024xi32, #tpu.memory_space<vmem>> -> memref<1x1024xi32, #tpu.memory_space<vmem>>
        %scatter3A_1985 = tpu.memref_squeeze %scatter3A_1984 : memref<1x1024xi32, #tpu.memory_space<vmem>> -> memref<1024xi32, #tpu.memory_space<vmem>>
        tpu.vector_store_idx %scatter3A_1985[%add3A_1979], %add3A_1982 : memref<1024xi32, #tpu.memory_space<vmem>>[vector<16xi32>], vector<16xi32>,
        %get3A_1986 = arith.index_cast %add3A_1817 : i32 to index
        %get3A_1987 = arith.constant 112 : index
        %get3A_1988 = tpu.vector_load %arg5[%get3A_1986, %get3A_1987] {strides = array<i32>} : memref<200x128xi32, #tpu.memory_space<vmem>>, vector<16xi32>,
        %mul3A_1989 = arith.constant 8 : i32
        %mul3A_1990 = vector.broadcast %mul3A_1989 : i32 to vector<16xi32>
        %mul3A_1991 = arith.muli %get3A_1988, %mul3A_1990 : vector<16xi32>
        %mul3A_1992 = arith.constant 2 : i32
        %mul3A_1993 = vector.broadcast %mul3A_1992 : i32 to vector<16xi32>
        %mul3A_1994 = arith.muli %mul3A_1993, %iota3A : vector<16xi32>
        %add3A_1995 = arith.constant 992 : i32
        %add3A_1996 = vector.broadcast %add3A_1995 : i32 to vector<16xi32>
        %add3A_1997 = arith.addi %add3A_1996, %mul3A_1994 : vector<16xi32>
        %scatter3A_1998 = arith.constant 0 : i32
        %scatter3A_1999 = tpu.memref_slice %arg6[%rem3A_1223, %scatter3A_1998] : memref<2x1024xi32, #tpu.memory_space<vmem>> -> memref<1x1024xi32, #tpu.memory_space<vmem>>
        %scatter3A_2000 = tpu.memref_squeeze %scatter3A_1999 : memref<1x1024xi32, #tpu.memory_space<vmem>> -> memref<1024xi32, #tpu.memory_space<vmem>>
        tpu.vector_store_idx %scatter3A_2000[%add3A_1997], %mul3A_1991 : memref<1024xi32, #tpu.memory_space<vmem>>[vector<16xi32>], vector<16xi32>,
        %add3A_2001 = arith.constant 1 : i32
        %add3A_2002 = vector.broadcast %add3A_2001 : i32 to vector<16xi32>
        %add3A_2003 = arith.addi %add3A_1997, %add3A_2002 : vector<16xi32>
        %add3A_2004 = arith.constant 1 : i32
        %add3A_2005 = vector.broadcast %add3A_2004 : i32 to vector<16xi32>
        %add3A_2006 = arith.addi %mul3A_1991, %add3A_2005 : vector<16xi32>
        %scatter3A_2007 = arith.constant 0 : i32
        %scatter3A_2008 = tpu.memref_slice %arg6[%rem3A_1223, %scatter3A_2007] : memref<2x1024xi32, #tpu.memory_space<vmem>> -> memref<1x1024xi32, #tpu.memory_space<vmem>>
        %scatter3A_2009 = tpu.memref_squeeze %scatter3A_2008 : memref<1x1024xi32, #tpu.memory_space<vmem>> -> memref<1024xi32, #tpu.memory_space<vmem>>
        tpu.vector_store_idx %scatter3A_2009[%add3A_2003], %add3A_2006 : memref<1024xi32, #tpu.memory_space<vmem>>[vector<16xi32>], vector<16xi32>,
        %dma_start3A_2010 = arith.constant 0 : i32
        %dma_start3A_2011 = arith.constant 0 : i32
        %dma_start3A_2012 = tpu.memref_slice %arg7[%rem3A_1223, %dma_start3A_2010, %dma_start3A_2011] : memref<2x1024x16xf32, #tpu.memory_space<vmem>> -> memref<1x1024x16xf32, #tpu.memory_space<vmem>>
        %dma_start3A_2013 = tpu.memref_squeeze %dma_start3A_2012 : memref<1x1024x16xf32, #tpu.memory_space<vmem>> -> memref<1024x16xf32, #tpu.memory_space<vmem>>
        %dma_start3A_2014 = arith.constant 0 : i32
        %dma_start3A_2015 = tpu.memref_slice %arg6[%rem3A_1223, %dma_start3A_2014] : memref<2x1024xi32, #tpu.memory_space<vmem>> -> memref<1x1024xi32, #tpu.memory_space<vmem>>
        %dma_start3A_2016 = tpu.memref_squeeze %dma_start3A_2015 : memref<1x1024xi32, #tpu.memory_space<vmem>> -> memref<1024xi32, #tpu.memory_space<vmem>>
        %dma_start3A_2017 = arith.constant 0 : i32
        %dma_start3A_2018 = arith.constant 0 : i32
        %dma_start3A_2019 = tpu.memref_slice %arg3[%dma_start3A_2017, %dma_start3A_2018] : memref<8000000x16xf32, #tpu.memory_space<hbm>> -> memref<8000000x16xf32, #tpu.memory_space<hbm>>
        tpu.enqueue_indirect_dma source(%dma_start3A_2019 : memref<8000000x16xf32, #tpu.memory_space<hbm>>) target(%dma_start3A_2013 : memref<1024x16xf32, #tpu.memory_space<vmem>>) offsets(%dma_start3A_2016 : memref<1024xi32, #tpu.memory_space<vmem>>) semaphore(%arg9 : memref<!tpu.dma_semaphore, #tpu.memory_space<semaphore_mem>>)
      } else {
      }
      %dma_wait3A_1078 = arith.constant 0 : i32
      %dma_wait3A_1079 = arith.constant 0 : i32
      %dma_wait3A_1080 = tpu.memref_slice %arg7[%rem3A_1073, %dma_wait3A_1078, %dma_wait3A_1079] : memref<2x1024x16xf32, #tpu.memory_space<vmem>> -> memref<1x1024x16xf32, #tpu.memory_space<vmem>>
      %dma_wait3A_1081 = tpu.memref_squeeze %dma_wait3A_1080 : memref<1x1024x16xf32, #tpu.memory_space<vmem>> -> memref<1024x16xf32, #tpu.memory_space<vmem>>
      %dma_wait3A_1082 = arith.constant 0 : i32
      %dma_wait3A_1083 = tpu.memref_slice %arg6[%rem3A_1073, %dma_wait3A_1082] : memref<2x1024xi32, #tpu.memory_space<vmem>> -> memref<1x1024xi32, #tpu.memory_space<vmem>>
      %dma_wait3A_1084 = tpu.memref_squeeze %dma_wait3A_1083 : memref<1x1024xi32, #tpu.memory_space<vmem>> -> memref<1024xi32, #tpu.memory_space<vmem>>
      %dma_wait3A_1085 = arith.constant 0 : i32
      %dma_wait3A_1086 = arith.constant 0 : i32
      %dma_wait3A_1087 = tpu.memref_slice %arg3[%dma_wait3A_1085, %dma_wait3A_1086] : memref<8000000x16xf32, #tpu.memory_space<hbm>> -> memref<8000000x16xf32, #tpu.memory_space<hbm>>
      tpu.wait_indirect_dma semaphore(%arg9 : memref<!tpu.dma_semaphore, #tpu.memory_space<semaphore_mem>>) src(%dma_wait3A_1087 : memref<8000000x16xf32, #tpu.memory_space<hbm>>) dst(%dma_wait3A_1081 : memref<1024x16xf32, #tpu.memory_space<vmem>>)
      %ge3A = arith.constant 2 : i32
      %ge3A_1088 = arith.cmpi sge, %scan3A_1071, %ge3A : i32
      %convert_element_type3A_1089 = arith.extui %ge3A_1088 : i1 to i32
      %cond3A_1090 = arith.constant 0 : i32
      %cond3A_1091 = arith.cmpi ne, %convert_element_type3A_1089, %cond3A_1090 : i32
      scf.if %cond3A_1091 {
        %sub3A = arith.constant 2 : i32
        %sub3A_1220 = arith.subi %scan3A_1071, %sub3A : i32
        %mul3A_1221 = arith.constant 4 : i32
        %mul3A_1222 = arith.muli %sub3A_1220, %mul3A_1221 : i32
        %add3A_1223 = arith.constant 0 : i32
        %add3A_1224 = arith.addi %mul3A_1222, %add3A_1223 : i32
        %dma_wait3A_1225 = arith.constant 0 : i32
        %dma_wait3A_1226 = arith.constant 0 : i32
        %dma_wait3A_1227 = arith.constant 0 : i32
        %dma_wait3A_1228 = arith.constant 0 : i32
        %dma_wait3A_1229 = tpu.memref_slice %arg8[%rem3A_1073, %dma_wait3A_1225, %dma_wait3A_1226, %dma_wait3A_1227, %dma_wait3A_1228] : memref<2x4x4x8x129xf32, #tpu.memory_space<vmem>> -> memref<1x1x4x8x128xf32, #tpu.memory_space<vmem>>
        %dma_wait3A_1230 = tpu.memref_squeeze %dma_wait3A_1229 : memref<1x1x4x8x128xf32, #tpu.memory_space<vmem>> -> memref<4x8x128xf32, #tpu.memory_space<vmem>>
        %dma_wait3A_1231 = arith.constant 0 : i32
        %dma_wait3A_1232 = arith.constant 0 : i32
        %dma_wait3A_1233 = arith.constant 0 : i32
        %dma_wait3A_1234 = tpu.memref_slice %arg4[%add3A_1224, %dma_wait3A_1231, %add3A, %dma_wait3A_1232, %dma_wait3A_1233] : memref<200x4x32x8x128xf32, #tpu.memory_space<hbm>> -> memref<1x4x1x8x128xf32, #tpu.memory_space<hbm>>
        %dma_wait3A_1235 = tpu.memref_squeeze %dma_wait3A_1234 : memref<1x4x1x8x128xf32, #tpu.memory_space<hbm>> -> memref<4x8x128xf32, #tpu.memory_space<hbm>>
        %dma_wait3A_1236 = arith.constant 0 : i32
        %dma_wait3A_1237 = arith.constant 0 : i32
        %dma_wait3A_1238 = arith.constant 0 : i32
        %dma_wait3A_1239 = tpu.memref_slice %arg4[%add3A_1224, %dma_wait3A_1236, %add3A, %dma_wait3A_1237, %dma_wait3A_1238] : memref<200x4x32x8x128xf32, #tpu.memory_space<hbm>> -> memref<1x4x1x8x128xf32, #tpu.memory_space<hbm>>
        %dma_wait3A_1240 = tpu.memref_squeeze %dma_wait3A_1239 : memref<1x4x1x8x128xf32, #tpu.memory_space<hbm>> -> memref<4x8x128xf32, #tpu.memory_space<hbm>>
        %dma_wait3A_1241 = arith.constant 0 : i32
        %dma_wait3A_1242 = arith.constant 0 : i32
        %dma_wait3A_1243 = arith.constant 0 : i32
        %dma_wait3A_1244 = tpu.memref_slice %arg8[%rem3A_1073, %dma_wait3A_1225, %dma_wait3A_1241, %dma_wait3A_1242, %dma_wait3A_1243] : memref<2x4x4x8x129xf32, #tpu.memory_space<vmem>> -> memref<1x1x4x8x128xf32, #tpu.memory_space<vmem>>
        %dma_wait3A_1245 = tpu.memref_squeeze %dma_wait3A_1244 : memref<1x1x4x8x128xf32, #tpu.memory_space<vmem>> -> memref<4x8x128xf32, #tpu.memory_space<vmem>>
        tpu.wait_dma2 semaphore(%arg10 : memref<!tpu.dma_semaphore, #tpu.memory_space<semaphore_mem>>) src(%dma_wait3A_1245 : memref<4x8x128xf32, #tpu.memory_space<vmem>>) dst(%dma_wait3A_1240 : memref<4x8x128xf32, #tpu.memory_space<hbm>>)
        %sub3A_1246 = arith.constant 2 : i32
        %sub3A_1247 = arith.subi %scan3A_1071, %sub3A_1246 : i32
        %mul3A_1248 = arith.constant 4 : i32
        %mul3A_1249 = arith.muli %sub3A_1247, %mul3A_1248 : i32
        %add3A_1250 = arith.constant 1 : i32
        %add3A_1251 = arith.addi %mul3A_1249, %add3A_1250 : i32
        %dma_wait3A_1252 = arith.constant 1 : i32
        %dma_wait3A_1253 = arith.constant 0 : i32
        %dma_wait3A_1254 = arith.constant 0 : i32
        %dma_wait3A_1255 = arith.constant 0 : i32
        %dma_wait3A_1256 = tpu.memref_slice %arg8[%rem3A_1073, %dma_wait3A_1252, %dma_wait3A_1253, %dma_wait3A_1254, %dma_wait3A_1255] : memref<2x4x4x8x129xf32, #tpu.memory_space<vmem>> -> memref<1x1x4x8x128xf32, #tpu.memory_space<vmem>>
        %dma_wait3A_1257 = tpu.memref_squeeze %dma_wait3A_1256 : memref<1x1x4x8x128xf32, #tpu.memory_space<vmem>> -> memref<4x8x128xf32, #tpu.memory_space<vmem>>
        %dma_wait3A_1258 = arith.constant 0 : i32
        %dma_wait3A_1259 = arith.constant 0 : i32
        %dma_wait3A_1260 = arith.constant 0 : i32
        %dma_wait3A_1261 = tpu.memref_slice %arg4[%add3A_1251, %dma_wait3A_1258, %add3A, %dma_wait3A_1259, %dma_wait3A_1260] : memref<200x4x32x8x128xf32, #tpu.memory_space<hbm>> -> memref<1x4x1x8x128xf32, #tpu.memory_space<hbm>>
        %dma_wait3A_1262 = tpu.memref_squeeze %dma_wait3A_1261 : memref<1x4x1x8x128xf32, #tpu.memory_space<hbm>> -> memref<4x8x128xf32, #tpu.memory_space<hbm>>
        %dma_wait3A_1263 = arith.constant 0 : i32
        %dma_wait3A_1264 = arith.constant 0 : i32
        %dma_wait3A_1265 = arith.constant 0 : i32
        %dma_wait3A_1266 = tpu.memref_slice %arg4[%add3A_1251, %dma_wait3A_1263, %add3A, %dma_wait3A_1264, %dma_wait3A_1265] : memref<200x4x32x8x128xf32, #tpu.memory_space<hbm>> -> memref<1x4x1x8x128xf32, #tpu.memory_space<hbm>>
        %dma_wait3A_1267 = tpu.memref_squeeze %dma_wait3A_1266 : memref<1x4x1x8x128xf32, #tpu.memory_space<hbm>> -> memref<4x8x128xf32, #tpu.memory_space<hbm>>
        %dma_wait3A_1268 = arith.constant 0 : i32
        %dma_wait3A_1269 = arith.constant 0 : i32
        %dma_wait3A_1270 = arith.constant 0 : i32
        %dma_wait3A_1271 = tpu.memref_slice %arg8[%rem3A_1073, %dma_wait3A_1252, %dma_wait3A_1268, %dma_wait3A_1269, %dma_wait3A_1270] : memref<2x4x4x8x129xf32, #tpu.memory_space<vmem>> -> memref<1x1x4x8x128xf32, #tpu.memory_space<vmem>>
        %dma_wait3A_1272 = tpu.memref_squeeze %dma_wait3A_1271 : memref<1x1x4x8x128xf32, #tpu.memory_space<vmem>> -> memref<4x8x128xf32, #tpu.memory_space<vmem>>
        tpu.wait_dma2 semaphore(%arg10 : memref<!tpu.dma_semaphore, #tpu.memory_space<semaphore_mem>>) src(%dma_wait3A_1272 : memref<4x8x128xf32, #tpu.memory_space<vmem>>) dst(%dma_wait3A_1267 : memref<4x8x128xf32, #tpu.memory_space<hbm>>)
        %sub3A_1273 = arith.constant 2 : i32
        %sub3A_1274 = arith.subi %scan3A_1071, %sub3A_1273 : i32
        %mul3A_1275 = arith.constant 4 : i32
        %mul3A_1276 = arith.muli %sub3A_1274, %mul3A_1275 : i32
        %add3A_1277 = arith.constant 2 : i32
        %add3A_1278 = arith.addi %mul3A_1276, %add3A_1277 : i32
        %dma_wait3A_1279 = arith.constant 2 : i32
        %dma_wait3A_1280 = arith.constant 0 : i32
        %dma_wait3A_1281 = arith.constant 0 : i32
        %dma_wait3A_1282 = arith.constant 0 : i32
        %dma_wait3A_1283 = tpu.memref_slice %arg8[%rem3A_1073, %dma_wait3A_1279, %dma_wait3A_1280, %dma_wait3A_1281, %dma_wait3A_1282] : memref<2x4x4x8x129xf32, #tpu.memory_space<vmem>> -> memref<1x1x4x8x128xf32, #tpu.memory_space<vmem>>
        %dma_wait3A_1284 = tpu.memref_squeeze %dma_wait3A_1283 : memref<1x1x4x8x128xf32, #tpu.memory_space<vmem>> -> memref<4x8x128xf32, #tpu.memory_space<vmem>>
        %dma_wait3A_1285 = arith.constant 0 : i32
        %dma_wait3A_1286 = arith.constant 0 : i32
        %dma_wait3A_1287 = arith.constant 0 : i32
        %dma_wait3A_1288 = tpu.memref_slice %arg4[%add3A_1278, %dma_wait3A_1285, %add3A, %dma_wait3A_1286, %dma_wait3A_1287] : memref<200x4x32x8x128xf32, #tpu.memory_space<hbm>> -> memref<1x4x1x8x128xf32, #tpu.memory_space<hbm>>
        %dma_wait3A_1289 = tpu.memref_squeeze %dma_wait3A_1288 : memref<1x4x1x8x128xf32, #tpu.memory_space<hbm>> -> memref<4x8x128xf32, #tpu.memory_space<hbm>>
        %dma_wait3A_1290 = arith.constant 0 : i32
        %dma_wait3A_1291 = arith.constant 0 : i32
        %dma_wait3A_1292 = arith.constant 0 : i32
        %dma_wait3A_1293 = tpu.memref_slice %arg4[%add3A_1278, %dma_wait3A_1290, %add3A, %dma_wait3A_1291, %dma_wait3A_1292] : memref<200x4x32x8x128xf32, #tpu.memory_space<hbm>> -> memref<1x4x1x8x128xf32, #tpu.memory_space<hbm>>
        %dma_wait3A_1294 = tpu.memref_squeeze %dma_wait3A_1293 : memref<1x4x1x8x128xf32, #tpu.memory_space<hbm>> -> memref<4x8x128xf32, #tpu.memory_space<hbm>>
        %dma_wait3A_1295 = arith.constant 0 : i32
        %dma_wait3A_1296 = arith.constant 0 : i32
        %dma_wait3A_1297 = arith.constant 0 : i32
        %dma_wait3A_1298 = tpu.memref_slice %arg8[%rem3A_1073, %dma_wait3A_1279, %dma_wait3A_1295, %dma_wait3A_1296, %dma_wait3A_1297] : memref<2x4x4x8x129xf32, #tpu.memory_space<vmem>> -> memref<1x1x4x8x128xf32, #tpu.memory_space<vmem>>
        %dma_wait3A_1299 = tpu.memref_squeeze %dma_wait3A_1298 : memref<1x1x4x8x128xf32, #tpu.memory_space<vmem>> -> memref<4x8x128xf32, #tpu.memory_space<vmem>>
        tpu.wait_dma2 semaphore(%arg10 : memref<!tpu.dma_semaphore, #tpu.memory_space<semaphore_mem>>) src(%dma_wait3A_1299 : memref<4x8x128xf32, #tpu.memory_space<vmem>>) dst(%dma_wait3A_1294 : memref<4x8x128xf32, #tpu.memory_space<hbm>>)
        %sub3A_1300 = arith.constant 2 : i32
        %sub3A_1301 = arith.subi %scan3A_1071, %sub3A_1300 : i32
        %mul3A_1302 = arith.constant 4 : i32
        %mul3A_1303 = arith.muli %sub3A_1301, %mul3A_1302 : i32
        %add3A_1304 = arith.constant 3 : i32
        %add3A_1305 = arith.addi %mul3A_1303, %add3A_1304 : i32
        %dma_wait3A_1306 = arith.constant 3 : i32
        %dma_wait3A_1307 = arith.constant 0 : i32
        %dma_wait3A_1308 = arith.constant 0 : i32
        %dma_wait3A_1309 = arith.constant 0 : i32
        %dma_wait3A_1310 = tpu.memref_slice %arg8[%rem3A_1073, %dma_wait3A_1306, %dma_wait3A_1307, %dma_wait3A_1308, %dma_wait3A_1309] : memref<2x4x4x8x129xf32, #tpu.memory_space<vmem>> -> memref<1x1x4x8x128xf32, #tpu.memory_space<vmem>>
        %dma_wait3A_1311 = tpu.memref_squeeze %dma_wait3A_1310 : memref<1x1x4x8x128xf32, #tpu.memory_space<vmem>> -> memref<4x8x128xf32, #tpu.memory_space<vmem>>
        %dma_wait3A_1312 = arith.constant 0 : i32
        %dma_wait3A_1313 = arith.constant 0 : i32
        %dma_wait3A_1314 = arith.constant 0 : i32
        %dma_wait3A_1315 = tpu.memref_slice %arg4[%add3A_1305, %dma_wait3A_1312, %add3A, %dma_wait3A_1313, %dma_wait3A_1314] : memref<200x4x32x8x128xf32, #tpu.memory_space<hbm>> -> memref<1x4x1x8x128xf32, #tpu.memory_space<hbm>>
        %dma_wait3A_1316 = tpu.memref_squeeze %dma_wait3A_1315 : memref<1x4x1x8x128xf32, #tpu.memory_space<hbm>> -> memref<4x8x128xf32, #tpu.memory_space<hbm>>
        %dma_wait3A_1317 = arith.constant 0 : i32
        %dma_wait3A_1318 = arith.constant 0 : i32
        %dma_wait3A_1319 = arith.constant 0 : i32
        %dma_wait3A_1320 = tpu.memref_slice %arg4[%add3A_1305, %dma_wait3A_1317, %add3A, %dma_wait3A_1318, %dma_wait3A_1319] : memref<200x4x32x8x128xf32, #tpu.memory_space<hbm>> -> memref<1x4x1x8x128xf32, #tpu.memory_space<hbm>>
        %dma_wait3A_1321 = tpu.memref_squeeze %dma_wait3A_1320 : memref<1x4x1x8x128xf32, #tpu.memory_space<hbm>> -> memref<4x8x128xf32, #tpu.memory_space<hbm>>
        %dma_wait3A_1322 = arith.constant 0 : i32
        %dma_wait3A_1323 = arith.constant 0 : i32
        %dma_wait3A_1324 = arith.constant 0 : i32
        %dma_wait3A_1325 = tpu.memref_slice %arg8[%rem3A_1073, %dma_wait3A_1306, %dma_wait3A_1322, %dma_wait3A_1323, %dma_wait3A_1324] : memref<2x4x4x8x129xf32, #tpu.memory_space<vmem>> -> memref<1x1x4x8x128xf32, #tpu.memory_space<vmem>>
        %dma_wait3A_1326 = tpu.memref_squeeze %dma_wait3A_1325 : memref<1x1x4x8x128xf32, #tpu.memory_space<vmem>> -> memref<4x8x128xf32, #tpu.memory_space<vmem>>
        tpu.wait_dma2 semaphore(%arg10 : memref<!tpu.dma_semaphore, #tpu.memory_space<semaphore_mem>>) src(%dma_wait3A_1326 : memref<4x8x128xf32, #tpu.memory_space<vmem>>) dst(%dma_wait3A_1321 : memref<4x8x128xf32, #tpu.memory_space<hbm>>)
      } else {
      }
      %scan3A_1092 = arith.constant 0 : i32
      %scan3A_1093 = arith.constant 0 : i32
      %scan3A_1094 = arith.constant 0 : i32
      %scan3A_1095 = arith.constant 128 : i32
      %scan3A_1096 = arith.addi %scan3A_1094, %scan3A_1095 : i32
      %scan3A_1097 = arith.constant 8 : i32
      scf.for %scan3A_1220 = %scan3A_1094 to %scan3A_1096 step %scan3A_1097  : i32 {
        %mul3A_1221 = arith.constant 0 : i32
        %mul3A_1222 = vector.broadcast %mul3A_1221 : i32 to vector<16xi32>
        %mul3A_1223 = arith.muli %iota3A, %mul3A_1222 : vector<16xi32>
        %add3A_1224 = vector.broadcast %scan3A_1220 : i32 to vector<16xi32>
        %add3A_1225 = arith.addi %mul3A_1223, %add3A_1224 : vector<16xi32>
        %mul3A_1226 = arith.constant 2 : i32
        %mul3A_1227 = arith.muli %mul3A_1226, %scan3A_1220 : i32
        %add3A_1228 = arith.constant 0 : i32
        %add3A_1229 = arith.addi %add3A_1228, %mul3A_1227 : i32
        %get3A_1230 = arith.index_cast %rem3A_1073 : i32 to index
        %get3A_1231 = arith.index_cast %add3A_1229 : i32 to index
        %get3A_1232 = arith.constant 0 : index
        %get3A_1233 = tpu.vector_load %arg7[%get3A_1230, %get3A_1231, %get3A_1232] {strides = array<i32>} : memref<2x1024x16xf32, #tpu.memory_space<vmem>>, vector<16xf32>,
        %mul3A_1234 = arith.constant 2 : i32
        %mul3A_1235 = arith.muli %mul3A_1234, %scan3A_1220 : i32
        %add3A_1236 = arith.constant 0 : i32
        %add3A_1237 = arith.addi %add3A_1236, %mul3A_1235 : i32
        %add3A_1238 = arith.constant 1 : i32
        %add3A_1239 = arith.addi %add3A_1237, %add3A_1238 : i32
        %get3A_1240 = arith.index_cast %rem3A_1073 : i32 to index
        %get3A_1241 = arith.index_cast %add3A_1239 : i32 to index
        %get3A_1242 = arith.constant 0 : index
        %get3A_1243 = tpu.vector_load %arg7[%get3A_1240, %get3A_1241, %get3A_1242] {strides = array<i32>} : memref<2x1024x16xf32, #tpu.memory_space<vmem>>, vector<16xf32>,
        %scatter3A_1244 = arith.constant 0 : i32
        %scatter3A_1245 = arith.constant 0 : i32
        %scatter3A_1246 = arith.constant 0 : i32
        %scatter3A_1247 = tpu.memref_slice %arg8[%rem3A_1073, %scan3A_1093, %scatter3A_1244, %scatter3A_1245, %scatter3A_1246] : memref<2x4x4x8x129xf32, #tpu.memory_space<vmem>> -> memref<1x1x4x8x129xf32, #tpu.memory_space<vmem>>
        %scatter3A_1248 = tpu.memref_squeeze %scatter3A_1247 : memref<1x1x4x8x129xf32, #tpu.memory_space<vmem>> -> memref<4x8x129xf32, #tpu.memory_space<vmem>>
        tpu.vector_store_idx %scatter3A_1248[%shift_right_logical3A_4, %rem3A_9, %add3A_1225], %get3A_1233 : memref<4x8x129xf32, #tpu.memory_space<vmem>>[vector<16xi32>, vector<16xi32>, vector<16xi32>], vector<16xf32>,
        %scatter3A_1249 = arith.constant 0 : i32
        %scatter3A_1250 = arith.constant 0 : i32
        %scatter3A_1251 = arith.constant 0 : i32
        %scatter3A_1252 = tpu.memref_slice %arg8[%rem3A_1073, %scan3A_1093, %scatter3A_1249, %scatter3A_1250, %scatter3A_1251] : memref<2x4x4x8x129xf32, #tpu.memory_space<vmem>> -> memref<1x1x4x8x129xf32, #tpu.memory_space<vmem>>
        %scatter3A_1253 = tpu.memref_squeeze %scatter3A_1252 : memref<1x1x4x8x129xf32, #tpu.memory_space<vmem>> -> memref<4x8x129xf32, #tpu.memory_space<vmem>>
        tpu.vector_store_idx %scatter3A_1253[%add3A_7, %rem3A_9, %add3A_1225], %get3A_1243 : memref<4x8x129xf32, #tpu.memory_space<vmem>>[vector<16xi32>, vector<16xi32>, vector<16xi32>], vector<16xf32>,
        %scan3A_1254 = arith.constant 1 : i32
        %scan3A_1255 = arith.addi %scan3A_1220, %scan3A_1254 : i32
        %mul3A_1256 = arith.constant 0 : i32
        %mul3A_1257 = vector.broadcast %mul3A_1256 : i32 to vector<16xi32>
        %mul3A_1258 = arith.muli %iota3A, %mul3A_1257 : vector<16xi32>
        %add3A_1259 = vector.broadcast %scan3A_1255 : i32 to vector<16xi32>
        %add3A_1260 = arith.addi %mul3A_1258, %add3A_1259 : vector<16xi32>
        %mul3A_1261 = arith.constant 2 : i32
        %mul3A_1262 = arith.muli %mul3A_1261, %scan3A_1255 : i32
        %add3A_1263 = arith.constant 0 : i32
        %add3A_1264 = arith.addi %add3A_1263, %mul3A_1262 : i32
        %get3A_1265 = arith.index_cast %rem3A_1073 : i32 to index
        %get3A_1266 = arith.index_cast %add3A_1264 : i32 to index
        %get3A_1267 = arith.constant 0 : index
        %get3A_1268 = tpu.vector_load %arg7[%get3A_1265, %get3A_1266, %get3A_1267] {strides = array<i32>} : memref<2x1024x16xf32, #tpu.memory_space<vmem>>, vector<16xf32>,
        %mul3A_1269 = arith.constant 2 : i32
        %mul3A_1270 = arith.muli %mul3A_1269, %scan3A_1255 : i32
        %add3A_1271 = arith.constant 0 : i32
        %add3A_1272 = arith.addi %add3A_1271, %mul3A_1270 : i32
        %add3A_1273 = arith.constant 1 : i32
        %add3A_1274 = arith.addi %add3A_1272, %add3A_1273 : i32
        %get3A_1275 = arith.index_cast %rem3A_1073 : i32 to index
        %get3A_1276 = arith.index_cast %add3A_1274 : i32 to index
        %get3A_1277 = arith.constant 0 : index
        %get3A_1278 = tpu.vector_load %arg7[%get3A_1275, %get3A_1276, %get3A_1277] {strides = array<i32>} : memref<2x1024x16xf32, #tpu.memory_space<vmem>>, vector<16xf32>,
        %scatter3A_1279 = arith.constant 0 : i32
        %scatter3A_1280 = arith.constant 0 : i32
        %scatter3A_1281 = arith.constant 0 : i32
        %scatter3A_1282 = tpu.memref_slice %arg8[%rem3A_1073, %scan3A_1093, %scatter3A_1279, %scatter3A_1280, %scatter3A_1281] : memref<2x4x4x8x129xf32, #tpu.memory_space<vmem>> -> memref<1x1x4x8x129xf32, #tpu.memory_space<vmem>>
        %scatter3A_1283 = tpu.memref_squeeze %scatter3A_1282 : memref<1x1x4x8x129xf32, #tpu.memory_space<vmem>> -> memref<4x8x129xf32, #tpu.memory_space<vmem>>
        tpu.vector_store_idx %scatter3A_1283[%shift_right_logical3A_4, %rem3A_9, %add3A_1260], %get3A_1268 : memref<4x8x129xf32, #tpu.memory_space<vmem>>[vector<16xi32>, vector<16xi32>, vector<16xi32>], vector<16xf32>,
        %scatter3A_1284 = arith.constant 0 : i32
        %scatter3A_1285 = arith.constant 0 : i32
        %scatter3A_1286 = arith.constant 0 : i32
        %scatter3A_1287 = tpu.memref_slice %arg8[%rem3A_1073, %scan3A_1093, %scatter3A_1284, %scatter3A_1285, %scatter3A_1286] : memref<2x4x4x8x129xf32, #tpu.memory_space<vmem>> -> memref<1x1x4x8x129xf32, #tpu.memory_space<vmem>>
        %scatter3A_1288 = tpu.memref_squeeze %scatter3A_1287 : memref<1x1x4x8x129xf32, #tpu.memory_space<vmem>> -> memref<4x8x129xf32, #tpu.memory_space<vmem>>
        tpu.vector_store_idx %scatter3A_1288[%add3A_7, %rem3A_9, %add3A_1260], %get3A_1278 : memref<4x8x129xf32, #tpu.memory_space<vmem>>[vector<16xi32>, vector<16xi32>, vector<16xi32>], vector<16xf32>,
        %scan3A_1289 = arith.constant 2 : i32
        %scan3A_1290 = arith.addi %scan3A_1220, %scan3A_1289 : i32
        %mul3A_1291 = arith.constant 0 : i32
        %mul3A_1292 = vector.broadcast %mul3A_1291 : i32 to vector<16xi32>
        %mul3A_1293 = arith.muli %iota3A, %mul3A_1292 : vector<16xi32>
        %add3A_1294 = vector.broadcast %scan3A_1290 : i32 to vector<16xi32>
        %add3A_1295 = arith.addi %mul3A_1293, %add3A_1294 : vector<16xi32>
        %mul3A_1296 = arith.constant 2 : i32
        %mul3A_1297 = arith.muli %mul3A_1296, %scan3A_1290 : i32
        %add3A_1298 = arith.constant 0 : i32
        %add3A_1299 = arith.addi %add3A_1298, %mul3A_1297 : i32
        %get3A_1300 = arith.index_cast %rem3A_1073 : i32 to index
        %get3A_1301 = arith.index_cast %add3A_1299 : i32 to index
        %get3A_1302 = arith.constant 0 : index
        %get3A_1303 = tpu.vector_load %arg7[%get3A_1300, %get3A_1301, %get3A_1302] {strides = array<i32>} : memref<2x1024x16xf32, #tpu.memory_space<vmem>>, vector<16xf32>,
        %mul3A_1304 = arith.constant 2 : i32
        %mul3A_1305 = arith.muli %mul3A_1304, %scan3A_1290 : i32
        %add3A_1306 = arith.constant 0 : i32
        %add3A_1307 = arith.addi %add3A_1306, %mul3A_1305 : i32
        %add3A_1308 = arith.constant 1 : i32
        %add3A_1309 = arith.addi %add3A_1307, %add3A_1308 : i32
        %get3A_1310 = arith.index_cast %rem3A_1073 : i32 to index
        %get3A_1311 = arith.index_cast %add3A_1309 : i32 to index
        %get3A_1312 = arith.constant 0 : index
        %get3A_1313 = tpu.vector_load %arg7[%get3A_1310, %get3A_1311, %get3A_1312] {strides = array<i32>} : memref<2x1024x16xf32, #tpu.memory_space<vmem>>, vector<16xf32>,
        %scatter3A_1314 = arith.constant 0 : i32
        %scatter3A_1315 = arith.constant 0 : i32
        %scatter3A_1316 = arith.constant 0 : i32
        %scatter3A_1317 = tpu.memref_slice %arg8[%rem3A_1073, %scan3A_1093, %scatter3A_1314, %scatter3A_1315, %scatter3A_1316] : memref<2x4x4x8x129xf32, #tpu.memory_space<vmem>> -> memref<1x1x4x8x129xf32, #tpu.memory_space<vmem>>
        %scatter3A_1318 = tpu.memref_squeeze %scatter3A_1317 : memref<1x1x4x8x129xf32, #tpu.memory_space<vmem>> -> memref<4x8x129xf32, #tpu.memory_space<vmem>>
        tpu.vector_store_idx %scatter3A_1318[%shift_right_logical3A_4, %rem3A_9, %add3A_1295], %get3A_1303 : memref<4x8x129xf32, #tpu.memory_space<vmem>>[vector<16xi32>, vector<16xi32>, vector<16xi32>], vector<16xf32>,
        %scatter3A_1319 = arith.constant 0 : i32
        %scatter3A_1320 = arith.constant 0 : i32
        %scatter3A_1321 = arith.constant 0 : i32
        %scatter3A_1322 = tpu.memref_slice %arg8[%rem3A_1073, %scan3A_1093, %scatter3A_1319, %scatter3A_1320, %scatter3A_1321] : memref<2x4x4x8x129xf32, #tpu.memory_space<vmem>> -> memref<1x1x4x8x129xf32, #tpu.memory_space<vmem>>
        %scatter3A_1323 = tpu.memref_squeeze %scatter3A_1322 : memref<1x1x4x8x129xf32, #tpu.memory_space<vmem>> -> memref<4x8x129xf32, #tpu.memory_space<vmem>>
        tpu.vector_store_idx %scatter3A_1323[%add3A_7, %rem3A_9, %add3A_1295], %get3A_1313 : memref<4x8x129xf32, #tpu.memory_space<vmem>>[vector<16xi32>, vector<16xi32>, vector<16xi32>], vector<16xf32>,
        %scan3A_1324 = arith.constant 3 : i32
        %scan3A_1325 = arith.addi %scan3A_1220, %scan3A_1324 : i32
        %mul3A_1326 = arith.constant 0 : i32
        %mul3A_1327 = vector.broadcast %mul3A_1326 : i32 to vector<16xi32>
        %mul3A_1328 = arith.muli %iota3A, %mul3A_1327 : vector<16xi32>
        %add3A_1329 = vector.broadcast %scan3A_1325 : i32 to vector<16xi32>
        %add3A_1330 = arith.addi %mul3A_1328, %add3A_1329 : vector<16xi32>
        %mul3A_1331 = arith.constant 2 : i32
        %mul3A_1332 = arith.muli %mul3A_1331, %scan3A_1325 : i32
        %add3A_1333 = arith.constant 0 : i32
        %add3A_1334 = arith.addi %add3A_1333, %mul3A_1332 : i32
        %get3A_1335 = arith.index_cast %rem3A_1073 : i32 to index
        %get3A_1336 = arith.index_cast %add3A_1334 : i32 to index
        %get3A_1337 = arith.constant 0 : index
        %get3A_1338 = tpu.vector_load %arg7[%get3A_1335, %get3A_1336, %get3A_1337] {strides = array<i32>} : memref<2x1024x16xf32, #tpu.memory_space<vmem>>, vector<16xf32>,
        %mul3A_1339 = arith.constant 2 : i32
        %mul3A_1340 = arith.muli %mul3A_1339, %scan3A_1325 : i32
        %add3A_1341 = arith.constant 0 : i32
        %add3A_1342 = arith.addi %add3A_1341, %mul3A_1340 : i32
        %add3A_1343 = arith.constant 1 : i32
        %add3A_1344 = arith.addi %add3A_1342, %add3A_1343 : i32
        %get3A_1345 = arith.index_cast %rem3A_1073 : i32 to index
        %get3A_1346 = arith.index_cast %add3A_1344 : i32 to index
        %get3A_1347 = arith.constant 0 : index
        %get3A_1348 = tpu.vector_load %arg7[%get3A_1345, %get3A_1346, %get3A_1347] {strides = array<i32>} : memref<2x1024x16xf32, #tpu.memory_space<vmem>>, vector<16xf32>,
        %scatter3A_1349 = arith.constant 0 : i32
        %scatter3A_1350 = arith.constant 0 : i32
        %scatter3A_1351 = arith.constant 0 : i32
        %scatter3A_1352 = tpu.memref_slice %arg8[%rem3A_1073, %scan3A_1093, %scatter3A_1349, %scatter3A_1350, %scatter3A_1351] : memref<2x4x4x8x129xf32, #tpu.memory_space<vmem>> -> memref<1x1x4x8x129xf32, #tpu.memory_space<vmem>>
        %scatter3A_1353 = tpu.memref_squeeze %scatter3A_1352 : memref<1x1x4x8x129xf32, #tpu.memory_space<vmem>> -> memref<4x8x129xf32, #tpu.memory_space<vmem>>
        tpu.vector_store_idx %scatter3A_1353[%shift_right_logical3A_4, %rem3A_9, %add3A_1330], %get3A_1338 : memref<4x8x129xf32, #tpu.memory_space<vmem>>[vector<16xi32>, vector<16xi32>, vector<16xi32>], vector<16xf32>,
        %scatter3A_1354 = arith.constant 0 : i32
        %scatter3A_1355 = arith.constant 0 : i32
        %scatter3A_1356 = arith.constant 0 : i32
        %scatter3A_1357 = tpu.memref_slice %arg8[%rem3A_1073, %scan3A_1093, %scatter3A_1354, %scatter3A_1355, %scatter3A_1356] : memref<2x4x4x8x129xf32, #tpu.memory_space<vmem>> -> memref<1x1x4x8x129xf32, #tpu.memory_space<vmem>>
        %scatter3A_1358 = tpu.memref_squeeze %scatter3A_1357 : memref<1x1x4x8x129xf32, #tpu.memory_space<vmem>> -> memref<4x8x129xf32, #tpu.memory_space<vmem>>
        tpu.vector_store_idx %scatter3A_1358[%add3A_7, %rem3A_9, %add3A_1330], %get3A_1348 : memref<4x8x129xf32, #tpu.memory_space<vmem>>[vector<16xi32>, vector<16xi32>, vector<16xi32>], vector<16xf32>,
        %scan3A_1359 = arith.constant 4 : i32
        %scan3A_1360 = arith.addi %scan3A_1220, %scan3A_1359 : i32
        %mul3A_1361 = arith.constant 0 : i32
        %mul3A_1362 = vector.broadcast %mul3A_1361 : i32 to vector<16xi32>
        %mul3A_1363 = arith.muli %iota3A, %mul3A_1362 : vector<16xi32>
        %add3A_1364 = vector.broadcast %scan3A_1360 : i32 to vector<16xi32>
        %add3A_1365 = arith.addi %mul3A_1363, %add3A_1364 : vector<16xi32>
        %mul3A_1366 = arith.constant 2 : i32
        %mul3A_1367 = arith.muli %mul3A_1366, %scan3A_1360 : i32
        %add3A_1368 = arith.constant 0 : i32
        %add3A_1369 = arith.addi %add3A_1368, %mul3A_1367 : i32
        %get3A_1370 = arith.index_cast %rem3A_1073 : i32 to index
        %get3A_1371 = arith.index_cast %add3A_1369 : i32 to index
        %get3A_1372 = arith.constant 0 : index
        %get3A_1373 = tpu.vector_load %arg7[%get3A_1370, %get3A_1371, %get3A_1372] {strides = array<i32>} : memref<2x1024x16xf32, #tpu.memory_space<vmem>>, vector<16xf32>,
        %mul3A_1374 = arith.constant 2 : i32
        %mul3A_1375 = arith.muli %mul3A_1374, %scan3A_1360 : i32
        %add3A_1376 = arith.constant 0 : i32
        %add3A_1377 = arith.addi %add3A_1376, %mul3A_1375 : i32
        %add3A_1378 = arith.constant 1 : i32
        %add3A_1379 = arith.addi %add3A_1377, %add3A_1378 : i32
        %get3A_1380 = arith.index_cast %rem3A_1073 : i32 to index
        %get3A_1381 = arith.index_cast %add3A_1379 : i32 to index
        %get3A_1382 = arith.constant 0 : index
        %get3A_1383 = tpu.vector_load %arg7[%get3A_1380, %get3A_1381, %get3A_1382] {strides = array<i32>} : memref<2x1024x16xf32, #tpu.memory_space<vmem>>, vector<16xf32>,
        %scatter3A_1384 = arith.constant 0 : i32
        %scatter3A_1385 = arith.constant 0 : i32
        %scatter3A_1386 = arith.constant 0 : i32
        %scatter3A_1387 = tpu.memref_slice %arg8[%rem3A_1073, %scan3A_1093, %scatter3A_1384, %scatter3A_1385, %scatter3A_1386] : memref<2x4x4x8x129xf32, #tpu.memory_space<vmem>> -> memref<1x1x4x8x129xf32, #tpu.memory_space<vmem>>
        %scatter3A_1388 = tpu.memref_squeeze %scatter3A_1387 : memref<1x1x4x8x129xf32, #tpu.memory_space<vmem>> -> memref<4x8x129xf32, #tpu.memory_space<vmem>>
        tpu.vector_store_idx %scatter3A_1388[%shift_right_logical3A_4, %rem3A_9, %add3A_1365], %get3A_1373 : memref<4x8x129xf32, #tpu.memory_space<vmem>>[vector<16xi32>, vector<16xi32>, vector<16xi32>], vector<16xf32>,
        %scatter3A_1389 = arith.constant 0 : i32
        %scatter3A_1390 = arith.constant 0 : i32
        %scatter3A_1391 = arith.constant 0 : i32
        %scatter3A_1392 = tpu.memref_slice %arg8[%rem3A_1073, %scan3A_1093, %scatter3A_1389, %scatter3A_1390, %scatter3A_1391] : memref<2x4x4x8x129xf32, #tpu.memory_space<vmem>> -> memref<1x1x4x8x129xf32, #tpu.memory_space<vmem>>
        %scatter3A_1393 = tpu.memref_squeeze %scatter3A_1392 : memref<1x1x4x8x129xf32, #tpu.memory_space<vmem>> -> memref<4x8x129xf32, #tpu.memory_space<vmem>>
        tpu.vector_store_idx %scatter3A_1393[%add3A_7, %rem3A_9, %add3A_1365], %get3A_1383 : memref<4x8x129xf32, #tpu.memory_space<vmem>>[vector<16xi32>, vector<16xi32>, vector<16xi32>], vector<16xf32>,
        %scan3A_1394 = arith.constant 5 : i32
        %scan3A_1395 = arith.addi %scan3A_1220, %scan3A_1394 : i32
        %mul3A_1396 = arith.constant 0 : i32
        %mul3A_1397 = vector.broadcast %mul3A_1396 : i32 to vector<16xi32>
        %mul3A_1398 = arith.muli %iota3A, %mul3A_1397 : vector<16xi32>
        %add3A_1399 = vector.broadcast %scan3A_1395 : i32 to vector<16xi32>
        %add3A_1400 = arith.addi %mul3A_1398, %add3A_1399 : vector<16xi32>
        %mul3A_1401 = arith.constant 2 : i32
        %mul3A_1402 = arith.muli %mul3A_1401, %scan3A_1395 : i32
        %add3A_1403 = arith.constant 0 : i32
        %add3A_1404 = arith.addi %add3A_1403, %mul3A_1402 : i32
        %get3A_1405 = arith.index_cast %rem3A_1073 : i32 to index
        %get3A_1406 = arith.index_cast %add3A_1404 : i32 to index
        %get3A_1407 = arith.constant 0 : index
        %get3A_1408 = tpu.vector_load %arg7[%get3A_1405, %get3A_1406, %get3A_1407] {strides = array<i32>} : memref<2x1024x16xf32, #tpu.memory_space<vmem>>, vector<16xf32>,
        %mul3A_1409 = arith.constant 2 : i32
        %mul3A_1410 = arith.muli %mul3A_1409, %scan3A_1395 : i32
        %add3A_1411 = arith.constant 0 : i32
        %add3A_1412 = arith.addi %add3A_1411, %mul3A_1410 : i32
        %add3A_1413 = arith.constant 1 : i32
        %add3A_1414 = arith.addi %add3A_1412, %add3A_1413 : i32
        %get3A_1415 = arith.index_cast %rem3A_1073 : i32 to index
        %get3A_1416 = arith.index_cast %add3A_1414 : i32 to index
        %get3A_1417 = arith.constant 0 : index
        %get3A_1418 = tpu.vector_load %arg7[%get3A_1415, %get3A_1416, %get3A_1417] {strides = array<i32>} : memref<2x1024x16xf32, #tpu.memory_space<vmem>>, vector<16xf32>,
        %scatter3A_1419 = arith.constant 0 : i32
        %scatter3A_1420 = arith.constant 0 : i32
        %scatter3A_1421 = arith.constant 0 : i32
        %scatter3A_1422 = tpu.memref_slice %arg8[%rem3A_1073, %scan3A_1093, %scatter3A_1419, %scatter3A_1420, %scatter3A_1421] : memref<2x4x4x8x129xf32, #tpu.memory_space<vmem>> -> memref<1x1x4x8x129xf32, #tpu.memory_space<vmem>>
        %scatter3A_1423 = tpu.memref_squeeze %scatter3A_1422 : memref<1x1x4x8x129xf32, #tpu.memory_space<vmem>> -> memref<4x8x129xf32, #tpu.memory_space<vmem>>
        tpu.vector_store_idx %scatter3A_1423[%shift_right_logical3A_4, %rem3A_9, %add3A_1400], %get3A_1408 : memref<4x8x129xf32, #tpu.memory_space<vmem>>[vector<16xi32>, vector<16xi32>, vector<16xi32>], vector<16xf32>,
        %scatter3A_1424 = arith.constant 0 : i32
        %scatter3A_1425 = arith.constant 0 : i32
        %scatter3A_1426 = arith.constant 0 : i32
        %scatter3A_1427 = tpu.memref_slice %arg8[%rem3A_1073, %scan3A_1093, %scatter3A_1424, %scatter3A_1425, %scatter3A_1426] : memref<2x4x4x8x129xf32, #tpu.memory_space<vmem>> -> memref<1x1x4x8x129xf32, #tpu.memory_space<vmem>>
        %scatter3A_1428 = tpu.memref_squeeze %scatter3A_1427 : memref<1x1x4x8x129xf32, #tpu.memory_space<vmem>> -> memref<4x8x129xf32, #tpu.memory_space<vmem>>
        tpu.vector_store_idx %scatter3A_1428[%add3A_7, %rem3A_9, %add3A_1400], %get3A_1418 : memref<4x8x129xf32, #tpu.memory_space<vmem>>[vector<16xi32>, vector<16xi32>, vector<16xi32>], vector<16xf32>,
        %scan3A_1429 = arith.constant 6 : i32
        %scan3A_1430 = arith.addi %scan3A_1220, %scan3A_1429 : i32
        %mul3A_1431 = arith.constant 0 : i32
        %mul3A_1432 = vector.broadcast %mul3A_1431 : i32 to vector<16xi32>
        %mul3A_1433 = arith.muli %iota3A, %mul3A_1432 : vector<16xi32>
        %add3A_1434 = vector.broadcast %scan3A_1430 : i32 to vector<16xi32>
        %add3A_1435 = arith.addi %mul3A_1433, %add3A_1434 : vector<16xi32>
        %mul3A_1436 = arith.constant 2 : i32
        %mul3A_1437 = arith.muli %mul3A_1436, %scan3A_1430 : i32
        %add3A_1438 = arith.constant 0 : i32
        %add3A_1439 = arith.addi %add3A_1438, %mul3A_1437 : i32
        %get3A_1440 = arith.index_cast %rem3A_1073 : i32 to index
        %get3A_1441 = arith.index_cast %add3A_1439 : i32 to index
        %get3A_1442 = arith.constant 0 : index
        %get3A_1443 = tpu.vector_load %arg7[%get3A_1440, %get3A_1441, %get3A_1442] {strides = array<i32>} : memref<2x1024x16xf32, #tpu.memory_space<vmem>>, vector<16xf32>,
        %mul3A_1444 = arith.constant 2 : i32
        %mul3A_1445 = arith.muli %mul3A_1444, %scan3A_1430 : i32
        %add3A_1446 = arith.constant 0 : i32
        %add3A_1447 = arith.addi %add3A_1446, %mul3A_1445 : i32
        %add3A_1448 = arith.constant 1 : i32
        %add3A_1449 = arith.addi %add3A_1447, %add3A_1448 : i32
        %get3A_1450 = arith.index_cast %rem3A_1073 : i32 to index
        %get3A_1451 = arith.index_cast %add3A_1449 : i32 to index
        %get3A_1452 = arith.constant 0 : index
        %get3A_1453 = tpu.vector_load %arg7[%get3A_1450, %get3A_1451, %get3A_1452] {strides = array<i32>} : memref<2x1024x16xf32, #tpu.memory_space<vmem>>, vector<16xf32>,
        %scatter3A_1454 = arith.constant 0 : i32
        %scatter3A_1455 = arith.constant 0 : i32
        %scatter3A_1456 = arith.constant 0 : i32
        %scatter3A_1457 = tpu.memref_slice %arg8[%rem3A_1073, %scan3A_1093, %scatter3A_1454, %scatter3A_1455, %scatter3A_1456] : memref<2x4x4x8x129xf32, #tpu.memory_space<vmem>> -> memref<1x1x4x8x129xf32, #tpu.memory_space<vmem>>
        %scatter3A_1458 = tpu.memref_squeeze %scatter3A_1457 : memref<1x1x4x8x129xf32, #tpu.memory_space<vmem>> -> memref<4x8x129xf32, #tpu.memory_space<vmem>>
        tpu.vector_store_idx %scatter3A_1458[%shift_right_logical3A_4, %rem3A_9, %add3A_1435], %get3A_1443 : memref<4x8x129xf32, #tpu.memory_space<vmem>>[vector<16xi32>, vector<16xi32>, vector<16xi32>], vector<16xf32>,
        %scatter3A_1459 = arith.constant 0 : i32
        %scatter3A_1460 = arith.constant 0 : i32
        %scatter3A_1461 = arith.constant 0 : i32
        %scatter3A_1462 = tpu.memref_slice %arg8[%rem3A_1073, %scan3A_1093, %scatter3A_1459, %scatter3A_1460, %scatter3A_1461] : memref<2x4x4x8x129xf32, #tpu.memory_space<vmem>> -> memref<1x1x4x8x129xf32, #tpu.memory_space<vmem>>
        %scatter3A_1463 = tpu.memref_squeeze %scatter3A_1462 : memref<1x1x4x8x129xf32, #tpu.memory_space<vmem>> -> memref<4x8x129xf32, #tpu.memory_space<vmem>>
        tpu.vector_store_idx %scatter3A_1463[%add3A_7, %rem3A_9, %add3A_1435], %get3A_1453 : memref<4x8x129xf32, #tpu.memory_space<vmem>>[vector<16xi32>, vector<16xi32>, vector<16xi32>], vector<16xf32>,
        %scan3A_1464 = arith.constant 7 : i32
        %scan3A_1465 = arith.addi %scan3A_1220, %scan3A_1464 : i32
        %mul3A_1466 = arith.constant 0 : i32
        %mul3A_1467 = vector.broadcast %mul3A_1466 : i32 to vector<16xi32>
        %mul3A_1468 = arith.muli %iota3A, %mul3A_1467 : vector<16xi32>
        %add3A_1469 = vector.broadcast %scan3A_1465 : i32 to vector<16xi32>
        %add3A_1470 = arith.addi %mul3A_1468, %add3A_1469 : vector<16xi32>
        %mul3A_1471 = arith.constant 2 : i32
        %mul3A_1472 = arith.muli %mul3A_1471, %scan3A_1465 : i32
        %add3A_1473 = arith.constant 0 : i32
        %add3A_1474 = arith.addi %add3A_1473, %mul3A_1472 : i32
        %get3A_1475 = arith.index_cast %rem3A_1073 : i32 to index
        %get3A_1476 = arith.index_cast %add3A_1474 : i32 to index
        %get3A_1477 = arith.constant 0 : index
        %get3A_1478 = tpu.vector_load %arg7[%get3A_1475, %get3A_1476, %get3A_1477] {strides = array<i32>} : memref<2x1024x16xf32, #tpu.memory_space<vmem>>, vector<16xf32>,
        %mul3A_1479 = arith.constant 2 : i32
        %mul3A_1480 = arith.muli %mul3A_1479, %scan3A_1465 : i32
        %add3A_1481 = arith.constant 0 : i32
        %add3A_1482 = arith.addi %add3A_1481, %mul3A_1480 : i32
        %add3A_1483 = arith.constant 1 : i32
        %add3A_1484 = arith.addi %add3A_1482, %add3A_1483 : i32
        %get3A_1485 = arith.index_cast %rem3A_1073 : i32 to index
        %get3A_1486 = arith.index_cast %add3A_1484 : i32 to index
        %get3A_1487 = arith.constant 0 : index
        %get3A_1488 = tpu.vector_load %arg7[%get3A_1485, %get3A_1486, %get3A_1487] {strides = array<i32>} : memref<2x1024x16xf32, #tpu.memory_space<vmem>>, vector<16xf32>,
        %scatter3A_1489 = arith.constant 0 : i32
        %scatter3A_1490 = arith.constant 0 : i32
        %scatter3A_1491 = arith.constant 0 : i32
        %scatter3A_1492 = tpu.memref_slice %arg8[%rem3A_1073, %scan3A_1093, %scatter3A_1489, %scatter3A_1490, %scatter3A_1491] : memref<2x4x4x8x129xf32, #tpu.memory_space<vmem>> -> memref<1x1x4x8x129xf32, #tpu.memory_space<vmem>>
        %scatter3A_1493 = tpu.memref_squeeze %scatter3A_1492 : memref<1x1x4x8x129xf32, #tpu.memory_space<vmem>> -> memref<4x8x129xf32, #tpu.memory_space<vmem>>
        tpu.vector_store_idx %scatter3A_1493[%shift_right_logical3A_4, %rem3A_9, %add3A_1470], %get3A_1478 : memref<4x8x129xf32, #tpu.memory_space<vmem>>[vector<16xi32>, vector<16xi32>, vector<16xi32>], vector<16xf32>,
        %scatter3A_1494 = arith.constant 0 : i32
        %scatter3A_1495 = arith.constant 0 : i32
        %scatter3A_1496 = arith.constant 0 : i32
        %scatter3A_1497 = tpu.memref_slice %arg8[%rem3A_1073, %scan3A_1093, %scatter3A_1494, %scatter3A_1495, %scatter3A_1496] : memref<2x4x4x8x129xf32, #tpu.memory_space<vmem>> -> memref<1x1x4x8x129xf32, #tpu.memory_space<vmem>>
        %scatter3A_1498 = tpu.memref_squeeze %scatter3A_1497 : memref<1x1x4x8x129xf32, #tpu.memory_space<vmem>> -> memref<4x8x129xf32, #tpu.memory_space<vmem>>
        tpu.vector_store_idx %scatter3A_1498[%add3A_7, %rem3A_9, %add3A_1470], %get3A_1488 : memref<4x8x129xf32, #tpu.memory_space<vmem>>[vector<16xi32>, vector<16xi32>, vector<16xi32>], vector<16xf32>,
      }
      %scan3A_1098 = arith.constant 128 : i32
      %scan3A_1099 = arith.constant 0 : i32
      %scan3A_1100 = arith.constant 1 : i32
      %scan3A_1101 = arith.constant 0 : i32
      %scan3A_1102 = arith.constant 128 : i32
      %scan3A_1103 = arith.addi %scan3A_1101, %scan3A_1102 : i32
      %scan3A_1104 = arith.constant 8 : i32
      scf.for %scan3A_1220 = %scan3A_1101 to %scan3A_1103 step %scan3A_1104  : i32 {
        %mul3A_1221 = arith.constant 0 : i32
        %mul3A_1222 = vector.broadcast %mul3A_1221 : i32 to vector<16xi32>
        %mul3A_1223 = arith.muli %iota3A, %mul3A_1222 : vector<16xi32>
        %add3A_1224 = vector.broadcast %scan3A_1220 : i32 to vector<16xi32>
        %add3A_1225 = arith.addi %mul3A_1223, %add3A_1224 : vector<16xi32>
        %mul3A_1226 = arith.constant 2 : i32
        %mul3A_1227 = arith.muli %mul3A_1226, %scan3A_1220 : i32
        %add3A_1228 = arith.constant 256 : i32
        %add3A_1229 = arith.addi %add3A_1228, %mul3A_1227 : i32
        %get3A_1230 = arith.index_cast %rem3A_1073 : i32 to index
        %get3A_1231 = arith.index_cast %add3A_1229 : i32 to index
        %get3A_1232 = arith.constant 0 : index
        %get3A_1233 = tpu.vector_load %arg7[%get3A_1230, %get3A_1231, %get3A_1232] {strides = array<i32>} : memref<2x1024x16xf32, #tpu.memory_space<vmem>>, vector<16xf32>,
        %mul3A_1234 = arith.constant 2 : i32
        %mul3A_1235 = arith.muli %mul3A_1234, %scan3A_1220 : i32
        %add3A_1236 = arith.constant 256 : i32
        %add3A_1237 = arith.addi %add3A_1236, %mul3A_1235 : i32
        %add3A_1238 = arith.constant 1 : i32
        %add3A_1239 = arith.addi %add3A_1237, %add3A_1238 : i32
        %get3A_1240 = arith.index_cast %rem3A_1073 : i32 to index
        %get3A_1241 = arith.index_cast %add3A_1239 : i32 to index
        %get3A_1242 = arith.constant 0 : index
        %get3A_1243 = tpu.vector_load %arg7[%get3A_1240, %get3A_1241, %get3A_1242] {strides = array<i32>} : memref<2x1024x16xf32, #tpu.memory_space<vmem>>, vector<16xf32>,
        %scatter3A_1244 = arith.constant 0 : i32
        %scatter3A_1245 = arith.constant 0 : i32
        %scatter3A_1246 = arith.constant 0 : i32
        %scatter3A_1247 = tpu.memref_slice %arg8[%rem3A_1073, %scan3A_1100, %scatter3A_1244, %scatter3A_1245, %scatter3A_1246] : memref<2x4x4x8x129xf32, #tpu.memory_space<vmem>> -> memref<1x1x4x8x129xf32, #tpu.memory_space<vmem>>
        %scatter3A_1248 = tpu.memref_squeeze %scatter3A_1247 : memref<1x1x4x8x129xf32, #tpu.memory_space<vmem>> -> memref<4x8x129xf32, #tpu.memory_space<vmem>>
        tpu.vector_store_idx %scatter3A_1248[%shift_right_logical3A_4, %rem3A_9, %add3A_1225], %get3A_1233 : memref<4x8x129xf32, #tpu.memory_space<vmem>>[vector<16xi32>, vector<16xi32>, vector<16xi32>], vector<16xf32>,
        %scatter3A_1249 = arith.constant 0 : i32
        %scatter3A_1250 = arith.constant 0 : i32
        %scatter3A_1251 = arith.constant 0 : i32
        %scatter3A_1252 = tpu.memref_slice %arg8[%rem3A_1073, %scan3A_1100, %scatter3A_1249, %scatter3A_1250, %scatter3A_1251] : memref<2x4x4x8x129xf32, #tpu.memory_space<vmem>> -> memref<1x1x4x8x129xf32, #tpu.memory_space<vmem>>
        %scatter3A_1253 = tpu.memref_squeeze %scatter3A_1252 : memref<1x1x4x8x129xf32, #tpu.memory_space<vmem>> -> memref<4x8x129xf32, #tpu.memory_space<vmem>>
        tpu.vector_store_idx %scatter3A_1253[%add3A_7, %rem3A_9, %add3A_1225], %get3A_1243 : memref<4x8x129xf32, #tpu.memory_space<vmem>>[vector<16xi32>, vector<16xi32>, vector<16xi32>], vector<16xf32>,
        %scan3A_1254 = arith.constant 1 : i32
        %scan3A_1255 = arith.addi %scan3A_1220, %scan3A_1254 : i32
        %mul3A_1256 = arith.constant 0 : i32
        %mul3A_1257 = vector.broadcast %mul3A_1256 : i32 to vector<16xi32>
        %mul3A_1258 = arith.muli %iota3A, %mul3A_1257 : vector<16xi32>
        %add3A_1259 = vector.broadcast %scan3A_1255 : i32 to vector<16xi32>
        %add3A_1260 = arith.addi %mul3A_1258, %add3A_1259 : vector<16xi32>
        %mul3A_1261 = arith.constant 2 : i32
        %mul3A_1262 = arith.muli %mul3A_1261, %scan3A_1255 : i32
        %add3A_1263 = arith.constant 256 : i32
        %add3A_1264 = arith.addi %add3A_1263, %mul3A_1262 : i32
        %get3A_1265 = arith.index_cast %rem3A_1073 : i32 to index
        %get3A_1266 = arith.index_cast %add3A_1264 : i32 to index
        %get3A_1267 = arith.constant 0 : index
        %get3A_1268 = tpu.vector_load %arg7[%get3A_1265, %get3A_1266, %get3A_1267] {strides = array<i32>} : memref<2x1024x16xf32, #tpu.memory_space<vmem>>, vector<16xf32>,
        %mul3A_1269 = arith.constant 2 : i32
        %mul3A_1270 = arith.muli %mul3A_1269, %scan3A_1255 : i32
        %add3A_1271 = arith.constant 256 : i32
        %add3A_1272 = arith.addi %add3A_1271, %mul3A_1270 : i32
        %add3A_1273 = arith.constant 1 : i32
        %add3A_1274 = arith.addi %add3A_1272, %add3A_1273 : i32
        %get3A_1275 = arith.index_cast %rem3A_1073 : i32 to index
        %get3A_1276 = arith.index_cast %add3A_1274 : i32 to index
        %get3A_1277 = arith.constant 0 : index
        %get3A_1278 = tpu.vector_load %arg7[%get3A_1275, %get3A_1276, %get3A_1277] {strides = array<i32>} : memref<2x1024x16xf32, #tpu.memory_space<vmem>>, vector<16xf32>,
        %scatter3A_1279 = arith.constant 0 : i32
        %scatter3A_1280 = arith.constant 0 : i32
        %scatter3A_1281 = arith.constant 0 : i32
        %scatter3A_1282 = tpu.memref_slice %arg8[%rem3A_1073, %scan3A_1100, %scatter3A_1279, %scatter3A_1280, %scatter3A_1281] : memref<2x4x4x8x129xf32, #tpu.memory_space<vmem>> -> memref<1x1x4x8x129xf32, #tpu.memory_space<vmem>>
        %scatter3A_1283 = tpu.memref_squeeze %scatter3A_1282 : memref<1x1x4x8x129xf32, #tpu.memory_space<vmem>> -> memref<4x8x129xf32, #tpu.memory_space<vmem>>
        tpu.vector_store_idx %scatter3A_1283[%shift_right_logical3A_4, %rem3A_9, %add3A_1260], %get3A_1268 : memref<4x8x129xf32, #tpu.memory_space<vmem>>[vector<16xi32>, vector<16xi32>, vector<16xi32>], vector<16xf32>,
        %scatter3A_1284 = arith.constant 0 : i32
        %scatter3A_1285 = arith.constant 0 : i32
        %scatter3A_1286 = arith.constant 0 : i32
        %scatter3A_1287 = tpu.memref_slice %arg8[%rem3A_1073, %scan3A_1100, %scatter3A_1284, %scatter3A_1285, %scatter3A_1286] : memref<2x4x4x8x129xf32, #tpu.memory_space<vmem>> -> memref<1x1x4x8x129xf32, #tpu.memory_space<vmem>>
        %scatter3A_1288 = tpu.memref_squeeze %scatter3A_1287 : memref<1x1x4x8x129xf32, #tpu.memory_space<vmem>> -> memref<4x8x129xf32, #tpu.memory_space<vmem>>
        tpu.vector_store_idx %scatter3A_1288[%add3A_7, %rem3A_9, %add3A_1260], %get3A_1278 : memref<4x8x129xf32, #tpu.memory_space<vmem>>[vector<16xi32>, vector<16xi32>, vector<16xi32>], vector<16xf32>,
        %scan3A_1289 = arith.constant 2 : i32
        %scan3A_1290 = arith.addi %scan3A_1220, %scan3A_1289 : i32
        %mul3A_1291 = arith.constant 0 : i32
        %mul3A_1292 = vector.broadcast %mul3A_1291 : i32 to vector<16xi32>
        %mul3A_1293 = arith.muli %iota3A, %mul3A_1292 : vector<16xi32>
        %add3A_1294 = vector.broadcast %scan3A_1290 : i32 to vector<16xi32>
        %add3A_1295 = arith.addi %mul3A_1293, %add3A_1294 : vector<16xi32>
        %mul3A_1296 = arith.constant 2 : i32
        %mul3A_1297 = arith.muli %mul3A_1296, %scan3A_1290 : i32
        %add3A_1298 = arith.constant 256 : i32
        %add3A_1299 = arith.addi %add3A_1298, %mul3A_1297 : i32
        %get3A_1300 = arith.index_cast %rem3A_1073 : i32 to index
        %get3A_1301 = arith.index_cast %add3A_1299 : i32 to index
        %get3A_1302 = arith.constant 0 : index
        %get3A_1303 = tpu.vector_load %arg7[%get3A_1300, %get3A_1301, %get3A_1302] {strides = array<i32>} : memref<2x1024x16xf32, #tpu.memory_space<vmem>>, vector<16xf32>,
        %mul3A_1304 = arith.constant 2 : i32
        %mul3A_1305 = arith.muli %mul3A_1304, %scan3A_1290 : i32
        %add3A_1306 = arith.constant 256 : i32
        %add3A_1307 = arith.addi %add3A_1306, %mul3A_1305 : i32
        %add3A_1308 = arith.constant 1 : i32
        %add3A_1309 = arith.addi %add3A_1307, %add3A_1308 : i32
        %get3A_1310 = arith.index_cast %rem3A_1073 : i32 to index
        %get3A_1311 = arith.index_cast %add3A_1309 : i32 to index
        %get3A_1312 = arith.constant 0 : index
        %get3A_1313 = tpu.vector_load %arg7[%get3A_1310, %get3A_1311, %get3A_1312] {strides = array<i32>} : memref<2x1024x16xf32, #tpu.memory_space<vmem>>, vector<16xf32>,
        %scatter3A_1314 = arith.constant 0 : i32
        %scatter3A_1315 = arith.constant 0 : i32
        %scatter3A_1316 = arith.constant 0 : i32
        %scatter3A_1317 = tpu.memref_slice %arg8[%rem3A_1073, %scan3A_1100, %scatter3A_1314, %scatter3A_1315, %scatter3A_1316] : memref<2x4x4x8x129xf32, #tpu.memory_space<vmem>> -> memref<1x1x4x8x129xf32, #tpu.memory_space<vmem>>
        %scatter3A_1318 = tpu.memref_squeeze %scatter3A_1317 : memref<1x1x4x8x129xf32, #tpu.memory_space<vmem>> -> memref<4x8x129xf32, #tpu.memory_space<vmem>>
        tpu.vector_store_idx %scatter3A_1318[%shift_right_logical3A_4, %rem3A_9, %add3A_1295], %get3A_1303 : memref<4x8x129xf32, #tpu.memory_space<vmem>>[vector<16xi32>, vector<16xi32>, vector<16xi32>], vector<16xf32>,
        %scatter3A_1319 = arith.constant 0 : i32
        %scatter3A_1320 = arith.constant 0 : i32
        %scatter3A_1321 = arith.constant 0 : i32
        %scatter3A_1322 = tpu.memref_slice %arg8[%rem3A_1073, %scan3A_1100, %scatter3A_1319, %scatter3A_1320, %scatter3A_1321] : memref<2x4x4x8x129xf32, #tpu.memory_space<vmem>> -> memref<1x1x4x8x129xf32, #tpu.memory_space<vmem>>
        %scatter3A_1323 = tpu.memref_squeeze %scatter3A_1322 : memref<1x1x4x8x129xf32, #tpu.memory_space<vmem>> -> memref<4x8x129xf32, #tpu.memory_space<vmem>>
        tpu.vector_store_idx %scatter3A_1323[%add3A_7, %rem3A_9, %add3A_1295], %get3A_1313 : memref<4x8x129xf32, #tpu.memory_space<vmem>>[vector<16xi32>, vector<16xi32>, vector<16xi32>], vector<16xf32>,
        %scan3A_1324 = arith.constant 3 : i32
        %scan3A_1325 = arith.addi %scan3A_1220, %scan3A_1324 : i32
        %mul3A_1326 = arith.constant 0 : i32
        %mul3A_1327 = vector.broadcast %mul3A_1326 : i32 to vector<16xi32>
        %mul3A_1328 = arith.muli %iota3A, %mul3A_1327 : vector<16xi32>
        %add3A_1329 = vector.broadcast %scan3A_1325 : i32 to vector<16xi32>
        %add3A_1330 = arith.addi %mul3A_1328, %add3A_1329 : vector<16xi32>
        %mul3A_1331 = arith.constant 2 : i32
        %mul3A_1332 = arith.muli %mul3A_1331, %scan3A_1325 : i32
        %add3A_1333 = arith.constant 256 : i32
        %add3A_1334 = arith.addi %add3A_1333, %mul3A_1332 : i32
        %get3A_1335 = arith.index_cast %rem3A_1073 : i32 to index
        %get3A_1336 = arith.index_cast %add3A_1334 : i32 to index
        %get3A_1337 = arith.constant 0 : index
        %get3A_1338 = tpu.vector_load %arg7[%get3A_1335, %get3A_1336, %get3A_1337] {strides = array<i32>} : memref<2x1024x16xf32, #tpu.memory_space<vmem>>, vector<16xf32>,
        %mul3A_1339 = arith.constant 2 : i32
        %mul3A_1340 = arith.muli %mul3A_1339, %scan3A_1325 : i32
        %add3A_1341 = arith.constant 256 : i32
        %add3A_1342 = arith.addi %add3A_1341, %mul3A_1340 : i32
        %add3A_1343 = arith.constant 1 : i32
        %add3A_1344 = arith.addi %add3A_1342, %add3A_1343 : i32
        %get3A_1345 = arith.index_cast %rem3A_1073 : i32 to index
        %get3A_1346 = arith.index_cast %add3A_1344 : i32 to index
        %get3A_1347 = arith.constant 0 : index
        %get3A_1348 = tpu.vector_load %arg7[%get3A_1345, %get3A_1346, %get3A_1347] {strides = array<i32>} : memref<2x1024x16xf32, #tpu.memory_space<vmem>>, vector<16xf32>,
        %scatter3A_1349 = arith.constant 0 : i32
        %scatter3A_1350 = arith.constant 0 : i32
        %scatter3A_1351 = arith.constant 0 : i32
        %scatter3A_1352 = tpu.memref_slice %arg8[%rem3A_1073, %scan3A_1100, %scatter3A_1349, %scatter3A_1350, %scatter3A_1351] : memref<2x4x4x8x129xf32, #tpu.memory_space<vmem>> -> memref<1x1x4x8x129xf32, #tpu.memory_space<vmem>>
        %scatter3A_1353 = tpu.memref_squeeze %scatter3A_1352 : memref<1x1x4x8x129xf32, #tpu.memory_space<vmem>> -> memref<4x8x129xf32, #tpu.memory_space<vmem>>
        tpu.vector_store_idx %scatter3A_1353[%shift_right_logical3A_4, %rem3A_9, %add3A_1330], %get3A_1338 : memref<4x8x129xf32, #tpu.memory_space<vmem>>[vector<16xi32>, vector<16xi32>, vector<16xi32>], vector<16xf32>,
        %scatter3A_1354 = arith.constant 0 : i32
        %scatter3A_1355 = arith.constant 0 : i32
        %scatter3A_1356 = arith.constant 0 : i32
        %scatter3A_1357 = tpu.memref_slice %arg8[%rem3A_1073, %scan3A_1100, %scatter3A_1354, %scatter3A_1355, %scatter3A_1356] : memref<2x4x4x8x129xf32, #tpu.memory_space<vmem>> -> memref<1x1x4x8x129xf32, #tpu.memory_space<vmem>>
        %scatter3A_1358 = tpu.memref_squeeze %scatter3A_1357 : memref<1x1x4x8x129xf32, #tpu.memory_space<vmem>> -> memref<4x8x129xf32, #tpu.memory_space<vmem>>
        tpu.vector_store_idx %scatter3A_1358[%add3A_7, %rem3A_9, %add3A_1330], %get3A_1348 : memref<4x8x129xf32, #tpu.memory_space<vmem>>[vector<16xi32>, vector<16xi32>, vector<16xi32>], vector<16xf32>,
        %scan3A_1359 = arith.constant 4 : i32
        %scan3A_1360 = arith.addi %scan3A_1220, %scan3A_1359 : i32
        %mul3A_1361 = arith.constant 0 : i32
        %mul3A_1362 = vector.broadcast %mul3A_1361 : i32 to vector<16xi32>
        %mul3A_1363 = arith.muli %iota3A, %mul3A_1362 : vector<16xi32>
        %add3A_1364 = vector.broadcast %scan3A_1360 : i32 to vector<16xi32>
        %add3A_1365 = arith.addi %mul3A_1363, %add3A_1364 : vector<16xi32>
        %mul3A_1366 = arith.constant 2 : i32
        %mul3A_1367 = arith.muli %mul3A_1366, %scan3A_1360 : i32
        %add3A_1368 = arith.constant 256 : i32
        %add3A_1369 = arith.addi %add3A_1368, %mul3A_1367 : i32
        %get3A_1370 = arith.index_cast %rem3A_1073 : i32 to index
        %get3A_1371 = arith.index_cast %add3A_1369 : i32 to index
        %get3A_1372 = arith.constant 0 : index
        %get3A_1373 = tpu.vector_load %arg7[%get3A_1370, %get3A_1371, %get3A_1372] {strides = array<i32>} : memref<2x1024x16xf32, #tpu.memory_space<vmem>>, vector<16xf32>,
        %mul3A_1374 = arith.constant 2 : i32
        %mul3A_1375 = arith.muli %mul3A_1374, %scan3A_1360 : i32
        %add3A_1376 = arith.constant 256 : i32
        %add3A_1377 = arith.addi %add3A_1376, %mul3A_1375 : i32
        %add3A_1378 = arith.constant 1 : i32
        %add3A_1379 = arith.addi %add3A_1377, %add3A_1378 : i32
        %get3A_1380 = arith.index_cast %rem3A_1073 : i32 to index
        %get3A_1381 = arith.index_cast %add3A_1379 : i32 to index
        %get3A_1382 = arith.constant 0 : index
        %get3A_1383 = tpu.vector_load %arg7[%get3A_1380, %get3A_1381, %get3A_1382] {strides = array<i32>} : memref<2x1024x16xf32, #tpu.memory_space<vmem>>, vector<16xf32>,
        %scatter3A_1384 = arith.constant 0 : i32
        %scatter3A_1385 = arith.constant 0 : i32
        %scatter3A_1386 = arith.constant 0 : i32
        %scatter3A_1387 = tpu.memref_slice %arg8[%rem3A_1073, %scan3A_1100, %scatter3A_1384, %scatter3A_1385, %scatter3A_1386] : memref<2x4x4x8x129xf32, #tpu.memory_space<vmem>> -> memref<1x1x4x8x129xf32, #tpu.memory_space<vmem>>
        %scatter3A_1388 = tpu.memref_squeeze %scatter3A_1387 : memref<1x1x4x8x129xf32, #tpu.memory_space<vmem>> -> memref<4x8x129xf32, #tpu.memory_space<vmem>>
        tpu.vector_store_idx %scatter3A_1388[%shift_right_logical3A_4, %rem3A_9, %add3A_1365], %get3A_1373 : memref<4x8x129xf32, #tpu.memory_space<vmem>>[vector<16xi32>, vector<16xi32>, vector<16xi32>], vector<16xf32>,
        %scatter3A_1389 = arith.constant 0 : i32
        %scatter3A_1390 = arith.constant 0 : i32
        %scatter3A_1391 = arith.constant 0 : i32
        %scatter3A_1392 = tpu.memref_slice %arg8[%rem3A_1073, %scan3A_1100, %scatter3A_1389, %scatter3A_1390, %scatter3A_1391] : memref<2x4x4x8x129xf32, #tpu.memory_space<vmem>> -> memref<1x1x4x8x129xf32, #tpu.memory_space<vmem>>
        %scatter3A_1393 = tpu.memref_squeeze %scatter3A_1392 : memref<1x1x4x8x129xf32, #tpu.memory_space<vmem>> -> memref<4x8x129xf32, #tpu.memory_space<vmem>>
        tpu.vector_store_idx %scatter3A_1393[%add3A_7, %rem3A_9, %add3A_1365], %get3A_1383 : memref<4x8x129xf32, #tpu.memory_space<vmem>>[vector<16xi32>, vector<16xi32>, vector<16xi32>], vector<16xf32>,
        %scan3A_1394 = arith.constant 5 : i32
        %scan3A_1395 = arith.addi %scan3A_1220, %scan3A_1394 : i32
        %mul3A_1396 = arith.constant 0 : i32
        %mul3A_1397 = vector.broadcast %mul3A_1396 : i32 to vector<16xi32>
        %mul3A_1398 = arith.muli %iota3A, %mul3A_1397 : vector<16xi32>
        %add3A_1399 = vector.broadcast %scan3A_1395 : i32 to vector<16xi32>
        %add3A_1400 = arith.addi %mul3A_1398, %add3A_1399 : vector<16xi32>
        %mul3A_1401 = arith.constant 2 : i32
        %mul3A_1402 = arith.muli %mul3A_1401, %scan3A_1395 : i32
        %add3A_1403 = arith.constant 256 : i32
        %add3A_1404 = arith.addi %add3A_1403, %mul3A_1402 : i32
        %get3A_1405 = arith.index_cast %rem3A_1073 : i32 to index
        %get3A_1406 = arith.index_cast %add3A_1404 : i32 to index
        %get3A_1407 = arith.constant 0 : index
        %get3A_1408 = tpu.vector_load %arg7[%get3A_1405, %get3A_1406, %get3A_1407] {strides = array<i32>} : memref<2x1024x16xf32, #tpu.memory_space<vmem>>, vector<16xf32>,
        %mul3A_1409 = arith.constant 2 : i32
        %mul3A_1410 = arith.muli %mul3A_1409, %scan3A_1395 : i32
        %add3A_1411 = arith.constant 256 : i32
        %add3A_1412 = arith.addi %add3A_1411, %mul3A_1410 : i32
        %add3A_1413 = arith.constant 1 : i32
        %add3A_1414 = arith.addi %add3A_1412, %add3A_1413 : i32
        %get3A_1415 = arith.index_cast %rem3A_1073 : i32 to index
        %get3A_1416 = arith.index_cast %add3A_1414 : i32 to index
        %get3A_1417 = arith.constant 0 : index
        %get3A_1418 = tpu.vector_load %arg7[%get3A_1415, %get3A_1416, %get3A_1417] {strides = array<i32>} : memref<2x1024x16xf32, #tpu.memory_space<vmem>>, vector<16xf32>,
        %scatter3A_1419 = arith.constant 0 : i32
        %scatter3A_1420 = arith.constant 0 : i32
        %scatter3A_1421 = arith.constant 0 : i32
        %scatter3A_1422 = tpu.memref_slice %arg8[%rem3A_1073, %scan3A_1100, %scatter3A_1419, %scatter3A_1420, %scatter3A_1421] : memref<2x4x4x8x129xf32, #tpu.memory_space<vmem>> -> memref<1x1x4x8x129xf32, #tpu.memory_space<vmem>>
        %scatter3A_1423 = tpu.memref_squeeze %scatter3A_1422 : memref<1x1x4x8x129xf32, #tpu.memory_space<vmem>> -> memref<4x8x129xf32, #tpu.memory_space<vmem>>
        tpu.vector_store_idx %scatter3A_1423[%shift_right_logical3A_4, %rem3A_9, %add3A_1400], %get3A_1408 : memref<4x8x129xf32, #tpu.memory_space<vmem>>[vector<16xi32>, vector<16xi32>, vector<16xi32>], vector<16xf32>,
        %scatter3A_1424 = arith.constant 0 : i32
        %scatter3A_1425 = arith.constant 0 : i32
        %scatter3A_1426 = arith.constant 0 : i32
        %scatter3A_1427 = tpu.memref_slice %arg8[%rem3A_1073, %scan3A_1100, %scatter3A_1424, %scatter3A_1425, %scatter3A_1426] : memref<2x4x4x8x129xf32, #tpu.memory_space<vmem>> -> memref<1x1x4x8x129xf32, #tpu.memory_space<vmem>>
        %scatter3A_1428 = tpu.memref_squeeze %scatter3A_1427 : memref<1x1x4x8x129xf32, #tpu.memory_space<vmem>> -> memref<4x8x129xf32, #tpu.memory_space<vmem>>
        tpu.vector_store_idx %scatter3A_1428[%add3A_7, %rem3A_9, %add3A_1400], %get3A_1418 : memref<4x8x129xf32, #tpu.memory_space<vmem>>[vector<16xi32>, vector<16xi32>, vector<16xi32>], vector<16xf32>,
        %scan3A_1429 = arith.constant 6 : i32
        %scan3A_1430 = arith.addi %scan3A_1220, %scan3A_1429 : i32
        %mul3A_1431 = arith.constant 0 : i32
        %mul3A_1432 = vector.broadcast %mul3A_1431 : i32 to vector<16xi32>
        %mul3A_1433 = arith.muli %iota3A, %mul3A_1432 : vector<16xi32>
        %add3A_1434 = vector.broadcast %scan3A_1430 : i32 to vector<16xi32>
        %add3A_1435 = arith.addi %mul3A_1433, %add3A_1434 : vector<16xi32>
        %mul3A_1436 = arith.constant 2 : i32
        %mul3A_1437 = arith.muli %mul3A_1436, %scan3A_1430 : i32
        %add3A_1438 = arith.constant 256 : i32
        %add3A_1439 = arith.addi %add3A_1438, %mul3A_1437 : i32
        %get3A_1440 = arith.index_cast %rem3A_1073 : i32 to index
        %get3A_1441 = arith.index_cast %add3A_1439 : i32 to index
        %get3A_1442 = arith.constant 0 : index
        %get3A_1443 = tpu.vector_load %arg7[%get3A_1440, %get3A_1441, %get3A_1442] {strides = array<i32>} : memref<2x1024x16xf32, #tpu.memory_space<vmem>>, vector<16xf32>,
        %mul3A_1444 = arith.constant 2 : i32
        %mul3A_1445 = arith.muli %mul3A_1444, %scan3A_1430 : i32
        %add3A_1446 = arith.constant 256 : i32
        %add3A_1447 = arith.addi %add3A_1446, %mul3A_1445 : i32
        %add3A_1448 = arith.constant 1 : i32
        %add3A_1449 = arith.addi %add3A_1447, %add3A_1448 : i32
        %get3A_1450 = arith.index_cast %rem3A_1073 : i32 to index
        %get3A_1451 = arith.index_cast %add3A_1449 : i32 to index
        %get3A_1452 = arith.constant 0 : index
        %get3A_1453 = tpu.vector_load %arg7[%get3A_1450, %get3A_1451, %get3A_1452] {strides = array<i32>} : memref<2x1024x16xf32, #tpu.memory_space<vmem>>, vector<16xf32>,
        %scatter3A_1454 = arith.constant 0 : i32
        %scatter3A_1455 = arith.constant 0 : i32
        %scatter3A_1456 = arith.constant 0 : i32
        %scatter3A_1457 = tpu.memref_slice %arg8[%rem3A_1073, %scan3A_1100, %scatter3A_1454, %scatter3A_1455, %scatter3A_1456] : memref<2x4x4x8x129xf32, #tpu.memory_space<vmem>> -> memref<1x1x4x8x129xf32, #tpu.memory_space<vmem>>
        %scatter3A_1458 = tpu.memref_squeeze %scatter3A_1457 : memref<1x1x4x8x129xf32, #tpu.memory_space<vmem>> -> memref<4x8x129xf32, #tpu.memory_space<vmem>>
        tpu.vector_store_idx %scatter3A_1458[%shift_right_logical3A_4, %rem3A_9, %add3A_1435], %get3A_1443 : memref<4x8x129xf32, #tpu.memory_space<vmem>>[vector<16xi32>, vector<16xi32>, vector<16xi32>], vector<16xf32>,
        %scatter3A_1459 = arith.constant 0 : i32
        %scatter3A_1460 = arith.constant 0 : i32
        %scatter3A_1461 = arith.constant 0 : i32
        %scatter3A_1462 = tpu.memref_slice %arg8[%rem3A_1073, %scan3A_1100, %scatter3A_1459, %scatter3A_1460, %scatter3A_1461] : memref<2x4x4x8x129xf32, #tpu.memory_space<vmem>> -> memref<1x1x4x8x129xf32, #tpu.memory_space<vmem>>
        %scatter3A_1463 = tpu.memref_squeeze %scatter3A_1462 : memref<1x1x4x8x129xf32, #tpu.memory_space<vmem>> -> memref<4x8x129xf32, #tpu.memory_space<vmem>>
        tpu.vector_store_idx %scatter3A_1463[%add3A_7, %rem3A_9, %add3A_1435], %get3A_1453 : memref<4x8x129xf32, #tpu.memory_space<vmem>>[vector<16xi32>, vector<16xi32>, vector<16xi32>], vector<16xf32>,
        %scan3A_1464 = arith.constant 7 : i32
        %scan3A_1465 = arith.addi %scan3A_1220, %scan3A_1464 : i32
        %mul3A_1466 = arith.constant 0 : i32
        %mul3A_1467 = vector.broadcast %mul3A_1466 : i32 to vector<16xi32>
        %mul3A_1468 = arith.muli %iota3A, %mul3A_1467 : vector<16xi32>
        %add3A_1469 = vector.broadcast %scan3A_1465 : i32 to vector<16xi32>
        %add3A_1470 = arith.addi %mul3A_1468, %add3A_1469 : vector<16xi32>
        %mul3A_1471 = arith.constant 2 : i32
        %mul3A_1472 = arith.muli %mul3A_1471, %scan3A_1465 : i32
        %add3A_1473 = arith.constant 256 : i32
        %add3A_1474 = arith.addi %add3A_1473, %mul3A_1472 : i32
        %get3A_1475 = arith.index_cast %rem3A_1073 : i32 to index
        %get3A_1476 = arith.index_cast %add3A_1474 : i32 to index
        %get3A_1477 = arith.constant 0 : index
        %get3A_1478 = tpu.vector_load %arg7[%get3A_1475, %get3A_1476, %get3A_1477] {strides = array<i32>} : memref<2x1024x16xf32, #tpu.memory_space<vmem>>, vector<16xf32>,
        %mul3A_1479 = arith.constant 2 : i32
        %mul3A_1480 = arith.muli %mul3A_1479, %scan3A_1465 : i32
        %add3A_1481 = arith.constant 256 : i32
        %add3A_1482 = arith.addi %add3A_1481, %mul3A_1480 : i32
        %add3A_1483 = arith.constant 1 : i32
        %add3A_1484 = arith.addi %add3A_1482, %add3A_1483 : i32
        %get3A_1485 = arith.index_cast %rem3A_1073 : i32 to index
        %get3A_1486 = arith.index_cast %add3A_1484 : i32 to index
        %get3A_1487 = arith.constant 0 : index
        %get3A_1488 = tpu.vector_load %arg7[%get3A_1485, %get3A_1486, %get3A_1487] {strides = array<i32>} : memref<2x1024x16xf32, #tpu.memory_space<vmem>>, vector<16xf32>,
        %scatter3A_1489 = arith.constant 0 : i32
        %scatter3A_1490 = arith.constant 0 : i32
        %scatter3A_1491 = arith.constant 0 : i32
        %scatter3A_1492 = tpu.memref_slice %arg8[%rem3A_1073, %scan3A_1100, %scatter3A_1489, %scatter3A_1490, %scatter3A_1491] : memref<2x4x4x8x129xf32, #tpu.memory_space<vmem>> -> memref<1x1x4x8x129xf32, #tpu.memory_space<vmem>>
        %scatter3A_1493 = tpu.memref_squeeze %scatter3A_1492 : memref<1x1x4x8x129xf32, #tpu.memory_space<vmem>> -> memref<4x8x129xf32, #tpu.memory_space<vmem>>
        tpu.vector_store_idx %scatter3A_1493[%shift_right_logical3A_4, %rem3A_9, %add3A_1470], %get3A_1478 : memref<4x8x129xf32, #tpu.memory_space<vmem>>[vector<16xi32>, vector<16xi32>, vector<16xi32>], vector<16xf32>,
        %scatter3A_1494 = arith.constant 0 : i32
        %scatter3A_1495 = arith.constant 0 : i32
        %scatter3A_1496 = arith.constant 0 : i32
        %scatter3A_1497 = tpu.memref_slice %arg8[%rem3A_1073, %scan3A_1100, %scatter3A_1494, %scatter3A_1495, %scatter3A_1496] : memref<2x4x4x8x129xf32, #tpu.memory_space<vmem>> -> memref<1x1x4x8x129xf32, #tpu.memory_space<vmem>>
        %scatter3A_1498 = tpu.memref_squeeze %scatter3A_1497 : memref<1x1x4x8x129xf32, #tpu.memory_space<vmem>> -> memref<4x8x129xf32, #tpu.memory_space<vmem>>
        tpu.vector_store_idx %scatter3A_1498[%add3A_7, %rem3A_9, %add3A_1470], %get3A_1488 : memref<4x8x129xf32, #tpu.memory_space<vmem>>[vector<16xi32>, vector<16xi32>, vector<16xi32>], vector<16xf32>,
      }
      %scan3A_1105 = arith.constant 128 : i32
      %scan3A_1106 = arith.constant 0 : i32
      %scan3A_1107 = arith.constant 2 : i32
      %scan3A_1108 = arith.constant 0 : i32
      %scan3A_1109 = arith.constant 128 : i32
      %scan3A_1110 = arith.addi %scan3A_1108, %scan3A_1109 : i32
      %scan3A_1111 = arith.constant 8 : i32
      scf.for %scan3A_1220 = %scan3A_1108 to %scan3A_1110 step %scan3A_1111  : i32 {
        %mul3A_1221 = arith.constant 0 : i32
        %mul3A_1222 = vector.broadcast %mul3A_1221 : i32 to vector<16xi32>
        %mul3A_1223 = arith.muli %iota3A, %mul3A_1222 : vector<16xi32>
        %add3A_1224 = vector.broadcast %scan3A_1220 : i32 to vector<16xi32>
        %add3A_1225 = arith.addi %mul3A_1223, %add3A_1224 : vector<16xi32>
        %mul3A_1226 = arith.constant 2 : i32
        %mul3A_1227 = arith.muli %mul3A_1226, %scan3A_1220 : i32
        %add3A_1228 = arith.constant 512 : i32
        %add3A_1229 = arith.addi %add3A_1228, %mul3A_1227 : i32
        %get3A_1230 = arith.index_cast %rem3A_1073 : i32 to index
        %get3A_1231 = arith.index_cast %add3A_1229 : i32 to index
        %get3A_1232 = arith.constant 0 : index
        %get3A_1233 = tpu.vector_load %arg7[%get3A_1230, %get3A_1231, %get3A_1232] {strides = array<i32>} : memref<2x1024x16xf32, #tpu.memory_space<vmem>>, vector<16xf32>,
        %mul3A_1234 = arith.constant 2 : i32
        %mul3A_1235 = arith.muli %mul3A_1234, %scan3A_1220 : i32
        %add3A_1236 = arith.constant 512 : i32
        %add3A_1237 = arith.addi %add3A_1236, %mul3A_1235 : i32
        %add3A_1238 = arith.constant 1 : i32
        %add3A_1239 = arith.addi %add3A_1237, %add3A_1238 : i32
        %get3A_1240 = arith.index_cast %rem3A_1073 : i32 to index
        %get3A_1241 = arith.index_cast %add3A_1239 : i32 to index
        %get3A_1242 = arith.constant 0 : index
        %get3A_1243 = tpu.vector_load %arg7[%get3A_1240, %get3A_1241, %get3A_1242] {strides = array<i32>} : memref<2x1024x16xf32, #tpu.memory_space<vmem>>, vector<16xf32>,
        %scatter3A_1244 = arith.constant 0 : i32
        %scatter3A_1245 = arith.constant 0 : i32
        %scatter3A_1246 = arith.constant 0 : i32
        %scatter3A_1247 = tpu.memref_slice %arg8[%rem3A_1073, %scan3A_1107, %scatter3A_1244, %scatter3A_1245, %scatter3A_1246] : memref<2x4x4x8x129xf32, #tpu.memory_space<vmem>> -> memref<1x1x4x8x129xf32, #tpu.memory_space<vmem>>
        %scatter3A_1248 = tpu.memref_squeeze %scatter3A_1247 : memref<1x1x4x8x129xf32, #tpu.memory_space<vmem>> -> memref<4x8x129xf32, #tpu.memory_space<vmem>>
        tpu.vector_store_idx %scatter3A_1248[%shift_right_logical3A_4, %rem3A_9, %add3A_1225], %get3A_1233 : memref<4x8x129xf32, #tpu.memory_space<vmem>>[vector<16xi32>, vector<16xi32>, vector<16xi32>], vector<16xf32>,
        %scatter3A_1249 = arith.constant 0 : i32
        %scatter3A_1250 = arith.constant 0 : i32
        %scatter3A_1251 = arith.constant 0 : i32
        %scatter3A_1252 = tpu.memref_slice %arg8[%rem3A_1073, %scan3A_1107, %scatter3A_1249, %scatter3A_1250, %scatter3A_1251] : memref<2x4x4x8x129xf32, #tpu.memory_space<vmem>> -> memref<1x1x4x8x129xf32, #tpu.memory_space<vmem>>
        %scatter3A_1253 = tpu.memref_squeeze %scatter3A_1252 : memref<1x1x4x8x129xf32, #tpu.memory_space<vmem>> -> memref<4x8x129xf32, #tpu.memory_space<vmem>>
        tpu.vector_store_idx %scatter3A_1253[%add3A_7, %rem3A_9, %add3A_1225], %get3A_1243 : memref<4x8x129xf32, #tpu.memory_space<vmem>>[vector<16xi32>, vector<16xi32>, vector<16xi32>], vector<16xf32>,
        %scan3A_1254 = arith.constant 1 : i32
        %scan3A_1255 = arith.addi %scan3A_1220, %scan3A_1254 : i32
        %mul3A_1256 = arith.constant 0 : i32
        %mul3A_1257 = vector.broadcast %mul3A_1256 : i32 to vector<16xi32>
        %mul3A_1258 = arith.muli %iota3A, %mul3A_1257 : vector<16xi32>
        %add3A_1259 = vector.broadcast %scan3A_1255 : i32 to vector<16xi32>
        %add3A_1260 = arith.addi %mul3A_1258, %add3A_1259 : vector<16xi32>
        %mul3A_1261 = arith.constant 2 : i32
        %mul3A_1262 = arith.muli %mul3A_1261, %scan3A_1255 : i32
        %add3A_1263 = arith.constant 512 : i32
        %add3A_1264 = arith.addi %add3A_1263, %mul3A_1262 : i32
        %get3A_1265 = arith.index_cast %rem3A_1073 : i32 to index
        %get3A_1266 = arith.index_cast %add3A_1264 : i32 to index
        %get3A_1267 = arith.constant 0 : index
        %get3A_1268 = tpu.vector_load %arg7[%get3A_1265, %get3A_1266, %get3A_1267] {strides = array<i32>} : memref<2x1024x16xf32, #tpu.memory_space<vmem>>, vector<16xf32>,
        %mul3A_1269 = arith.constant 2 : i32
        %mul3A_1270 = arith.muli %mul3A_1269, %scan3A_1255 : i32
        %add3A_1271 = arith.constant 512 : i32
        %add3A_1272 = arith.addi %add3A_1271, %mul3A_1270 : i32
        %add3A_1273 = arith.constant 1 : i32
        %add3A_1274 = arith.addi %add3A_1272, %add3A_1273 : i32
        %get3A_1275 = arith.index_cast %rem3A_1073 : i32 to index
        %get3A_1276 = arith.index_cast %add3A_1274 : i32 to index
        %get3A_1277 = arith.constant 0 : index
        %get3A_1278 = tpu.vector_load %arg7[%get3A_1275, %get3A_1276, %get3A_1277] {strides = array<i32>} : memref<2x1024x16xf32, #tpu.memory_space<vmem>>, vector<16xf32>,
        %scatter3A_1279 = arith.constant 0 : i32
        %scatter3A_1280 = arith.constant 0 : i32
        %scatter3A_1281 = arith.constant 0 : i32
        %scatter3A_1282 = tpu.memref_slice %arg8[%rem3A_1073, %scan3A_1107, %scatter3A_1279, %scatter3A_1280, %scatter3A_1281] : memref<2x4x4x8x129xf32, #tpu.memory_space<vmem>> -> memref<1x1x4x8x129xf32, #tpu.memory_space<vmem>>
        %scatter3A_1283 = tpu.memref_squeeze %scatter3A_1282 : memref<1x1x4x8x129xf32, #tpu.memory_space<vmem>> -> memref<4x8x129xf32, #tpu.memory_space<vmem>>
        tpu.vector_store_idx %scatter3A_1283[%shift_right_logical3A_4, %rem3A_9, %add3A_1260], %get3A_1268 : memref<4x8x129xf32, #tpu.memory_space<vmem>>[vector<16xi32>, vector<16xi32>, vector<16xi32>], vector<16xf32>,
        %scatter3A_1284 = arith.constant 0 : i32
        %scatter3A_1285 = arith.constant 0 : i32
        %scatter3A_1286 = arith.constant 0 : i32
        %scatter3A_1287 = tpu.memref_slice %arg8[%rem3A_1073, %scan3A_1107, %scatter3A_1284, %scatter3A_1285, %scatter3A_1286] : memref<2x4x4x8x129xf32, #tpu.memory_space<vmem>> -> memref<1x1x4x8x129xf32, #tpu.memory_space<vmem>>
        %scatter3A_1288 = tpu.memref_squeeze %scatter3A_1287 : memref<1x1x4x8x129xf32, #tpu.memory_space<vmem>> -> memref<4x8x129xf32, #tpu.memory_space<vmem>>
        tpu.vector_store_idx %scatter3A_1288[%add3A_7, %rem3A_9, %add3A_1260], %get3A_1278 : memref<4x8x129xf32, #tpu.memory_space<vmem>>[vector<16xi32>, vector<16xi32>, vector<16xi32>], vector<16xf32>,
        %scan3A_1289 = arith.constant 2 : i32
        %scan3A_1290 = arith.addi %scan3A_1220, %scan3A_1289 : i32
        %mul3A_1291 = arith.constant 0 : i32
        %mul3A_1292 = vector.broadcast %mul3A_1291 : i32 to vector<16xi32>
        %mul3A_1293 = arith.muli %iota3A, %mul3A_1292 : vector<16xi32>
        %add3A_1294 = vector.broadcast %scan3A_1290 : i32 to vector<16xi32>
        %add3A_1295 = arith.addi %mul3A_1293, %add3A_1294 : vector<16xi32>
        %mul3A_1296 = arith.constant 2 : i32
        %mul3A_1297 = arith.muli %mul3A_1296, %scan3A_1290 : i32
        %add3A_1298 = arith.constant 512 : i32
        %add3A_1299 = arith.addi %add3A_1298, %mul3A_1297 : i32
        %get3A_1300 = arith.index_cast %rem3A_1073 : i32 to index
        %get3A_1301 = arith.index_cast %add3A_1299 : i32 to index
        %get3A_1302 = arith.constant 0 : index
        %get3A_1303 = tpu.vector_load %arg7[%get3A_1300, %get3A_1301, %get3A_1302] {strides = array<i32>} : memref<2x1024x16xf32, #tpu.memory_space<vmem>>, vector<16xf32>,
        %mul3A_1304 = arith.constant 2 : i32
        %mul3A_1305 = arith.muli %mul3A_1304, %scan3A_1290 : i32
        %add3A_1306 = arith.constant 512 : i32
        %add3A_1307 = arith.addi %add3A_1306, %mul3A_1305 : i32
        %add3A_1308 = arith.constant 1 : i32
        %add3A_1309 = arith.addi %add3A_1307, %add3A_1308 : i32
        %get3A_1310 = arith.index_cast %rem3A_1073 : i32 to index
        %get3A_1311 = arith.index_cast %add3A_1309 : i32 to index
        %get3A_1312 = arith.constant 0 : index
        %get3A_1313 = tpu.vector_load %arg7[%get3A_1310, %get3A_1311, %get3A_1312] {strides = array<i32>} : memref<2x1024x16xf32, #tpu.memory_space<vmem>>, vector<16xf32>,
        %scatter3A_1314 = arith.constant 0 : i32
        %scatter3A_1315 = arith.constant 0 : i32
        %scatter3A_1316 = arith.constant 0 : i32
        %scatter3A_1317 = tpu.memref_slice %arg8[%rem3A_1073, %scan3A_1107, %scatter3A_1314, %scatter3A_1315, %scatter3A_1316] : memref<2x4x4x8x129xf32, #tpu.memory_space<vmem>> -> memref<1x1x4x8x129xf32, #tpu.memory_space<vmem>>
        %scatter3A_1318 = tpu.memref_squeeze %scatter3A_1317 : memref<1x1x4x8x129xf32, #tpu.memory_space<vmem>> -> memref<4x8x129xf32, #tpu.memory_space<vmem>>
        tpu.vector_store_idx %scatter3A_1318[%shift_right_logical3A_4, %rem3A_9, %add3A_1295], %get3A_1303 : memref<4x8x129xf32, #tpu.memory_space<vmem>>[vector<16xi32>, vector<16xi32>, vector<16xi32>], vector<16xf32>,
        %scatter3A_1319 = arith.constant 0 : i32
        %scatter3A_1320 = arith.constant 0 : i32
        %scatter3A_1321 = arith.constant 0 : i32
        %scatter3A_1322 = tpu.memref_slice %arg8[%rem3A_1073, %scan3A_1107, %scatter3A_1319, %scatter3A_1320, %scatter3A_1321] : memref<2x4x4x8x129xf32, #tpu.memory_space<vmem>> -> memref<1x1x4x8x129xf32, #tpu.memory_space<vmem>>
        %scatter3A_1323 = tpu.memref_squeeze %scatter3A_1322 : memref<1x1x4x8x129xf32, #tpu.memory_space<vmem>> -> memref<4x8x129xf32, #tpu.memory_space<vmem>>
        tpu.vector_store_idx %scatter3A_1323[%add3A_7, %rem3A_9, %add3A_1295], %get3A_1313 : memref<4x8x129xf32, #tpu.memory_space<vmem>>[vector<16xi32>, vector<16xi32>, vector<16xi32>], vector<16xf32>,
        %scan3A_1324 = arith.constant 3 : i32
        %scan3A_1325 = arith.addi %scan3A_1220, %scan3A_1324 : i32
        %mul3A_1326 = arith.constant 0 : i32
        %mul3A_1327 = vector.broadcast %mul3A_1326 : i32 to vector<16xi32>
        %mul3A_1328 = arith.muli %iota3A, %mul3A_1327 : vector<16xi32>
        %add3A_1329 = vector.broadcast %scan3A_1325 : i32 to vector<16xi32>
        %add3A_1330 = arith.addi %mul3A_1328, %add3A_1329 : vector<16xi32>
        %mul3A_1331 = arith.constant 2 : i32
        %mul3A_1332 = arith.muli %mul3A_1331, %scan3A_1325 : i32
        %add3A_1333 = arith.constant 512 : i32
        %add3A_1334 = arith.addi %add3A_1333, %mul3A_1332 : i32
        %get3A_1335 = arith.index_cast %rem3A_1073 : i32 to index
        %get3A_1336 = arith.index_cast %add3A_1334 : i32 to index
        %get3A_1337 = arith.constant 0 : index
        %get3A_1338 = tpu.vector_load %arg7[%get3A_1335, %get3A_1336, %get3A_1337] {strides = array<i32>} : memref<2x1024x16xf32, #tpu.memory_space<vmem>>, vector<16xf32>,
        %mul3A_1339 = arith.constant 2 : i32
        %mul3A_1340 = arith.muli %mul3A_1339, %scan3A_1325 : i32
        %add3A_1341 = arith.constant 512 : i32
        %add3A_1342 = arith.addi %add3A_1341, %mul3A_1340 : i32
        %add3A_1343 = arith.constant 1 : i32
        %add3A_1344 = arith.addi %add3A_1342, %add3A_1343 : i32
        %get3A_1345 = arith.index_cast %rem3A_1073 : i32 to index
        %get3A_1346 = arith.index_cast %add3A_1344 : i32 to index
        %get3A_1347 = arith.constant 0 : index
        %get3A_1348 = tpu.vector_load %arg7[%get3A_1345, %get3A_1346, %get3A_1347] {strides = array<i32>} : memref<2x1024x16xf32, #tpu.memory_space<vmem>>, vector<16xf32>,
        %scatter3A_1349 = arith.constant 0 : i32
        %scatter3A_1350 = arith.constant 0 : i32
        %scatter3A_1351 = arith.constant 0 : i32
        %scatter3A_1352 = tpu.memref_slice %arg8[%rem3A_1073, %scan3A_1107, %scatter3A_1349, %scatter3A_1350, %scatter3A_1351] : memref<2x4x4x8x129xf32, #tpu.memory_space<vmem>> -> memref<1x1x4x8x129xf32, #tpu.memory_space<vmem>>
        %scatter3A_1353 = tpu.memref_squeeze %scatter3A_1352 : memref<1x1x4x8x129xf32, #tpu.memory_space<vmem>> -> memref<4x8x129xf32, #tpu.memory_space<vmem>>
        tpu.vector_store_idx %scatter3A_1353[%shift_right_logical3A_4, %rem3A_9, %add3A_1330], %get3A_1338 : memref<4x8x129xf32, #tpu.memory_space<vmem>>[vector<16xi32>, vector<16xi32>, vector<16xi32>], vector<16xf32>,
        %scatter3A_1354 = arith.constant 0 : i32
        %scatter3A_1355 = arith.constant 0 : i32
        %scatter3A_1356 = arith.constant 0 : i32
        %scatter3A_1357 = tpu.memref_slice %arg8[%rem3A_1073, %scan3A_1107, %scatter3A_1354, %scatter3A_1355, %scatter3A_1356] : memref<2x4x4x8x129xf32, #tpu.memory_space<vmem>> -> memref<1x1x4x8x129xf32, #tpu.memory_space<vmem>>
        %scatter3A_1358 = tpu.memref_squeeze %scatter3A_1357 : memref<1x1x4x8x129xf32, #tpu.memory_space<vmem>> -> memref<4x8x129xf32, #tpu.memory_space<vmem>>
        tpu.vector_store_idx %scatter3A_1358[%add3A_7, %rem3A_9, %add3A_1330], %get3A_1348 : memref<4x8x129xf32, #tpu.memory_space<vmem>>[vector<16xi32>, vector<16xi32>, vector<16xi32>], vector<16xf32>,
        %scan3A_1359 = arith.constant 4 : i32
        %scan3A_1360 = arith.addi %scan3A_1220, %scan3A_1359 : i32
        %mul3A_1361 = arith.constant 0 : i32
        %mul3A_1362 = vector.broadcast %mul3A_1361 : i32 to vector<16xi32>
        %mul3A_1363 = arith.muli %iota3A, %mul3A_1362 : vector<16xi32>
        %add3A_1364 = vector.broadcast %scan3A_1360 : i32 to vector<16xi32>
        %add3A_1365 = arith.addi %mul3A_1363, %add3A_1364 : vector<16xi32>
        %mul3A_1366 = arith.constant 2 : i32
        %mul3A_1367 = arith.muli %mul3A_1366, %scan3A_1360 : i32
        %add3A_1368 = arith.constant 512 : i32
        %add3A_1369 = arith.addi %add3A_1368, %mul3A_1367 : i32
        %get3A_1370 = arith.index_cast %rem3A_1073 : i32 to index
        %get3A_1371 = arith.index_cast %add3A_1369 : i32 to index
        %get3A_1372 = arith.constant 0 : index
        %get3A_1373 = tpu.vector_load %arg7[%get3A_1370, %get3A_1371, %get3A_1372] {strides = array<i32>} : memref<2x1024x16xf32, #tpu.memory_space<vmem>>, vector<16xf32>,
        %mul3A_1374 = arith.constant 2 : i32
        %mul3A_1375 = arith.muli %mul3A_1374, %scan3A_1360 : i32
        %add3A_1376 = arith.constant 512 : i32
        %add3A_1377 = arith.addi %add3A_1376, %mul3A_1375 : i32
        %add3A_1378 = arith.constant 1 : i32
        %add3A_1379 = arith.addi %add3A_1377, %add3A_1378 : i32
        %get3A_1380 = arith.index_cast %rem3A_1073 : i32 to index
        %get3A_1381 = arith.index_cast %add3A_1379 : i32 to index
        %get3A_1382 = arith.constant 0 : index
        %get3A_1383 = tpu.vector_load %arg7[%get3A_1380, %get3A_1381, %get3A_1382] {strides = array<i32>} : memref<2x1024x16xf32, #tpu.memory_space<vmem>>, vector<16xf32>,
        %scatter3A_1384 = arith.constant 0 : i32
        %scatter3A_1385 = arith.constant 0 : i32
        %scatter3A_1386 = arith.constant 0 : i32
        %scatter3A_1387 = tpu.memref_slice %arg8[%rem3A_1073, %scan3A_1107, %scatter3A_1384, %scatter3A_1385, %scatter3A_1386] : memref<2x4x4x8x129xf32, #tpu.memory_space<vmem>> -> memref<1x1x4x8x129xf32, #tpu.memory_space<vmem>>
        %scatter3A_1388 = tpu.memref_squeeze %scatter3A_1387 : memref<1x1x4x8x129xf32, #tpu.memory_space<vmem>> -> memref<4x8x129xf32, #tpu.memory_space<vmem>>
        tpu.vector_store_idx %scatter3A_1388[%shift_right_logical3A_4, %rem3A_9, %add3A_1365], %get3A_1373 : memref<4x8x129xf32, #tpu.memory_space<vmem>>[vector<16xi32>, vector<16xi32>, vector<16xi32>], vector<16xf32>,
        %scatter3A_1389 = arith.constant 0 : i32
        %scatter3A_1390 = arith.constant 0 : i32
        %scatter3A_1391 = arith.constant 0 : i32
        %scatter3A_1392 = tpu.memref_slice %arg8[%rem3A_1073, %scan3A_1107, %scatter3A_1389, %scatter3A_1390, %scatter3A_1391] : memref<2x4x4x8x129xf32, #tpu.memory_space<vmem>> -> memref<1x1x4x8x129xf32, #tpu.memory_space<vmem>>
        %scatter3A_1393 = tpu.memref_squeeze %scatter3A_1392 : memref<1x1x4x8x129xf32, #tpu.memory_space<vmem>> -> memref<4x8x129xf32, #tpu.memory_space<vmem>>
        tpu.vector_store_idx %scatter3A_1393[%add3A_7, %rem3A_9, %add3A_1365], %get3A_1383 : memref<4x8x129xf32, #tpu.memory_space<vmem>>[vector<16xi32>, vector<16xi32>, vector<16xi32>], vector<16xf32>,
        %scan3A_1394 = arith.constant 5 : i32
        %scan3A_1395 = arith.addi %scan3A_1220, %scan3A_1394 : i32
        %mul3A_1396 = arith.constant 0 : i32
        %mul3A_1397 = vector.broadcast %mul3A_1396 : i32 to vector<16xi32>
        %mul3A_1398 = arith.muli %iota3A, %mul3A_1397 : vector<16xi32>
        %add3A_1399 = vector.broadcast %scan3A_1395 : i32 to vector<16xi32>
        %add3A_1400 = arith.addi %mul3A_1398, %add3A_1399 : vector<16xi32>
        %mul3A_1401 = arith.constant 2 : i32
        %mul3A_1402 = arith.muli %mul3A_1401, %scan3A_1395 : i32
        %add3A_1403 = arith.constant 512 : i32
        %add3A_1404 = arith.addi %add3A_1403, %mul3A_1402 : i32
        %get3A_1405 = arith.index_cast %rem3A_1073 : i32 to index
        %get3A_1406 = arith.index_cast %add3A_1404 : i32 to index
        %get3A_1407 = arith.constant 0 : index
        %get3A_1408 = tpu.vector_load %arg7[%get3A_1405, %get3A_1406, %get3A_1407] {strides = array<i32>} : memref<2x1024x16xf32, #tpu.memory_space<vmem>>, vector<16xf32>,
        %mul3A_1409 = arith.constant 2 : i32
        %mul3A_1410 = arith.muli %mul3A_1409, %scan3A_1395 : i32
        %add3A_1411 = arith.constant 512 : i32
        %add3A_1412 = arith.addi %add3A_1411, %mul3A_1410 : i32
        %add3A_1413 = arith.constant 1 : i32
        %add3A_1414 = arith.addi %add3A_1412, %add3A_1413 : i32
        %get3A_1415 = arith.index_cast %rem3A_1073 : i32 to index
        %get3A_1416 = arith.index_cast %add3A_1414 : i32 to index
        %get3A_1417 = arith.constant 0 : index
        %get3A_1418 = tpu.vector_load %arg7[%get3A_1415, %get3A_1416, %get3A_1417] {strides = array<i32>} : memref<2x1024x16xf32, #tpu.memory_space<vmem>>, vector<16xf32>,
        %scatter3A_1419 = arith.constant 0 : i32
        %scatter3A_1420 = arith.constant 0 : i32
        %scatter3A_1421 = arith.constant 0 : i32
        %scatter3A_1422 = tpu.memref_slice %arg8[%rem3A_1073, %scan3A_1107, %scatter3A_1419, %scatter3A_1420, %scatter3A_1421] : memref<2x4x4x8x129xf32, #tpu.memory_space<vmem>> -> memref<1x1x4x8x129xf32, #tpu.memory_space<vmem>>
        %scatter3A_1423 = tpu.memref_squeeze %scatter3A_1422 : memref<1x1x4x8x129xf32, #tpu.memory_space<vmem>> -> memref<4x8x129xf32, #tpu.memory_space<vmem>>
        tpu.vector_store_idx %scatter3A_1423[%shift_right_logical3A_4, %rem3A_9, %add3A_1400], %get3A_1408 : memref<4x8x129xf32, #tpu.memory_space<vmem>>[vector<16xi32>, vector<16xi32>, vector<16xi32>], vector<16xf32>,
        %scatter3A_1424 = arith.constant 0 : i32
        %scatter3A_1425 = arith.constant 0 : i32
        %scatter3A_1426 = arith.constant 0 : i32
        %scatter3A_1427 = tpu.memref_slice %arg8[%rem3A_1073, %scan3A_1107, %scatter3A_1424, %scatter3A_1425, %scatter3A_1426] : memref<2x4x4x8x129xf32, #tpu.memory_space<vmem>> -> memref<1x1x4x8x129xf32, #tpu.memory_space<vmem>>
        %scatter3A_1428 = tpu.memref_squeeze %scatter3A_1427 : memref<1x1x4x8x129xf32, #tpu.memory_space<vmem>> -> memref<4x8x129xf32, #tpu.memory_space<vmem>>
        tpu.vector_store_idx %scatter3A_1428[%add3A_7, %rem3A_9, %add3A_1400], %get3A_1418 : memref<4x8x129xf32, #tpu.memory_space<vmem>>[vector<16xi32>, vector<16xi32>, vector<16xi32>], vector<16xf32>,
        %scan3A_1429 = arith.constant 6 : i32
        %scan3A_1430 = arith.addi %scan3A_1220, %scan3A_1429 : i32
        %mul3A_1431 = arith.constant 0 : i32
        %mul3A_1432 = vector.broadcast %mul3A_1431 : i32 to vector<16xi32>
        %mul3A_1433 = arith.muli %iota3A, %mul3A_1432 : vector<16xi32>
        %add3A_1434 = vector.broadcast %scan3A_1430 : i32 to vector<16xi32>
        %add3A_1435 = arith.addi %mul3A_1433, %add3A_1434 : vector<16xi32>
        %mul3A_1436 = arith.constant 2 : i32
        %mul3A_1437 = arith.muli %mul3A_1436, %scan3A_1430 : i32
        %add3A_1438 = arith.constant 512 : i32
        %add3A_1439 = arith.addi %add3A_1438, %mul3A_1437 : i32
        %get3A_1440 = arith.index_cast %rem3A_1073 : i32 to index
        %get3A_1441 = arith.index_cast %add3A_1439 : i32 to index
        %get3A_1442 = arith.constant 0 : index
        %get3A_1443 = tpu.vector_load %arg7[%get3A_1440, %get3A_1441, %get3A_1442] {strides = array<i32>} : memref<2x1024x16xf32, #tpu.memory_space<vmem>>, vector<16xf32>,
        %mul3A_1444 = arith.constant 2 : i32
        %mul3A_1445 = arith.muli %mul3A_1444, %scan3A_1430 : i32
        %add3A_1446 = arith.constant 512 : i32
        %add3A_1447 = arith.addi %add3A_1446, %mul3A_1445 : i32
        %add3A_1448 = arith.constant 1 : i32
        %add3A_1449 = arith.addi %add3A_1447, %add3A_1448 : i32
        %get3A_1450 = arith.index_cast %rem3A_1073 : i32 to index
        %get3A_1451 = arith.index_cast %add3A_1449 : i32 to index
        %get3A_1452 = arith.constant 0 : index
        %get3A_1453 = tpu.vector_load %arg7[%get3A_1450, %get3A_1451, %get3A_1452] {strides = array<i32>} : memref<2x1024x16xf32, #tpu.memory_space<vmem>>, vector<16xf32>,
        %scatter3A_1454 = arith.constant 0 : i32
        %scatter3A_1455 = arith.constant 0 : i32
        %scatter3A_1456 = arith.constant 0 : i32
        %scatter3A_1457 = tpu.memref_slice %arg8[%rem3A_1073, %scan3A_1107, %scatter3A_1454, %scatter3A_1455, %scatter3A_1456] : memref<2x4x4x8x129xf32, #tpu.memory_space<vmem>> -> memref<1x1x4x8x129xf32, #tpu.memory_space<vmem>>
        %scatter3A_1458 = tpu.memref_squeeze %scatter3A_1457 : memref<1x1x4x8x129xf32, #tpu.memory_space<vmem>> -> memref<4x8x129xf32, #tpu.memory_space<vmem>>
        tpu.vector_store_idx %scatter3A_1458[%shift_right_logical3A_4, %rem3A_9, %add3A_1435], %get3A_1443 : memref<4x8x129xf32, #tpu.memory_space<vmem>>[vector<16xi32>, vector<16xi32>, vector<16xi32>], vector<16xf32>,
        %scatter3A_1459 = arith.constant 0 : i32
        %scatter3A_1460 = arith.constant 0 : i32
        %scatter3A_1461 = arith.constant 0 : i32
        %scatter3A_1462 = tpu.memref_slice %arg8[%rem3A_1073, %scan3A_1107, %scatter3A_1459, %scatter3A_1460, %scatter3A_1461] : memref<2x4x4x8x129xf32, #tpu.memory_space<vmem>> -> memref<1x1x4x8x129xf32, #tpu.memory_space<vmem>>
        %scatter3A_1463 = tpu.memref_squeeze %scatter3A_1462 : memref<1x1x4x8x129xf32, #tpu.memory_space<vmem>> -> memref<4x8x129xf32, #tpu.memory_space<vmem>>
        tpu.vector_store_idx %scatter3A_1463[%add3A_7, %rem3A_9, %add3A_1435], %get3A_1453 : memref<4x8x129xf32, #tpu.memory_space<vmem>>[vector<16xi32>, vector<16xi32>, vector<16xi32>], vector<16xf32>,
        %scan3A_1464 = arith.constant 7 : i32
        %scan3A_1465 = arith.addi %scan3A_1220, %scan3A_1464 : i32
        %mul3A_1466 = arith.constant 0 : i32
        %mul3A_1467 = vector.broadcast %mul3A_1466 : i32 to vector<16xi32>
        %mul3A_1468 = arith.muli %iota3A, %mul3A_1467 : vector<16xi32>
        %add3A_1469 = vector.broadcast %scan3A_1465 : i32 to vector<16xi32>
        %add3A_1470 = arith.addi %mul3A_1468, %add3A_1469 : vector<16xi32>
        %mul3A_1471 = arith.constant 2 : i32
        %mul3A_1472 = arith.muli %mul3A_1471, %scan3A_1465 : i32
        %add3A_1473 = arith.constant 512 : i32
        %add3A_1474 = arith.addi %add3A_1473, %mul3A_1472 : i32
        %get3A_1475 = arith.index_cast %rem3A_1073 : i32 to index
        %get3A_1476 = arith.index_cast %add3A_1474 : i32 to index
        %get3A_1477 = arith.constant 0 : index
        %get3A_1478 = tpu.vector_load %arg7[%get3A_1475, %get3A_1476, %get3A_1477] {strides = array<i32>} : memref<2x1024x16xf32, #tpu.memory_space<vmem>>, vector<16xf32>,
        %mul3A_1479 = arith.constant 2 : i32
        %mul3A_1480 = arith.muli %mul3A_1479, %scan3A_1465 : i32
        %add3A_1481 = arith.constant 512 : i32
        %add3A_1482 = arith.addi %add3A_1481, %mul3A_1480 : i32
        %add3A_1483 = arith.constant 1 : i32
        %add3A_1484 = arith.addi %add3A_1482, %add3A_1483 : i32
        %get3A_1485 = arith.index_cast %rem3A_1073 : i32 to index
        %get3A_1486 = arith.index_cast %add3A_1484 : i32 to index
        %get3A_1487 = arith.constant 0 : index
        %get3A_1488 = tpu.vector_load %arg7[%get3A_1485, %get3A_1486, %get3A_1487] {strides = array<i32>} : memref<2x1024x16xf32, #tpu.memory_space<vmem>>, vector<16xf32>,
        %scatter3A_1489 = arith.constant 0 : i32
        %scatter3A_1490 = arith.constant 0 : i32
        %scatter3A_1491 = arith.constant 0 : i32
        %scatter3A_1492 = tpu.memref_slice %arg8[%rem3A_1073, %scan3A_1107, %scatter3A_1489, %scatter3A_1490, %scatter3A_1491] : memref<2x4x4x8x129xf32, #tpu.memory_space<vmem>> -> memref<1x1x4x8x129xf32, #tpu.memory_space<vmem>>
        %scatter3A_1493 = tpu.memref_squeeze %scatter3A_1492 : memref<1x1x4x8x129xf32, #tpu.memory_space<vmem>> -> memref<4x8x129xf32, #tpu.memory_space<vmem>>
        tpu.vector_store_idx %scatter3A_1493[%shift_right_logical3A_4, %rem3A_9, %add3A_1470], %get3A_1478 : memref<4x8x129xf32, #tpu.memory_space<vmem>>[vector<16xi32>, vector<16xi32>, vector<16xi32>], vector<16xf32>,
        %scatter3A_1494 = arith.constant 0 : i32
        %scatter3A_1495 = arith.constant 0 : i32
        %scatter3A_1496 = arith.constant 0 : i32
        %scatter3A_1497 = tpu.memref_slice %arg8[%rem3A_1073, %scan3A_1107, %scatter3A_1494, %scatter3A_1495, %scatter3A_1496] : memref<2x4x4x8x129xf32, #tpu.memory_space<vmem>> -> memref<1x1x4x8x129xf32, #tpu.memory_space<vmem>>
        %scatter3A_1498 = tpu.memref_squeeze %scatter3A_1497 : memref<1x1x4x8x129xf32, #tpu.memory_space<vmem>> -> memref<4x8x129xf32, #tpu.memory_space<vmem>>
        tpu.vector_store_idx %scatter3A_1498[%add3A_7, %rem3A_9, %add3A_1470], %get3A_1488 : memref<4x8x129xf32, #tpu.memory_space<vmem>>[vector<16xi32>, vector<16xi32>, vector<16xi32>], vector<16xf32>,
      }
      %scan3A_1112 = arith.constant 128 : i32
      %scan3A_1113 = arith.constant 0 : i32
      %scan3A_1114 = arith.constant 3 : i32
      %scan3A_1115 = arith.constant 0 : i32
      %scan3A_1116 = arith.constant 128 : i32
      %scan3A_1117 = arith.addi %scan3A_1115, %scan3A_1116 : i32
      %scan3A_1118 = arith.constant 8 : i32
      scf.for %scan3A_1220 = %scan3A_1115 to %scan3A_1117 step %scan3A_1118  : i32 {
        %mul3A_1221 = arith.constant 0 : i32
        %mul3A_1222 = vector.broadcast %mul3A_1221 : i32 to vector<16xi32>
        %mul3A_1223 = arith.muli %iota3A, %mul3A_1222 : vector<16xi32>
        %add3A_1224 = vector.broadcast %scan3A_1220 : i32 to vector<16xi32>
        %add3A_1225 = arith.addi %mul3A_1223, %add3A_1224 : vector<16xi32>
        %mul3A_1226 = arith.constant 2 : i32
        %mul3A_1227 = arith.muli %mul3A_1226, %scan3A_1220 : i32
        %add3A_1228 = arith.constant 768 : i32
        %add3A_1229 = arith.addi %add3A_1228, %mul3A_1227 : i32
        %get3A_1230 = arith.index_cast %rem3A_1073 : i32 to index
        %get3A_1231 = arith.index_cast %add3A_1229 : i32 to index
        %get3A_1232 = arith.constant 0 : index
        %get3A_1233 = tpu.vector_load %arg7[%get3A_1230, %get3A_1231, %get3A_1232] {strides = array<i32>} : memref<2x1024x16xf32, #tpu.memory_space<vmem>>, vector<16xf32>,
        %mul3A_1234 = arith.constant 2 : i32
        %mul3A_1235 = arith.muli %mul3A_1234, %scan3A_1220 : i32
        %add3A_1236 = arith.constant 768 : i32
        %add3A_1237 = arith.addi %add3A_1236, %mul3A_1235 : i32
        %add3A_1238 = arith.constant 1 : i32
        %add3A_1239 = arith.addi %add3A_1237, %add3A_1238 : i32
        %get3A_1240 = arith.index_cast %rem3A_1073 : i32 to index
        %get3A_1241 = arith.index_cast %add3A_1239 : i32 to index
        %get3A_1242 = arith.constant 0 : index
        %get3A_1243 = tpu.vector_load %arg7[%get3A_1240, %get3A_1241, %get3A_1242] {strides = array<i32>} : memref<2x1024x16xf32, #tpu.memory_space<vmem>>, vector<16xf32>,
        %scatter3A_1244 = arith.constant 0 : i32
        %scatter3A_1245 = arith.constant 0 : i32
        %scatter3A_1246 = arith.constant 0 : i32
        %scatter3A_1247 = tpu.memref_slice %arg8[%rem3A_1073, %scan3A_1114, %scatter3A_1244, %scatter3A_1245, %scatter3A_1246] : memref<2x4x4x8x129xf32, #tpu.memory_space<vmem>> -> memref<1x1x4x8x129xf32, #tpu.memory_space<vmem>>
        %scatter3A_1248 = tpu.memref_squeeze %scatter3A_1247 : memref<1x1x4x8x129xf32, #tpu.memory_space<vmem>> -> memref<4x8x129xf32, #tpu.memory_space<vmem>>
        tpu.vector_store_idx %scatter3A_1248[%shift_right_logical3A_4, %rem3A_9, %add3A_1225], %get3A_1233 : memref<4x8x129xf32, #tpu.memory_space<vmem>>[vector<16xi32>, vector<16xi32>, vector<16xi32>], vector<16xf32>,
        %scatter3A_1249 = arith.constant 0 : i32
        %scatter3A_1250 = arith.constant 0 : i32
        %scatter3A_1251 = arith.constant 0 : i32
        %scatter3A_1252 = tpu.memref_slice %arg8[%rem3A_1073, %scan3A_1114, %scatter3A_1249, %scatter3A_1250, %scatter3A_1251] : memref<2x4x4x8x129xf32, #tpu.memory_space<vmem>> -> memref<1x1x4x8x129xf32, #tpu.memory_space<vmem>>
        %scatter3A_1253 = tpu.memref_squeeze %scatter3A_1252 : memref<1x1x4x8x129xf32, #tpu.memory_space<vmem>> -> memref<4x8x129xf32, #tpu.memory_space<vmem>>
        tpu.vector_store_idx %scatter3A_1253[%add3A_7, %rem3A_9, %add3A_1225], %get3A_1243 : memref<4x8x129xf32, #tpu.memory_space<vmem>>[vector<16xi32>, vector<16xi32>, vector<16xi32>], vector<16xf32>,
        %scan3A_1254 = arith.constant 1 : i32
        %scan3A_1255 = arith.addi %scan3A_1220, %scan3A_1254 : i32
        %mul3A_1256 = arith.constant 0 : i32
        %mul3A_1257 = vector.broadcast %mul3A_1256 : i32 to vector<16xi32>
        %mul3A_1258 = arith.muli %iota3A, %mul3A_1257 : vector<16xi32>
        %add3A_1259 = vector.broadcast %scan3A_1255 : i32 to vector<16xi32>
        %add3A_1260 = arith.addi %mul3A_1258, %add3A_1259 : vector<16xi32>
        %mul3A_1261 = arith.constant 2 : i32
        %mul3A_1262 = arith.muli %mul3A_1261, %scan3A_1255 : i32
        %add3A_1263 = arith.constant 768 : i32
        %add3A_1264 = arith.addi %add3A_1263, %mul3A_1262 : i32
        %get3A_1265 = arith.index_cast %rem3A_1073 : i32 to index
        %get3A_1266 = arith.index_cast %add3A_1264 : i32 to index
        %get3A_1267 = arith.constant 0 : index
        %get3A_1268 = tpu.vector_load %arg7[%get3A_1265, %get3A_1266, %get3A_1267] {strides = array<i32>} : memref<2x1024x16xf32, #tpu.memory_space<vmem>>, vector<16xf32>,
        %mul3A_1269 = arith.constant 2 : i32
        %mul3A_1270 = arith.muli %mul3A_1269, %scan3A_1255 : i32
        %add3A_1271 = arith.constant 768 : i32
        %add3A_1272 = arith.addi %add3A_1271, %mul3A_1270 : i32
        %add3A_1273 = arith.constant 1 : i32
        %add3A_1274 = arith.addi %add3A_1272, %add3A_1273 : i32
        %get3A_1275 = arith.index_cast %rem3A_1073 : i32 to index
        %get3A_1276 = arith.index_cast %add3A_1274 : i32 to index
        %get3A_1277 = arith.constant 0 : index
        %get3A_1278 = tpu.vector_load %arg7[%get3A_1275, %get3A_1276, %get3A_1277] {strides = array<i32>} : memref<2x1024x16xf32, #tpu.memory_space<vmem>>, vector<16xf32>,
        %scatter3A_1279 = arith.constant 0 : i32
        %scatter3A_1280 = arith.constant 0 : i32
        %scatter3A_1281 = arith.constant 0 : i32
        %scatter3A_1282 = tpu.memref_slice %arg8[%rem3A_1073, %scan3A_1114, %scatter3A_1279, %scatter3A_1280, %scatter3A_1281] : memref<2x4x4x8x129xf32, #tpu.memory_space<vmem>> -> memref<1x1x4x8x129xf32, #tpu.memory_space<vmem>>
        %scatter3A_1283 = tpu.memref_squeeze %scatter3A_1282 : memref<1x1x4x8x129xf32, #tpu.memory_space<vmem>> -> memref<4x8x129xf32, #tpu.memory_space<vmem>>
        tpu.vector_store_idx %scatter3A_1283[%shift_right_logical3A_4, %rem3A_9, %add3A_1260], %get3A_1268 : memref<4x8x129xf32, #tpu.memory_space<vmem>>[vector<16xi32>, vector<16xi32>, vector<16xi32>], vector<16xf32>,
        %scatter3A_1284 = arith.constant 0 : i32
        %scatter3A_1285 = arith.constant 0 : i32
        %scatter3A_1286 = arith.constant 0 : i32
        %scatter3A_1287 = tpu.memref_slice %arg8[%rem3A_1073, %scan3A_1114, %scatter3A_1284, %scatter3A_1285, %scatter3A_1286] : memref<2x4x4x8x129xf32, #tpu.memory_space<vmem>> -> memref<1x1x4x8x129xf32, #tpu.memory_space<vmem>>
        %scatter3A_1288 = tpu.memref_squeeze %scatter3A_1287 : memref<1x1x4x8x129xf32, #tpu.memory_space<vmem>> -> memref<4x8x129xf32, #tpu.memory_space<vmem>>
        tpu.vector_store_idx %scatter3A_1288[%add3A_7, %rem3A_9, %add3A_1260], %get3A_1278 : memref<4x8x129xf32, #tpu.memory_space<vmem>>[vector<16xi32>, vector<16xi32>, vector<16xi32>], vector<16xf32>,
        %scan3A_1289 = arith.constant 2 : i32
        %scan3A_1290 = arith.addi %scan3A_1220, %scan3A_1289 : i32
        %mul3A_1291 = arith.constant 0 : i32
        %mul3A_1292 = vector.broadcast %mul3A_1291 : i32 to vector<16xi32>
        %mul3A_1293 = arith.muli %iota3A, %mul3A_1292 : vector<16xi32>
        %add3A_1294 = vector.broadcast %scan3A_1290 : i32 to vector<16xi32>
        %add3A_1295 = arith.addi %mul3A_1293, %add3A_1294 : vector<16xi32>
        %mul3A_1296 = arith.constant 2 : i32
        %mul3A_1297 = arith.muli %mul3A_1296, %scan3A_1290 : i32
        %add3A_1298 = arith.constant 768 : i32
        %add3A_1299 = arith.addi %add3A_1298, %mul3A_1297 : i32
        %get3A_1300 = arith.index_cast %rem3A_1073 : i32 to index
        %get3A_1301 = arith.index_cast %add3A_1299 : i32 to index
        %get3A_1302 = arith.constant 0 : index
        %get3A_1303 = tpu.vector_load %arg7[%get3A_1300, %get3A_1301, %get3A_1302] {strides = array<i32>} : memref<2x1024x16xf32, #tpu.memory_space<vmem>>, vector<16xf32>,
        %mul3A_1304 = arith.constant 2 : i32
        %mul3A_1305 = arith.muli %mul3A_1304, %scan3A_1290 : i32
        %add3A_1306 = arith.constant 768 : i32
        %add3A_1307 = arith.addi %add3A_1306, %mul3A_1305 : i32
        %add3A_1308 = arith.constant 1 : i32
        %add3A_1309 = arith.addi %add3A_1307, %add3A_1308 : i32
        %get3A_1310 = arith.index_cast %rem3A_1073 : i32 to index
        %get3A_1311 = arith.index_cast %add3A_1309 : i32 to index
        %get3A_1312 = arith.constant 0 : index
        %get3A_1313 = tpu.vector_load %arg7[%get3A_1310, %get3A_1311, %get3A_1312] {strides = array<i32>} : memref<2x1024x16xf32, #tpu.memory_space<vmem>>, vector<16xf32>,
        %scatter3A_1314 = arith.constant 0 : i32
        %scatter3A_1315 = arith.constant 0 : i32
        %scatter3A_1316 = arith.constant 0 : i32
        %scatter3A_1317 = tpu.memref_slice %arg8[%rem3A_1073, %scan3A_1114, %scatter3A_1314, %scatter3A_1315, %scatter3A_1316] : memref<2x4x4x8x129xf32, #tpu.memory_space<vmem>> -> memref<1x1x4x8x129xf32, #tpu.memory_space<vmem>>
        %scatter3A_1318 = tpu.memref_squeeze %scatter3A_1317 : memref<1x1x4x8x129xf32, #tpu.memory_space<vmem>> -> memref<4x8x129xf32, #tpu.memory_space<vmem>>
        tpu.vector_store_idx %scatter3A_1318[%shift_right_logical3A_4, %rem3A_9, %add3A_1295], %get3A_1303 : memref<4x8x129xf32, #tpu.memory_space<vmem>>[vector<16xi32>, vector<16xi32>, vector<16xi32>], vector<16xf32>,
        %scatter3A_1319 = arith.constant 0 : i32
        %scatter3A_1320 = arith.constant 0 : i32
        %scatter3A_1321 = arith.constant 0 : i32
        %scatter3A_1322 = tpu.memref_slice %arg8[%rem3A_1073, %scan3A_1114, %scatter3A_1319, %scatter3A_1320, %scatter3A_1321] : memref<2x4x4x8x129xf32, #tpu.memory_space<vmem>> -> memref<1x1x4x8x129xf32, #tpu.memory_space<vmem>>
        %scatter3A_1323 = tpu.memref_squeeze %scatter3A_1322 : memref<1x1x4x8x129xf32, #tpu.memory_space<vmem>> -> memref<4x8x129xf32, #tpu.memory_space<vmem>>
        tpu.vector_store_idx %scatter3A_1323[%add3A_7, %rem3A_9, %add3A_1295], %get3A_1313 : memref<4x8x129xf32, #tpu.memory_space<vmem>>[vector<16xi32>, vector<16xi32>, vector<16xi32>], vector<16xf32>,
        %scan3A_1324 = arith.constant 3 : i32
        %scan3A_1325 = arith.addi %scan3A_1220, %scan3A_1324 : i32
        %mul3A_1326 = arith.constant 0 : i32
        %mul3A_1327 = vector.broadcast %mul3A_1326 : i32 to vector<16xi32>
        %mul3A_1328 = arith.muli %iota3A, %mul3A_1327 : vector<16xi32>
        %add3A_1329 = vector.broadcast %scan3A_1325 : i32 to vector<16xi32>
        %add3A_1330 = arith.addi %mul3A_1328, %add3A_1329 : vector<16xi32>
        %mul3A_1331 = arith.constant 2 : i32
        %mul3A_1332 = arith.muli %mul3A_1331, %scan3A_1325 : i32
        %add3A_1333 = arith.constant 768 : i32
        %add3A_1334 = arith.addi %add3A_1333, %mul3A_1332 : i32
        %get3A_1335 = arith.index_cast %rem3A_1073 : i32 to index
        %get3A_1336 = arith.index_cast %add3A_1334 : i32 to index
        %get3A_1337 = arith.constant 0 : index
        %get3A_1338 = tpu.vector_load %arg7[%get3A_1335, %get3A_1336, %get3A_1337] {strides = array<i32>} : memref<2x1024x16xf32, #tpu.memory_space<vmem>>, vector<16xf32>,
        %mul3A_1339 = arith.constant 2 : i32
        %mul3A_1340 = arith.muli %mul3A_1339, %scan3A_1325 : i32
        %add3A_1341 = arith.constant 768 : i32
        %add3A_1342 = arith.addi %add3A_1341, %mul3A_1340 : i32
        %add3A_1343 = arith.constant 1 : i32
        %add3A_1344 = arith.addi %add3A_1342, %add3A_1343 : i32
        %get3A_1345 = arith.index_cast %rem3A_1073 : i32 to index
        %get3A_1346 = arith.index_cast %add3A_1344 : i32 to index
        %get3A_1347 = arith.constant 0 : index
        %get3A_1348 = tpu.vector_load %arg7[%get3A_1345, %get3A_1346, %get3A_1347] {strides = array<i32>} : memref<2x1024x16xf32, #tpu.memory_space<vmem>>, vector<16xf32>,
        %scatter3A_1349 = arith.constant 0 : i32
        %scatter3A_1350 = arith.constant 0 : i32
        %scatter3A_1351 = arith.constant 0 : i32
        %scatter3A_1352 = tpu.memref_slice %arg8[%rem3A_1073, %scan3A_1114, %scatter3A_1349, %scatter3A_1350, %scatter3A_1351] : memref<2x4x4x8x129xf32, #tpu.memory_space<vmem>> -> memref<1x1x4x8x129xf32, #tpu.memory_space<vmem>>
        %scatter3A_1353 = tpu.memref_squeeze %scatter3A_1352 : memref<1x1x4x8x129xf32, #tpu.memory_space<vmem>> -> memref<4x8x129xf32, #tpu.memory_space<vmem>>
        tpu.vector_store_idx %scatter3A_1353[%shift_right_logical3A_4, %rem3A_9, %add3A_1330], %get3A_1338 : memref<4x8x129xf32, #tpu.memory_space<vmem>>[vector<16xi32>, vector<16xi32>, vector<16xi32>], vector<16xf32>,
        %scatter3A_1354 = arith.constant 0 : i32
        %scatter3A_1355 = arith.constant 0 : i32
        %scatter3A_1356 = arith.constant 0 : i32
        %scatter3A_1357 = tpu.memref_slice %arg8[%rem3A_1073, %scan3A_1114, %scatter3A_1354, %scatter3A_1355, %scatter3A_1356] : memref<2x4x4x8x129xf32, #tpu.memory_space<vmem>> -> memref<1x1x4x8x129xf32, #tpu.memory_space<vmem>>
        %scatter3A_1358 = tpu.memref_squeeze %scatter3A_1357 : memref<1x1x4x8x129xf32, #tpu.memory_space<vmem>> -> memref<4x8x129xf32, #tpu.memory_space<vmem>>
        tpu.vector_store_idx %scatter3A_1358[%add3A_7, %rem3A_9, %add3A_1330], %get3A_1348 : memref<4x8x129xf32, #tpu.memory_space<vmem>>[vector<16xi32>, vector<16xi32>, vector<16xi32>], vector<16xf32>,
        %scan3A_1359 = arith.constant 4 : i32
        %scan3A_1360 = arith.addi %scan3A_1220, %scan3A_1359 : i32
        %mul3A_1361 = arith.constant 0 : i32
        %mul3A_1362 = vector.broadcast %mul3A_1361 : i32 to vector<16xi32>
        %mul3A_1363 = arith.muli %iota3A, %mul3A_1362 : vector<16xi32>
        %add3A_1364 = vector.broadcast %scan3A_1360 : i32 to vector<16xi32>
        %add3A_1365 = arith.addi %mul3A_1363, %add3A_1364 : vector<16xi32>
        %mul3A_1366 = arith.constant 2 : i32
        %mul3A_1367 = arith.muli %mul3A_1366, %scan3A_1360 : i32
        %add3A_1368 = arith.constant 768 : i32
        %add3A_1369 = arith.addi %add3A_1368, %mul3A_1367 : i32
        %get3A_1370 = arith.index_cast %rem3A_1073 : i32 to index
        %get3A_1371 = arith.index_cast %add3A_1369 : i32 to index
        %get3A_1372 = arith.constant 0 : index
        %get3A_1373 = tpu.vector_load %arg7[%get3A_1370, %get3A_1371, %get3A_1372] {strides = array<i32>} : memref<2x1024x16xf32, #tpu.memory_space<vmem>>, vector<16xf32>,
        %mul3A_1374 = arith.constant 2 : i32
        %mul3A_1375 = arith.muli %mul3A_1374, %scan3A_1360 : i32
        %add3A_1376 = arith.constant 768 : i32
        %add3A_1377 = arith.addi %add3A_1376, %mul3A_1375 : i32
        %add3A_1378 = arith.constant 1 : i32
        %add3A_1379 = arith.addi %add3A_1377, %add3A_1378 : i32
        %get3A_1380 = arith.index_cast %rem3A_1073 : i32 to index
        %get3A_1381 = arith.index_cast %add3A_1379 : i32 to index
        %get3A_1382 = arith.constant 0 : index
        %get3A_1383 = tpu.vector_load %arg7[%get3A_1380, %get3A_1381, %get3A_1382] {strides = array<i32>} : memref<2x1024x16xf32, #tpu.memory_space<vmem>>, vector<16xf32>,
        %scatter3A_1384 = arith.constant 0 : i32
        %scatter3A_1385 = arith.constant 0 : i32
        %scatter3A_1386 = arith.constant 0 : i32
        %scatter3A_1387 = tpu.memref_slice %arg8[%rem3A_1073, %scan3A_1114, %scatter3A_1384, %scatter3A_1385, %scatter3A_1386] : memref<2x4x4x8x129xf32, #tpu.memory_space<vmem>> -> memref<1x1x4x8x129xf32, #tpu.memory_space<vmem>>
        %scatter3A_1388 = tpu.memref_squeeze %scatter3A_1387 : memref<1x1x4x8x129xf32, #tpu.memory_space<vmem>> -> memref<4x8x129xf32, #tpu.memory_space<vmem>>
        tpu.vector_store_idx %scatter3A_1388[%shift_right_logical3A_4, %rem3A_9, %add3A_1365], %get3A_1373 : memref<4x8x129xf32, #tpu.memory_space<vmem>>[vector<16xi32>, vector<16xi32>, vector<16xi32>], vector<16xf32>,
        %scatter3A_1389 = arith.constant 0 : i32
        %scatter3A_1390 = arith.constant 0 : i32
        %scatter3A_1391 = arith.constant 0 : i32
        %scatter3A_1392 = tpu.memref_slice %arg8[%rem3A_1073, %scan3A_1114, %scatter3A_1389, %scatter3A_1390, %scatter3A_1391] : memref<2x4x4x8x129xf32, #tpu.memory_space<vmem>> -> memref<1x1x4x8x129xf32, #tpu.memory_space<vmem>>
        %scatter3A_1393 = tpu.memref_squeeze %scatter3A_1392 : memref<1x1x4x8x129xf32, #tpu.memory_space<vmem>> -> memref<4x8x129xf32, #tpu.memory_space<vmem>>
        tpu.vector_store_idx %scatter3A_1393[%add3A_7, %rem3A_9, %add3A_1365], %get3A_1383 : memref<4x8x129xf32, #tpu.memory_space<vmem>>[vector<16xi32>, vector<16xi32>, vector<16xi32>], vector<16xf32>,
        %scan3A_1394 = arith.constant 5 : i32
        %scan3A_1395 = arith.addi %scan3A_1220, %scan3A_1394 : i32
        %mul3A_1396 = arith.constant 0 : i32
        %mul3A_1397 = vector.broadcast %mul3A_1396 : i32 to vector<16xi32>
        %mul3A_1398 = arith.muli %iota3A, %mul3A_1397 : vector<16xi32>
        %add3A_1399 = vector.broadcast %scan3A_1395 : i32 to vector<16xi32>
        %add3A_1400 = arith.addi %mul3A_1398, %add3A_1399 : vector<16xi32>
        %mul3A_1401 = arith.constant 2 : i32
        %mul3A_1402 = arith.muli %mul3A_1401, %scan3A_1395 : i32
        %add3A_1403 = arith.constant 768 : i32
        %add3A_1404 = arith.addi %add3A_1403, %mul3A_1402 : i32
        %get3A_1405 = arith.index_cast %rem3A_1073 : i32 to index
        %get3A_1406 = arith.index_cast %add3A_1404 : i32 to index
        %get3A_1407 = arith.constant 0 : index
        %get3A_1408 = tpu.vector_load %arg7[%get3A_1405, %get3A_1406, %get3A_1407] {strides = array<i32>} : memref<2x1024x16xf32, #tpu.memory_space<vmem>>, vector<16xf32>,
        %mul3A_1409 = arith.constant 2 : i32
        %mul3A_1410 = arith.muli %mul3A_1409, %scan3A_1395 : i32
        %add3A_1411 = arith.constant 768 : i32
        %add3A_1412 = arith.addi %add3A_1411, %mul3A_1410 : i32
        %add3A_1413 = arith.constant 1 : i32
        %add3A_1414 = arith.addi %add3A_1412, %add3A_1413 : i32
        %get3A_1415 = arith.index_cast %rem3A_1073 : i32 to index
        %get3A_1416 = arith.index_cast %add3A_1414 : i32 to index
        %get3A_1417 = arith.constant 0 : index
        %get3A_1418 = tpu.vector_load %arg7[%get3A_1415, %get3A_1416, %get3A_1417] {strides = array<i32>} : memref<2x1024x16xf32, #tpu.memory_space<vmem>>, vector<16xf32>,
        %scatter3A_1419 = arith.constant 0 : i32
        %scatter3A_1420 = arith.constant 0 : i32
        %scatter3A_1421 = arith.constant 0 : i32
        %scatter3A_1422 = tpu.memref_slice %arg8[%rem3A_1073, %scan3A_1114, %scatter3A_1419, %scatter3A_1420, %scatter3A_1421] : memref<2x4x4x8x129xf32, #tpu.memory_space<vmem>> -> memref<1x1x4x8x129xf32, #tpu.memory_space<vmem>>
        %scatter3A_1423 = tpu.memref_squeeze %scatter3A_1422 : memref<1x1x4x8x129xf32, #tpu.memory_space<vmem>> -> memref<4x8x129xf32, #tpu.memory_space<vmem>>
        tpu.vector_store_idx %scatter3A_1423[%shift_right_logical3A_4, %rem3A_9, %add3A_1400], %get3A_1408 : memref<4x8x129xf32, #tpu.memory_space<vmem>>[vector<16xi32>, vector<16xi32>, vector<16xi32>], vector<16xf32>,
        %scatter3A_1424 = arith.constant 0 : i32
        %scatter3A_1425 = arith.constant 0 : i32
        %scatter3A_1426 = arith.constant 0 : i32
        %scatter3A_1427 = tpu.memref_slice %arg8[%rem3A_1073, %scan3A_1114, %scatter3A_1424, %scatter3A_1425, %scatter3A_1426] : memref<2x4x4x8x129xf32, #tpu.memory_space<vmem>> -> memref<1x1x4x8x129xf32, #tpu.memory_space<vmem>>
        %scatter3A_1428 = tpu.memref_squeeze %scatter3A_1427 : memref<1x1x4x8x129xf32, #tpu.memory_space<vmem>> -> memref<4x8x129xf32, #tpu.memory_space<vmem>>
        tpu.vector_store_idx %scatter3A_1428[%add3A_7, %rem3A_9, %add3A_1400], %get3A_1418 : memref<4x8x129xf32, #tpu.memory_space<vmem>>[vector<16xi32>, vector<16xi32>, vector<16xi32>], vector<16xf32>,
        %scan3A_1429 = arith.constant 6 : i32
        %scan3A_1430 = arith.addi %scan3A_1220, %scan3A_1429 : i32
        %mul3A_1431 = arith.constant 0 : i32
        %mul3A_1432 = vector.broadcast %mul3A_1431 : i32 to vector<16xi32>
        %mul3A_1433 = arith.muli %iota3A, %mul3A_1432 : vector<16xi32>
        %add3A_1434 = vector.broadcast %scan3A_1430 : i32 to vector<16xi32>
        %add3A_1435 = arith.addi %mul3A_1433, %add3A_1434 : vector<16xi32>
        %mul3A_1436 = arith.constant 2 : i32
        %mul3A_1437 = arith.muli %mul3A_1436, %scan3A_1430 : i32
        %add3A_1438 = arith.constant 768 : i32
        %add3A_1439 = arith.addi %add3A_1438, %mul3A_1437 : i32
        %get3A_1440 = arith.index_cast %rem3A_1073 : i32 to index
        %get3A_1441 = arith.index_cast %add3A_1439 : i32 to index
        %get3A_1442 = arith.constant 0 : index
        %get3A_1443 = tpu.vector_load %arg7[%get3A_1440, %get3A_1441, %get3A_1442] {strides = array<i32>} : memref<2x1024x16xf32, #tpu.memory_space<vmem>>, vector<16xf32>,
        %mul3A_1444 = arith.constant 2 : i32
        %mul3A_1445 = arith.muli %mul3A_1444, %scan3A_1430 : i32
        %add3A_1446 = arith.constant 768 : i32
        %add3A_1447 = arith.addi %add3A_1446, %mul3A_1445 : i32
        %add3A_1448 = arith.constant 1 : i32
        %add3A_1449 = arith.addi %add3A_1447, %add3A_1448 : i32
        %get3A_1450 = arith.index_cast %rem3A_1073 : i32 to index
        %get3A_1451 = arith.index_cast %add3A_1449 : i32 to index
        %get3A_1452 = arith.constant 0 : index
        %get3A_1453 = tpu.vector_load %arg7[%get3A_1450, %get3A_1451, %get3A_1452] {strides = array<i32>} : memref<2x1024x16xf32, #tpu.memory_space<vmem>>, vector<16xf32>,
        %scatter3A_1454 = arith.constant 0 : i32
        %scatter3A_1455 = arith.constant 0 : i32
        %scatter3A_1456 = arith.constant 0 : i32
        %scatter3A_1457 = tpu.memref_slice %arg8[%rem3A_1073, %scan3A_1114, %scatter3A_1454, %scatter3A_1455, %scatter3A_1456] : memref<2x4x4x8x129xf32, #tpu.memory_space<vmem>> -> memref<1x1x4x8x129xf32, #tpu.memory_space<vmem>>
        %scatter3A_1458 = tpu.memref_squeeze %scatter3A_1457 : memref<1x1x4x8x129xf32, #tpu.memory_space<vmem>> -> memref<4x8x129xf32, #tpu.memory_space<vmem>>
        tpu.vector_store_idx %scatter3A_1458[%shift_right_logical3A_4, %rem3A_9, %add3A_1435], %get3A_1443 : memref<4x8x129xf32, #tpu.memory_space<vmem>>[vector<16xi32>, vector<16xi32>, vector<16xi32>], vector<16xf32>,
        %scatter3A_1459 = arith.constant 0 : i32
        %scatter3A_1460 = arith.constant 0 : i32
        %scatter3A_1461 = arith.constant 0 : i32
        %scatter3A_1462 = tpu.memref_slice %arg8[%rem3A_1073, %scan3A_1114, %scatter3A_1459, %scatter3A_1460, %scatter3A_1461] : memref<2x4x4x8x129xf32, #tpu.memory_space<vmem>> -> memref<1x1x4x8x129xf32, #tpu.memory_space<vmem>>
        %scatter3A_1463 = tpu.memref_squeeze %scatter3A_1462 : memref<1x1x4x8x129xf32, #tpu.memory_space<vmem>> -> memref<4x8x129xf32, #tpu.memory_space<vmem>>
        tpu.vector_store_idx %scatter3A_1463[%add3A_7, %rem3A_9, %add3A_1435], %get3A_1453 : memref<4x8x129xf32, #tpu.memory_space<vmem>>[vector<16xi32>, vector<16xi32>, vector<16xi32>], vector<16xf32>,
        %scan3A_1464 = arith.constant 7 : i32
        %scan3A_1465 = arith.addi %scan3A_1220, %scan3A_1464 : i32
        %mul3A_1466 = arith.constant 0 : i32
        %mul3A_1467 = vector.broadcast %mul3A_1466 : i32 to vector<16xi32>
        %mul3A_1468 = arith.muli %iota3A, %mul3A_1467 : vector<16xi32>
        %add3A_1469 = vector.broadcast %scan3A_1465 : i32 to vector<16xi32>
        %add3A_1470 = arith.addi %mul3A_1468, %add3A_1469 : vector<16xi32>
        %mul3A_1471 = arith.constant 2 : i32
        %mul3A_1472 = arith.muli %mul3A_1471, %scan3A_1465 : i32
        %add3A_1473 = arith.constant 768 : i32
        %add3A_1474 = arith.addi %add3A_1473, %mul3A_1472 : i32
        %get3A_1475 = arith.index_cast %rem3A_1073 : i32 to index
        %get3A_1476 = arith.index_cast %add3A_1474 : i32 to index
        %get3A_1477 = arith.constant 0 : index
        %get3A_1478 = tpu.vector_load %arg7[%get3A_1475, %get3A_1476, %get3A_1477] {strides = array<i32>} : memref<2x1024x16xf32, #tpu.memory_space<vmem>>, vector<16xf32>,
        %mul3A_1479 = arith.constant 2 : i32
        %mul3A_1480 = arith.muli %mul3A_1479, %scan3A_1465 : i32
        %add3A_1481 = arith.constant 768 : i32
        %add3A_1482 = arith.addi %add3A_1481, %mul3A_1480 : i32
        %add3A_1483 = arith.constant 1 : i32
        %add3A_1484 = arith.addi %add3A_1482, %add3A_1483 : i32
        %get3A_1485 = arith.index_cast %rem3A_1073 : i32 to index
        %get3A_1486 = arith.index_cast %add3A_1484 : i32 to index
        %get3A_1487 = arith.constant 0 : index
        %get3A_1488 = tpu.vector_load %arg7[%get3A_1485, %get3A_1486, %get3A_1487] {strides = array<i32>} : memref<2x1024x16xf32, #tpu.memory_space<vmem>>, vector<16xf32>,
        %scatter3A_1489 = arith.constant 0 : i32
        %scatter3A_1490 = arith.constant 0 : i32
        %scatter3A_1491 = arith.constant 0 : i32
        %scatter3A_1492 = tpu.memref_slice %arg8[%rem3A_1073, %scan3A_1114, %scatter3A_1489, %scatter3A_1490, %scatter3A_1491] : memref<2x4x4x8x129xf32, #tpu.memory_space<vmem>> -> memref<1x1x4x8x129xf32, #tpu.memory_space<vmem>>
        %scatter3A_1493 = tpu.memref_squeeze %scatter3A_1492 : memref<1x1x4x8x129xf32, #tpu.memory_space<vmem>> -> memref<4x8x129xf32, #tpu.memory_space<vmem>>
        tpu.vector_store_idx %scatter3A_1493[%shift_right_logical3A_4, %rem3A_9, %add3A_1470], %get3A_1478 : memref<4x8x129xf32, #tpu.memory_space<vmem>>[vector<16xi32>, vector<16xi32>, vector<16xi32>], vector<16xf32>,
        %scatter3A_1494 = arith.constant 0 : i32
        %scatter3A_1495 = arith.constant 0 : i32
        %scatter3A_1496 = arith.constant 0 : i32
        %scatter3A_1497 = tpu.memref_slice %arg8[%rem3A_1073, %scan3A_1114, %scatter3A_1494, %scatter3A_1495, %scatter3A_1496] : memref<2x4x4x8x129xf32, #tpu.memory_space<vmem>> -> memref<1x1x4x8x129xf32, #tpu.memory_space<vmem>>
        %scatter3A_1498 = tpu.memref_squeeze %scatter3A_1497 : memref<1x1x4x8x129xf32, #tpu.memory_space<vmem>> -> memref<4x8x129xf32, #tpu.memory_space<vmem>>
        tpu.vector_store_idx %scatter3A_1498[%add3A_7, %rem3A_9, %add3A_1470], %get3A_1488 : memref<4x8x129xf32, #tpu.memory_space<vmem>>[vector<16xi32>, vector<16xi32>, vector<16xi32>], vector<16xf32>,
      }
      %scan3A_1119 = arith.constant 128 : i32
      %mul3A_1120 = arith.constant 4 : i32
      %mul3A_1121 = arith.muli %scan3A_1071, %mul3A_1120 : i32
      %add3A_1122 = arith.constant 0 : i32
      %add3A_1123 = arith.addi %mul3A_1121, %add3A_1122 : i32
      %dma_start3A_1124 = arith.constant 0 : i32
      %dma_start3A_1125 = arith.constant 0 : i32
      %dma_start3A_1126 = arith.constant 0 : i32
      %dma_start3A_1127 = arith.constant 0 : i32
      %dma_start3A_1128 = tpu.memref_slice %arg8[%rem3A_1073, %dma_start3A_1124, %dma_start3A_1125, %dma_start3A_1126, %dma_start3A_1127] : memref<2x4x4x8x129xf32, #tpu.memory_space<vmem>> -> memref<1x1x4x8x128xf32, #tpu.memory_space<vmem>>
      %dma_start3A_1129 = tpu.memref_squeeze %dma_start3A_1128 : memref<1x1x4x8x128xf32, #tpu.memory_space<vmem>> -> memref<4x8x128xf32, #tpu.memory_space<vmem>>
      %dma_start3A_1130 = arith.constant 0 : i32
      %dma_start3A_1131 = arith.constant 0 : i32
      %dma_start3A_1132 = arith.constant 0 : i32
      %dma_start3A_1133 = tpu.memref_slice %arg4[%add3A_1123, %dma_start3A_1130, %add3A, %dma_start3A_1131, %dma_start3A_1132] : memref<200x4x32x8x128xf32, #tpu.memory_space<hbm>> -> memref<1x4x1x8x128xf32, #tpu.memory_space<hbm>>
      %dma_start3A_1134 = tpu.memref_squeeze %dma_start3A_1133 : memref<1x4x1x8x128xf32, #tpu.memory_space<hbm>> -> memref<4x8x128xf32, #tpu.memory_space<hbm>>
      %dma_start3A_1135 = arith.constant 0 : i32
      %dma_start3A_1136 = arith.constant 0 : i32
      %dma_start3A_1137 = arith.constant 0 : i32
      %dma_start3A_1138 = tpu.memref_slice %arg4[%add3A_1123, %dma_start3A_1135, %add3A, %dma_start3A_1136, %dma_start3A_1137] : memref<200x4x32x8x128xf32, #tpu.memory_space<hbm>> -> memref<1x4x1x8x128xf32, #tpu.memory_space<hbm>>
      %dma_start3A_1139 = tpu.memref_squeeze %dma_start3A_1138 : memref<1x4x1x8x128xf32, #tpu.memory_space<hbm>> -> memref<4x8x128xf32, #tpu.memory_space<hbm>>
      %dma_start3A_1140 = arith.constant 0 : i32
      %dma_start3A_1141 = arith.constant 0 : i32
      %dma_start3A_1142 = arith.constant 0 : i32
      %dma_start3A_1143 = tpu.memref_slice %arg8[%rem3A_1073, %dma_start3A_1124, %dma_start3A_1140, %dma_start3A_1141, %dma_start3A_1142] : memref<2x4x4x8x129xf32, #tpu.memory_space<vmem>> -> memref<1x1x4x8x128xf32, #tpu.memory_space<vmem>>
      %dma_start3A_1144 = tpu.memref_squeeze %dma_start3A_1143 : memref<1x1x4x8x128xf32, #tpu.memory_space<vmem>> -> memref<4x8x128xf32, #tpu.memory_space<vmem>>
      tpu.enqueue_dma source(%dma_start3A_1144 : memref<4x8x128xf32, #tpu.memory_space<vmem>>) target(%dma_start3A_1139 : memref<4x8x128xf32, #tpu.memory_space<hbm>>) target_semaphore(%arg10 : memref<!tpu.dma_semaphore, #tpu.memory_space<semaphore_mem>>)
      %mul3A_1145 = arith.constant 4 : i32
      %mul3A_1146 = arith.muli %scan3A_1071, %mul3A_1145 : i32
      %add3A_1147 = arith.constant 1 : i32
      %add3A_1148 = arith.addi %mul3A_1146, %add3A_1147 : i32
      %dma_start3A_1149 = arith.constant 1 : i32
      %dma_start3A_1150 = arith.constant 0 : i32
      %dma_start3A_1151 = arith.constant 0 : i32
      %dma_start3A_1152 = arith.constant 0 : i32
      %dma_start3A_1153 = tpu.memref_slice %arg8[%rem3A_1073, %dma_start3A_1149, %dma_start3A_1150, %dma_start3A_1151, %dma_start3A_1152] : memref<2x4x4x8x129xf32, #tpu.memory_space<vmem>> -> memref<1x1x4x8x128xf32, #tpu.memory_space<vmem>>
      %dma_start3A_1154 = tpu.memref_squeeze %dma_start3A_1153 : memref<1x1x4x8x128xf32, #tpu.memory_space<vmem>> -> memref<4x8x128xf32, #tpu.memory_space<vmem>>
      %dma_start3A_1155 = arith.constant 0 : i32
      %dma_start3A_1156 = arith.constant 0 : i32
      %dma_start3A_1157 = arith.constant 0 : i32
      %dma_start3A_1158 = tpu.memref_slice %arg4[%add3A_1148, %dma_start3A_1155, %add3A, %dma_start3A_1156, %dma_start3A_1157] : memref<200x4x32x8x128xf32, #tpu.memory_space<hbm>> -> memref<1x4x1x8x128xf32, #tpu.memory_space<hbm>>
      %dma_start3A_1159 = tpu.memref_squeeze %dma_start3A_1158 : memref<1x4x1x8x128xf32, #tpu.memory_space<hbm>> -> memref<4x8x128xf32, #tpu.memory_space<hbm>>
      %dma_start3A_1160 = arith.constant 0 : i32
      %dma_start3A_1161 = arith.constant 0 : i32
      %dma_start3A_1162 = arith.constant 0 : i32
      %dma_start3A_1163 = tpu.memref_slice %arg4[%add3A_1148, %dma_start3A_1160, %add3A, %dma_start3A_1161, %dma_start3A_1162] : memref<200x4x32x8x128xf32, #tpu.memory_space<hbm>> -> memref<1x4x1x8x128xf32, #tpu.memory_space<hbm>>
      %dma_start3A_1164 = tpu.memref_squeeze %dma_start3A_1163 : memref<1x4x1x8x128xf32, #tpu.memory_space<hbm>> -> memref<4x8x128xf32, #tpu.memory_space<hbm>>
      %dma_start3A_1165 = arith.constant 0 : i32
      %dma_start3A_1166 = arith.constant 0 : i32
      %dma_start3A_1167 = arith.constant 0 : i32
      %dma_start3A_1168 = tpu.memref_slice %arg8[%rem3A_1073, %dma_start3A_1149, %dma_start3A_1165, %dma_start3A_1166, %dma_start3A_1167] : memref<2x4x4x8x129xf32, #tpu.memory_space<vmem>> -> memref<1x1x4x8x128xf32, #tpu.memory_space<vmem>>
      %dma_start3A_1169 = tpu.memref_squeeze %dma_start3A_1168 : memref<1x1x4x8x128xf32, #tpu.memory_space<vmem>> -> memref<4x8x128xf32, #tpu.memory_space<vmem>>
      tpu.enqueue_dma source(%dma_start3A_1169 : memref<4x8x128xf32, #tpu.memory_space<vmem>>) target(%dma_start3A_1164 : memref<4x8x128xf32, #tpu.memory_space<hbm>>) target_semaphore(%arg10 : memref<!tpu.dma_semaphore, #tpu.memory_space<semaphore_mem>>)
      %mul3A_1170 = arith.constant 4 : i32
      %mul3A_1171 = arith.muli %scan3A_1071, %mul3A_1170 : i32
      %add3A_1172 = arith.constant 2 : i32
      %add3A_1173 = arith.addi %mul3A_1171, %add3A_1172 : i32
      %dma_start3A_1174 = arith.constant 2 : i32
      %dma_start3A_1175 = arith.constant 0 : i32
      %dma_start3A_1176 = arith.constant 0 : i32
      %dma_start3A_1177 = arith.constant 0 : i32
      %dma_start3A_1178 = tpu.memref_slice %arg8[%rem3A_1073, %dma_start3A_1174, %dma_start3A_1175, %dma_start3A_1176, %dma_start3A_1177] : memref<2x4x4x8x129xf32, #tpu.memory_space<vmem>> -> memref<1x1x4x8x128xf32, #tpu.memory_space<vmem>>
      %dma_start3A_1179 = tpu.memref_squeeze %dma_start3A_1178 : memref<1x1x4x8x128xf32, #tpu.memory_space<vmem>> -> memref<4x8x128xf32, #tpu.memory_space<vmem>>
      %dma_start3A_1180 = arith.constant 0 : i32
      %dma_start3A_1181 = arith.constant 0 : i32
      %dma_start3A_1182 = arith.constant 0 : i32
      %dma_start3A_1183 = tpu.memref_slice %arg4[%add3A_1173, %dma_start3A_1180, %add3A, %dma_start3A_1181, %dma_start3A_1182] : memref<200x4x32x8x128xf32, #tpu.memory_space<hbm>> -> memref<1x4x1x8x128xf32, #tpu.memory_space<hbm>>
      %dma_start3A_1184 = tpu.memref_squeeze %dma_start3A_1183 : memref<1x4x1x8x128xf32, #tpu.memory_space<hbm>> -> memref<4x8x128xf32, #tpu.memory_space<hbm>>
      %dma_start3A_1185 = arith.constant 0 : i32
      %dma_start3A_1186 = arith.constant 0 : i32
      %dma_start3A_1187 = arith.constant 0 : i32
      %dma_start3A_1188 = tpu.memref_slice %arg4[%add3A_1173, %dma_start3A_1185, %add3A, %dma_start3A_1186, %dma_start3A_1187] : memref<200x4x32x8x128xf32, #tpu.memory_space<hbm>> -> memref<1x4x1x8x128xf32, #tpu.memory_space<hbm>>
      %dma_start3A_1189 = tpu.memref_squeeze %dma_start3A_1188 : memref<1x4x1x8x128xf32, #tpu.memory_space<hbm>> -> memref<4x8x128xf32, #tpu.memory_space<hbm>>
      %dma_start3A_1190 = arith.constant 0 : i32
      %dma_start3A_1191 = arith.constant 0 : i32
      %dma_start3A_1192 = arith.constant 0 : i32
      %dma_start3A_1193 = tpu.memref_slice %arg8[%rem3A_1073, %dma_start3A_1174, %dma_start3A_1190, %dma_start3A_1191, %dma_start3A_1192] : memref<2x4x4x8x129xf32, #tpu.memory_space<vmem>> -> memref<1x1x4x8x128xf32, #tpu.memory_space<vmem>>
      %dma_start3A_1194 = tpu.memref_squeeze %dma_start3A_1193 : memref<1x1x4x8x128xf32, #tpu.memory_space<vmem>> -> memref<4x8x128xf32, #tpu.memory_space<vmem>>
      tpu.enqueue_dma source(%dma_start3A_1194 : memref<4x8x128xf32, #tpu.memory_space<vmem>>) target(%dma_start3A_1189 : memref<4x8x128xf32, #tpu.memory_space<hbm>>) target_semaphore(%arg10 : memref<!tpu.dma_semaphore, #tpu.memory_space<semaphore_mem>>)
      %mul3A_1195 = arith.constant 4 : i32
      %mul3A_1196 = arith.muli %scan3A_1071, %mul3A_1195 : i32
      %add3A_1197 = arith.constant 3 : i32
      %add3A_1198 = arith.addi %mul3A_1196, %add3A_1197 : i32
      %dma_start3A_1199 = arith.constant 3 : i32
      %dma_start3A_1200 = arith.constant 0 : i32
      %dma_start3A_1201 = arith.constant 0 : i32
      %dma_start3A_1202 = arith.constant 0 : i32
      %dma_start3A_1203 = tpu.memref_slice %arg8[%rem3A_1073, %dma_start3A_1199, %dma_start3A_1200, %dma_start3A_1201, %dma_start3A_1202] : memref<2x4x4x8x129xf32, #tpu.memory_space<vmem>> -> memref<1x1x4x8x128xf32, #tpu.memory_space<vmem>>
      %dma_start3A_1204 = tpu.memref_squeeze %dma_start3A_1203 : memref<1x1x4x8x128xf32, #tpu.memory_space<vmem>> -> memref<4x8x128xf32, #tpu.memory_space<vmem>>
      %dma_start3A_1205 = arith.constant 0 : i32
      %dma_start3A_1206 = arith.constant 0 : i32
      %dma_start3A_1207 = arith.constant 0 : i32
      %dma_start3A_1208 = tpu.memref_slice %arg4[%add3A_1198, %dma_start3A_1205, %add3A, %dma_start3A_1206, %dma_start3A_1207] : memref<200x4x32x8x128xf32, #tpu.memory_space<hbm>> -> memref<1x4x1x8x128xf32, #tpu.memory_space<hbm>>
      %dma_start3A_1209 = tpu.memref_squeeze %dma_start3A_1208 : memref<1x4x1x8x128xf32, #tpu.memory_space<hbm>> -> memref<4x8x128xf32, #tpu.memory_space<hbm>>
      %dma_start3A_1210 = arith.constant 0 : i32
      %dma_start3A_1211 = arith.constant 0 : i32
      %dma_start3A_1212 = arith.constant 0 : i32
      %dma_start3A_1213 = tpu.memref_slice %arg4[%add3A_1198, %dma_start3A_1210, %add3A, %dma_start3A_1211, %dma_start3A_1212] : memref<200x4x32x8x128xf32, #tpu.memory_space<hbm>> -> memref<1x4x1x8x128xf32, #tpu.memory_space<hbm>>
      %dma_start3A_1214 = tpu.memref_squeeze %dma_start3A_1213 : memref<1x4x1x8x128xf32, #tpu.memory_space<hbm>> -> memref<4x8x128xf32, #tpu.memory_space<hbm>>
      %dma_start3A_1215 = arith.constant 0 : i32
      %dma_start3A_1216 = arith.constant 0 : i32
      %dma_start3A_1217 = arith.constant 0 : i32
      %dma_start3A_1218 = tpu.memref_slice %arg8[%rem3A_1073, %dma_start3A_1199, %dma_start3A_1215, %dma_start3A_1216, %dma_start3A_1217] : memref<2x4x4x8x129xf32, #tpu.memory_space<vmem>> -> memref<1x1x4x8x128xf32, #tpu.memory_space<vmem>>
      %dma_start3A_1219 = tpu.memref_squeeze %dma_start3A_1218 : memref<1x1x4x8x128xf32, #tpu.memory_space<vmem>> -> memref<4x8x128xf32, #tpu.memory_space<vmem>>
      tpu.enqueue_dma source(%dma_start3A_1219 : memref<4x8x128xf32, #tpu.memory_space<vmem>>) target(%dma_start3A_1214 : memref<4x8x128xf32, #tpu.memory_space<hbm>>) target_semaphore(%arg10 : memref<!tpu.dma_semaphore, #tpu.memory_space<semaphore_mem>>)
    }
    %scan3A_887 = arith.constant 50 : i32
    %dma_wait3A = arith.constant 0 : i32
    %dma_wait3A_888 = arith.constant 0 : i32
    %dma_wait3A_889 = arith.constant 192 : i32
    %dma_wait3A_890 = arith.constant 0 : i32
    %dma_wait3A_891 = arith.constant 0 : i32
    %dma_wait3A_892 = arith.constant 0 : i32
    %dma_wait3A_893 = tpu.memref_slice %arg8[%dma_wait3A, %dma_wait3A_888, %dma_wait3A_890, %dma_wait3A_891, %dma_wait3A_892] : memref<2x4x4x8x129xf32, #tpu.memory_space<vmem>> -> memref<1x1x4x8x128xf32, #tpu.memory_space<vmem>>
    %dma_wait3A_894 = tpu.memref_squeeze %dma_wait3A_893 : memref<1x1x4x8x128xf32, #tpu.memory_space<vmem>> -> memref<4x8x128xf32, #tpu.memory_space<vmem>>
    %dma_wait3A_895 = arith.constant 0 : i32
    %dma_wait3A_896 = arith.constant 0 : i32
    %dma_wait3A_897 = arith.constant 0 : i32
    %dma_wait3A_898 = tpu.memref_slice %arg4[%dma_wait3A_889, %dma_wait3A_895, %add3A, %dma_wait3A_896, %dma_wait3A_897] : memref<200x4x32x8x128xf32, #tpu.memory_space<hbm>> -> memref<1x4x1x8x128xf32, #tpu.memory_space<hbm>>
    %dma_wait3A_899 = tpu.memref_squeeze %dma_wait3A_898 : memref<1x4x1x8x128xf32, #tpu.memory_space<hbm>> -> memref<4x8x128xf32, #tpu.memory_space<hbm>>
    %dma_wait3A_900 = arith.constant 0 : i32
    %dma_wait3A_901 = arith.constant 0 : i32
    %dma_wait3A_902 = arith.constant 0 : i32
    %dma_wait3A_903 = tpu.memref_slice %arg4[%dma_wait3A_889, %dma_wait3A_900, %add3A, %dma_wait3A_901, %dma_wait3A_902] : memref<200x4x32x8x128xf32, #tpu.memory_space<hbm>> -> memref<1x4x1x8x128xf32, #tpu.memory_space<hbm>>
    %dma_wait3A_904 = tpu.memref_squeeze %dma_wait3A_903 : memref<1x4x1x8x128xf32, #tpu.memory_space<hbm>> -> memref<4x8x128xf32, #tpu.memory_space<hbm>>
    %dma_wait3A_905 = arith.constant 0 : i32
    %dma_wait3A_906 = arith.constant 0 : i32
    %dma_wait3A_907 = arith.constant 0 : i32
    %dma_wait3A_908 = tpu.memref_slice %arg8[%dma_wait3A, %dma_wait3A_888, %dma_wait3A_905, %dma_wait3A_906, %dma_wait3A_907] : memref<2x4x4x8x129xf32, #tpu.memory_space<vmem>> -> memref<1x1x4x8x128xf32, #tpu.memory_space<vmem>>
    %dma_wait3A_909 = tpu.memref_squeeze %dma_wait3A_908 : memref<1x1x4x8x128xf32, #tpu.memory_space<vmem>> -> memref<4x8x128xf32, #tpu.memory_space<vmem>>
    tpu.wait_dma2 semaphore(%arg10 : memref<!tpu.dma_semaphore, #tpu.memory_space<semaphore_mem>>) src(%dma_wait3A_909 : memref<4x8x128xf32, #tpu.memory_space<vmem>>) dst(%dma_wait3A_904 : memref<4x8x128xf32, #tpu.memory_space<hbm>>)
    %dma_wait3A_910 = arith.constant 0 : i32
    %dma_wait3A_911 = arith.constant 1 : i32
    %dma_wait3A_912 = arith.constant 193 : i32
    %dma_wait3A_913 = arith.constant 0 : i32
    %dma_wait3A_914 = arith.constant 0 : i32
    %dma_wait3A_915 = arith.constant 0 : i32
    %dma_wait3A_916 = tpu.memref_slice %arg8[%dma_wait3A_910, %dma_wait3A_911, %dma_wait3A_913, %dma_wait3A_914, %dma_wait3A_915] : memref<2x4x4x8x129xf32, #tpu.memory_space<vmem>> -> memref<1x1x4x8x128xf32, #tpu.memory_space<vmem>>
    %dma_wait3A_917 = tpu.memref_squeeze %dma_wait3A_916 : memref<1x1x4x8x128xf32, #tpu.memory_space<vmem>> -> memref<4x8x128xf32, #tpu.memory_space<vmem>>
    %dma_wait3A_918 = arith.constant 0 : i32
    %dma_wait3A_919 = arith.constant 0 : i32
    %dma_wait3A_920 = arith.constant 0 : i32
    %dma_wait3A_921 = tpu.memref_slice %arg4[%dma_wait3A_912, %dma_wait3A_918, %add3A, %dma_wait3A_919, %dma_wait3A_920] : memref<200x4x32x8x128xf32, #tpu.memory_space<hbm>> -> memref<1x4x1x8x128xf32, #tpu.memory_space<hbm>>
    %dma_wait3A_922 = tpu.memref_squeeze %dma_wait3A_921 : memref<1x4x1x8x128xf32, #tpu.memory_space<hbm>> -> memref<4x8x128xf32, #tpu.memory_space<hbm>>
    %dma_wait3A_923 = arith.constant 0 : i32
    %dma_wait3A_924 = arith.constant 0 : i32
    %dma_wait3A_925 = arith.constant 0 : i32
    %dma_wait3A_926 = tpu.memref_slice %arg4[%dma_wait3A_912, %dma_wait3A_923, %add3A, %dma_wait3A_924, %dma_wait3A_925] : memref<200x4x32x8x128xf32, #tpu.memory_space<hbm>> -> memref<1x4x1x8x128xf32, #tpu.memory_space<hbm>>
    %dma_wait3A_927 = tpu.memref_squeeze %dma_wait3A_926 : memref<1x4x1x8x128xf32, #tpu.memory_space<hbm>> -> memref<4x8x128xf32, #tpu.memory_space<hbm>>
    %dma_wait3A_928 = arith.constant 0 : i32
    %dma_wait3A_929 = arith.constant 0 : i32
    %dma_wait3A_930 = arith.constant 0 : i32
    %dma_wait3A_931 = tpu.memref_slice %arg8[%dma_wait3A_910, %dma_wait3A_911, %dma_wait3A_928, %dma_wait3A_929, %dma_wait3A_930] : memref<2x4x4x8x129xf32, #tpu.memory_space<vmem>> -> memref<1x1x4x8x128xf32, #tpu.memory_space<vmem>>
    %dma_wait3A_932 = tpu.memref_squeeze %dma_wait3A_931 : memref<1x1x4x8x128xf32, #tpu.memory_space<vmem>> -> memref<4x8x128xf32, #tpu.memory_space<vmem>>
    tpu.wait_dma2 semaphore(%arg10 : memref<!tpu.dma_semaphore, #tpu.memory_space<semaphore_mem>>) src(%dma_wait3A_932 : memref<4x8x128xf32, #tpu.memory_space<vmem>>) dst(%dma_wait3A_927 : memref<4x8x128xf32, #tpu.memory_space<hbm>>)
    %dma_wait3A_933 = arith.constant 0 : i32
    %dma_wait3A_934 = arith.constant 2 : i32
    %dma_wait3A_935 = arith.constant 194 : i32
    %dma_wait3A_936 = arith.constant 0 : i32
    %dma_wait3A_937 = arith.constant 0 : i32
    %dma_wait3A_938 = arith.constant 0 : i32
    %dma_wait3A_939 = tpu.memref_slice %arg8[%dma_wait3A_933, %dma_wait3A_934, %dma_wait3A_936, %dma_wait3A_937, %dma_wait3A_938] : memref<2x4x4x8x129xf32, #tpu.memory_space<vmem>> -> memref<1x1x4x8x128xf32, #tpu.memory_space<vmem>>
    %dma_wait3A_940 = tpu.memref_squeeze %dma_wait3A_939 : memref<1x1x4x8x128xf32, #tpu.memory_space<vmem>> -> memref<4x8x128xf32, #tpu.memory_space<vmem>>
    %dma_wait3A_941 = arith.constant 0 : i32
    %dma_wait3A_942 = arith.constant 0 : i32
    %dma_wait3A_943 = arith.constant 0 : i32
    %dma_wait3A_944 = tpu.memref_slice %arg4[%dma_wait3A_935, %dma_wait3A_941, %add3A, %dma_wait3A_942, %dma_wait3A_943] : memref<200x4x32x8x128xf32, #tpu.memory_space<hbm>> -> memref<1x4x1x8x128xf32, #tpu.memory_space<hbm>>
    %dma_wait3A_945 = tpu.memref_squeeze %dma_wait3A_944 : memref<1x4x1x8x128xf32, #tpu.memory_space<hbm>> -> memref<4x8x128xf32, #tpu.memory_space<hbm>>
    %dma_wait3A_946 = arith.constant 0 : i32
    %dma_wait3A_947 = arith.constant 0 : i32
    %dma_wait3A_948 = arith.constant 0 : i32
    %dma_wait3A_949 = tpu.memref_slice %arg4[%dma_wait3A_935, %dma_wait3A_946, %add3A, %dma_wait3A_947, %dma_wait3A_948] : memref<200x4x32x8x128xf32, #tpu.memory_space<hbm>> -> memref<1x4x1x8x128xf32, #tpu.memory_space<hbm>>
    %dma_wait3A_950 = tpu.memref_squeeze %dma_wait3A_949 : memref<1x4x1x8x128xf32, #tpu.memory_space<hbm>> -> memref<4x8x128xf32, #tpu.memory_space<hbm>>
    %dma_wait3A_951 = arith.constant 0 : i32
    %dma_wait3A_952 = arith.constant 0 : i32
    %dma_wait3A_953 = arith.constant 0 : i32
    %dma_wait3A_954 = tpu.memref_slice %arg8[%dma_wait3A_933, %dma_wait3A_934, %dma_wait3A_951, %dma_wait3A_952, %dma_wait3A_953] : memref<2x4x4x8x129xf32, #tpu.memory_space<vmem>> -> memref<1x1x4x8x128xf32, #tpu.memory_space<vmem>>
    %dma_wait3A_955 = tpu.memref_squeeze %dma_wait3A_954 : memref<1x1x4x8x128xf32, #tpu.memory_space<vmem>> -> memref<4x8x128xf32, #tpu.memory_space<vmem>>
    tpu.wait_dma2 semaphore(%arg10 : memref<!tpu.dma_semaphore, #tpu.memory_space<semaphore_mem>>) src(%dma_wait3A_955 : memref<4x8x128xf32, #tpu.memory_space<vmem>>) dst(%dma_wait3A_950 : memref<4x8x128xf32, #tpu.memory_space<hbm>>)
    %dma_wait3A_956 = arith.constant 0 : i32
    %dma_wait3A_957 = arith.constant 3 : i32
    %dma_wait3A_958 = arith.constant 195 : i32
    %dma_wait3A_959 = arith.constant 0 : i32
    %dma_wait3A_960 = arith.constant 0 : i32
    %dma_wait3A_961 = arith.constant 0 : i32
    %dma_wait3A_962 = tpu.memref_slice %arg8[%dma_wait3A_956, %dma_wait3A_957, %dma_wait3A_959, %dma_wait3A_960, %dma_wait3A_961] : memref<2x4x4x8x129xf32, #tpu.memory_space<vmem>> -> memref<1x1x4x8x128xf32, #tpu.memory_space<vmem>>
    %dma_wait3A_963 = tpu.memref_squeeze %dma_wait3A_962 : memref<1x1x4x8x128xf32, #tpu.memory_space<vmem>> -> memref<4x8x128xf32, #tpu.memory_space<vmem>>
    %dma_wait3A_964 = arith.constant 0 : i32
    %dma_wait3A_965 = arith.constant 0 : i32
    %dma_wait3A_966 = arith.constant 0 : i32
    %dma_wait3A_967 = tpu.memref_slice %arg4[%dma_wait3A_958, %dma_wait3A_964, %add3A, %dma_wait3A_965, %dma_wait3A_966] : memref<200x4x32x8x128xf32, #tpu.memory_space<hbm>> -> memref<1x4x1x8x128xf32, #tpu.memory_space<hbm>>
    %dma_wait3A_968 = tpu.memref_squeeze %dma_wait3A_967 : memref<1x4x1x8x128xf32, #tpu.memory_space<hbm>> -> memref<4x8x128xf32, #tpu.memory_space<hbm>>
    %dma_wait3A_969 = arith.constant 0 : i32
    %dma_wait3A_970 = arith.constant 0 : i32
    %dma_wait3A_971 = arith.constant 0 : i32
    %dma_wait3A_972 = tpu.memref_slice %arg4[%dma_wait3A_958, %dma_wait3A_969, %add3A, %dma_wait3A_970, %dma_wait3A_971] : memref<200x4x32x8x128xf32, #tpu.memory_space<hbm>> -> memref<1x4x1x8x128xf32, #tpu.memory_space<hbm>>
    %dma_wait3A_973 = tpu.memref_squeeze %dma_wait3A_972 : memref<1x4x1x8x128xf32, #tpu.memory_space<hbm>> -> memref<4x8x128xf32, #tpu.memory_space<hbm>>
    %dma_wait3A_974 = arith.constant 0 : i32
    %dma_wait3A_975 = arith.constant 0 : i32
    %dma_wait3A_976 = arith.constant 0 : i32
    %dma_wait3A_977 = tpu.memref_slice %arg8[%dma_wait3A_956, %dma_wait3A_957, %dma_wait3A_974, %dma_wait3A_975, %dma_wait3A_976] : memref<2x4x4x8x129xf32, #tpu.memory_space<vmem>> -> memref<1x1x4x8x128xf32, #tpu.memory_space<vmem>>
    %dma_wait3A_978 = tpu.memref_squeeze %dma_wait3A_977 : memref<1x1x4x8x128xf32, #tpu.memory_space<vmem>> -> memref<4x8x128xf32, #tpu.memory_space<vmem>>
    tpu.wait_dma2 semaphore(%arg10 : memref<!tpu.dma_semaphore, #tpu.memory_space<semaphore_mem>>) src(%dma_wait3A_978 : memref<4x8x128xf32, #tpu.memory_space<vmem>>) dst(%dma_wait3A_973 : memref<4x8x128xf32, #tpu.memory_space<hbm>>)
    %dma_wait3A_979 = arith.constant 1 : i32
    %dma_wait3A_980 = arith.constant 0 : i32
    %dma_wait3A_981 = arith.constant 196 : i32
    %dma_wait3A_982 = arith.constant 0 : i32
    %dma_wait3A_983 = arith.constant 0 : i32
    %dma_wait3A_984 = arith.constant 0 : i32
    %dma_wait3A_985 = tpu.memref_slice %arg8[%dma_wait3A_979, %dma_wait3A_980, %dma_wait3A_982, %dma_wait3A_983, %dma_wait3A_984] : memref<2x4x4x8x129xf32, #tpu.memory_space<vmem>> -> memref<1x1x4x8x128xf32, #tpu.memory_space<vmem>>
    %dma_wait3A_986 = tpu.memref_squeeze %dma_wait3A_985 : memref<1x1x4x8x128xf32, #tpu.memory_space<vmem>> -> memref<4x8x128xf32, #tpu.memory_space<vmem>>
    %dma_wait3A_987 = arith.constant 0 : i32
    %dma_wait3A_988 = arith.constant 0 : i32
    %dma_wait3A_989 = arith.constant 0 : i32
    %dma_wait3A_990 = tpu.memref_slice %arg4[%dma_wait3A_981, %dma_wait3A_987, %add3A, %dma_wait3A_988, %dma_wait3A_989] : memref<200x4x32x8x128xf32, #tpu.memory_space<hbm>> -> memref<1x4x1x8x128xf32, #tpu.memory_space<hbm>>
    %dma_wait3A_991 = tpu.memref_squeeze %dma_wait3A_990 : memref<1x4x1x8x128xf32, #tpu.memory_space<hbm>> -> memref<4x8x128xf32, #tpu.memory_space<hbm>>
    %dma_wait3A_992 = arith.constant 0 : i32
    %dma_wait3A_993 = arith.constant 0 : i32
    %dma_wait3A_994 = arith.constant 0 : i32
    %dma_wait3A_995 = tpu.memref_slice %arg4[%dma_wait3A_981, %dma_wait3A_992, %add3A, %dma_wait3A_993, %dma_wait3A_994] : memref<200x4x32x8x128xf32, #tpu.memory_space<hbm>> -> memref<1x4x1x8x128xf32, #tpu.memory_space<hbm>>
    %dma_wait3A_996 = tpu.memref_squeeze %dma_wait3A_995 : memref<1x4x1x8x128xf32, #tpu.memory_space<hbm>> -> memref<4x8x128xf32, #tpu.memory_space<hbm>>
    %dma_wait3A_997 = arith.constant 0 : i32
    %dma_wait3A_998 = arith.constant 0 : i32
    %dma_wait3A_999 = arith.constant 0 : i32
    %dma_wait3A_1000 = tpu.memref_slice %arg8[%dma_wait3A_979, %dma_wait3A_980, %dma_wait3A_997, %dma_wait3A_998, %dma_wait3A_999] : memref<2x4x4x8x129xf32, #tpu.memory_space<vmem>> -> memref<1x1x4x8x128xf32, #tpu.memory_space<vmem>>
    %dma_wait3A_1001 = tpu.memref_squeeze %dma_wait3A_1000 : memref<1x1x4x8x128xf32, #tpu.memory_space<vmem>> -> memref<4x8x128xf32, #tpu.memory_space<vmem>>
    tpu.wait_dma2 semaphore(%arg10 : memref<!tpu.dma_semaphore, #tpu.memory_space<semaphore_mem>>) src(%dma_wait3A_1001 : memref<4x8x128xf32, #tpu.memory_space<vmem>>) dst(%dma_wait3A_996 : memref<4x8x128xf32, #tpu.memory_space<hbm>>)
    %dma_wait3A_1002 = arith.constant 1 : i32
    %dma_wait3A_1003 = arith.constant 1 : i32
    %dma_wait3A_1004 = arith.constant 197 : i32
    %dma_wait3A_1005 = arith.constant 0 : i32
    %dma_wait3A_1006 = arith.constant 0 : i32
    %dma_wait3A_1007 = arith.constant 0 : i32
    %dma_wait3A_1008 = tpu.memref_slice %arg8[%dma_wait3A_1002, %dma_wait3A_1003, %dma_wait3A_1005, %dma_wait3A_1006, %dma_wait3A_1007] : memref<2x4x4x8x129xf32, #tpu.memory_space<vmem>> -> memref<1x1x4x8x128xf32, #tpu.memory_space<vmem>>
    %dma_wait3A_1009 = tpu.memref_squeeze %dma_wait3A_1008 : memref<1x1x4x8x128xf32, #tpu.memory_space<vmem>> -> memref<4x8x128xf32, #tpu.memory_space<vmem>>
    %dma_wait3A_1010 = arith.constant 0 : i32
    %dma_wait3A_1011 = arith.constant 0 : i32
    %dma_wait3A_1012 = arith.constant 0 : i32
    %dma_wait3A_1013 = tpu.memref_slice %arg4[%dma_wait3A_1004, %dma_wait3A_1010, %add3A, %dma_wait3A_1011, %dma_wait3A_1012] : memref<200x4x32x8x128xf32, #tpu.memory_space<hbm>> -> memref<1x4x1x8x128xf32, #tpu.memory_space<hbm>>
    %dma_wait3A_1014 = tpu.memref_squeeze %dma_wait3A_1013 : memref<1x4x1x8x128xf32, #tpu.memory_space<hbm>> -> memref<4x8x128xf32, #tpu.memory_space<hbm>>
    %dma_wait3A_1015 = arith.constant 0 : i32
    %dma_wait3A_1016 = arith.constant 0 : i32
    %dma_wait3A_1017 = arith.constant 0 : i32
    %dma_wait3A_1018 = tpu.memref_slice %arg4[%dma_wait3A_1004, %dma_wait3A_1015, %add3A, %dma_wait3A_1016, %dma_wait3A_1017] : memref<200x4x32x8x128xf32, #tpu.memory_space<hbm>> -> memref<1x4x1x8x128xf32, #tpu.memory_space<hbm>>
    %dma_wait3A_1019 = tpu.memref_squeeze %dma_wait3A_1018 : memref<1x4x1x8x128xf32, #tpu.memory_space<hbm>> -> memref<4x8x128xf32, #tpu.memory_space<hbm>>
    %dma_wait3A_1020 = arith.constant 0 : i32
    %dma_wait3A_1021 = arith.constant 0 : i32
    %dma_wait3A_1022 = arith.constant 0 : i32
    %dma_wait3A_1023 = tpu.memref_slice %arg8[%dma_wait3A_1002, %dma_wait3A_1003, %dma_wait3A_1020, %dma_wait3A_1021, %dma_wait3A_1022] : memref<2x4x4x8x129xf32, #tpu.memory_space<vmem>> -> memref<1x1x4x8x128xf32, #tpu.memory_space<vmem>>
    %dma_wait3A_1024 = tpu.memref_squeeze %dma_wait3A_1023 : memref<1x1x4x8x128xf32, #tpu.memory_space<vmem>> -> memref<4x8x128xf32, #tpu.memory_space<vmem>>
    tpu.wait_dma2 semaphore(%arg10 : memref<!tpu.dma_semaphore, #tpu.memory_space<semaphore_mem>>) src(%dma_wait3A_1024 : memref<4x8x128xf32, #tpu.memory_space<vmem>>) dst(%dma_wait3A_1019 : memref<4x8x128xf32, #tpu.memory_space<hbm>>)
    %dma_wait3A_1025 = arith.constant 1 : i32
    %dma_wait3A_1026 = arith.constant 2 : i32
    %dma_wait3A_1027 = arith.constant 198 : i32
    %dma_wait3A_1028 = arith.constant 0 : i32
    %dma_wait3A_1029 = arith.constant 0 : i32
    %dma_wait3A_1030 = arith.constant 0 : i32
    %dma_wait3A_1031 = tpu.memref_slice %arg8[%dma_wait3A_1025, %dma_wait3A_1026, %dma_wait3A_1028, %dma_wait3A_1029, %dma_wait3A_1030] : memref<2x4x4x8x129xf32, #tpu.memory_space<vmem>> -> memref<1x1x4x8x128xf32, #tpu.memory_space<vmem>>
    %dma_wait3A_1032 = tpu.memref_squeeze %dma_wait3A_1031 : memref<1x1x4x8x128xf32, #tpu.memory_space<vmem>> -> memref<4x8x128xf32, #tpu.memory_space<vmem>>
    %dma_wait3A_1033 = arith.constant 0 : i32
    %dma_wait3A_1034 = arith.constant 0 : i32
    %dma_wait3A_1035 = arith.constant 0 : i32
    %dma_wait3A_1036 = tpu.memref_slice %arg4[%dma_wait3A_1027, %dma_wait3A_1033, %add3A, %dma_wait3A_1034, %dma_wait3A_1035] : memref<200x4x32x8x128xf32, #tpu.memory_space<hbm>> -> memref<1x4x1x8x128xf32, #tpu.memory_space<hbm>>
    %dma_wait3A_1037 = tpu.memref_squeeze %dma_wait3A_1036 : memref<1x4x1x8x128xf32, #tpu.memory_space<hbm>> -> memref<4x8x128xf32, #tpu.memory_space<hbm>>
    %dma_wait3A_1038 = arith.constant 0 : i32
    %dma_wait3A_1039 = arith.constant 0 : i32
    %dma_wait3A_1040 = arith.constant 0 : i32
    %dma_wait3A_1041 = tpu.memref_slice %arg4[%dma_wait3A_1027, %dma_wait3A_1038, %add3A, %dma_wait3A_1039, %dma_wait3A_1040] : memref<200x4x32x8x128xf32, #tpu.memory_space<hbm>> -> memref<1x4x1x8x128xf32, #tpu.memory_space<hbm>>
    %dma_wait3A_1042 = tpu.memref_squeeze %dma_wait3A_1041 : memref<1x4x1x8x128xf32, #tpu.memory_space<hbm>> -> memref<4x8x128xf32, #tpu.memory_space<hbm>>
    %dma_wait3A_1043 = arith.constant 0 : i32
    %dma_wait3A_1044 = arith.constant 0 : i32
    %dma_wait3A_1045 = arith.constant 0 : i32
    %dma_wait3A_1046 = tpu.memref_slice %arg8[%dma_wait3A_1025, %dma_wait3A_1026, %dma_wait3A_1043, %dma_wait3A_1044, %dma_wait3A_1045] : memref<2x4x4x8x129xf32, #tpu.memory_space<vmem>> -> memref<1x1x4x8x128xf32, #tpu.memory_space<vmem>>
    %dma_wait3A_1047 = tpu.memref_squeeze %dma_wait3A_1046 : memref<1x1x4x8x128xf32, #tpu.memory_space<vmem>> -> memref<4x8x128xf32, #tpu.memory_space<vmem>>
    tpu.wait_dma2 semaphore(%arg10 : memref<!tpu.dma_semaphore, #tpu.memory_space<semaphore_mem>>) src(%dma_wait3A_1047 : memref<4x8x128xf32, #tpu.memory_space<vmem>>) dst(%dma_wait3A_1042 : memref<4x8x128xf32, #tpu.memory_space<hbm>>)
    %dma_wait3A_1048 = arith.constant 1 : i32
    %dma_wait3A_1049 = arith.constant 3 : i32
    %dma_wait3A_1050 = arith.constant 199 : i32
    %dma_wait3A_1051 = arith.constant 0 : i32
    %dma_wait3A_1052 = arith.constant 0 : i32
    %dma_wait3A_1053 = arith.constant 0 : i32
    %dma_wait3A_1054 = tpu.memref_slice %arg8[%dma_wait3A_1048, %dma_wait3A_1049, %dma_wait3A_1051, %dma_wait3A_1052, %dma_wait3A_1053] : memref<2x4x4x8x129xf32, #tpu.memory_space<vmem>> -> memref<1x1x4x8x128xf32, #tpu.memory_space<vmem>>
    %dma_wait3A_1055 = tpu.memref_squeeze %dma_wait3A_1054 : memref<1x1x4x8x128xf32, #tpu.memory_space<vmem>> -> memref<4x8x128xf32, #tpu.memory_space<vmem>>
    %dma_wait3A_1056 = arith.constant 0 : i32
    %dma_wait3A_1057 = arith.constant 0 : i32
    %dma_wait3A_1058 = arith.constant 0 : i32
    %dma_wait3A_1059 = tpu.memref_slice %arg4[%dma_wait3A_1050, %dma_wait3A_1056, %add3A, %dma_wait3A_1057, %dma_wait3A_1058] : memref<200x4x32x8x128xf32, #tpu.memory_space<hbm>> -> memref<1x4x1x8x128xf32, #tpu.memory_space<hbm>>
    %dma_wait3A_1060 = tpu.memref_squeeze %dma_wait3A_1059 : memref<1x4x1x8x128xf32, #tpu.memory_space<hbm>> -> memref<4x8x128xf32, #tpu.memory_space<hbm>>
    %dma_wait3A_1061 = arith.constant 0 : i32
    %dma_wait3A_1062 = arith.constant 0 : i32
    %dma_wait3A_1063 = arith.constant 0 : i32
    %dma_wait3A_1064 = tpu.memref_slice %arg4[%dma_wait3A_1050, %dma_wait3A_1061, %add3A, %dma_wait3A_1062, %dma_wait3A_1063] : memref<200x4x32x8x128xf32, #tpu.memory_space<hbm>> -> memref<1x4x1x8x128xf32, #tpu.memory_space<hbm>>
    %dma_wait3A_1065 = tpu.memref_squeeze %dma_wait3A_1064 : memref<1x4x1x8x128xf32, #tpu.memory_space<hbm>> -> memref<4x8x128xf32, #tpu.memory_space<hbm>>
    %dma_wait3A_1066 = arith.constant 0 : i32
    %dma_wait3A_1067 = arith.constant 0 : i32
    %dma_wait3A_1068 = arith.constant 0 : i32
    %dma_wait3A_1069 = tpu.memref_slice %arg8[%dma_wait3A_1048, %dma_wait3A_1049, %dma_wait3A_1066, %dma_wait3A_1067, %dma_wait3A_1068] : memref<2x4x4x8x129xf32, #tpu.memory_space<vmem>> -> memref<1x1x4x8x128xf32, #tpu.memory_space<vmem>>
    %dma_wait3A_1070 = tpu.memref_squeeze %dma_wait3A_1069 : memref<1x1x4x8x128xf32, #tpu.memory_space<vmem>> -> memref<4x8x128xf32, #tpu.memory_space<vmem>>
    tpu.wait_dma2 semaphore(%arg10 : memref<!tpu.dma_semaphore, #tpu.memory_space<semaphore_mem>>) src(%dma_wait3A_1070 : memref<4x8x128xf32, #tpu.memory_space<vmem>>) dst(%dma_wait3A_1065 : memref<4x8x128xf32, #tpu.memory_space<hbm>>)
    return
  }
}

</mosaic_0001>

<sc_bundles>
// kernel: kernel.3.cloned.1.call-start
scs
__scs_entry_jumppad:
0x0: {  	(pc) =	sbr.rel $0x88, $3  }
0x1: {  	(tag) =	ssettag $0x0;
	lr =	simm.s32 $0x1  }
0x2: {  	[smem:$0x3F9F] =	sst lr;
	_ =	strace $0xD0000000  }
0x3: {  	_ = 	snop  }
0x4: {  	_ = 	snop  }
0x5: {  	_ = 	snop  }
0x6: {  	_ = 	snop  }
0x7: {  	_ = 	snop  }
__scs_overlays_trampoline_lowered:
0x8: {  	[smem:$0x3FAE] =	sst s0  }
0x9: {  	[smem:$0x3FAF] =	sst s1  }
0xa: {  	[smem:$0x3FB0] =	sst s2  }
0xb: {  	[smem:$0x3FB1] =	sst s3  }
0xc: {  	[smem:$0x3FB2] =	sst s4  }
0xd: {  	[smem:$0x3FB3] =	sst s5  }
0xe: {  	[smem:$0x3FB4] =	sst s6  }
0xf: {  	[smem:$0x3FB5] =	sst s7  }
0x10: {  	[smem:$0x3FB6] =	sst s8  }
0x11: {  	[smem:$0x3FB7] =	sst s9;
	s0 =	simm.s32 @!p0 $0x0  }
0x12: {  	s1 =	sld [smem:$0x3F9D];
	s0 =	simm.s32 @p0 $0x1  }
0x13: {  	[smem:$0x3FB8] =	sst s0;
	s0 =	simm.s32 @!p1 $0x0  }
0x14: {  	s2 =	sld [smem:$0x3F9C];
	s0 =	simm.s32 @p1 $0x1  }
0x15: {  	[smem:$0x3FB9] =	sst s0;
	s0 =	simm.s32 @!p2 $0x0  }
0x16: {  	s3 =	sld [smem:$0x3FDB];
	s0 =	simm.s32 @p2 $0x1  }
0x17: {  	s4 =	simm.s32 $0x1BF5;
	[smem:$0x3FBB] =	sst s0  }
0x18: {  	s0 =	sld [smem:$0x3F9E];
	_ =	swait.ge [sflag:s4], $0x0  }
0x19: {  	s7 =	sld [smem:$0x3F9F]  }
0x1a: {  	s8 =	sadd.s32 $0xFFFFE003, lr  }
0x1b: {  	s9 =	sadd.s32 $0xFFFFFEF7, lr;
	s5 =	simm.s32 $0xFFFFFFFF;
	p2 =	slt.u32 s8, $0xFFFFF086  }
0x1c: {  	p1 =	slt.u32 s9, $0xF7A;
	s5 =	simm.s32 @!p2 $0x0  }
0x1d: {  	s5 =	simm.s32 @p1 $0x1;
	p0 =	seq.s32 s7, s2  }
0x1e: {  	s7 =	smul.u32 @!p0 $0xF7A, s2;
	p2 =	seq.s32 @!p0 s5, $0x0  }
0x1f: {  	s9 =	smul.u32 $0xF7A, s1;
	s8 =	simm.s32 @!p0 $0x1BF5;
	p2 =	por !p2, p0  }
0x20: {  	[sflag:s8] =	ssyncset.s32 @!p0 $0xFFFFF086;
	s6 =	sadd.s32 @!p0 s3, s7;
	s7 =	simm.s32 @!p0 $0x108  }
0x21: {  	s3 =	sadd.s32 s3, s9;
	s6 =	sadd.s32 @!p0 $0x88, s6;
	s7 =	simm.s32 @p2 $0x1082  }
0x22: {  	[simem:s7], [sflag:s8] =	dma.local @!p0 [hbm:s6], $0xF7A  }
0x23: {  	s9 =	sor.u32 $0xD0000000, s2;
	s6 =	simm.s32 $0x108;
	_ =	swait.ge @!p0 [sflag:s8], $0x0  }
0x24: {  	s3 =	sadd.s32 $0x88, s3;
	s6 =	simm.s32 @!p1 $0x1082;
	[sflag:s4] =	ssyncset.s32 $0xFFFFF086  }
0x25: {  	[simem:s6], [sflag:s4] =	dma.local [hbm:s3], $0xF7A  }
0x26: {  	[smem:$0x3F9F] =	sst s1;
	(tag) =	ssettag s2;
	_ =	strace s9  }
0x27: {  	s1 =	sld [smem:$0x3FAF]  }
0x28: {  	s2 =	sld [smem:$0x3FB0]  }
0x29: {  	s4 =	sld [smem:$0x3FB2]  }
0x2a: {  	p0 =	seq.s32 s5, $0x0;
	s5 =	sld [smem:$0x3FB3]  }
0x2b: {  	s6 =	sld [smem:$0x3FB4]  }
0x2c: {  	s7 =	sld [smem:$0x3FB5]  }
0x2d: {  	s3 =	simm.s32 $0x108;
	s8 =	sld [smem:$0x3FB6]  }
0x2e: {  	s3 =	simm.s32 @!p0 $0x1082;
	s9 =	sld [smem:$0x3FB7]  }
0x2f: {  	lr =	sadd.s32 s0, s3;
	s0 =	sld [smem:$0x3FAE]  }
0x30: {  	s3 =	sld [smem:$0x3FB1]  }
0x31: {  	[smem:$0x3FBA] =	sst s10  }
0x32: {  	s10 =	sld [smem:$0x3FB8];
	_ =	sdelay $0x3  }
0x33: {  	p0 =	seq.s32 s10, $0x1;
	s10 =	sld [smem:$0x3FBA];
	_ =	sdelay $0x3  }
0x34: {  	[smem:$0x3FBA] =	sst s10  }
0x35: {  	s10 =	sld [smem:$0x3FB9];
	_ =	sdelay $0x3  }
0x36: {  	p1 =	seq.s32 s10, $0x1;
	s10 =	sld [smem:$0x3FBA];
	_ =	sdelay $0x3  }
0x37: {  	[smem:$0x3FBA] =	sst s10  }
0x38: {  	s10 =	sld [smem:$0x3FBB]  }
0x39: {  	_ = 	snop;
	(pc) =	sbr.ind lr, $3  }
0x3a: {  	_ = 	snop  }
0x3b: {  	_ = 	snop  }
0x3c: {  	p2 =	seq.s32 s10, $0x1;
	s10 =	sld [smem:$0x3FBA]  }
0x3d: {  	_ =	shalt  }
0x3e: {  	_ =	shalt  }
0x3f: {  	_ =	shalt  }
0x40: {  	_ =	shalt  }
0x41: {  	_ =	shalt  }
0x42: {  	_ =	shalt  }
0x43: {  	_ =	shalt  }
0x44: {  	_ =	shalt  }
0x45: {  	_ =	shalt  }
0x46: {  	_ =	shalt  }
0x47: {  	_ =	shalt  }
0x48: {  	_ =	shalt  }
0x49: {  	_ =	shalt  }
0x4a: {  	_ =	shalt  }
0x4b: {  	_ =	shalt  }
0x4c: {  	_ =	shalt  }
0x4d: {  	_ =	shalt  }
0x4e: {  	_ =	shalt  }
0x4f: {  	_ =	shalt  }
0x50: {  	_ =	shalt  }
0x51: {  	_ =	shalt  }
0x52: {  	_ =	shalt  }
0x53: {  	_ =	shalt  }
0x54: {  	_ =	shalt  }
0x55: {  	_ =	shalt  }
0x56: {  	_ =	shalt  }
0x57: {  	_ =	shalt  }
0x58: {  	_ =	shalt  }
0x59: {  	_ =	shalt  }
0x5a: {  	_ =	shalt  }
0x5b: {  	_ =	shalt  }
0x5c: {  	_ =	shalt  }
0x5d: {  	_ =	shalt  }
0x5e: {  	_ =	shalt  }
0x5f: {  	_ =	shalt  }
0x60: {  	_ =	shalt  }
0x61: {  	_ =	shalt  }
0x62: {  	_ =	shalt  }
0x63: {  	_ =	shalt  }
0x64: {  	_ =	shalt  }
0x65: {  	_ =	shalt  }
0x66: {  	_ =	shalt  }
0x67: {  	_ =	shalt  }
0x68: {  	_ =	shalt  }
0x69: {  	_ =	shalt  }
0x6a: {  	_ =	shalt  }
0x6b: {  	_ =	shalt  }
0x6c: {  	_ =	shalt  }
0x6d: {  	_ =	shalt  }
0x6e: {  	_ =	shalt  }
0x6f: {  	_ =	shalt  }
0x70: {  	_ =	shalt  }
0x71: {  	_ =	shalt  }
0x72: {  	_ =	shalt  }
0x73: {  	_ =	shalt  }
0x74: {  	_ =	shalt  }
0x75: {  	_ =	shalt  }
0x76: {  	_ =	shalt  }
0x77: {  	_ =	shalt  }
0x78: {  	_ =	shalt  }
0x79: {  	_ =	shalt  }
0x7a: {  	_ =	shalt  }
0x7b: {  	_ =	shalt  }
0x7c: {  	_ =	shalt  }
0x7d: {  	_ =	shalt  }
0x7e: {  	_ =	shalt  }
0x7f: {  	_ =	shalt  }
0x80: {  	_ =	shalt  }
0x81: {  	_ =	shalt  }
0x82: {  	_ =	shalt  }
0x83: {  	_ =	shalt  }
0x84: {  	_ =	shalt  }
0x85: {  	_ =	shalt  }
0x86: {  	_ =	shalt  }
0x87: {  	_ =	shalt  }
.Lfunc_end0:
.L_simem_size_0:
called_computation.1_lowered:
.L_overlay_start_0:
0x88: {  	s2 =	sld [smem:$0x3FD9]  }
0x89: {  	s3 =	sld [smem:$0x3FFE];
	_ =	sdelay $0x1  }
0x8a: {  	s1 =	srdreg.scid  }
0x8b: {  	s0 =	sand.u32 $0x1, s1  }
0x8c: {  	s17 =	sshll.u32 s0, $0xA;
	s2 =	sadd.s32 s3, s2  }
0x8d: {  	s2 =	sadd.s32 s2, s17  }
0x8e: {  	[smem:$0x3FC6] =	sst s2  }
0x8f: {  	_ = 	snop  }
0x90: {  	s2 =	sld [smem:$0x3FD0];
	(tm) =	ssettm $0x1  }
0x91: {  	s18 =	sld [smem:$0x3FFB];
	_ =	sdelay $0x3  }
0x92: {  	_ =	strace s18  }
0x93: {  	s3 =	sld [smem:$0x3FFC];
	_ =	sdelay $0x3  }
0x94: {  	_ =	strace s3  }
0x95: {  	s3 =	sld [smem:$0x3FFD];
	_ =	sdelay $0x3  }
0x96: {  	_ =	strace s3  }
0x97: {  	_ =	strace $0x8FFFFFFF  }
0x98: {  	s19 =	sld [smem:$0x3FDB];
	_ =	sdelay $0x1  }
0x99: {  	s4 =	simm.s32 $_scs_section_size  }
0x9a: {  	s5 =	simm.s32 $_size__tile_overlayer_lowered;
	s6 =	simm.s32 $_tile_overlayer_lowered  }
0x9b: {  	s22 =	simm.s32 $0x1BFF;
	s21 =	sshll.u32 s6, $0x1;
	s3 =	sadd.s32 s4, s19  }
0x9c: {  	s7 =	simm.s32 $0x0;
	s20 =	sshll.u32 s5, $0x1;
	s5 =	sadd.s32 s21, s3  }
0x9d: {  	[timem:s7], [sflag:s22] =	dma.local [hbm:s5], s20  }
0x9e: {  	_ =	swait.ge [sflag:s22], s20  }
0x9f: {  	s4 =	ssub.s32 $0x0, s20;
	[sflag:s22] =	ssyncset.done $0x0  }
0xa0: {  	[sflag:s22] =	ssyncadd.s32 s4;
	_ =	sdelay $0x1  }
0xa1: {  	s23 =	simm.s32 $0x1B8B  }
0xa2: {  	_ =	swait.ge [sflag:s23], $0x1  }
0xa3: {  	[sflag:s23] =	ssyncset.done $0x0  }
0xa4: {  	s25 =	simm.s32 $0x1B8E;
	s24 =	sld [smem:$0x3FFE];
	[sflag:s23] =	ssyncadd.s32 $0xFFFFFFFF  }
0xa5: {  	s26 =	simm.s32 $execute0_lowered;
	[smem:$0x3FD2] =	sst s25  }
0xa6: {  	s5 =	sshll.u32 s26, $0x1;
	_ =	strace $0x80000049;
	[dreg:$0x1] =	wrdreg $0xFFFFFFFF  }
0xa7: {  	s28 =	simm.s32 $_size_execute0_lowered;
	s3 =	sadd.s32 s3, s5;
	[dreg:$0x0] =	wrdreg $0x0  }
0xa8: {  	s5 =	sshll.u32 s28, $0x1;
	[dreg:$0x2] =	wrdreg s3  }
0xa9: {  	[dreg:$0x3] =	wrdreg s5  }
0xaa: {  	[dreg:$0x4] =	wrdreg $0xC0  }
0xab: {  	_ =	task [dreg:s7], $0x5FFFF  }
0xac: {  	[dreg:$0x1] =	wrdreg $0xFFFFFFFF  }
0xad: {  	[dreg:$0x0] =	wrdreg $0x60  }
0xae: {  	[dreg:$0x2] =	wrdreg s24  }
0xaf: {  	[dreg:$0x3] =	wrdreg s2  }
0xb0: {  	[dreg:$0x4] =	wrdreg $0x9  }
0xb1: {  	_ =	task.clear_ibuf [dreg:s7], $0x5FFFF;
	_ =	strace $0x90000049  }
0xb2: {  	s29 =	simm.s32 $0x9;
	_ =	strace $0x8000004B  }
0xb3: {  	_ =	swait.ge [sflag:s29], $0x1  }
0xb4: {  	[sflag:s29] =	ssyncadd.s32 $0xFFFFFFFF  }
0xb5: {  	_ =	strace $0x9000004B  }
0xb6: {  	_ =	sfence  }
0xb7: {  	s30 =	sld [smem:$0x0];
	_ =	sdelay $0x2  }
0xb8: {  	s31 =	sshll.u32 s1, $0xD;
	s1 =	sshrl.u32 s1, $0x2  }
0xb9: {  	s3 =	sand.u32 $0x4000, s31;
	s1 =	sadd.s32 s1, s30  }
0xba: {  	s0 =	sor.u32 s3, s0;
	s1 =	sshll.u32 s1, $0x11  }
0xbb: {  	s0 =	sor.u32 s1, s0  }
0xbc: {  	s0 =	sadd.s32 $0x8F2B, s0  }
0xbd: {  	[sflag:s0] =	ssyncadd.remote.s32 $0x1  }
0xbe: {  	_ =	sfence.sel $0xFFFF  }
0xbf: {  	[dreg:$0x0] =	wrdreg $0xFFFFFFFF;
	(pc) =	sbr.abs _section_cstart, $3  }
0xc0: {  	[dreg:$0x1] =	wrdreg $0xFFFFFFFF  }
0xc1: {  	_ =	task.clear_ibuf [dreg:s7], $0x2FFFF;
	_ =	strace $0x9FFFFFFF  }
0xc2: {  	(tm) =	ssettm $0x7FFFFFFF  }
0xc3: {  	_ =	shalt  }
tec
execute0_lowered:
.L_overlay_start_1:
0x0: {  	(tag) =	ssettag $0x1  }
0x1: {  	v0 =	vlaneseq.u32  }
0x2: {  	v1 =	vmul.u32 $0x2, v0;
	_ =	sdelay $0x1  }
0x3: {  	v0 =	vor.u32 $0x1, v1  }
0x4: {  	[tilespmem:$0x1FE10] =	vst v0;
	v0 =	vor.u32 $0x20, v1  }
0x5: {  	[tilespmem:$0x1FE20] =	vst v0;
	v0 =	vor.u32 $0x21, v1  }
0x6: {  	[tilespmem:$0x1FE30] =	vst v0;
	v0 =	vor.u32 $0x40, v1  }
0x7: {  	[tilespmem:$0x1FE40] =	vst v0;
	v0 =	vor.u32 $0x41, v1  }
0x8: {  	[tilespmem:$0x1FE50] =	vst v0;
	v0 =	vor.u32 $0x60, v1  }
0x9: {  	[tilespmem:$0x1FE60] =	vst v0;
	v0 =	vor.u32 $0x61, v1  }
0xa: {  	[tilespmem:$0x1FE70] =	vst v0;
	v0 =	vor.u32 $0x80, v1  }
0xb: {  	[tilespmem:$0x1FE80] =	vst v0;
	v0 =	vor.u32 $0x81, v1  }
0xc: {  	[tilespmem:$0x1FE90] =	vst v0;
	v0 =	vor.u32 $0xA0, v1  }
0xd: {  	[tilespmem:$0x1FEA0] =	vst v0;
	v0 =	vor.u32 $0xA1, v1  }
0xe: {  	[tilespmem:$0x1FEB0] =	vst v0;
	v0 =	vor.u32 $0xC0, v1  }
0xf: {  	[tilespmem:$0x1FEC0] =	vst v0;
	v0 =	vor.u32 $0xC1, v1  }
0x10: {  	[tilespmem:$0x1FED0] =	vst v0;
	v0 =	vor.u32 $0xE0, v1  }
0x11: {  	[tilespmem:$0x1FEE0] =	vst v0;
	v0 =	vor.u32 $0xE1, v1  }
0x12: {  	[tilespmem:$0x1FEF0] =	vst v0;
	v0 =	vor.u32 $0x100, v1  }
0x13: {  	vm0 =	vcmask $0x300;
	[tilespmem:$0x1FF00] =	vst v0;
	v0 =	vor.u32 $0x101, v1  }
0x14: {  	v33 =	vor.u32 $0x200, v1;
	v34 =	vor.u32 $0x201, v1;
	[tilespmem:$0x1FF10] =	vst v0;
	v0 =	vor.u32 $0x120, v1  }
0x15: {  	v35 =	vor.u32 $0x220, v1;
	v36 =	vor.u32 $0x221, v1;
	[tilespmem:$0x1FF20] =	vst v0;
	v0 =	vor.u32 $0x121, v1  }
0x16: {  	v37 =	vor.u32 $0x240, v1;
	v38 =	vor.u32 $0x241, v1;
	[tilespmem:$0x1FF30] =	vst v0;
	v0 =	vor.u32 $0x140, v1  }
0x17: {  	v39 =	vor.u32 $0x260, v1;
	v40 =	vor.u32 $0x261, v1;
	[tilespmem:$0x1FF40] =	vst v0;
	v0 =	vor.u32 $0x141, v1  }
0x18: {  	s4 =	rddreg [dreg:$0x0];
	v41 =	vor.u32 $0x280, v1;
	v42 =	vor.u32 $0x281, v1;
	[tilespmem:$0x1FF50] =	vst v0;
	v0 =	vor.u32 $0x160, v1  }
0x19: {  	s1 =	rddreg [dreg:$0x1];
	v43 =	vor.u32 $0x2A0, v1;
	v44 =	vor.u32 $0x2A1, v1;
	[tilespmem:$0x1FF60] =	vst v0;
	v0 =	vor.u32 $0x161, v1  }
0x1a: {  	s5 =	srdreg.scid;
	s2 =	stileid.u32;
	v45 =	vor.u32 $0x2C0, v1;
	v46 =	vor.u32 $0x2C1, v1;
	[tilespmem:$0x1FF70] =	vst v0;
	v0 =	vor.u32 $0x180, v1  }
0x1b: {  	s3 =	simm.s32 $0x0;
	s11 =	simm.s32 $0x80;
	s12 =	simm.s32 $0x1000;
	v47 =	vor.u32 $0x2E0, v1;
	v48 =	vor.u32 $0x2E1, v1;
	[tilespmem:$0x1FF80] =	vst v0;
	v0 =	vor.u32 $0x181, v1  }
0x1c: {  	s13 =	simm.s32 $0x3;
	s14 =	simm.s32 $0x6400;
	s15 =	simm.s32 $0x400;
	v49 =	vor.u32 $0x300, v1;
	v50 =	vor.u32 $0x301, v1;
	[tilespmem:$0x1FF90] =	vst v0;
	v0 =	vor.u32 $0x1A0, v1  }
0x1d: {  	s16 =	simm.s32 $0x6C00;
	s17 =	simm.s32 $0x1;
	s18 =	simm.s32 $0x2;
	v51 =	vor.u32 $0x320, v1;
	v52 =	vor.u32 $0x321, v1;
	[tilespmem:$0x1FFA0] =	vst v0;
	v0 =	vor.u32 $0x1A1, v1  }
0x1e: {  	s19 =	simm.s32 $0x0;
	s5 =	sand.u32 $0x1, s5;
	s6 =	sshll.u32 s2, $0x1;
	v53 =	vor.u32 $0x340, v1;
	v54 =	vor.u32 $0x341, v1;
	[tilespmem:$0x1FFB0] =	vst v0;
	v0 =	vor.u32 $0x1C0, v1  }
0x1f: {  	[smem:$0x7FF] =	sst s3;
	s6 =	sor.u32 s5, s6;
	s5 =	ssub.s32 $0x2, s5;
	v55 =	vor.u32 $0x360, v1;
	v56 =	vor.u32 $0x361, v1;
	[tilespmem:$0x1FFC0] =	vst v0;
	v0 =	vor.u32 $0x1C1, v1  }
0x20: {  	s9 =	sadd.s32 $0xC000, s1;
	s7 =	sshll.u32 s6, $0x4;
	s8 =	sshrl.u32 s5, $0x1;
	v57 =	vor.u32 $0x380, v1;
	v58 =	vor.u32 $0x381, v1;
	[tilespmem:$0x1FFD0] =	vst v0;
	v0 =	vor.u32 $0x1E0, v1  }
0x21: {  	s6 =	sshll.u32 s6, $0x7;
	v59 =	vor.u32 $0x3A0, v1;
	v60 =	vor.u32 $0x3A1, v1;
	s7 =	sadd.s32 s7, s4;
	s4 =	sadd.s32 $0xF5BE00, s4;
	[tilespmem:$0x1FFE0] =	vst v0;
	v0 =	vor.u32 $0x1E1, v1  }
0x22: {  	v61 =	vor.u32 $0x3C0, v1;
	v62 =	vor.u32 $0x3C1, v1;
	s10 =	ssub.s32 s5, s8;
	s8 =	sadd.s32 $0x8000, s1;
	s5 =	sadd.s32 $0xF42E00, s7;
	[tilespmem:$0x1FFF0] =	vst v0;
	v0 =	vimm.s32 $0x0  }
0x23: {  	v2 =	vor.u32 $0x3E1, v1;
	s7 =	sadd.s32 $0x4000, s1;
	s10 =	smax.u32 s10, $0x1;
	_ =	strace $0x8000004A;
	v63 =	vsel vm0, $0x3, v0;
	v0 =	vor.u32 $0x3E0, v1  }
.LBB2_1:
0x24: {  	[tilespmem:s3], [sflag:$0x3] =	stream.strided.gather [hbm4b:s5+s11], $0x6400, s12, s11, $0x38;
	[tilespmem:$0x17400] =	vst v63  }
0x25: {  	_ =	swait.ge [sflag:s13], $0x6400  }
0x26: {  	[sflag:s13] =	ssyncset.done $0x0  }
0x27: {  	v4 =	vld [tilespmem:$0x1FE10];
	[sflag:s13] =	ssyncadd.s32 $0xFFFF9C00  }
0x28: {  	v3 =	vld [tilespmem:$0x0];
	_ =	sdelay $0x4  }
0x29: {  	v3 =	vshll.u32 v3, $0x3  }
0x2a: {  	v28 =	vld [tilespmem:$0x1FE20];
	[tilespmem:v1+s14+$0x0] =	vst.idx.msk $0xffff, v3;
	v3 =	vor.u32 $0x1, v3  }
0x2b: {  	v29 =	vld [tilespmem:$0x1FE30];
	[tilespmem:v4+s14+$0x0] =	vst.idx.msk $0xffff, v3  }
0x2c: {  	v3 =	vld [tilespmem:$0x10];
	_ =	sdelay $0x4  }
0x2d: {  	v3 =	vshll.u32 v3, $0x3  }
0x2e: {  	v30 =	vld [tilespmem:$0x1FE40];
	[tilespmem:v28+s14+$0x0] =	vst.idx.msk $0xffff, v3;
	v3 =	vor.u32 $0x1, v3  }
0x2f: {  	v31 =	vld [tilespmem:$0x1FE50];
	[tilespmem:v29+s14+$0x0] =	vst.idx.msk $0xffff, v3  }
0x30: {  	v3 =	vld [tilespmem:$0x20];
	_ =	sdelay $0x4  }
0x31: {  	v3 =	vshll.u32 v3, $0x3  }
0x32: {  	v32 =	vld [tilespmem:$0x1FE60];
	[tilespmem:v30+s14+$0x0] =	vst.idx.msk $0xffff, v3;
	v3 =	vor.u32 $0x1, v3  }
0x33: {  	v8 =	vld [tilespmem:$0x1FE70];
	[tilespmem:v31+s14+$0x0] =	vst.idx.msk $0xffff, v3  }
0x34: {  	v3 =	vld [tilespmem:$0x30];
	_ =	sdelay $0x4  }
0x35: {  	v3 =	vshll.u32 v3, $0x3  }
0x36: {  	v9 =	vld [tilespmem:$0x1FE80];
	[tilespmem:v32+s14+$0x0] =	vst.idx.msk $0xffff, v3;
	v3 =	vor.u32 $0x1, v3  }
0x37: {  	v10 =	vld [tilespmem:$0x1FE90];
	[tilespmem:v8+s14+$0x0] =	vst.idx.msk $0xffff, v3  }
0x38: {  	v3 =	vld [tilespmem:$0x40];
	_ =	sdelay $0x4  }
0x39: {  	v3 =	vshll.u32 v3, $0x3  }
0x3a: {  	v11 =	vld [tilespmem:$0x1FEA0];
	[tilespmem:v9+s14+$0x0] =	vst.idx.msk $0xffff, v3;
	v3 =	vor.u32 $0x1, v3  }
0x3b: {  	v12 =	vld [tilespmem:$0x1FEB0];
	[tilespmem:v10+s14+$0x0] =	vst.idx.msk $0xffff, v3  }
0x3c: {  	v3 =	vld [tilespmem:$0x50];
	_ =	sdelay $0x4  }
0x3d: {  	v3 =	vshll.u32 v3, $0x3  }
0x3e: {  	v13 =	vld [tilespmem:$0x1FEC0];
	[tilespmem:v11+s14+$0x0] =	vst.idx.msk $0xffff, v3;
	v3 =	vor.u32 $0x1, v3  }
0x3f: {  	v14 =	vld [tilespmem:$0x1FED0];
	[tilespmem:v12+s14+$0x0] =	vst.idx.msk $0xffff, v3  }
0x40: {  	v3 =	vld [tilespmem:$0x60];
	_ =	sdelay $0x4  }
0x41: {  	v3 =	vshll.u32 v3, $0x3  }
0x42: {  	v15 =	vld [tilespmem:$0x1FEE0];
	[tilespmem:v13+s14+$0x0] =	vst.idx.msk $0xffff, v3;
	v3 =	vor.u32 $0x1, v3  }
0x43: {  	v16 =	vld [tilespmem:$0x1FEF0];
	[tilespmem:v14+s14+$0x0] =	vst.idx.msk $0xffff, v3  }
0x44: {  	v3 =	vld [tilespmem:$0x70];
	_ =	sdelay $0x4  }
0x45: {  	v3 =	vshll.u32 v3, $0x3  }
0x46: {  	v17 =	vld [tilespmem:$0x1FF00];
	[tilespmem:v15+s14+$0x0] =	vst.idx.msk $0xffff, v3;
	v3 =	vor.u32 $0x1, v3  }
0x47: {  	v18 =	vld [tilespmem:$0x1FF10];
	[tilespmem:v16+s14+$0x0] =	vst.idx.msk $0xffff, v3  }
0x48: {  	v3 =	vld [tilespmem:$0x80];
	_ =	sdelay $0x4  }
0x49: {  	v3 =	vshll.u32 v3, $0x3  }
0x4a: {  	v19 =	vld [tilespmem:$0x1FF20];
	[tilespmem:v17+s14+$0x0] =	vst.idx.msk $0xffff, v3;
	v3 =	vor.u32 $0x1, v3  }
0x4b: {  	v20 =	vld [tilespmem:$0x1FF30];
	[tilespmem:v18+s14+$0x0] =	vst.idx.msk $0xffff, v3  }
0x4c: {  	v3 =	vld [tilespmem:$0x90];
	_ =	sdelay $0x4  }
0x4d: {  	v3 =	vshll.u32 v3, $0x3  }
0x4e: {  	v21 =	vld [tilespmem:$0x1FF40];
	[tilespmem:v19+s14+$0x0] =	vst.idx.msk $0xffff, v3;
	v3 =	vor.u32 $0x1, v3  }
0x4f: {  	v22 =	vld [tilespmem:$0x1FF50];
	[tilespmem:v20+s14+$0x0] =	vst.idx.msk $0xffff, v3  }
0x50: {  	v3 =	vld [tilespmem:$0xA0];
	_ =	sdelay $0x4  }
0x51: {  	v3 =	vshll.u32 v3, $0x3  }
0x52: {  	v23 =	vld [tilespmem:$0x1FF60];
	[tilespmem:v21+s14+$0x0] =	vst.idx.msk $0xffff, v3;
	v3 =	vor.u32 $0x1, v3  }
0x53: {  	v24 =	vld [tilespmem:$0x1FF70];
	[tilespmem:v22+s14+$0x0] =	vst.idx.msk $0xffff, v3  }
0x54: {  	v3 =	vld [tilespmem:$0xB0];
	_ =	sdelay $0x4  }
0x55: {  	v3 =	vshll.u32 v3, $0x3  }
0x56: {  	v25 =	vld [tilespmem:$0x1FF80];
	[tilespmem:v23+s14+$0x0] =	vst.idx.msk $0xffff, v3;
	v3 =	vor.u32 $0x1, v3  }
0x57: {  	v26 =	vld [tilespmem:$0x1FF90];
	[tilespmem:v24+s14+$0x0] =	vst.idx.msk $0xffff, v3  }
0x58: {  	v3 =	vld [tilespmem:$0xC0];
	_ =	sdelay $0x4  }
0x59: {  	v3 =	vshll.u32 v3, $0x3  }
0x5a: {  	v27 =	vld [tilespmem:$0x1FFA0];
	[tilespmem:v25+s14+$0x0] =	vst.idx.msk $0xffff, v3;
	v3 =	vor.u32 $0x1, v3  }
0x5b: {  	v28 =	vld [tilespmem:$0x1FFB0];
	[tilespmem:v26+s14+$0x0] =	vst.idx.msk $0xffff, v3  }
0x5c: {  	v3 =	vld [tilespmem:$0xD0];
	_ =	sdelay $0x4  }
0x5d: {  	v3 =	vshll.u32 v3, $0x3  }
0x5e: {  	v29 =	vld [tilespmem:$0x1FFC0];
	[tilespmem:v27+s14+$0x0] =	vst.idx.msk $0xffff, v3;
	v3 =	vor.u32 $0x1, v3  }
0x5f: {  	v30 =	vld [tilespmem:$0x1FFD0];
	[tilespmem:v28+s14+$0x0] =	vst.idx.msk $0xffff, v3  }
0x60: {  	v3 =	vld [tilespmem:$0xE0];
	_ =	sdelay $0x4  }
0x61: {  	v3 =	vshll.u32 v3, $0x3  }
0x62: {  	v31 =	vld [tilespmem:$0x1FFE0];
	[tilespmem:v29+s14+$0x0] =	vst.idx.msk $0xffff, v3;
	v3 =	vor.u32 $0x1, v3  }
0x63: {  	v32 =	vld [tilespmem:$0x1FFF0];
	[tilespmem:v30+s14+$0x0] =	vst.idx.msk $0xffff, v3  }
0x64: {  	v3 =	vld [tilespmem:$0xF0];
	_ =	sdelay $0x4  }
0x65: {  	v3 =	vshll.u32 v3, $0x3  }
0x66: {  	[tilespmem:v31+s14+$0x0] =	vst.idx.msk $0xffff, v3;
	v3 =	vor.u32 $0x1, v3  }
0x67: {  	[tilespmem:v32+s14+$0x0] =	vst.idx.msk $0xffff, v3  }
0x68: {  	v3 =	vld [tilespmem:$0x100];
	_ =	sdelay $0x4  }
0x69: {  	v3 =	vshll.u32 v3, $0x3  }
0x6a: {  	[tilespmem:v33+s14+$0x0] =	vst.idx.msk $0xffff, v3;
	v3 =	vor.u32 $0x1, v3  }
0x6b: {  	[tilespmem:v34+s14+$0x0] =	vst.idx.msk $0xffff, v3  }
0x6c: {  	v3 =	vld [tilespmem:$0x110];
	_ =	sdelay $0x4  }
0x6d: {  	v3 =	vshll.u32 v3, $0x3  }
0x6e: {  	[tilespmem:v35+s14+$0x0] =	vst.idx.msk $0xffff, v3;
	v3 =	vor.u32 $0x1, v3  }
0x6f: {  	[tilespmem:v36+s14+$0x0] =	vst.idx.msk $0xffff, v3  }
0x70: {  	v3 =	vld [tilespmem:$0x120];
	_ =	sdelay $0x4  }
0x71: {  	v3 =	vshll.u32 v3, $0x3  }
0x72: {  	[tilespmem:v37+s14+$0x0] =	vst.idx.msk $0xffff, v3;
	v3 =	vor.u32 $0x1, v3  }
0x73: {  	[tilespmem:v38+s14+$0x0] =	vst.idx.msk $0xffff, v3  }
0x74: {  	v3 =	vld [tilespmem:$0x130];
	_ =	sdelay $0x4  }
0x75: {  	v3 =	vshll.u32 v3, $0x3  }
0x76: {  	[tilespmem:v39+s14+$0x0] =	vst.idx.msk $0xffff, v3;
	v3 =	vor.u32 $0x1, v3  }
0x77: {  	[tilespmem:v40+s14+$0x0] =	vst.idx.msk $0xffff, v3  }
0x78: {  	v3 =	vld [tilespmem:$0x140];
	_ =	sdelay $0x4  }
0x79: {  	v3 =	vshll.u32 v3, $0x3  }
0x7a: {  	[tilespmem:v41+s14+$0x0] =	vst.idx.msk $0xffff, v3;
	v3 =	vor.u32 $0x1, v3  }
0x7b: {  	[tilespmem:v42+s14+$0x0] =	vst.idx.msk $0xffff, v3  }
0x7c: {  	v3 =	vld [tilespmem:$0x150];
	_ =	sdelay $0x4  }
0x7d: {  	v3 =	vshll.u32 v3, $0x3  }
0x7e: {  	[tilespmem:v43+s14+$0x0] =	vst.idx.msk $0xffff, v3;
	v3 =	vor.u32 $0x1, v3  }
0x7f: {  	[tilespmem:v44+s14+$0x0] =	vst.idx.msk $0xffff, v3  }
0x80: {  	v3 =	vld [tilespmem:$0x160];
	_ =	sdelay $0x4  }
0x81: {  	v3 =	vshll.u32 v3, $0x3  }
0x82: {  	[tilespmem:v45+s14+$0x0] =	vst.idx.msk $0xffff, v3;
	v3 =	vor.u32 $0x1, v3  }
0x83: {  	[tilespmem:v46+s14+$0x0] =	vst.idx.msk $0xffff, v3  }
0x84: {  	v3 =	vld [tilespmem:$0x170];
	_ =	sdelay $0x4  }
0x85: {  	v3 =	vshll.u32 v3, $0x3  }
0x86: {  	[tilespmem:v47+s14+$0x0] =	vst.idx.msk $0xffff, v3;
	v3 =	vor.u32 $0x1, v3  }
0x87: {  	[tilespmem:v48+s14+$0x0] =	vst.idx.msk $0xffff, v3  }
0x88: {  	v3 =	vld [tilespmem:$0x180];
	_ =	sdelay $0x4  }
0x89: {  	v3 =	vshll.u32 v3, $0x3  }
0x8a: {  	[tilespmem:v49+s14+$0x0] =	vst.idx.msk $0xffff, v3;
	v3 =	vor.u32 $0x1, v3  }
0x8b: {  	[tilespmem:v50+s14+$0x0] =	vst.idx.msk $0xffff, v3  }
0x8c: {  	v3 =	vld [tilespmem:$0x190];
	_ =	sdelay $0x4  }
0x8d: {  	v3 =	vshll.u32 v3, $0x3  }
0x8e: {  	[tilespmem:v51+s14+$0x0] =	vst.idx.msk $0xffff, v3;
	v3 =	vor.u32 $0x1, v3  }
0x8f: {  	[tilespmem:v52+s14+$0x0] =	vst.idx.msk $0xffff, v3  }
0x90: {  	v3 =	vld [tilespmem:$0x1A0];
	_ =	sdelay $0x4  }
0x91: {  	v3 =	vshll.u32 v3, $0x3  }
0x92: {  	[tilespmem:v53+s14+$0x0] =	vst.idx.msk $0xffff, v3;
	v3 =	vor.u32 $0x1, v3  }
0x93: {  	[tilespmem:v54+s14+$0x0] =	vst.idx.msk $0xffff, v3  }
0x94: {  	v3 =	vld [tilespmem:$0x1B0];
	_ =	sdelay $0x4  }
0x95: {  	v3 =	vshll.u32 v3, $0x3  }
0x96: {  	[tilespmem:v55+s14+$0x0] =	vst.idx.msk $0xffff, v3;
	v3 =	vor.u32 $0x1, v3  }
0x97: {  	[tilespmem:v56+s14+$0x0] =	vst.idx.msk $0xffff, v3  }
0x98: {  	v3 =	vld [tilespmem:$0x1C0];
	_ =	sdelay $0x4  }
0x99: {  	v3 =	vshll.u32 v3, $0x3  }
0x9a: {  	[tilespmem:v57+s14+$0x0] =	vst.idx.msk $0xffff, v3;
	v3 =	vor.u32 $0x1, v3  }
0x9b: {  	[tilespmem:v58+s14+$0x0] =	vst.idx.msk $0xffff, v3  }
0x9c: {  	v3 =	vld [tilespmem:$0x1D0];
	_ =	sdelay $0x4  }
0x9d: {  	v3 =	vshll.u32 v3, $0x3  }
0x9e: {  	[tilespmem:v59+s14+$0x0] =	vst.idx.msk $0xffff, v3;
	v3 =	vor.u32 $0x1, v3  }
0x9f: {  	[tilespmem:v60+s14+$0x0] =	vst.idx.msk $0xffff, v3  }
0xa0: {  	v3 =	vld [tilespmem:$0x1E0];
	_ =	sdelay $0x4  }
0xa1: {  	v3 =	vshll.u32 v3, $0x3  }
0xa2: {  	[tilespmem:v61+s14+$0x0] =	vst.idx.msk $0xffff, v3;
	v3 =	vor.u32 $0x1, v3  }
0xa3: {  	[tilespmem:v62+s14+$0x0] =	vst.idx.msk $0xffff, v3  }
0xa4: {  	v3 =	vld [tilespmem:$0x1F0];
	_ =	sdelay $0x4  }
0xa5: {  	v3 =	vshll.u32 v3, $0x3  }
0xa6: {  	[tilespmem:v0+s14+$0x0] =	vst.idx.msk $0xffff, v3;
	v3 =	vor.u32 $0x1, v3  }
0xa7: {  	p0 =	por $0x0, $0x0;
	s22 =	simm.s32 $0x0;
	[tilespmem:v2+s14+$0x0] =	vst.idx.msk $0xffff, v3  }
0xa8: {  	[tilespmem:s16], [sflag:$0x1] =	stream.indirect.gather [hbm4b:s4+s15], $0x10, s14, s15, $0xb8;
	[tilespmem:$0x17400] =	vst v63  }
.LBB2_2:
0xa9: {  	p1 =	seq.s32 s22, $0x31  }
.Ltmp0:
0xaa: {  	_ = 	snop;
	(pc) =	sbr.rel @p1 .LBB2_4-.Ltmp0, $2  }
0xab: {  	_ =	sdelay $0x2  }
0xac: {  	s20 =	sadd.s32 $0x1, s22  }
0xad: {  	s21 =	sshll.u32 s20, $0x9  }
0xae: {  	v4 =	vld [tilespmem:$0x1FE10];
	s24 =	sand.u32 $0x3FFFFE00, s21  }
0xaf: {  	v3 =	vld [tilespmem:s24+$0x0];
	_ =	sdelay $0x3  }
0xb0: {  	s31 =	sand.u32 $0x1, s20  }
0xb1: {  	s23 =	sshll.u32 s31, $0xA;
	v3 =	vshll.u32 v3, $0x3  }
0xb2: {  	v28 =	vld [tilespmem:$0x1FE20];
	[tilespmem:v1+s23+$0x6400] =	vst.idx.msk $0xffff, v3;
	v3 =	vor.u32 $0x1, v3  }
0xb3: {  	v29 =	vld [tilespmem:$0x1FE30];
	[tilespmem:v4+s23+$0x6400] =	vst.idx.msk $0xffff, v3  }
0xb4: {  	v3 =	vld [tilespmem:s24+$0x10];
	_ =	sdelay $0x4  }
0xb5: {  	v3 =	vshll.u32 v3, $0x3  }
0xb6: {  	v30 =	vld [tilespmem:$0x1FE40];
	[tilespmem:v28+s23+$0x6400] =	vst.idx.msk $0xffff, v3;
	v3 =	vor.u32 $0x1, v3  }
0xb7: {  	v31 =	vld [tilespmem:$0x1FE50];
	[tilespmem:v29+s23+$0x6400] =	vst.idx.msk $0xffff, v3  }
0xb8: {  	v3 =	vld [tilespmem:s24+$0x20];
	_ =	sdelay $0x4  }
0xb9: {  	v3 =	vshll.u32 v3, $0x3  }
0xba: {  	v32 =	vld [tilespmem:$0x1FE60];
	[tilespmem:v30+s23+$0x6400] =	vst.idx.msk $0xffff, v3;
	v3 =	vor.u32 $0x1, v3  }
0xbb: {  	v8 =	vld [tilespmem:$0x1FE70];
	[tilespmem:v31+s23+$0x6400] =	vst.idx.msk $0xffff, v3  }
0xbc: {  	v3 =	vld [tilespmem:s24+$0x30];
	_ =	sdelay $0x4  }
0xbd: {  	v3 =	vshll.u32 v3, $0x3  }
0xbe: {  	v9 =	vld [tilespmem:$0x1FE80];
	[tilespmem:v32+s23+$0x6400] =	vst.idx.msk $0xffff, v3;
	v3 =	vor.u32 $0x1, v3  }
0xbf: {  	v10 =	vld [tilespmem:$0x1FE90];
	[tilespmem:v8+s23+$0x6400] =	vst.idx.msk $0xffff, v3  }
0xc0: {  	v3 =	vld [tilespmem:s24+$0x40];
	_ =	sdelay $0x4  }
0xc1: {  	v3 =	vshll.u32 v3, $0x3  }
0xc2: {  	v11 =	vld [tilespmem:$0x1FEA0];
	[tilespmem:v9+s23+$0x6400] =	vst.idx.msk $0xffff, v3;
	v3 =	vor.u32 $0x1, v3  }
0xc3: {  	v12 =	vld [tilespmem:$0x1FEB0];
	[tilespmem:v10+s23+$0x6400] =	vst.idx.msk $0xffff, v3  }
0xc4: {  	v3 =	vld [tilespmem:s24+$0x50];
	_ =	sdelay $0x4  }
0xc5: {  	v3 =	vshll.u32 v3, $0x3  }
0xc6: {  	v13 =	vld [tilespmem:$0x1FEC0];
	[tilespmem:v11+s23+$0x6400] =	vst.idx.msk $0xffff, v3;
	v3 =	vor.u32 $0x1, v3  }
0xc7: {  	v14 =	vld [tilespmem:$0x1FED0];
	[tilespmem:v12+s23+$0x6400] =	vst.idx.msk $0xffff, v3  }
0xc8: {  	v3 =	vld [tilespmem:s24+$0x60];
	_ =	sdelay $0x4  }
0xc9: {  	v3 =	vshll.u32 v3, $0x3  }
0xca: {  	v15 =	vld [tilespmem:$0x1FEE0];
	[tilespmem:v13+s23+$0x6400] =	vst.idx.msk $0xffff, v3;
	v3 =	vor.u32 $0x1, v3  }
0xcb: {  	v16 =	vld [tilespmem:$0x1FEF0];
	[tilespmem:v14+s23+$0x6400] =	vst.idx.msk $0xffff, v3  }
0xcc: {  	v3 =	vld [tilespmem:s24+$0x70];
	_ =	sdelay $0x4  }
0xcd: {  	v3 =	vshll.u32 v3, $0x3  }
0xce: {  	v17 =	vld [tilespmem:$0x1FF00];
	[tilespmem:v15+s23+$0x6400] =	vst.idx.msk $0xffff, v3;
	v3 =	vor.u32 $0x1, v3  }
0xcf: {  	v18 =	vld [tilespmem:$0x1FF10];
	[tilespmem:v16+s23+$0x6400] =	vst.idx.msk $0xffff, v3  }
0xd0: {  	v3 =	vld [tilespmem:s24+$0x80];
	_ =	sdelay $0x4  }
0xd1: {  	v3 =	vshll.u32 v3, $0x3  }
0xd2: {  	v19 =	vld [tilespmem:$0x1FF20];
	[tilespmem:v17+s23+$0x6400] =	vst.idx.msk $0xffff, v3;
	v3 =	vor.u32 $0x1, v3  }
0xd3: {  	v20 =	vld [tilespmem:$0x1FF30];
	[tilespmem:v18+s23+$0x6400] =	vst.idx.msk $0xffff, v3  }
0xd4: {  	v3 =	vld [tilespmem:s24+$0x90];
	_ =	sdelay $0x4  }
0xd5: {  	v3 =	vshll.u32 v3, $0x3  }
0xd6: {  	v21 =	vld [tilespmem:$0x1FF40];
	[tilespmem:v19+s23+$0x6400] =	vst.idx.msk $0xffff, v3;
	v3 =	vor.u32 $0x1, v3  }
0xd7: {  	v22 =	vld [tilespmem:$0x1FF50];
	[tilespmem:v20+s23+$0x6400] =	vst.idx.msk $0xffff, v3  }
0xd8: {  	v3 =	vld [tilespmem:s24+$0xA0];
	_ =	sdelay $0x4  }
0xd9: {  	v3 =	vshll.u32 v3, $0x3  }
0xda: {  	v23 =	vld [tilespmem:$0x1FF60];
	[tilespmem:v21+s23+$0x6400] =	vst.idx.msk $0xffff, v3;
	v3 =	vor.u32 $0x1, v3  }
0xdb: {  	v24 =	vld [tilespmem:$0x1FF70];
	[tilespmem:v22+s23+$0x6400] =	vst.idx.msk $0xffff, v3  }
0xdc: {  	v3 =	vld [tilespmem:s24+$0xB0];
	_ =	sdelay $0x4  }
0xdd: {  	v3 =	vshll.u32 v3, $0x3  }
0xde: {  	v25 =	vld [tilespmem:$0x1FF80];
	[tilespmem:v23+s23+$0x6400] =	vst.idx.msk $0xffff, v3;
	v3 =	vor.u32 $0x1, v3  }
0xdf: {  	v26 =	vld [tilespmem:$0x1FF90];
	[tilespmem:v24+s23+$0x6400] =	vst.idx.msk $0xffff, v3  }
0xe0: {  	v3 =	vld [tilespmem:s24+$0xC0];
	_ =	sdelay $0x4  }
0xe1: {  	v3 =	vshll.u32 v3, $0x3  }
0xe2: {  	v27 =	vld [tilespmem:$0x1FFA0];
	[tilespmem:v25+s23+$0x6400] =	vst.idx.msk $0xffff, v3;
	v3 =	vor.u32 $0x1, v3  }
0xe3: {  	v28 =	vld [tilespmem:$0x1FFB0];
	[tilespmem:v26+s23+$0x6400] =	vst.idx.msk $0xffff, v3  }
0xe4: {  	v3 =	vld [tilespmem:s24+$0xD0];
	_ =	sdelay $0x4  }
0xe5: {  	v3 =	vshll.u32 v3, $0x3  }
0xe6: {  	v29 =	vld [tilespmem:$0x1FFC0];
	[tilespmem:v27+s23+$0x6400] =	vst.idx.msk $0xffff, v3;
	v3 =	vor.u32 $0x1, v3  }
0xe7: {  	v30 =	vld [tilespmem:$0x1FFD0];
	[tilespmem:v28+s23+$0x6400] =	vst.idx.msk $0xffff, v3  }
0xe8: {  	v3 =	vld [tilespmem:s24+$0xE0];
	_ =	sdelay $0x4  }
0xe9: {  	v3 =	vshll.u32 v3, $0x3  }
0xea: {  	v31 =	vld [tilespmem:$0x1FFE0];
	[tilespmem:v29+s23+$0x6400] =	vst.idx.msk $0xffff, v3;
	v3 =	vor.u32 $0x1, v3  }
0xeb: {  	v32 =	vld [tilespmem:$0x1FFF0];
	[tilespmem:v30+s23+$0x6400] =	vst.idx.msk $0xffff, v3  }
0xec: {  	v3 =	vld [tilespmem:s24+$0xF0];
	_ =	sdelay $0x4  }
0xed: {  	v3 =	vshll.u32 v3, $0x3  }
0xee: {  	[tilespmem:v31+s23+$0x6400] =	vst.idx.msk $0xffff, v3;
	v3 =	vor.u32 $0x1, v3  }
0xef: {  	[tilespmem:v32+s23+$0x6400] =	vst.idx.msk $0xffff, v3  }
0xf0: {  	v3 =	vld [tilespmem:s24+$0x100];
	_ =	sdelay $0x4  }
0xf1: {  	v3 =	vshll.u32 v3, $0x3  }
0xf2: {  	[tilespmem:v33+s23+$0x6400] =	vst.idx.msk $0xffff, v3;
	v3 =	vor.u32 $0x1, v3  }
0xf3: {  	[tilespmem:v34+s23+$0x6400] =	vst.idx.msk $0xffff, v3  }
0xf4: {  	v3 =	vld [tilespmem:s24+$0x110];
	_ =	sdelay $0x4  }
0xf5: {  	v3 =	vshll.u32 v3, $0x3  }
0xf6: {  	[tilespmem:v35+s23+$0x6400] =	vst.idx.msk $0xffff, v3;
	v3 =	vor.u32 $0x1, v3  }
0xf7: {  	[tilespmem:v36+s23+$0x6400] =	vst.idx.msk $0xffff, v3  }
0xf8: {  	v3 =	vld [tilespmem:s24+$0x120];
	_ =	sdelay $0x4  }
0xf9: {  	v3 =	vshll.u32 v3, $0x3  }
0xfa: {  	[tilespmem:v37+s23+$0x6400] =	vst.idx.msk $0xffff, v3;
	v3 =	vor.u32 $0x1, v3  }
0xfb: {  	[tilespmem:v38+s23+$0x6400] =	vst.idx.msk $0xffff, v3  }
0xfc: {  	v3 =	vld [tilespmem:s24+$0x130];
	_ =	sdelay $0x4  }
0xfd: {  	v3 =	vshll.u32 v3, $0x3  }
0xfe: {  	[tilespmem:v39+s23+$0x6400] =	vst.idx.msk $0xffff, v3;
	v3 =	vor.u32 $0x1, v3  }
0xff: {  	[tilespmem:v40+s23+$0x6400] =	vst.idx.msk $0xffff, v3  }
0x100: {  	v3 =	vld [tilespmem:s24+$0x140];
	_ =	sdelay $0x4  }
0x101: {  	v3 =	vshll.u32 v3, $0x3  }
0x102: {  	[tilespmem:v41+s23+$0x6400] =	vst.idx.msk $0xffff, v3;
	v3 =	vor.u32 $0x1, v3  }
0x103: {  	[tilespmem:v42+s23+$0x6400] =	vst.idx.msk $0xffff, v3  }
0x104: {  	v3 =	vld [tilespmem:s24+$0x150];
	_ =	sdelay $0x4  }
0x105: {  	v3 =	vshll.u32 v3, $0x3  }
0x106: {  	[tilespmem:v43+s23+$0x6400] =	vst.idx.msk $0xffff, v3;
	v3 =	vor.u32 $0x1, v3  }
0x107: {  	[tilespmem:v44+s23+$0x6400] =	vst.idx.msk $0xffff, v3  }
0x108: {  	v3 =	vld [tilespmem:s24+$0x160];
	_ =	sdelay $0x4  }
0x109: {  	v3 =	vshll.u32 v3, $0x3  }
0x10a: {  	[tilespmem:v45+s23+$0x6400] =	vst.idx.msk $0xffff, v3;
	v3 =	vor.u32 $0x1, v3  }
0x10b: {  	[tilespmem:v46+s23+$0x6400] =	vst.idx.msk $0xffff, v3  }
0x10c: {  	v3 =	vld [tilespmem:s24+$0x170];
	_ =	sdelay $0x4  }
0x10d: {  	v3 =	vshll.u32 v3, $0x3  }
0x10e: {  	[tilespmem:v47+s23+$0x6400] =	vst.idx.msk $0xffff, v3;
	v3 =	vor.u32 $0x1, v3  }
0x10f: {  	[tilespmem:v48+s23+$0x6400] =	vst.idx.msk $0xffff, v3  }
0x110: {  	v3 =	vld [tilespmem:s24+$0x180];
	_ =	sdelay $0x4  }
0x111: {  	v3 =	vshll.u32 v3, $0x3  }
0x112: {  	[tilespmem:v49+s23+$0x6400] =	vst.idx.msk $0xffff, v3;
	v3 =	vor.u32 $0x1, v3  }
0x113: {  	[tilespmem:v50+s23+$0x6400] =	vst.idx.msk $0xffff, v3  }
0x114: {  	v3 =	vld [tilespmem:s24+$0x190];
	_ =	sdelay $0x4  }
0x115: {  	v3 =	vshll.u32 v3, $0x3  }
0x116: {  	[tilespmem:v51+s23+$0x6400] =	vst.idx.msk $0xffff, v3;
	v3 =	vor.u32 $0x1, v3  }
0x117: {  	[tilespmem:v52+s23+$0x6400] =	vst.idx.msk $0xffff, v3  }
0x118: {  	v3 =	vld [tilespmem:s24+$0x1A0];
	_ =	sdelay $0x4  }
0x119: {  	v3 =	vshll.u32 v3, $0x3  }
0x11a: {  	[tilespmem:v53+s23+$0x6400] =	vst.idx.msk $0xffff, v3;
	v3 =	vor.u32 $0x1, v3  }
0x11b: {  	[tilespmem:v54+s23+$0x6400] =	vst.idx.msk $0xffff, v3  }
0x11c: {  	v3 =	vld [tilespmem:s24+$0x1B0];
	_ =	sdelay $0x4  }
0x11d: {  	v3 =	vshll.u32 v3, $0x3  }
0x11e: {  	[tilespmem:v55+s23+$0x6400] =	vst.idx.msk $0xffff, v3;
	v3 =	vor.u32 $0x1, v3  }
0x11f: {  	[tilespmem:v56+s23+$0x6400] =	vst.idx.msk $0xffff, v3  }
0x120: {  	v3 =	vld [tilespmem:s24+$0x1C0];
	_ =	sdelay $0x4  }
0x121: {  	v3 =	vshll.u32 v3, $0x3  }
0x122: {  	[tilespmem:v57+s23+$0x6400] =	vst.idx.msk $0xffff, v3;
	v3 =	vor.u32 $0x1, v3  }
0x123: {  	[tilespmem:v58+s23+$0x6400] =	vst.idx.msk $0xffff, v3  }
0x124: {  	v3 =	vld [tilespmem:s24+$0x1D0];
	_ =	sdelay $0x4  }
0x125: {  	v3 =	vshll.u32 v3, $0x3  }
0x126: {  	[tilespmem:v59+s23+$0x6400] =	vst.idx.msk $0xffff, v3;
	v3 =	vor.u32 $0x1, v3  }
0x127: {  	[tilespmem:v60+s23+$0x6400] =	vst.idx.msk $0xffff, v3  }
0x128: {  	v3 =	vld [tilespmem:s24+$0x1E0];
	_ =	sdelay $0x4  }
0x129: {  	v3 =	vshll.u32 v3, $0x3  }
0x12a: {  	[tilespmem:v61+s23+$0x6400] =	vst.idx.msk $0xffff, v3;
	v3 =	vor.u32 $0x1, v3  }
0x12b: {  	[tilespmem:v62+s23+$0x6400] =	vst.idx.msk $0xffff, v3  }
0x12c: {  	v3 =	vld [tilespmem:s24+$0x1F0];
	_ =	sdelay $0x4  }
0x12d: {  	v3 =	vshll.u32 v3, $0x3  }
0x12e: {  	s21 =	sshll.u32 s31, $0xE;
	[tilespmem:v0+s23+$0x6400] =	vst.idx.msk $0xffff, v3;
	v3 =	vor.u32 $0x1, v3  }
0x12f: {  	s21 =	sadd.s32 $0x6C00, s21;
	[tilespmem:v2+s23+$0x6400] =	vst.idx.msk $0xffff, v3;
	s23 =	sadd.s32 $0x6400, s23  }
0x130: {  	[tilespmem:s21], [sflag:$0x1] =	stream.indirect.gather [hbm4b:s4+s15], $0x10, s23, s15, $0xb8;
	[tilespmem:$0x17400] =	vst v63  }
.LBB2_4:
0x131: {  	_ =	swait.ge [sflag:s17], $0x4000  }
0x132: {  	p1 =	slt.u32 s22, $0x2;
	[sflag:s17] =	ssyncset.done $0x0  }
0x133: {  	s23 =	simm.s32 @!p1 $0x2;
	[sflag:s17] =	ssyncadd.s32 $0xFFFFC000  }
0x134: {  	s21 =	simm.s32 $0x1;
	_ =	swait.ge @!p1 [sflag:s23], $0x1000  }
0x135: {  	s25 =	sand.u32 $0x1, s22;
	s21 =	simm.s32 @!p0 $0x0;
	[sflag:s23] =	ssyncset.done @!p1 $0x0  }
0x136: {  	s29 =	smul.u32 $0x11000, s25;
	s21 =	sshll.u32 s21, $0xE;
	[sflag:s23] =	ssyncadd.s32 @!p1 $0xFFFFF000  }
0x137: {  	s24 =	sor.u32 $0x9CF0, s21;
	s26 =	sor.u32 $0x8CF0, s21;
	_ =	swait.ge @!p1 [sflag:s23], $0x1000  }
0x138: {  	s28 =	sadd.s32 $0x7CF0, s21;
	s25 =	sadd.s32 $0x6C80, s21;
	[sflag:s23] =	ssyncset.done @!p1 $0x0  }
0x139: {  	s21 =	sshrl.u32 s29, $0x2;
	s29 =	simm.s32 $0x0;
	[sflag:s23] =	ssyncadd.s32 @!p1 $0xFFFFF000  }
0x13a: {  	v3 =	vmov s29;
	_ =	swait.ge @!p1 [sflag:s23], $0x1000  }
0x13b: {  	v3 =	vshrl.u32 v3, $0x3;
	[sflag:s23] =	ssyncset.done @!p1 $0x0  }
0x13c: {  	v3 =	vshll.u32 v3, v63;
	[sflag:s23] =	ssyncadd.s32 @!p1 $0xFFFFF000  }
0x13d: {  	v5 =	vbroadcast v3, $0x0;
	v3 =	vlaneseq.u32;
	_ =	swait.ge @!p1 [sflag:s23], $0x1000  }
0x13e: {  	v3 =	vmul.u32 $0x88, v3;
	[sflag:s23] =	ssyncset.done @!p1 $0x0  }
0x13f: {  	[sflag:s23] =	ssyncadd.s32 @!p1 $0xFFFFF000  }
0x140: {  	v7 =	vadd.s32 v3, v5;
	v4 =	vadd.s32 $0x880, v3;
	v6 =	vld [tilespmem:s25+$0xFFFFFF80]  }
0x141: {  	s29 =	simm.s32 $0x1;
	v5 =	vadd.s32 v4, v5;
	v8 =	vld [tilespmem:s25+$0xFFFFFF90]  }
0x142: {  	v9 =	vmov s29  }
0x143: {  	v9 =	vshrl.u32 v9, $0x3  }
0x144: {  	v9 =	vshll.u32 v9, v63;
	s23 =	sadd.s32 $0xEC00, s21  }
0x145: {  	[tilespmem:v7+s23+$0x0] =	vst.idx.msk $0xffff, v6;
	v7 =	vbroadcast v9, $0x0  }
0x146: {  	v6 =	vor.u32 $0x1, v3;
	[tilespmem:v5+s23+$0x0] =	vst.idx.msk $0xffff, v8  }
0x147: {  	v5 =	vadd.s32 $0x881, v3;
	v8 =	vld [tilespmem:s25+$0xFFFFFFA0];
	v9 =	vadd.s32 v6, v7  }
0x148: {  	s29 =	simm.s32 $0x2;
	v10 =	vld [tilespmem:s25+$0xFFFFFFB0];
	v11 =	vadd.s32 v5, v7  }
0x149: {  	v7 =	vmov s29  }
0x14a: {  	v7 =	vshrl.u32 v7, $0x3  }
0x14b: {  	v7 =	vshll.u32 v7, v63  }
0x14c: {  	[tilespmem:v9+s23+$0x0] =	vst.idx.msk $0xffff, v8;
	v9 =	vbroadcast v7, $0x0  }
0x14d: {  	v7 =	vor.u32 $0x2, v3;
	[tilespmem:v11+s23+$0x0] =	vst.idx.msk $0xffff, v10  }
0x14e: {  	v8 =	vadd.s32 $0x882, v3;
	v10 =	vld [tilespmem:s25+$0xFFFFFFC0];
	v11 =	vadd.s32 v7, v9  }
0x14f: {  	s29 =	simm.s32 $0x3;
	v12 =	vld [tilespmem:s25+$0xFFFFFFD0];
	v13 =	vadd.s32 v8, v9  }
0x150: {  	v9 =	vmov s29  }
0x151: {  	v9 =	vshrl.u32 v9, $0x3  }
0x152: {  	v9 =	vshll.u32 v9, v63  }
0x153: {  	[tilespmem:v11+s23+$0x0] =	vst.idx.msk $0xffff, v10;
	v11 =	vbroadcast v9, $0x0  }
0x154: {  	v9 =	vor.u32 $0x3, v3;
	[tilespmem:v13+s23+$0x0] =	vst.idx.msk $0xffff, v12  }
0x155: {  	v10 =	vadd.s32 $0x883, v3;
	v12 =	vld [tilespmem:s25+$0xFFFFFFE0];
	v13 =	vadd.s32 v9, v11  }
0x156: {  	s29 =	simm.s32 $0x4;
	v14 =	vld [tilespmem:s25+$0xFFFFFFF0];
	v15 =	vadd.s32 v10, v11  }
0x157: {  	v11 =	vmov s29  }
0x158: {  	v11 =	vshrl.u32 v11, $0x3  }
0x159: {  	v11 =	vshll.u32 v11, v63  }
0x15a: {  	[tilespmem:v13+s23+$0x0] =	vst.idx.msk $0xffff, v12;
	v12 =	vbroadcast v11, $0x0  }
0x15b: {  	v11 =	vor.u32 $0x4, v3;
	[tilespmem:v15+s23+$0x0] =	vst.idx.msk $0xffff, v14  }
0x15c: {  	v13 =	vadd.s32 $0x884, v3;
	v14 =	vld [tilespmem:s25+$0x0];
	v15 =	vadd.s32 v11, v12  }
0x15d: {  	s29 =	simm.s32 $0x5;
	v16 =	vld [tilespmem:s25+$0x10];
	v17 =	vadd.s32 v13, v12  }
0x15e: {  	v12 =	vmov s29  }
0x15f: {  	v12 =	vshrl.u32 v12, $0x3  }
0x160: {  	v12 =	vshll.u32 v12, v63  }
0x161: {  	[tilespmem:v15+s23+$0x0] =	vst.idx.msk $0xffff, v14;
	v14 =	vbroadcast v12, $0x0  }
0x162: {  	v12 =	vor.u32 $0x5, v3;
	[tilespmem:v17+s23+$0x0] =	vst.idx.msk $0xffff, v16  }
0x163: {  	v16 =	vadd.s32 $0x885, v3;
	v15 =	vld [tilespmem:s25+$0x20];
	v17 =	vadd.s32 v12, v14  }
0x164: {  	s29 =	simm.s32 $0x6;
	v18 =	vld [tilespmem:s25+$0x30];
	v19 =	vadd.s32 v16, v14  }
0x165: {  	v14 =	vmov s29  }
0x166: {  	v14 =	vshrl.u32 v14, $0x3  }
0x167: {  	v14 =	vshll.u32 v14, v63  }
0x168: {  	[tilespmem:v17+s23+$0x0] =	vst.idx.msk $0xffff, v15;
	v17 =	vbroadcast v14, $0x0  }
0x169: {  	v14 =	vor.u32 $0x6, v3;
	[tilespmem:v19+s23+$0x0] =	vst.idx.msk $0xffff, v18  }
0x16a: {  	v15 =	vadd.s32 $0x886, v3;
	v18 =	vld [tilespmem:s25+$0x40];
	v19 =	vadd.s32 v14, v17  }
0x16b: {  	s29 =	simm.s32 $0x7;
	v20 =	vld [tilespmem:s25+$0x50];
	v21 =	vadd.s32 v15, v17  }
0x16c: {  	v17 =	vmov s29  }
0x16d: {  	v17 =	vshrl.u32 v17, $0x3  }
0x16e: {  	v17 =	vshll.u32 v17, v63  }
0x16f: {  	[tilespmem:v19+s23+$0x0] =	vst.idx.msk $0xffff, v18;
	v19 =	vbroadcast v17, $0x0  }
0x170: {  	s29 =	simm.s32 $0x8;
	v17 =	vor.u32 $0x7, v3;
	[tilespmem:v21+s23+$0x0] =	vst.idx.msk $0xffff, v20  }
0x171: {  	v18 =	vmov s29;
	v22 =	vld [tilespmem:s25+$0x60];
	v23 =	vadd.s32 v17, v19  }
0x172: {  	v21 =	vshrl.u32 v18, $0x3;
	v18 =	vadd.s32 $0x887, v3  }
0x173: {  	v20 =	vld [tilespmem:s25+$0x70];
	v24 =	vshll.u32 v21, v63;
	v21 =	vadd.s32 v18, v19;
	_ =	sdelay $0x2  }
0x174: {  	s30 =	simm.s32 $0x10;
	v19 =	vbroadcast v24, $0x0;
	[tilespmem:v23+s23+$0x0] =	vst.idx.msk $0xffff, v22  }
.LBB2_5:
0x175: {  	p1 =	slt.u32 s30, $0x78  }
0x176: {  	[tilespmem:v21+s23+$0x0] =	vst.idx.msk $0xffff, v20;
	s25 =	sadd.s32 $0x100, s25;
	s31 =	smov.u32 s30;
	s30 =	sadd.s32 $0x8, s30  }
0x177: {  	v22 =	vadd.s32 $0x880, v3;
	v23 =	vadd.s32 $0x881, v3;
	v20 =	vld [tilespmem:s25+$0xFFFFFF80];
	v21 =	vadd.s32 v3, v19  }
0x178: {  	s0 =	sadd.s32 $0x1, s29;
	v25 =	vor.u32 $0x5, v3;
	v26 =	vor.u32 $0x6, v3;
	v22 =	vadd.s32 v22, v19;
	v24 =	vld [tilespmem:s25+$0xFFFFFF90]  }
0x179: {  	v28 =	vor.u32 $0x4, v3;
	v27 =	vmov s0;
	v19 =	vor.u32 $0x7, v3  }
0x17a: {  	v29 =	vor.u32 $0x2, v3;
	v30 =	vadd.s32 $0x882, v3;
	v27 =	vshrl.u32 v27, $0x3  }
0x17b: {  	v31 =	vor.u32 $0x3, v3;
	v32 =	vadd.s32 $0x883, v3;
	v27 =	vshll.u32 v27, v63  }
0x17c: {  	[tilespmem:v21+s23+$0x0] =	vst.idx.msk $0xffff, v20;
	v20 =	vbroadcast v27, $0x0;
	v21 =	vadd.s32 $0x886, v3  }
0x17d: {  	[tilespmem:v22+s23+$0x0] =	vst.idx.msk $0xffff, v24;
	v22 =	vor.u32 $0x1, v3  }
0x17e: {  	v24 =	vld [tilespmem:s25+$0xFFFFFFA0];
	v22 =	vadd.s32 v22, v20  }
0x17f: {  	s0 =	sadd.s32 $0x2, s29;
	v20 =	vadd.s32 v23, v20;
	v27 =	vld [tilespmem:s25+$0xFFFFFFB0]  }
0x180: {  	v23 =	vmov s0  }
0x181: {  	v23 =	vshrl.u32 v23, $0x3  }
0x182: {  	v23 =	vshll.u32 v23, v63  }
0x183: {  	[tilespmem:v22+s23+$0x0] =	vst.idx.msk $0xffff, v24;
	v22 =	vbroadcast v23, $0x0  }
0x184: {  	[tilespmem:v20+s23+$0x0] =	vst.idx.msk $0xffff, v27  }
0x185: {  	v20 =	vld [tilespmem:s25+$0xFFFFFFC0];
	v23 =	vadd.s32 v29, v22  }
0x186: {  	s0 =	sadd.s32 $0x3, s29;
	v22 =	vadd.s32 v30, v22;
	v24 =	vld [tilespmem:s25+$0xFFFFFFD0]  }
0x187: {  	v27 =	vmov s0  }
0x188: {  	v27 =	vshrl.u32 v27, $0x3  }
0x189: {  	v27 =	vshll.u32 v27, v63  }
0x18a: {  	[tilespmem:v23+s23+$0x0] =	vst.idx.msk $0xffff, v20;
	v20 =	vbroadcast v27, $0x0  }
0x18b: {  	[tilespmem:v22+s23+$0x0] =	vst.idx.msk $0xffff, v24  }
0x18c: {  	v22 =	vld [tilespmem:s25+$0xFFFFFFE0];
	v23 =	vadd.s32 v31, v20  }
0x18d: {  	s0 =	sadd.s32 $0x4, s29;
	v20 =	vadd.s32 v32, v20;
	v24 =	vld [tilespmem:s25+$0xFFFFFFF0]  }
0x18e: {  	v27 =	vmov s0  }
0x18f: {  	v27 =	vshrl.u32 v27, $0x3  }
0x190: {  	v27 =	vshll.u32 v27, v63  }
0x191: {  	[tilespmem:v23+s23+$0x0] =	vst.idx.msk $0xffff, v22;
	v22 =	vbroadcast v27, $0x0  }
0x192: {  	[tilespmem:v20+s23+$0x0] =	vst.idx.msk $0xffff, v24  }
0x193: {  	v24 =	vadd.s32 $0x884, v3;
	v20 =	vld [tilespmem:s25+$0x0];
	v23 =	vadd.s32 v28, v22  }
0x194: {  	s0 =	sadd.s32 $0x5, s29;
	v22 =	vadd.s32 v24, v22;
	v27 =	vld [tilespmem:s25+$0x10]  }
0x195: {  	v24 =	vmov s0  }
0x196: {  	v24 =	vshrl.u32 v24, $0x3  }
0x197: {  	v24 =	vshll.u32 v24, v63  }
0x198: {  	[tilespmem:v23+s23+$0x0] =	vst.idx.msk $0xffff, v20;
	v20 =	vbroadcast v24, $0x0  }
0x199: {  	[tilespmem:v22+s23+$0x0] =	vst.idx.msk $0xffff, v27  }
0x19a: {  	v24 =	vadd.s32 $0x885, v3;
	v22 =	vld [tilespmem:s25+$0x20];
	v23 =	vadd.s32 v25, v20  }
0x19b: {  	s0 =	sadd.s32 $0x6, s29;
	v20 =	vadd.s32 v24, v20;
	v25 =	vld [tilespmem:s25+$0x30]  }
0x19c: {  	v24 =	vmov s0  }
0x19d: {  	v24 =	vshrl.u32 v24, $0x3  }
0x19e: {  	v24 =	vshll.u32 v24, v63  }
0x19f: {  	[tilespmem:v23+s23+$0x0] =	vst.idx.msk $0xffff, v22;
	v22 =	vbroadcast v24, $0x0  }
0x1a0: {  	[tilespmem:v20+s23+$0x0] =	vst.idx.msk $0xffff, v25  }
0x1a1: {  	v20 =	vld [tilespmem:s25+$0x40];
	v23 =	vadd.s32 v26, v22  }
0x1a2: {  	s0 =	sadd.s32 $0x7, s29;
	s29 =	smov.u32 s31;
	v21 =	vadd.s32 v21, v22;
	v24 =	vld [tilespmem:s25+$0x50]  }
0x1a3: {  	v22 =	vmov s0  }
0x1a4: {  	v22 =	vshrl.u32 v22, $0x3  }
0x1a5: {  	v22 =	vshll.u32 v22, v63  }
0x1a6: {  	v22 =	vbroadcast v22, $0x0;
	[tilespmem:v23+s23+$0x0] =	vst.idx.msk $0xffff, v20  }
0x1a7: {  	[tilespmem:v21+s23+$0x0] =	vst.idx.msk $0xffff, v24  }
0x1a8: {  	v24 =	vadd.s32 v19, v22;
	v19 =	vadd.s32 $0x887, v3;
	v23 =	vld [tilespmem:s25+$0x60]  }
.Ltmp1:
0x1a9: {  	v21 =	vadd.s32 v19, v22;
	v20 =	vld [tilespmem:s25+$0x70];
	(pc) =	sbr.rel @p1 .LBB2_5-.Ltmp1, $4  }
0x1aa: {  	v19 =	vmov s29  }
0x1ab: {  	v19 =	vshrl.u32 v19, $0x3  }
0x1ac: {  	v19 =	vshll.u32 v19, v63  }
0x1ad: {  	v19 =	vbroadcast v19, $0x0;
	[tilespmem:v24+s23+$0x0] =	vst.idx.msk $0xffff, v23  }
0x1ae: {  	_ =	sdelay $0x3  }
0x1af: {  	[tilespmem:v21+s23+$0x0] =	vst.idx.msk $0xffff, v20;
	s25 =	sadd.s32 $0x100, s25  }
0x1b0: {  	v20 =	vld [tilespmem:s25+$0xFFFFFF80];
	v21 =	vadd.s32 v3, v19  }
0x1b1: {  	s0 =	sadd.s32 $0x1, s29;
	v22 =	vld [tilespmem:s25+$0xFFFFFF90];
	v19 =	vadd.s32 v4, v19  }
0x1b2: {  	v23 =	vmov s0  }
0x1b3: {  	v23 =	vshrl.u32 v23, $0x3  }
0x1b4: {  	v23 =	vshll.u32 v23, v63  }
0x1b5: {  	[tilespmem:v21+s23+$0x0] =	vst.idx.msk $0xffff, v20;
	v20 =	vbroadcast v23, $0x0  }
0x1b6: {  	[tilespmem:v19+s23+$0x0] =	vst.idx.msk $0xffff, v22  }
0x1b7: {  	v19 =	vld [tilespmem:s25+$0xFFFFFFA0];
	v21 =	vadd.s32 v6, v20  }
0x1b8: {  	s31 =	sadd.s32 $0x2, s29;
	v22 =	vld [tilespmem:s25+$0xFFFFFFB0];
	v20 =	vadd.s32 v5, v20  }
0x1b9: {  	v23 =	vmov s31  }
0x1ba: {  	v23 =	vshrl.u32 v23, $0x3  }
0x1bb: {  	v23 =	vshll.u32 v23, v63  }
0x1bc: {  	[tilespmem:v21+s23+$0x0] =	vst.idx.msk $0xffff, v19;
	v19 =	vbroadcast v23, $0x0  }
0x1bd: {  	[tilespmem:v20+s23+$0x0] =	vst.idx.msk $0xffff, v22  }
0x1be: {  	v20 =	vld [tilespmem:s25+$0xFFFFFFC0];
	v21 =	vadd.s32 v7, v19  }
0x1bf: {  	s31 =	sadd.s32 $0x3, s29;
	v22 =	vld [tilespmem:s25+$0xFFFFFFD0];
	v19 =	vadd.s32 v8, v19  }
0x1c0: {  	v23 =	vmov s31  }
0x1c1: {  	v23 =	vshrl.u32 v23, $0x3  }
0x1c2: {  	v23 =	vshll.u32 v23, v63  }
0x1c3: {  	[tilespmem:v21+s23+$0x0] =	vst.idx.msk $0xffff, v20;
	v20 =	vbroadcast v23, $0x0  }
0x1c4: {  	[tilespmem:v19+s23+$0x0] =	vst.idx.msk $0xffff, v22  }
0x1c5: {  	v19 =	vld [tilespmem:s25+$0xFFFFFFE0];
	v21 =	vadd.s32 v9, v20  }
0x1c6: {  	s31 =	sadd.s32 $0x4, s29;
	v22 =	vld [tilespmem:s25+$0xFFFFFFF0];
	v20 =	vadd.s32 v10, v20  }
0x1c7: {  	v23 =	vmov s31  }
0x1c8: {  	v23 =	vshrl.u32 v23, $0x3  }
0x1c9: {  	v23 =	vshll.u32 v23, v63  }
0x1ca: {  	[tilespmem:v21+s23+$0x0] =	vst.idx.msk $0xffff, v19;
	v19 =	vbroadcast v23, $0x0  }
0x1cb: {  	[tilespmem:v20+s23+$0x0] =	vst.idx.msk $0xffff, v22  }
0x1cc: {  	v20 =	vld [tilespmem:s25+$0x0];
	v21 =	vadd.s32 v11, v19  }
0x1cd: {  	s31 =	sadd.s32 $0x5, s29;
	v22 =	vld [tilespmem:s25+$0x10];
	v19 =	vadd.s32 v13, v19  }
0x1ce: {  	v23 =	vmov s31  }
0x1cf: {  	v23 =	vshrl.u32 v23, $0x3  }
0x1d0: {  	v23 =	vshll.u32 v23, v63  }
0x1d1: {  	[tilespmem:v21+s23+$0x0] =	vst.idx.msk $0xffff, v20;
	v20 =	vbroadcast v23, $0x0  }
0x1d2: {  	[tilespmem:v19+s23+$0x0] =	vst.idx.msk $0xffff, v22  }
0x1d3: {  	v19 =	vld [tilespmem:s25+$0x20];
	v21 =	vadd.s32 v12, v20  }
0x1d4: {  	s31 =	sadd.s32 $0x6, s29;
	v22 =	vld [tilespmem:s25+$0x30];
	v20 =	vadd.s32 v16, v20  }
0x1d5: {  	v23 =	vmov s31  }
0x1d6: {  	v23 =	vshrl.u32 v23, $0x3  }
0x1d7: {  	v23 =	vshll.u32 v23, v63  }
0x1d8: {  	[tilespmem:v21+s23+$0x0] =	vst.idx.msk $0xffff, v19;
	v19 =	vbroadcast v23, $0x0  }
0x1d9: {  	[tilespmem:v20+s23+$0x0] =	vst.idx.msk $0xffff, v22  }
0x1da: {  	v20 =	vld [tilespmem:s25+$0x40];
	v21 =	vadd.s32 v14, v19  }
0x1db: {  	s31 =	sadd.s32 $0x7, s29;
	v22 =	vld [tilespmem:s25+$0x50];
	v19 =	vadd.s32 v15, v19  }
0x1dc: {  	v23 =	vmov s31  }
0x1dd: {  	v23 =	vshrl.u32 v23, $0x3  }
0x1de: {  	v23 =	vshll.u32 v23, v63  }
0x1df: {  	[tilespmem:v21+s23+$0x0] =	vst.idx.msk $0xffff, v20;
	v20 =	vbroadcast v23, $0x0  }
0x1e0: {  	[tilespmem:v19+s23+$0x0] =	vst.idx.msk $0xffff, v22  }
0x1e1: {  	v19 =	vld [tilespmem:s25+$0x60];
	v21 =	vadd.s32 v17, v20;
	_ =	sdelay $0x3  }
0x1e2: {  	s29 =	simm.s32 $0x0;
	v22 =	vld [tilespmem:s25+$0x70];
	v20 =	vadd.s32 v18, v20  }
0x1e3: {  	[tilespmem:v21+s23+$0x0] =	vst.idx.msk $0xffff, v19;
	v19 =	vmov s29  }
0x1e4: {  	v19 =	vshrl.u32 v19, $0x3  }
0x1e5: {  	v19 =	vshll.u32 v19, v63  }
0x1e6: {  	v19 =	vbroadcast v19, $0x0  }
0x1e7: {  	[tilespmem:v20+s23+$0x0] =	vst.idx.msk $0xffff, v22  }
0x1e8: {  	v20 =	vld [tilespmem:s28+$0xFFFFFF10];
	v21 =	vadd.s32 v3, v19  }
0x1e9: {  	s31 =	simm.s32 $0x1;
	v22 =	vld [tilespmem:s28+$0xFFFFFF20];
	v19 =	vadd.s32 v4, v19  }
0x1ea: {  	v23 =	vmov s31  }
0x1eb: {  	v23 =	vshrl.u32 v23, $0x3  }
0x1ec: {  	s25 =	sadd.s32 $0xFD00, s21;
	v23 =	vshll.u32 v23, v63  }
0x1ed: {  	[tilespmem:v21+s25+$0x0] =	vst.idx.msk $0xffff, v20;
	v20 =	vbroadcast v23, $0x0  }
0x1ee: {  	[tilespmem:v19+s25+$0x0] =	vst.idx.msk $0xffff, v22  }
0x1ef: {  	v19 =	vld [tilespmem:s28+$0xFFFFFF30];
	v21 =	vadd.s32 v6, v20  }
0x1f0: {  	s31 =	simm.s32 $0x2;
	v22 =	vld [tilespmem:s28+$0xFFFFFF40];
	v20 =	vadd.s32 v5, v20  }
0x1f1: {  	v23 =	vmov s31  }
0x1f2: {  	v23 =	vshrl.u32 v23, $0x3  }
0x1f3: {  	v23 =	vshll.u32 v23, v63  }
0x1f4: {  	[tilespmem:v21+s25+$0x0] =	vst.idx.msk $0xffff, v19;
	v19 =	vbroadcast v23, $0x0  }
0x1f5: {  	[tilespmem:v20+s25+$0x0] =	vst.idx.msk $0xffff, v22  }
0x1f6: {  	v20 =	vld [tilespmem:s28+$0xFFFFFF50];
	v21 =	vadd.s32 v7, v19  }
0x1f7: {  	s31 =	simm.s32 $0x3;
	v22 =	vld [tilespmem:s28+$0xFFFFFF60];
	v19 =	vadd.s32 v8, v19  }
0x1f8: {  	v23 =	vmov s31  }
0x1f9: {  	v23 =	vshrl.u32 v23, $0x3  }
0x1fa: {  	v23 =	vshll.u32 v23, v63  }
0x1fb: {  	[tilespmem:v21+s25+$0x0] =	vst.idx.msk $0xffff, v20;
	v20 =	vbroadcast v23, $0x0  }
0x1fc: {  	[tilespmem:v19+s25+$0x0] =	vst.idx.msk $0xffff, v22  }
0x1fd: {  	v19 =	vld [tilespmem:s28+$0xFFFFFF70];
	v21 =	vadd.s32 v9, v20  }
0x1fe: {  	s31 =	simm.s32 $0x4;
	v22 =	vld [tilespmem:s28+$0xFFFFFF80];
	v20 =	vadd.s32 v10, v20  }
0x1ff: {  	v23 =	vmov s31  }
0x200: {  	v23 =	vshrl.u32 v23, $0x3  }
0x201: {  	v23 =	vshll.u32 v23, v63  }
0x202: {  	[tilespmem:v21+s25+$0x0] =	vst.idx.msk $0xffff, v19;
	v19 =	vbroadcast v23, $0x0  }
0x203: {  	[tilespmem:v20+s25+$0x0] =	vst.idx.msk $0xffff, v22  }
0x204: {  	v20 =	vld [tilespmem:s28+$0xFFFFFF90];
	v21 =	vadd.s32 v11, v19  }
0x205: {  	s31 =	simm.s32 $0x5;
	v22 =	vld [tilespmem:s28+$0xFFFFFFA0];
	v19 =	vadd.s32 v13, v19  }
0x206: {  	v23 =	vmov s31  }
0x207: {  	v23 =	vshrl.u32 v23, $0x3  }
0x208: {  	v23 =	vshll.u32 v23, v63  }
0x209: {  	[tilespmem:v21+s25+$0x0] =	vst.idx.msk $0xffff, v20;
	v20 =	vbroadcast v23, $0x0  }
0x20a: {  	[tilespmem:v19+s25+$0x0] =	vst.idx.msk $0xffff, v22  }
0x20b: {  	v19 =	vld [tilespmem:s28+$0xFFFFFFB0];
	v21 =	vadd.s32 v12, v20  }
0x20c: {  	s31 =	simm.s32 $0x6;
	v22 =	vld [tilespmem:s28+$0xFFFFFFC0];
	v20 =	vadd.s32 v16, v20  }
0x20d: {  	v23 =	vmov s31  }
0x20e: {  	v23 =	vshrl.u32 v23, $0x3  }
0x20f: {  	v23 =	vshll.u32 v23, v63  }
0x210: {  	[tilespmem:v21+s25+$0x0] =	vst.idx.msk $0xffff, v19;
	v19 =	vbroadcast v23, $0x0  }
0x211: {  	[tilespmem:v20+s25+$0x0] =	vst.idx.msk $0xffff, v22  }
0x212: {  	v20 =	vld [tilespmem:s28+$0xFFFFFFD0];
	v21 =	vadd.s32 v14, v19  }
0x213: {  	s31 =	simm.s32 $0x7;
	v22 =	vld [tilespmem:s28+$0xFFFFFFE0];
	v19 =	vadd.s32 v15, v19  }
0x214: {  	v23 =	vmov s31  }
0x215: {  	v23 =	vshrl.u32 v23, $0x3  }
0x216: {  	v23 =	vshll.u32 v23, v63  }
0x217: {  	[tilespmem:v21+s25+$0x0] =	vst.idx.msk $0xffff, v20;
	v21 =	vbroadcast v23, $0x0  }
0x218: {  	[tilespmem:v19+s25+$0x0] =	vst.idx.msk $0xffff, v22  }
0x219: {  	v22 =	vld [tilespmem:s28+$0xFFFFFFF0];
	v23 =	vadd.s32 v17, v21  }
0x21a: {  	s29 =	simm.s32 $0x8  }
0x21b: {  	v19 =	vmov s29;
	v20 =	vld [tilespmem:s28+$0x0];
	v21 =	vadd.s32 v18, v21  }
0x21c: {  	v19 =	vshrl.u32 v19, $0x3  }
0x21d: {  	v19 =	vshll.u32 v19, v63  }
0x21e: {  	s30 =	simm.s32 $0x10;
	v19 =	vbroadcast v19, $0x0;
	[tilespmem:v23+s25+$0x0] =	vst.idx.msk $0xffff, v22  }
.LBB2_7:
0x21f: {  	p1 =	slt.u32 s30, $0x78  }
0x220: {  	[tilespmem:v21+s25+$0x0] =	vst.idx.msk $0xffff, v20;
	s28 =	sadd.s32 $0x100, s28;
	s31 =	smov.u32 s30;
	s30 =	sadd.s32 $0x8, s30  }
0x221: {  	v20 =	vld [tilespmem:s28+$0xFFFFFF10];
	v21 =	vadd.s32 v3, v19  }
0x222: {  	s0 =	sadd.s32 $0x1, s29;
	v19 =	vadd.s32 v4, v19;
	v22 =	vld [tilespmem:s28+$0xFFFFFF20]  }
0x223: {  	v23 =	vmov s0  }
0x224: {  	v23 =	vshrl.u32 v23, $0x3  }
0x225: {  	v23 =	vshll.u32 v23, v63  }
0x226: {  	[tilespmem:v21+s25+$0x0] =	vst.idx.msk $0xffff, v20;
	v20 =	vbroadcast v23, $0x0  }
0x227: {  	[tilespmem:v19+s25+$0x0] =	vst.idx.msk $0xffff, v22  }
0x228: {  	v19 =	vld [tilespmem:s28+$0xFFFFFF30];
	v21 =	vadd.s32 v6, v20  }
0x229: {  	s0 =	sadd.s32 $0x2, s29;
	v20 =	vadd.s32 v5, v20;
	v22 =	vld [tilespmem:s28+$0xFFFFFF40]  }
0x22a: {  	v23 =	vmov s0  }
0x22b: {  	v23 =	vshrl.u32 v23, $0x3  }
0x22c: {  	v23 =	vshll.u32 v23, v63  }
0x22d: {  	[tilespmem:v21+s25+$0x0] =	vst.idx.msk $0xffff, v19;
	v19 =	vbroadcast v23, $0x0  }
0x22e: {  	[tilespmem:v20+s25+$0x0] =	vst.idx.msk $0xffff, v22  }
0x22f: {  	v20 =	vld [tilespmem:s28+$0xFFFFFF50];
	v21 =	vadd.s32 v7, v19  }
0x230: {  	s0 =	sadd.s32 $0x3, s29;
	v19 =	vadd.s32 v8, v19;
	v22 =	vld [tilespmem:s28+$0xFFFFFF60]  }
0x231: {  	v23 =	vmov s0  }
0x232: {  	v23 =	vshrl.u32 v23, $0x3  }
0x233: {  	v23 =	vshll.u32 v23, v63  }
0x234: {  	[tilespmem:v21+s25+$0x0] =	vst.idx.msk $0xffff, v20;
	v20 =	vbroadcast v23, $0x0  }
0x235: {  	[tilespmem:v19+s25+$0x0] =	vst.idx.msk $0xffff, v22  }
0x236: {  	v19 =	vld [tilespmem:s28+$0xFFFFFF70];
	v21 =	vadd.s32 v9, v20  }
0x237: {  	s0 =	sadd.s32 $0x4, s29;
	v20 =	vadd.s32 v10, v20;
	v22 =	vld [tilespmem:s28+$0xFFFFFF80]  }
0x238: {  	v23 =	vmov s0  }
0x239: {  	v23 =	vshrl.u32 v23, $0x3  }
0x23a: {  	v23 =	vshll.u32 v23, v63  }
0x23b: {  	[tilespmem:v21+s25+$0x0] =	vst.idx.msk $0xffff, v19;
	v19 =	vbroadcast v23, $0x0  }
0x23c: {  	[tilespmem:v20+s25+$0x0] =	vst.idx.msk $0xffff, v22  }
0x23d: {  	v20 =	vld [tilespmem:s28+$0xFFFFFF90];
	v21 =	vadd.s32 v11, v19  }
0x23e: {  	s0 =	sadd.s32 $0x5, s29;
	v19 =	vadd.s32 v13, v19;
	v22 =	vld [tilespmem:s28+$0xFFFFFFA0]  }
0x23f: {  	v23 =	vmov s0  }
0x240: {  	v23 =	vshrl.u32 v23, $0x3  }
0x241: {  	v23 =	vshll.u32 v23, v63  }
0x242: {  	[tilespmem:v21+s25+$0x0] =	vst.idx.msk $0xffff, v20;
	v20 =	vbroadcast v23, $0x0  }
0x243: {  	[tilespmem:v19+s25+$0x0] =	vst.idx.msk $0xffff, v22  }
0x244: {  	v19 =	vld [tilespmem:s28+$0xFFFFFFB0];
	v21 =	vadd.s32 v12, v20  }
0x245: {  	s0 =	sadd.s32 $0x6, s29;
	v20 =	vadd.s32 v16, v20;
	v22 =	vld [tilespmem:s28+$0xFFFFFFC0]  }
0x246: {  	v23 =	vmov s0  }
0x247: {  	v23 =	vshrl.u32 v23, $0x3  }
0x248: {  	v23 =	vshll.u32 v23, v63  }
0x249: {  	[tilespmem:v21+s25+$0x0] =	vst.idx.msk $0xffff, v19;
	v19 =	vbroadcast v23, $0x0  }
0x24a: {  	[tilespmem:v20+s25+$0x0] =	vst.idx.msk $0xffff, v22  }
0x24b: {  	v20 =	vld [tilespmem:s28+$0xFFFFFFD0];
	v21 =	vadd.s32 v14, v19  }
0x24c: {  	s0 =	sadd.s32 $0x7, s29;
	s29 =	smov.u32 s31;
	v19 =	vadd.s32 v15, v19;
	v22 =	vld [tilespmem:s28+$0xFFFFFFE0]  }
0x24d: {  	v23 =	vmov s0  }
0x24e: {  	v23 =	vshrl.u32 v23, $0x3  }
0x24f: {  	v23 =	vshll.u32 v23, v63  }
0x250: {  	[tilespmem:v21+s25+$0x0] =	vst.idx.msk $0xffff, v20;
	v21 =	vbroadcast v23, $0x0  }
0x251: {  	[tilespmem:v19+s25+$0x0] =	vst.idx.msk $0xffff, v22  }
0x252: {  	v22 =	vld [tilespmem:s28+$0xFFFFFFF0];
	v23 =	vadd.s32 v17, v21  }
.Ltmp2:
0x253: {  	v21 =	vadd.s32 v18, v21;
	v20 =	vld [tilespmem:s28+$0x0];
	(pc) =	sbr.rel @p1 .LBB2_7-.Ltmp2, $4  }
0x254: {  	v19 =	vmov s29  }
0x255: {  	v19 =	vshrl.u32 v19, $0x3  }
0x256: {  	v19 =	vshll.u32 v19, v63  }
0x257: {  	v19 =	vbroadcast v19, $0x0;
	[tilespmem:v23+s25+$0x0] =	vst.idx.msk $0xffff, v22  }
0x258: {  	_ =	sdelay $0x3  }
0x259: {  	[tilespmem:v21+s25+$0x0] =	vst.idx.msk $0xffff, v20;
	s28 =	sadd.s32 $0x100, s28  }
0x25a: {  	v20 =	vld [tilespmem:s28+$0xFFFFFF10];
	v21 =	vadd.s32 v3, v19  }
0x25b: {  	s0 =	sadd.s32 $0x1, s29;
	v22 =	vld [tilespmem:s28+$0xFFFFFF20];
	v19 =	vadd.s32 v4, v19  }
0x25c: {  	v23 =	vmov s0  }
0x25d: {  	v23 =	vshrl.u32 v23, $0x3  }
0x25e: {  	v23 =	vshll.u32 v23, v63  }
0x25f: {  	[tilespmem:v21+s25+$0x0] =	vst.idx.msk $0xffff, v20;
	v20 =	vbroadcast v23, $0x0  }
0x260: {  	[tilespmem:v19+s25+$0x0] =	vst.idx.msk $0xffff, v22  }
0x261: {  	v19 =	vld [tilespmem:s28+$0xFFFFFF30];
	v21 =	vadd.s32 v6, v20  }
0x262: {  	s31 =	sadd.s32 $0x2, s29;
	v22 =	vld [tilespmem:s28+$0xFFFFFF40];
	v20 =	vadd.s32 v5, v20  }
0x263: {  	v23 =	vmov s31  }
0x264: {  	v23 =	vshrl.u32 v23, $0x3  }
0x265: {  	v23 =	vshll.u32 v23, v63  }
0x266: {  	[tilespmem:v21+s25+$0x0] =	vst.idx.msk $0xffff, v19;
	v19 =	vbroadcast v23, $0x0  }
0x267: {  	[tilespmem:v20+s25+$0x0] =	vst.idx.msk $0xffff, v22  }
0x268: {  	v20 =	vld [tilespmem:s28+$0xFFFFFF50];
	v21 =	vadd.s32 v7, v19  }
0x269: {  	s31 =	sadd.s32 $0x3, s29;
	v22 =	vld [tilespmem:s28+$0xFFFFFF60];
	v19 =	vadd.s32 v8, v19  }
0x26a: {  	v23 =	vmov s31  }
0x26b: {  	v23 =	vshrl.u32 v23, $0x3  }
0x26c: {  	v23 =	vshll.u32 v23, v63  }
0x26d: {  	[tilespmem:v21+s25+$0x0] =	vst.idx.msk $0xffff, v20;
	v20 =	vbroadcast v23, $0x0  }
0x26e: {  	[tilespmem:v19+s25+$0x0] =	vst.idx.msk $0xffff, v22  }
0x26f: {  	v19 =	vld [tilespmem:s28+$0xFFFFFF70];
	v21 =	vadd.s32 v9, v20  }
0x270: {  	s31 =	sadd.s32 $0x4, s29;
	v22 =	vld [tilespmem:s28+$0xFFFFFF80];
	v20 =	vadd.s32 v10, v20  }
0x271: {  	v23 =	vmov s31  }
0x272: {  	v23 =	vshrl.u32 v23, $0x3  }
0x273: {  	v23 =	vshll.u32 v23, v63  }
0x274: {  	[tilespmem:v21+s25+$0x0] =	vst.idx.msk $0xffff, v19;
	v19 =	vbroadcast v23, $0x0  }
0x275: {  	[tilespmem:v20+s25+$0x0] =	vst.idx.msk $0xffff, v22  }
0x276: {  	v20 =	vld [tilespmem:s28+$0xFFFFFF90];
	v21 =	vadd.s32 v11, v19  }
0x277: {  	s31 =	sadd.s32 $0x5, s29;
	v22 =	vld [tilespmem:s28+$0xFFFFFFA0];
	v19 =	vadd.s32 v13, v19  }
0x278: {  	v23 =	vmov s31  }
0x279: {  	v23 =	vshrl.u32 v23, $0x3  }
0x27a: {  	v23 =	vshll.u32 v23, v63  }
0x27b: {  	[tilespmem:v21+s25+$0x0] =	vst.idx.msk $0xffff, v20;
	v20 =	vbroadcast v23, $0x0  }
0x27c: {  	[tilespmem:v19+s25+$0x0] =	vst.idx.msk $0xffff, v22  }
0x27d: {  	v19 =	vld [tilespmem:s28+$0xFFFFFFB0];
	v21 =	vadd.s32 v12, v20  }
0x27e: {  	s31 =	sadd.s32 $0x6, s29;
	v22 =	vld [tilespmem:s28+$0xFFFFFFC0];
	v20 =	vadd.s32 v16, v20  }
0x27f: {  	v23 =	vmov s31  }
0x280: {  	v23 =	vshrl.u32 v23, $0x3  }
0x281: {  	v23 =	vshll.u32 v23, v63  }
0x282: {  	[tilespmem:v21+s25+$0x0] =	vst.idx.msk $0xffff, v19;
	v19 =	vbroadcast v23, $0x0  }
0x283: {  	[tilespmem:v20+s25+$0x0] =	vst.idx.msk $0xffff, v22  }
0x284: {  	v20 =	vld [tilespmem:s28+$0xFFFFFFD0];
	v21 =	vadd.s32 v14, v19  }
0x285: {  	s31 =	sadd.s32 $0x7, s29;
	v22 =	vld [tilespmem:s28+$0xFFFFFFE0];
	v19 =	vadd.s32 v15, v19  }
0x286: {  	v23 =	vmov s31  }
0x287: {  	v23 =	vshrl.u32 v23, $0x3  }
0x288: {  	v23 =	vshll.u32 v23, v63  }
0x289: {  	[tilespmem:v21+s25+$0x0] =	vst.idx.msk $0xffff, v20;
	v20 =	vbroadcast v23, $0x0  }
0x28a: {  	[tilespmem:v19+s25+$0x0] =	vst.idx.msk $0xffff, v22  }
0x28b: {  	v19 =	vld [tilespmem:s28+$0xFFFFFFF0];
	v21 =	vadd.s32 v17, v20;
	_ =	sdelay $0x3  }
0x28c: {  	s29 =	simm.s32 $0x0;
	v22 =	vld [tilespmem:s28+$0x0];
	v20 =	vadd.s32 v18, v20  }
0x28d: {  	[tilespmem:v21+s25+$0x0] =	vst.idx.msk $0xffff, v19;
	v19 =	vmov s29  }
0x28e: {  	v19 =	vshrl.u32 v19, $0x3  }
0x28f: {  	v19 =	vshll.u32 v19, v63  }
0x290: {  	v19 =	vbroadcast v19, $0x0  }
0x291: {  	[tilespmem:v20+s25+$0x0] =	vst.idx.msk $0xffff, v22  }
0x292: {  	v20 =	vld [tilespmem:s26+$0xFFFFFF10];
	v21 =	vadd.s32 v3, v19  }
0x293: {  	s31 =	simm.s32 $0x1;
	v22 =	vld [tilespmem:s26+$0xFFFFFF20];
	v19 =	vadd.s32 v4, v19  }
0x294: {  	v23 =	vmov s31  }
0x295: {  	v23 =	vshrl.u32 v23, $0x3  }
0x296: {  	s28 =	sadd.s32 $0x10E00, s21;
	v23 =	vshll.u32 v23, v63  }
0x297: {  	[tilespmem:v21+s28+$0x0] =	vst.idx.msk $0xffff, v20;
	v20 =	vbroadcast v23, $0x0  }
0x298: {  	[tilespmem:v19+s28+$0x0] =	vst.idx.msk $0xffff, v22  }
0x299: {  	v19 =	vld [tilespmem:s26+$0xFFFFFF30];
	v21 =	vadd.s32 v6, v20  }
0x29a: {  	s31 =	simm.s32 $0x2;
	v22 =	vld [tilespmem:s26+$0xFFFFFF40];
	v20 =	vadd.s32 v5, v20  }
0x29b: {  	v23 =	vmov s31  }
0x29c: {  	v23 =	vshrl.u32 v23, $0x3  }
0x29d: {  	v23 =	vshll.u32 v23, v63  }
0x29e: {  	[tilespmem:v21+s28+$0x0] =	vst.idx.msk $0xffff, v19;
	v19 =	vbroadcast v23, $0x0  }
0x29f: {  	[tilespmem:v20+s28+$0x0] =	vst.idx.msk $0xffff, v22  }
0x2a0: {  	v20 =	vld [tilespmem:s26+$0xFFFFFF50];
	v21 =	vadd.s32 v7, v19  }
0x2a1: {  	s31 =	simm.s32 $0x3;
	v22 =	vld [tilespmem:s26+$0xFFFFFF60];
	v19 =	vadd.s32 v8, v19  }
0x2a2: {  	v23 =	vmov s31  }
0x2a3: {  	v23 =	vshrl.u32 v23, $0x3  }
0x2a4: {  	v23 =	vshll.u32 v23, v63  }
0x2a5: {  	[tilespmem:v21+s28+$0x0] =	vst.idx.msk $0xffff, v20;
	v20 =	vbroadcast v23, $0x0  }
0x2a6: {  	[tilespmem:v19+s28+$0x0] =	vst.idx.msk $0xffff, v22  }
0x2a7: {  	v19 =	vld [tilespmem:s26+$0xFFFFFF70];
	v21 =	vadd.s32 v9, v20  }
0x2a8: {  	s31 =	simm.s32 $0x4;
	v22 =	vld [tilespmem:s26+$0xFFFFFF80];
	v20 =	vadd.s32 v10, v20  }
0x2a9: {  	v23 =	vmov s31  }
0x2aa: {  	v23 =	vshrl.u32 v23, $0x3  }
0x2ab: {  	v23 =	vshll.u32 v23, v63  }
0x2ac: {  	[tilespmem:v21+s28+$0x0] =	vst.idx.msk $0xffff, v19;
	v19 =	vbroadcast v23, $0x0  }
0x2ad: {  	[tilespmem:v20+s28+$0x0] =	vst.idx.msk $0xffff, v22  }
0x2ae: {  	v20 =	vld [tilespmem:s26+$0xFFFFFF90];
	v21 =	vadd.s32 v11, v19  }
0x2af: {  	s31 =	simm.s32 $0x5;
	v22 =	vld [tilespmem:s26+$0xFFFFFFA0];
	v19 =	vadd.s32 v13, v19  }
0x2b0: {  	v23 =	vmov s31  }
0x2b1: {  	v23 =	vshrl.u32 v23, $0x3  }
0x2b2: {  	v23 =	vshll.u32 v23, v63  }
0x2b3: {  	[tilespmem:v21+s28+$0x0] =	vst.idx.msk $0xffff, v20;
	v20 =	vbroadcast v23, $0x0  }
0x2b4: {  	[tilespmem:v19+s28+$0x0] =	vst.idx.msk $0xffff, v22  }
0x2b5: {  	v19 =	vld [tilespmem:s26+$0xFFFFFFB0];
	v21 =	vadd.s32 v12, v20  }
0x2b6: {  	s31 =	simm.s32 $0x6;
	v22 =	vld [tilespmem:s26+$0xFFFFFFC0];
	v20 =	vadd.s32 v16, v20  }
0x2b7: {  	v23 =	vmov s31  }
0x2b8: {  	v23 =	vshrl.u32 v23, $0x3  }
0x2b9: {  	v23 =	vshll.u32 v23, v63  }
0x2ba: {  	[tilespmem:v21+s28+$0x0] =	vst.idx.msk $0xffff, v19;
	v19 =	vbroadcast v23, $0x0  }
0x2bb: {  	[tilespmem:v20+s28+$0x0] =	vst.idx.msk $0xffff, v22  }
0x2bc: {  	v20 =	vld [tilespmem:s26+$0xFFFFFFD0];
	v21 =	vadd.s32 v14, v19  }
0x2bd: {  	s31 =	simm.s32 $0x7;
	v22 =	vld [tilespmem:s26+$0xFFFFFFE0];
	v19 =	vadd.s32 v15, v19  }
0x2be: {  	v23 =	vmov s31  }
0x2bf: {  	v23 =	vshrl.u32 v23, $0x3  }
0x2c0: {  	v23 =	vshll.u32 v23, v63  }
0x2c1: {  	[tilespmem:v21+s28+$0x0] =	vst.idx.msk $0xffff, v20;
	v21 =	vbroadcast v23, $0x0  }
0x2c2: {  	[tilespmem:v19+s28+$0x0] =	vst.idx.msk $0xffff, v22  }
0x2c3: {  	v22 =	vld [tilespmem:s26+$0xFFFFFFF0];
	v23 =	vadd.s32 v17, v21  }
0x2c4: {  	s29 =	simm.s32 $0x8  }
0x2c5: {  	v19 =	vmov s29;
	v20 =	vld [tilespmem:s26+$0x0];
	v21 =	vadd.s32 v18, v21  }
0x2c6: {  	v19 =	vshrl.u32 v19, $0x3  }
0x2c7: {  	v19 =	vshll.u32 v19, v63  }
0x2c8: {  	s30 =	simm.s32 $0x10;
	v19 =	vbroadcast v19, $0x0;
	[tilespmem:v23+s28+$0x0] =	vst.idx.msk $0xffff, v22  }
.LBB2_9:
0x2c9: {  	p1 =	slt.u32 s30, $0x78  }
0x2ca: {  	[tilespmem:v21+s28+$0x0] =	vst.idx.msk $0xffff, v20;
	s26 =	sadd.s32 $0x100, s26;
	s31 =	smov.u32 s30;
	s30 =	sadd.s32 $0x8, s30  }
0x2cb: {  	v20 =	vld [tilespmem:s26+$0xFFFFFF10];
	v21 =	vadd.s32 v3, v19  }
0x2cc: {  	s0 =	sadd.s32 $0x1, s29;
	v19 =	vadd.s32 v4, v19;
	v22 =	vld [tilespmem:s26+$0xFFFFFF20]  }
0x2cd: {  	v23 =	vmov s0  }
0x2ce: {  	v23 =	vshrl.u32 v23, $0x3  }
0x2cf: {  	v23 =	vshll.u32 v23, v63  }
0x2d0: {  	[tilespmem:v21+s28+$0x0] =	vst.idx.msk $0xffff, v20;
	v20 =	vbroadcast v23, $0x0  }
0x2d1: {  	[tilespmem:v19+s28+$0x0] =	vst.idx.msk $0xffff, v22  }
0x2d2: {  	v19 =	vld [tilespmem:s26+$0xFFFFFF30];
	v21 =	vadd.s32 v6, v20  }
0x2d3: {  	s0 =	sadd.s32 $0x2, s29;
	v20 =	vadd.s32 v5, v20;
	v22 =	vld [tilespmem:s26+$0xFFFFFF40]  }
0x2d4: {  	v23 =	vmov s0  }
0x2d5: {  	v23 =	vshrl.u32 v23, $0x3  }
0x2d6: {  	v23 =	vshll.u32 v23, v63  }
0x2d7: {  	[tilespmem:v21+s28+$0x0] =	vst.idx.msk $0xffff, v19;
	v19 =	vbroadcast v23, $0x0  }
0x2d8: {  	[tilespmem:v20+s28+$0x0] =	vst.idx.msk $0xffff, v22  }
0x2d9: {  	v20 =	vld [tilespmem:s26+$0xFFFFFF50];
	v21 =	vadd.s32 v7, v19  }
0x2da: {  	s0 =	sadd.s32 $0x3, s29;
	v19 =	vadd.s32 v8, v19;
	v22 =	vld [tilespmem:s26+$0xFFFFFF60]  }
0x2db: {  	v23 =	vmov s0  }
0x2dc: {  	v23 =	vshrl.u32 v23, $0x3  }
0x2dd: {  	v23 =	vshll.u32 v23, v63  }
0x2de: {  	[tilespmem:v21+s28+$0x0] =	vst.idx.msk $0xffff, v20;
	v20 =	vbroadcast v23, $0x0  }
0x2df: {  	[tilespmem:v19+s28+$0x0] =	vst.idx.msk $0xffff, v22  }
0x2e0: {  	v19 =	vld [tilespmem:s26+$0xFFFFFF70];
	v21 =	vadd.s32 v9, v20  }
0x2e1: {  	s0 =	sadd.s32 $0x4, s29;
	v20 =	vadd.s32 v10, v20;
	v22 =	vld [tilespmem:s26+$0xFFFFFF80]  }
0x2e2: {  	v23 =	vmov s0  }
0x2e3: {  	v23 =	vshrl.u32 v23, $0x3  }
0x2e4: {  	v23 =	vshll.u32 v23, v63  }
0x2e5: {  	[tilespmem:v21+s28+$0x0] =	vst.idx.msk $0xffff, v19;
	v19 =	vbroadcast v23, $0x0  }
0x2e6: {  	[tilespmem:v20+s28+$0x0] =	vst.idx.msk $0xffff, v22  }
0x2e7: {  	v20 =	vld [tilespmem:s26+$0xFFFFFF90];
	v21 =	vadd.s32 v11, v19  }
0x2e8: {  	s0 =	sadd.s32 $0x5, s29;
	v19 =	vadd.s32 v13, v19;
	v22 =	vld [tilespmem:s26+$0xFFFFFFA0]  }
0x2e9: {  	v23 =	vmov s0  }
0x2ea: {  	v23 =	vshrl.u32 v23, $0x3  }
0x2eb: {  	v23 =	vshll.u32 v23, v63  }
0x2ec: {  	[tilespmem:v21+s28+$0x0] =	vst.idx.msk $0xffff, v20;
	v20 =	vbroadcast v23, $0x0  }
0x2ed: {  	[tilespmem:v19+s28+$0x0] =	vst.idx.msk $0xffff, v22  }
0x2ee: {  	v19 =	vld [tilespmem:s26+$0xFFFFFFB0];
	v21 =	vadd.s32 v12, v20  }
0x2ef: {  	s0 =	sadd.s32 $0x6, s29;
	v20 =	vadd.s32 v16, v20;
	v22 =	vld [tilespmem:s26+$0xFFFFFFC0]  }
0x2f0: {  	v23 =	vmov s0  }
0x2f1: {  	v23 =	vshrl.u32 v23, $0x3  }
0x2f2: {  	v23 =	vshll.u32 v23, v63  }
0x2f3: {  	[tilespmem:v21+s28+$0x0] =	vst.idx.msk $0xffff, v19;
	v19 =	vbroadcast v23, $0x0  }
0x2f4: {  	[tilespmem:v20+s28+$0x0] =	vst.idx.msk $0xffff, v22  }
0x2f5: {  	v20 =	vld [tilespmem:s26+$0xFFFFFFD0];
	v21 =	vadd.s32 v14, v19  }
0x2f6: {  	s0 =	sadd.s32 $0x7, s29;
	s29 =	smov.u32 s31;
	v19 =	vadd.s32 v15, v19;
	v22 =	vld [tilespmem:s26+$0xFFFFFFE0]  }
0x2f7: {  	v23 =	vmov s0  }
0x2f8: {  	v23 =	vshrl.u32 v23, $0x3  }
0x2f9: {  	v23 =	vshll.u32 v23, v63  }
0x2fa: {  	[tilespmem:v21+s28+$0x0] =	vst.idx.msk $0xffff, v20;
	v21 =	vbroadcast v23, $0x0  }
0x2fb: {  	[tilespmem:v19+s28+$0x0] =	vst.idx.msk $0xffff, v22  }
0x2fc: {  	v22 =	vld [tilespmem:s26+$0xFFFFFFF0];
	v23 =	vadd.s32 v17, v21  }
.Ltmp3:
0x2fd: {  	v21 =	vadd.s32 v18, v21;
	v20 =	vld [tilespmem:s26+$0x0];
	(pc) =	sbr.rel @p1 .LBB2_9-.Ltmp3, $4  }
0x2fe: {  	v19 =	vmov s29  }
0x2ff: {  	v19 =	vshrl.u32 v19, $0x3  }
0x300: {  	v19 =	vshll.u32 v19, v63  }
0x301: {  	v19 =	vbroadcast v19, $0x0;
	[tilespmem:v23+s28+$0x0] =	vst.idx.msk $0xffff, v22  }
0x302: {  	_ =	sdelay $0x3  }
0x303: {  	[tilespmem:v21+s28+$0x0] =	vst.idx.msk $0xffff, v20;
	s26 =	sadd.s32 $0x100, s26  }
0x304: {  	v20 =	vld [tilespmem:s26+$0xFFFFFF10];
	v21 =	vadd.s32 v3, v19  }
0x305: {  	s0 =	sadd.s32 $0x1, s29;
	v22 =	vld [tilespmem:s26+$0xFFFFFF20];
	v19 =	vadd.s32 v4, v19  }
0x306: {  	v23 =	vmov s0  }
0x307: {  	v23 =	vshrl.u32 v23, $0x3  }
0x308: {  	v23 =	vshll.u32 v23, v63  }
0x309: {  	[tilespmem:v21+s28+$0x0] =	vst.idx.msk $0xffff, v20;
	v20 =	vbroadcast v23, $0x0  }
0x30a: {  	[tilespmem:v19+s28+$0x0] =	vst.idx.msk $0xffff, v22  }
0x30b: {  	v19 =	vld [tilespmem:s26+$0xFFFFFF30];
	v21 =	vadd.s32 v6, v20  }
0x30c: {  	s31 =	sadd.s32 $0x2, s29;
	v22 =	vld [tilespmem:s26+$0xFFFFFF40];
	v20 =	vadd.s32 v5, v20  }
0x30d: {  	v23 =	vmov s31  }
0x30e: {  	v23 =	vshrl.u32 v23, $0x3  }
0x30f: {  	v23 =	vshll.u32 v23, v63  }
0x310: {  	[tilespmem:v21+s28+$0x0] =	vst.idx.msk $0xffff, v19;
	v19 =	vbroadcast v23, $0x0  }
0x311: {  	[tilespmem:v20+s28+$0x0] =	vst.idx.msk $0xffff, v22  }
0x312: {  	v20 =	vld [tilespmem:s26+$0xFFFFFF50];
	v21 =	vadd.s32 v7, v19  }
0x313: {  	s31 =	sadd.s32 $0x3, s29;
	v22 =	vld [tilespmem:s26+$0xFFFFFF60];
	v19 =	vadd.s32 v8, v19  }
0x314: {  	v23 =	vmov s31  }
0x315: {  	v23 =	vshrl.u32 v23, $0x3  }
0x316: {  	v23 =	vshll.u32 v23, v63  }
0x317: {  	[tilespmem:v21+s28+$0x0] =	vst.idx.msk $0xffff, v20;
	v20 =	vbroadcast v23, $0x0  }
0x318: {  	[tilespmem:v19+s28+$0x0] =	vst.idx.msk $0xffff, v22  }
0x319: {  	v19 =	vld [tilespmem:s26+$0xFFFFFF70];
	v21 =	vadd.s32 v9, v20  }
0x31a: {  	s31 =	sadd.s32 $0x4, s29;
	v22 =	vld [tilespmem:s26+$0xFFFFFF80];
	v20 =	vadd.s32 v10, v20  }
0x31b: {  	v23 =	vmov s31  }
0x31c: {  	v23 =	vshrl.u32 v23, $0x3  }
0x31d: {  	v23 =	vshll.u32 v23, v63  }
0x31e: {  	[tilespmem:v21+s28+$0x0] =	vst.idx.msk $0xffff, v19;
	v19 =	vbroadcast v23, $0x0  }
0x31f: {  	[tilespmem:v20+s28+$0x0] =	vst.idx.msk $0xffff, v22  }
0x320: {  	v20 =	vld [tilespmem:s26+$0xFFFFFF90];
	v21 =	vadd.s32 v11, v19  }
0x321: {  	s31 =	sadd.s32 $0x5, s29;
	v22 =	vld [tilespmem:s26+$0xFFFFFFA0];
	v19 =	vadd.s32 v13, v19  }
0x322: {  	v23 =	vmov s31  }
0x323: {  	v23 =	vshrl.u32 v23, $0x3  }
0x324: {  	v23 =	vshll.u32 v23, v63  }
0x325: {  	[tilespmem:v21+s28+$0x0] =	vst.idx.msk $0xffff, v20;
	v20 =	vbroadcast v23, $0x0  }
0x326: {  	[tilespmem:v19+s28+$0x0] =	vst.idx.msk $0xffff, v22  }
0x327: {  	v19 =	vld [tilespmem:s26+$0xFFFFFFB0];
	v21 =	vadd.s32 v12, v20  }
0x328: {  	s31 =	sadd.s32 $0x6, s29;
	v22 =	vld [tilespmem:s26+$0xFFFFFFC0];
	v20 =	vadd.s32 v16, v20  }
0x329: {  	v23 =	vmov s31  }
0x32a: {  	v23 =	vshrl.u32 v23, $0x3  }
0x32b: {  	v23 =	vshll.u32 v23, v63  }
0x32c: {  	[tilespmem:v21+s28+$0x0] =	vst.idx.msk $0xffff, v19;
	v19 =	vbroadcast v23, $0x0  }
0x32d: {  	[tilespmem:v20+s28+$0x0] =	vst.idx.msk $0xffff, v22  }
0x32e: {  	v20 =	vld [tilespmem:s26+$0xFFFFFFD0];
	v21 =	vadd.s32 v14, v19  }
0x32f: {  	s31 =	sadd.s32 $0x7, s29;
	v22 =	vld [tilespmem:s26+$0xFFFFFFE0];
	v19 =	vadd.s32 v15, v19  }
0x330: {  	v23 =	vmov s31  }
0x331: {  	v23 =	vshrl.u32 v23, $0x3  }
0x332: {  	v23 =	vshll.u32 v23, v63  }
0x333: {  	[tilespmem:v21+s28+$0x0] =	vst.idx.msk $0xffff, v20;
	v20 =	vbroadcast v23, $0x0  }
0x334: {  	[tilespmem:v19+s28+$0x0] =	vst.idx.msk $0xffff, v22  }
0x335: {  	v19 =	vld [tilespmem:s26+$0xFFFFFFF0];
	v21 =	vadd.s32 v17, v20;
	_ =	sdelay $0x3  }
0x336: {  	s29 =	simm.s32 $0x0;
	v22 =	vld [tilespmem:s26+$0x0];
	v20 =	vadd.s32 v18, v20  }
0x337: {  	[tilespmem:v21+s28+$0x0] =	vst.idx.msk $0xffff, v19;
	v19 =	vmov s29  }
0x338: {  	v19 =	vshrl.u32 v19, $0x3  }
0x339: {  	v19 =	vshll.u32 v19, v63  }
0x33a: {  	v19 =	vbroadcast v19, $0x0  }
0x33b: {  	[tilespmem:v20+s28+$0x0] =	vst.idx.msk $0xffff, v22  }
0x33c: {  	v20 =	vld [tilespmem:s24+$0xFFFFFF10];
	v21 =	vadd.s32 v3, v19  }
0x33d: {  	s31 =	simm.s32 $0x1;
	v22 =	vld [tilespmem:s24+$0xFFFFFF20];
	v19 =	vadd.s32 v4, v19  }
0x33e: {  	v23 =	vmov s31  }
0x33f: {  	v23 =	vshrl.u32 v23, $0x3  }
0x340: {  	s26 =	sadd.s32 $0x11F00, s21;
	v23 =	vshll.u32 v23, v63  }
0x341: {  	[tilespmem:v21+s26+$0x0] =	vst.idx.msk $0xffff, v20;
	v20 =	vbroadcast v23, $0x0  }
0x342: {  	[tilespmem:v19+s26+$0x0] =	vst.idx.msk $0xffff, v22  }
0x343: {  	v19 =	vld [tilespmem:s24+$0xFFFFFF30];
	v21 =	vadd.s32 v6, v20  }
0x344: {  	s31 =	simm.s32 $0x2;
	v22 =	vld [tilespmem:s24+$0xFFFFFF40];
	v20 =	vadd.s32 v5, v20  }
0x345: {  	v23 =	vmov s31  }
0x346: {  	v23 =	vshrl.u32 v23, $0x3  }
0x347: {  	v23 =	vshll.u32 v23, v63  }
0x348: {  	[tilespmem:v21+s26+$0x0] =	vst.idx.msk $0xffff, v19;
	v19 =	vbroadcast v23, $0x0  }
0x349: {  	[tilespmem:v20+s26+$0x0] =	vst.idx.msk $0xffff, v22  }
0x34a: {  	v20 =	vld [tilespmem:s24+$0xFFFFFF50];
	v21 =	vadd.s32 v7, v19  }
0x34b: {  	s31 =	simm.s32 $0x3;
	v22 =	vld [tilespmem:s24+$0xFFFFFF60];
	v19 =	vadd.s32 v8, v19  }
0x34c: {  	v23 =	vmov s31  }
0x34d: {  	v23 =	vshrl.u32 v23, $0x3  }
0x34e: {  	v23 =	vshll.u32 v23, v63  }
0x34f: {  	[tilespmem:v21+s26+$0x0] =	vst.idx.msk $0xffff, v20;
	v20 =	vbroadcast v23, $0x0  }
0x350: {  	[tilespmem:v19+s26+$0x0] =	vst.idx.msk $0xffff, v22  }
0x351: {  	v19 =	vld [tilespmem:s24+$0xFFFFFF70];
	v21 =	vadd.s32 v9, v20  }
0x352: {  	s31 =	simm.s32 $0x4;
	v22 =	vld [tilespmem:s24+$0xFFFFFF80];
	v20 =	vadd.s32 v10, v20  }
0x353: {  	v23 =	vmov s31  }
0x354: {  	v23 =	vshrl.u32 v23, $0x3  }
0x355: {  	v23 =	vshll.u32 v23, v63  }
0x356: {  	[tilespmem:v21+s26+$0x0] =	vst.idx.msk $0xffff, v19;
	v19 =	vbroadcast v23, $0x0  }
0x357: {  	[tilespmem:v20+s26+$0x0] =	vst.idx.msk $0xffff, v22  }
0x358: {  	v20 =	vld [tilespmem:s24+$0xFFFFFF90];
	v21 =	vadd.s32 v11, v19  }
0x359: {  	s31 =	simm.s32 $0x5;
	v22 =	vld [tilespmem:s24+$0xFFFFFFA0];
	v19 =	vadd.s32 v13, v19  }
0x35a: {  	v23 =	vmov s31  }
0x35b: {  	v23 =	vshrl.u32 v23, $0x3  }
0x35c: {  	v23 =	vshll.u32 v23, v63  }
0x35d: {  	[tilespmem:v21+s26+$0x0] =	vst.idx.msk $0xffff, v20;
	v20 =	vbroadcast v23, $0x0  }
0x35e: {  	[tilespmem:v19+s26+$0x0] =	vst.idx.msk $0xffff, v22  }
0x35f: {  	v19 =	vld [tilespmem:s24+$0xFFFFFFB0];
	v21 =	vadd.s32 v12, v20  }
0x360: {  	s31 =	simm.s32 $0x6;
	v22 =	vld [tilespmem:s24+$0xFFFFFFC0];
	v20 =	vadd.s32 v16, v20  }
0x361: {  	v23 =	vmov s31  }
0x362: {  	v23 =	vshrl.u32 v23, $0x3  }
0x363: {  	v23 =	vshll.u32 v23, v63  }
0x364: {  	[tilespmem:v21+s26+$0x0] =	vst.idx.msk $0xffff, v19;
	v19 =	vbroadcast v23, $0x0  }
0x365: {  	[tilespmem:v20+s26+$0x0] =	vst.idx.msk $0xffff, v22  }
0x366: {  	v20 =	vld [tilespmem:s24+$0xFFFFFFD0];
	v21 =	vadd.s32 v14, v19  }
0x367: {  	s31 =	simm.s32 $0x7;
	v22 =	vld [tilespmem:s24+$0xFFFFFFE0];
	v19 =	vadd.s32 v15, v19  }
0x368: {  	v23 =	vmov s31  }
0x369: {  	v23 =	vshrl.u32 v23, $0x3  }
0x36a: {  	v23 =	vshll.u32 v23, v63  }
0x36b: {  	[tilespmem:v21+s26+$0x0] =	vst.idx.msk $0xffff, v20;
	v21 =	vbroadcast v23, $0x0  }
0x36c: {  	[tilespmem:v19+s26+$0x0] =	vst.idx.msk $0xffff, v22  }
0x36d: {  	v22 =	vld [tilespmem:s24+$0xFFFFFFF0];
	v23 =	vadd.s32 v17, v21  }
0x36e: {  	s29 =	simm.s32 $0x8  }
0x36f: {  	v19 =	vmov s29;
	v20 =	vld [tilespmem:s24+$0x0];
	v21 =	vadd.s32 v18, v21  }
0x370: {  	v19 =	vshrl.u32 v19, $0x3  }
0x371: {  	v19 =	vshll.u32 v19, v63  }
0x372: {  	s30 =	simm.s32 $0x10;
	v19 =	vbroadcast v19, $0x0;
	[tilespmem:v23+s26+$0x0] =	vst.idx.msk $0xffff, v22  }
.LBB2_11:
0x373: {  	p1 =	slt.u32 s30, $0x78  }
0x374: {  	[tilespmem:v21+s26+$0x0] =	vst.idx.msk $0xffff, v20;
	s24 =	sadd.s32 $0x100, s24;
	s31 =	smov.u32 s30;
	s30 =	sadd.s32 $0x8, s30  }
0x375: {  	v20 =	vld [tilespmem:s24+$0xFFFFFF10];
	v21 =	vadd.s32 v3, v19  }
0x376: {  	s0 =	sadd.s32 $0x1, s29;
	v19 =	vadd.s32 v4, v19;
	v22 =	vld [tilespmem:s24+$0xFFFFFF20]  }
0x377: {  	v23 =	vmov s0  }
0x378: {  	v23 =	vshrl.u32 v23, $0x3  }
0x379: {  	v23 =	vshll.u32 v23, v63  }
0x37a: {  	[tilespmem:v21+s26+$0x0] =	vst.idx.msk $0xffff, v20;
	v20 =	vbroadcast v23, $0x0  }
0x37b: {  	[tilespmem:v19+s26+$0x0] =	vst.idx.msk $0xffff, v22  }
0x37c: {  	v19 =	vld [tilespmem:s24+$0xFFFFFF30];
	v21 =	vadd.s32 v6, v20  }
0x37d: {  	s0 =	sadd.s32 $0x2, s29;
	v20 =	vadd.s32 v5, v20;
	v22 =	vld [tilespmem:s24+$0xFFFFFF40]  }
0x37e: {  	v23 =	vmov s0  }
0x37f: {  	v23 =	vshrl.u32 v23, $0x3  }
0x380: {  	v23 =	vshll.u32 v23, v63  }
0x381: {  	[tilespmem:v21+s26+$0x0] =	vst.idx.msk $0xffff, v19;
	v19 =	vbroadcast v23, $0x0  }
0x382: {  	[tilespmem:v20+s26+$0x0] =	vst.idx.msk $0xffff, v22  }
0x383: {  	v20 =	vld [tilespmem:s24+$0xFFFFFF50];
	v21 =	vadd.s32 v7, v19  }
0x384: {  	s0 =	sadd.s32 $0x3, s29;
	v19 =	vadd.s32 v8, v19;
	v22 =	vld [tilespmem:s24+$0xFFFFFF60]  }
0x385: {  	v23 =	vmov s0  }
0x386: {  	v23 =	vshrl.u32 v23, $0x3  }
0x387: {  	v23 =	vshll.u32 v23, v63  }
0x388: {  	[tilespmem:v21+s26+$0x0] =	vst.idx.msk $0xffff, v20;
	v20 =	vbroadcast v23, $0x0  }
0x389: {  	[tilespmem:v19+s26+$0x0] =	vst.idx.msk $0xffff, v22  }
0x38a: {  	v19 =	vld [tilespmem:s24+$0xFFFFFF70];
	v21 =	vadd.s32 v9, v20  }
0x38b: {  	s0 =	sadd.s32 $0x4, s29;
	v20 =	vadd.s32 v10, v20;
	v22 =	vld [tilespmem:s24+$0xFFFFFF80]  }
0x38c: {  	v23 =	vmov s0  }
0x38d: {  	v23 =	vshrl.u32 v23, $0x3  }
0x38e: {  	v23 =	vshll.u32 v23, v63  }
0x38f: {  	[tilespmem:v21+s26+$0x0] =	vst.idx.msk $0xffff, v19;
	v19 =	vbroadcast v23, $0x0  }
0x390: {  	[tilespmem:v20+s26+$0x0] =	vst.idx.msk $0xffff, v22  }
0x391: {  	v20 =	vld [tilespmem:s24+$0xFFFFFF90];
	v21 =	vadd.s32 v11, v19  }
0x392: {  	s0 =	sadd.s32 $0x5, s29;
	v19 =	vadd.s32 v13, v19;
	v22 =	vld [tilespmem:s24+$0xFFFFFFA0]  }
0x393: {  	v23 =	vmov s0  }
0x394: {  	v23 =	vshrl.u32 v23, $0x3  }
0x395: {  	v23 =	vshll.u32 v23, v63  }
0x396: {  	[tilespmem:v21+s26+$0x0] =	vst.idx.msk $0xffff, v20;
	v20 =	vbroadcast v23, $0x0  }
0x397: {  	[tilespmem:v19+s26+$0x0] =	vst.idx.msk $0xffff, v22  }
0x398: {  	v19 =	vld [tilespmem:s24+$0xFFFFFFB0];
	v21 =	vadd.s32 v12, v20  }
0x399: {  	s0 =	sadd.s32 $0x6, s29;
	v20 =	vadd.s32 v16, v20;
	v22 =	vld [tilespmem:s24+$0xFFFFFFC0]  }
0x39a: {  	v23 =	vmov s0  }
0x39b: {  	v23 =	vshrl.u32 v23, $0x3  }
0x39c: {  	v23 =	vshll.u32 v23, v63  }
0x39d: {  	[tilespmem:v21+s26+$0x0] =	vst.idx.msk $0xffff, v19;
	v19 =	vbroadcast v23, $0x0  }
0x39e: {  	[tilespmem:v20+s26+$0x0] =	vst.idx.msk $0xffff, v22  }
0x39f: {  	v20 =	vld [tilespmem:s24+$0xFFFFFFD0];
	v21 =	vadd.s32 v14, v19  }
0x3a0: {  	s0 =	sadd.s32 $0x7, s29;
	s29 =	smov.u32 s31;
	v19 =	vadd.s32 v15, v19;
	v22 =	vld [tilespmem:s24+$0xFFFFFFE0]  }
0x3a1: {  	v23 =	vmov s0  }
0x3a2: {  	v23 =	vshrl.u32 v23, $0x3  }
0x3a3: {  	v23 =	vshll.u32 v23, v63  }
0x3a4: {  	[tilespmem:v21+s26+$0x0] =	vst.idx.msk $0xffff, v20;
	v21 =	vbroadcast v23, $0x0  }
0x3a5: {  	[tilespmem:v19+s26+$0x0] =	vst.idx.msk $0xffff, v22  }
0x3a6: {  	v22 =	vld [tilespmem:s24+$0xFFFFFFF0];
	v23 =	vadd.s32 v17, v21  }
.Ltmp4:
0x3a7: {  	v21 =	vadd.s32 v18, v21;
	v20 =	vld [tilespmem:s24+$0x0];
	(pc) =	sbr.rel @p1 .LBB2_11-.Ltmp4, $4  }
0x3a8: {  	v19 =	vmov s29  }
0x3a9: {  	v19 =	vshrl.u32 v19, $0x3  }
0x3aa: {  	v19 =	vshll.u32 v19, v63  }
0x3ab: {  	v19 =	vbroadcast v19, $0x0;
	[tilespmem:v23+s26+$0x0] =	vst.idx.msk $0xffff, v22  }
0x3ac: {  	_ =	sdelay $0x3  }
0x3ad: {  	[tilespmem:v21+s26+$0x0] =	vst.idx.msk $0xffff, v20;
	s24 =	sadd.s32 $0x100, s24  }
0x3ae: {  	v20 =	vld [tilespmem:s24+$0xFFFFFF10];
	v3 =	vadd.s32 v3, v19  }
0x3af: {  	s0 =	sadd.s32 $0x1, s29;
	v21 =	vld [tilespmem:s24+$0xFFFFFF20];
	v4 =	vadd.s32 v4, v19  }
0x3b0: {  	v30 =	vmov s0  }
0x3b1: {  	v19 =	vshrl.u32 v30, $0x3  }
0x3b2: {  	v19 =	vshll.u32 v19, v63  }
0x3b3: {  	[tilespmem:v3+s26+$0x0] =	vst.idx.msk $0xffff, v20;
	v3 =	vbroadcast v19, $0x0  }
0x3b4: {  	[tilespmem:v4+s26+$0x0] =	vst.idx.msk $0xffff, v21  }
0x3b5: {  	v4 =	vld [tilespmem:s24+$0xFFFFFF30];
	v6 =	vadd.s32 v6, v3  }
0x3b6: {  	s30 =	sadd.s32 $0x2, s29;
	v31 =	vld [tilespmem:s24+$0xFFFFFF40];
	v3 =	vadd.s32 v5, v3  }
0x3b7: {  	v32 =	vmov s30  }
0x3b8: {  	v5 =	vshrl.u32 v32, $0x3  }
0x3b9: {  	v5 =	vshll.u32 v5, v63  }
0x3ba: {  	v20 =	vbroadcast v5, $0x0;
	[tilespmem:v6+s26+$0x0] =	vst.idx.msk $0xffff, v4  }
0x3bb: {  	[tilespmem:v3+s26+$0x0] =	vst.idx.msk $0xffff, v31  }
0x3bc: {  	v5 =	vadd.s32 v7, v20;
	v3 =	vld [tilespmem:s24+$0xFFFFFF50]  }
0x3bd: {  	s31 =	sadd.s32 $0x3, s29;
	v4 =	vadd.s32 v8, v20;
	v6 =	vld [tilespmem:s24+$0xFFFFFF60]  }
0x3be: {  	v21 =	vmov s31  }
0x3bf: {  	v7 =	vshrl.u32 v21, $0x3  }
0x3c0: {  	v7 =	vshll.u32 v7, v63  }
0x3c1: {  	[tilespmem:v5+s26+$0x0] =	vst.idx.msk $0xffff, v3;
	v3 =	vbroadcast v7, $0x0  }
0x3c2: {  	[tilespmem:v4+s26+$0x0] =	vst.idx.msk $0xffff, v6  }
0x3c3: {  	v4 =	vld [tilespmem:s24+$0xFFFFFF70];
	v22 =	vadd.s32 v9, v3  }
0x3c4: {  	s30 =	sadd.s32 $0x4, s29;
	v6 =	vld [tilespmem:s24+$0xFFFFFF80];
	v3 =	vadd.s32 v10, v3  }
0x3c5: {  	v23 =	vmov s30  }
0x3c6: {  	v7 =	vshrl.u32 v23, $0x3  }
0x3c7: {  	v7 =	vshll.u32 v7, v63  }
0x3c8: {  	v24 =	vbroadcast v7, $0x0;
	[tilespmem:v22+s26+$0x0] =	vst.idx.msk $0xffff, v4  }
0x3c9: {  	[tilespmem:v3+s26+$0x0] =	vst.idx.msk $0xffff, v6  }
0x3ca: {  	v25 =	vadd.s32 v11, v24;
	v3 =	vld [tilespmem:s24+$0xFFFFFF90]  }
0x3cb: {  	s31 =	sadd.s32 $0x5, s29;
	v4 =	vadd.s32 v13, v24;
	v6 =	vld [tilespmem:s24+$0xFFFFFFA0]  }
0x3cc: {  	v26 =	vmov s31  }
0x3cd: {  	v7 =	vshrl.u32 v26, $0x3  }
0x3ce: {  	v7 =	vshll.u32 v7, v63  }
0x3cf: {  	[tilespmem:v25+s26+$0x0] =	vst.idx.msk $0xffff, v3;
	v3 =	vbroadcast v7, $0x0  }
0x3d0: {  	[tilespmem:v4+s26+$0x0] =	vst.idx.msk $0xffff, v6  }
0x3d1: {  	v4 =	vld [tilespmem:s24+$0xFFFFFFB0];
	v27 =	vadd.s32 v12, v3  }
0x3d2: {  	s30 =	sadd.s32 $0x6, s29;
	v6 =	vld [tilespmem:s24+$0xFFFFFFC0];
	v3 =	vadd.s32 v16, v3  }
0x3d3: {  	v28 =	vmov s30  }
0x3d4: {  	v7 =	vshrl.u32 v28, $0x3  }
0x3d5: {  	v7 =	vshll.u32 v7, v63  }
0x3d6: {  	v29 =	vbroadcast v7, $0x0;
	[tilespmem:v27+s26+$0x0] =	vst.idx.msk $0xffff, v4  }
0x3d7: {  	[tilespmem:v3+s26+$0x0] =	vst.idx.msk $0xffff, v6  }
0x3d8: {  	v30 =	vadd.s32 v14, v29;
	v3 =	vld [tilespmem:s24+$0xFFFFFFD0]  }
0x3d9: {  	s31 =	sadd.s32 $0x7, s29;
	v4 =	vadd.s32 v15, v29;
	v6 =	vld [tilespmem:s24+$0xFFFFFFE0]  }
0x3da: {  	v31 =	vmov s31  }
0x3db: {  	v7 =	vshrl.u32 v31, $0x3  }
0x3dc: {  	v7 =	vshll.u32 v7, v63  }
0x3dd: {  	[tilespmem:v30+s26+$0x0] =	vst.idx.msk $0xffff, v3;
	v3 =	vbroadcast v7, $0x0  }
0x3de: {  	[tilespmem:v4+s26+$0x0] =	vst.idx.msk $0xffff, v6  }
0x3df: {  	v4 =	vld [tilespmem:s24+$0xFFFFFFF0];
	v32 =	vadd.s32 v17, v3  }
0x3e0: {  	v6 =	vld [tilespmem:s24+$0x0];
	v3 =	vadd.s32 v18, v3;
	_ =	sdelay $0x2  }
0x3e1: {  	s22 =	sshll.u32 s22, $0x10  }
0x3e2: {  	s22 =	sor.u32 s6, s22;
	[tilespmem:v32+s26+$0x0] =	vst.idx.msk $0xffff, v4  }
0x3e3: {  	s24 =	sadd.s32 s1, s22;
	[tilespmem:v3+s26+$0x0] =	vst.idx.msk $0xffff, v6  }
0x3e4: {  	[hbm4b:s24+s3] =	stream.linear.scatter [tilespmem:s23], [sflag:$0x2], $0x80, $0x38;
	[tilespmem:$0x17400] =	vst v63  }
0x3e5: {  	s29 =	sadd.s32 $0x10, s24;
	s23 =	sadd.s32 $0xEC88, s21  }
0x3e6: {  	[hbm4b:s29+s3] =	stream.linear.scatter [tilespmem:s23], [sflag:$0x2], $0x80, $0x38;
	[tilespmem:$0x17400] =	vst v63  }
0x3e7: {  	s30 =	sadd.s32 $0xED10, s21;
	s31 =	sadd.s32 $0x20, s24  }
0x3e8: {  	[hbm4b:s31+s3] =	stream.linear.scatter [tilespmem:s30], [sflag:$0x2], $0x80, $0x38;
	[tilespmem:$0x17400] =	vst v63  }
0x3e9: {  	s23 =	sadd.s32 $0xED98, s21;
	s29 =	sadd.s32 $0x30, s24  }
0x3ea: {  	[hbm4b:s29+s3] =	stream.linear.scatter [tilespmem:s23], [sflag:$0x2], $0x80, $0x38;
	[tilespmem:$0x17400] =	vst v63  }
0x3eb: {  	s30 =	sadd.s32 $0xEE20, s21;
	s31 =	sadd.s32 $0x40, s24  }
0x3ec: {  	[hbm4b:s31+s3] =	stream.linear.scatter [tilespmem:s30], [sflag:$0x2], $0x80, $0x38;
	[tilespmem:$0x17400] =	vst v63  }
0x3ed: {  	s23 =	sadd.s32 $0xEEA8, s21;
	s29 =	sadd.s32 $0x50, s24  }
0x3ee: {  	[hbm4b:s29+s3] =	stream.linear.scatter [tilespmem:s23], [sflag:$0x2], $0x80, $0x38;
	[tilespmem:$0x17400] =	vst v63  }
0x3ef: {  	s30 =	sadd.s32 $0xEF30, s21;
	s31 =	sadd.s32 $0x60, s24  }
0x3f0: {  	[hbm4b:s31+s3] =	stream.linear.scatter [tilespmem:s30], [sflag:$0x2], $0x80, $0x38;
	[tilespmem:$0x17400] =	vst v63  }
0x3f1: {  	s23 =	sadd.s32 $0xEFB8, s21;
	s29 =	sadd.s32 $0x70, s24  }
0x3f2: {  	[hbm4b:s29+s3] =	stream.linear.scatter [tilespmem:s23], [sflag:$0x2], $0x80, $0x38;
	[tilespmem:$0x17400] =	vst v63  }
0x3f3: {  	s30 =	sadd.s32 $0xF040, s21;
	s31 =	sadd.s32 $0x1000, s24  }
0x3f4: {  	[hbm4b:s31+s3] =	stream.linear.scatter [tilespmem:s30], [sflag:$0x2], $0x80, $0x38;
	[tilespmem:$0x17400] =	vst v63  }
0x3f5: {  	s23 =	sadd.s32 $0xF0C8, s21;
	s29 =	sadd.s32 $0x1010, s24  }
0x3f6: {  	[hbm4b:s29+s3] =	stream.linear.scatter [tilespmem:s23], [sflag:$0x2], $0x80, $0x38;
	[tilespmem:$0x17400] =	vst v63  }
0x3f7: {  	s30 =	sadd.s32 $0xF150, s21;
	s31 =	sadd.s32 $0x1020, s24  }
0x3f8: {  	[hbm4b:s31+s3] =	stream.linear.scatter [tilespmem:s30], [sflag:$0x2], $0x80, $0x38;
	[tilespmem:$0x17400] =	vst v63  }
0x3f9: {  	s23 =	sadd.s32 $0xF1D8, s21;
	s29 =	sadd.s32 $0x1030, s24  }
0x3fa: {  	[hbm4b:s29+s3] =	stream.linear.scatter [tilespmem:s23], [sflag:$0x2], $0x80, $0x38;
	[tilespmem:$0x17400] =	vst v63  }
0x3fb: {  	s30 =	sadd.s32 $0xF260, s21;
	s31 =	sadd.s32 $0x1040, s24  }
0x3fc: {  	[hbm4b:s31+s3] =	stream.linear.scatter [tilespmem:s30], [sflag:$0x2], $0x80, $0x38;
	[tilespmem:$0x17400] =	vst v63  }
0x3fd: {  	s23 =	sadd.s32 $0xF2E8, s21;
	s29 =	sadd.s32 $0x1050, s24  }
0x3fe: {  	[hbm4b:s29+s3] =	stream.linear.scatter [tilespmem:s23], [sflag:$0x2], $0x80, $0x38;
	[tilespmem:$0x17400] =	vst v63  }
0x3ff: {  	s30 =	sadd.s32 $0xF370, s21;
	s31 =	sadd.s32 $0x1060, s24  }
0x400: {  	[hbm4b:s31+s3] =	stream.linear.scatter [tilespmem:s30], [sflag:$0x2], $0x80, $0x38;
	[tilespmem:$0x17400] =	vst v63  }
0x401: {  	s23 =	sadd.s32 $0xF3F8, s21;
	s29 =	sadd.s32 $0x1070, s24  }
0x402: {  	[hbm4b:s29+s3] =	stream.linear.scatter [tilespmem:s23], [sflag:$0x2], $0x80, $0x38;
	[tilespmem:$0x17400] =	vst v63  }
0x403: {  	s30 =	sadd.s32 $0xF480, s21;
	s31 =	sadd.s32 $0x2000, s24  }
0x404: {  	[hbm4b:s31+s3] =	stream.linear.scatter [tilespmem:s30], [sflag:$0x2], $0x80, $0x38;
	[tilespmem:$0x17400] =	vst v63  }
0x405: {  	s23 =	sadd.s32 $0xF508, s21;
	s29 =	sadd.s32 $0x2010, s24  }
0x406: {  	[hbm4b:s29+s3] =	stream.linear.scatter [tilespmem:s23], [sflag:$0x2], $0x80, $0x38;
	[tilespmem:$0x17400] =	vst v63  }
0x407: {  	s30 =	sadd.s32 $0xF590, s21;
	s31 =	sadd.s32 $0x2020, s24  }
0x408: {  	[hbm4b:s31+s3] =	stream.linear.scatter [tilespmem:s30], [sflag:$0x2], $0x80, $0x38;
	[tilespmem:$0x17400] =	vst v63  }
0x409: {  	s23 =	sadd.s32 $0xF618, s21;
	s29 =	sadd.s32 $0x2030, s24  }
0x40a: {  	[hbm4b:s29+s3] =	stream.linear.scatter [tilespmem:s23], [sflag:$0x2], $0x80, $0x38;
	[tilespmem:$0x17400] =	vst v63  }
0x40b: {  	s30 =	sadd.s32 $0xF6A0, s21;
	s31 =	sadd.s32 $0x2040, s24  }
0x40c: {  	[hbm4b:s31+s3] =	stream.linear.scatter [tilespmem:s30], [sflag:$0x2], $0x80, $0x38;
	[tilespmem:$0x17400] =	vst v63  }
0x40d: {  	s23 =	sadd.s32 $0xF728, s21;
	s29 =	sadd.s32 $0x2050, s24  }
0x40e: {  	[hbm4b:s29+s3] =	stream.linear.scatter [tilespmem:s23], [sflag:$0x2], $0x80, $0x38;
	[tilespmem:$0x17400] =	vst v63  }
0x40f: {  	s30 =	sadd.s32 $0xF7B0, s21;
	s31 =	sadd.s32 $0x2060, s24  }
0x410: {  	[hbm4b:s31+s3] =	stream.linear.scatter [tilespmem:s30], [sflag:$0x2], $0x80, $0x38;
	[tilespmem:$0x17400] =	vst v63  }
0x411: {  	s23 =	sadd.s32 $0xF838, s21;
	s29 =	sadd.s32 $0x2070, s24  }
0x412: {  	[hbm4b:s29+s3] =	stream.linear.scatter [tilespmem:s23], [sflag:$0x2], $0x80, $0x38;
	[tilespmem:$0x17400] =	vst v63  }
0x413: {  	s30 =	sadd.s32 $0xF8C0, s21;
	s31 =	sadd.s32 $0x3000, s24  }
0x414: {  	[hbm4b:s31+s3] =	stream.linear.scatter [tilespmem:s30], [sflag:$0x2], $0x80, $0x38;
	[tilespmem:$0x17400] =	vst v63  }
0x415: {  	s23 =	sadd.s32 $0xF948, s21;
	s29 =	sadd.s32 $0x3010, s24  }
0x416: {  	[hbm4b:s29+s3] =	stream.linear.scatter [tilespmem:s23], [sflag:$0x2], $0x80, $0x38;
	[tilespmem:$0x17400] =	vst v63  }
0x417: {  	s30 =	sadd.s32 $0xF9D0, s21;
	s31 =	sadd.s32 $0x3020, s24  }
0x418: {  	[hbm4b:s31+s3] =	stream.linear.scatter [tilespmem:s30], [sflag:$0x2], $0x80, $0x38;
	[tilespmem:$0x17400] =	vst v63  }
0x419: {  	s23 =	sadd.s32 $0xFA58, s21;
	s29 =	sadd.s32 $0x3030, s24  }
0x41a: {  	[hbm4b:s29+s3] =	stream.linear.scatter [tilespmem:s23], [sflag:$0x2], $0x80, $0x38;
	[tilespmem:$0x17400] =	vst v63  }
0x41b: {  	s30 =	sadd.s32 $0xFAE0, s21;
	s31 =	sadd.s32 $0x3040, s24  }
0x41c: {  	[hbm4b:s31+s3] =	stream.linear.scatter [tilespmem:s30], [sflag:$0x2], $0x80, $0x38;
	[tilespmem:$0x17400] =	vst v63  }
0x41d: {  	s23 =	sadd.s32 $0xFB68, s21;
	s29 =	sadd.s32 $0x3050, s24  }
0x41e: {  	[hbm4b:s29+s3] =	stream.linear.scatter [tilespmem:s23], [sflag:$0x2], $0x80, $0x38;
	[tilespmem:$0x17400] =	vst v63  }
0x41f: {  	s30 =	sadd.s32 $0xFBF0, s21;
	s31 =	sadd.s32 $0x3060, s24  }
0x420: {  	[hbm4b:s31+s3] =	stream.linear.scatter [tilespmem:s30], [sflag:$0x2], $0x80, $0x38;
	[tilespmem:$0x17400] =	vst v63  }
0x421: {  	s24 =	sadd.s32 $0x3070, s24;
	s23 =	sadd.s32 $0xFC78, s21  }
0x422: {  	[hbm4b:s24+s3] =	stream.linear.scatter [tilespmem:s23], [sflag:$0x2], $0x80, $0x38;
	[tilespmem:$0x17400] =	vst v63  }
0x423: {  	s23 =	sadd.s32 s22, s7  }
0x424: {  	[hbm4b:s23+s3] =	stream.linear.scatter [tilespmem:s25], [sflag:$0x2], $0x80, $0x38;
	[tilespmem:$0x17400] =	vst v63  }
0x425: {  	s29 =	sadd.s32 $0x10, s23;
	s25 =	sadd.s32 $0xFD88, s21  }
0x426: {  	[hbm4b:s29+s3] =	stream.linear.scatter [tilespmem:s25], [sflag:$0x2], $0x80, $0x38;
	[tilespmem:$0x17400] =	vst v63  }
0x427: {  	s30 =	sadd.s32 $0xFE10, s21;
	s31 =	sadd.s32 $0x20, s23  }
0x428: {  	[hbm4b:s31+s3] =	stream.linear.scatter [tilespmem:s30], [sflag:$0x2], $0x80, $0x38;
	[tilespmem:$0x17400] =	vst v63  }
0x429: {  	s25 =	sadd.s32 $0xFE98, s21;
	s29 =	sadd.s32 $0x30, s23  }
0x42a: {  	[hbm4b:s29+s3] =	stream.linear.scatter [tilespmem:s25], [sflag:$0x2], $0x80, $0x38;
	[tilespmem:$0x17400] =	vst v63  }
0x42b: {  	s30 =	sadd.s32 $0xFF20, s21;
	s31 =	sadd.s32 $0x40, s23  }
0x42c: {  	[hbm4b:s31+s3] =	stream.linear.scatter [tilespmem:s30], [sflag:$0x2], $0x80, $0x38;
	[tilespmem:$0x17400] =	vst v63  }
0x42d: {  	s25 =	sadd.s32 $0xFFA8, s21;
	s29 =	sadd.s32 $0x50, s23  }
0x42e: {  	[hbm4b:s29+s3] =	stream.linear.scatter [tilespmem:s25], [sflag:$0x2], $0x80, $0x38;
	[tilespmem:$0x17400] =	vst v63  }
0x42f: {  	s30 =	sadd.s32 $0x10030, s21;
	s31 =	sadd.s32 $0x60, s23  }
0x430: {  	[hbm4b:s31+s3] =	stream.linear.scatter [tilespmem:s30], [sflag:$0x2], $0x80, $0x38;
	[tilespmem:$0x17400] =	vst v63  }
0x431: {  	s25 =	sadd.s32 $0x100B8, s21;
	s29 =	sadd.s32 $0x70, s23  }
0x432: {  	[hbm4b:s29+s3] =	stream.linear.scatter [tilespmem:s25], [sflag:$0x2], $0x80, $0x38;
	[tilespmem:$0x17400] =	vst v63  }
0x433: {  	s30 =	sadd.s32 $0x10140, s21;
	s31 =	sadd.s32 $0x1000, s23  }
0x434: {  	[hbm4b:s31+s3] =	stream.linear.scatter [tilespmem:s30], [sflag:$0x2], $0x80, $0x38;
	[tilespmem:$0x17400] =	vst v63  }
0x435: {  	s25 =	sadd.s32 $0x101C8, s21;
	s29 =	sadd.s32 $0x1010, s23  }
0x436: {  	[hbm4b:s29+s3] =	stream.linear.scatter [tilespmem:s25], [sflag:$0x2], $0x80, $0x38;
	[tilespmem:$0x17400] =	vst v63  }
0x437: {  	s30 =	sadd.s32 $0x10250, s21;
	s31 =	sadd.s32 $0x1020, s23  }
0x438: {  	[hbm4b:s31+s3] =	stream.linear.scatter [tilespmem:s30], [sflag:$0x2], $0x80, $0x38;
	[tilespmem:$0x17400] =	vst v63  }
0x439: {  	s25 =	sadd.s32 $0x102D8, s21;
	s29 =	sadd.s32 $0x1030, s23  }
0x43a: {  	[hbm4b:s29+s3] =	stream.linear.scatter [tilespmem:s25], [sflag:$0x2], $0x80, $0x38;
	[tilespmem:$0x17400] =	vst v63  }
0x43b: {  	s30 =	sadd.s32 $0x10360, s21;
	s31 =	sadd.s32 $0x1040, s23  }
0x43c: {  	[hbm4b:s31+s3] =	stream.linear.scatter [tilespmem:s30], [sflag:$0x2], $0x80, $0x38;
	[tilespmem:$0x17400] =	vst v63  }
0x43d: {  	s25 =	sadd.s32 $0x103E8, s21;
	s29 =	sadd.s32 $0x1050, s23  }
0x43e: {  	[hbm4b:s29+s3] =	stream.linear.scatter [tilespmem:s25], [sflag:$0x2], $0x80, $0x38;
	[tilespmem:$0x17400] =	vst v63  }
0x43f: {  	s30 =	sadd.s32 $0x10470, s21;
	s31 =	sadd.s32 $0x1060, s23  }
0x440: {  	[hbm4b:s31+s3] =	stream.linear.scatter [tilespmem:s30], [sflag:$0x2], $0x80, $0x38;
	[tilespmem:$0x17400] =	vst v63  }
0x441: {  	s25 =	sadd.s32 $0x104F8, s21;
	s29 =	sadd.s32 $0x1070, s23  }
0x442: {  	[hbm4b:s29+s3] =	stream.linear.scatter [tilespmem:s25], [sflag:$0x2], $0x80, $0x38;
	[tilespmem:$0x17400] =	vst v63  }
0x443: {  	s30 =	sadd.s32 $0x10580, s21;
	s31 =	sadd.s32 $0x2000, s23  }
0x444: {  	[hbm4b:s31+s3] =	stream.linear.scatter [tilespmem:s30], [sflag:$0x2], $0x80, $0x38;
	[tilespmem:$0x17400] =	vst v63  }
0x445: {  	s25 =	sadd.s32 $0x10608, s21;
	s29 =	sadd.s32 $0x2010, s23  }
0x446: {  	[hbm4b:s29+s3] =	stream.linear.scatter [tilespmem:s25], [sflag:$0x2], $0x80, $0x38;
	[tilespmem:$0x17400] =	vst v63  }
0x447: {  	s30 =	sadd.s32 $0x10690, s21;
	s31 =	sadd.s32 $0x2020, s23  }
0x448: {  	[hbm4b:s31+s3] =	stream.linear.scatter [tilespmem:s30], [sflag:$0x2], $0x80, $0x38;
	[tilespmem:$0x17400] =	vst v63  }
0x449: {  	s25 =	sadd.s32 $0x10718, s21;
	s29 =	sadd.s32 $0x2030, s23  }
0x44a: {  	[hbm4b:s29+s3] =	stream.linear.scatter [tilespmem:s25], [sflag:$0x2], $0x80, $0x38;
	[tilespmem:$0x17400] =	vst v63  }
0x44b: {  	s30 =	sadd.s32 $0x107A0, s21;
	s31 =	sadd.s32 $0x2040, s23  }
0x44c: {  	[hbm4b:s31+s3] =	stream.linear.scatter [tilespmem:s30], [sflag:$0x2], $0x80, $0x38;
	[tilespmem:$0x17400] =	vst v63  }
0x44d: {  	s25 =	sadd.s32 $0x10828, s21;
	s29 =	sadd.s32 $0x2050, s23  }
0x44e: {  	[hbm4b:s29+s3] =	stream.linear.scatter [tilespmem:s25], [sflag:$0x2], $0x80, $0x38;
	[tilespmem:$0x17400] =	vst v63  }
0x44f: {  	s30 =	sadd.s32 $0x108B0, s21;
	s31 =	sadd.s32 $0x2060, s23  }
0x450: {  	[hbm4b:s31+s3] =	stream.linear.scatter [tilespmem:s30], [sflag:$0x2], $0x80, $0x38;
	[tilespmem:$0x17400] =	vst v63  }
0x451: {  	s25 =	sadd.s32 $0x10938, s21;
	s29 =	sadd.s32 $0x2070, s23  }
0x452: {  	[hbm4b:s29+s3] =	stream.linear.scatter [tilespmem:s25], [sflag:$0x2], $0x80, $0x38;
	[tilespmem:$0x17400] =	vst v63  }
0x453: {  	s30 =	sadd.s32 $0x109C0, s21;
	s31 =	sadd.s32 $0x3000, s23  }
0x454: {  	[hbm4b:s31+s3] =	stream.linear.scatter [tilespmem:s30], [sflag:$0x2], $0x80, $0x38;
	[tilespmem:$0x17400] =	vst v63  }
0x455: {  	s25 =	sadd.s32 $0x10A48, s21;
	s29 =	sadd.s32 $0x3010, s23  }
0x456: {  	[hbm4b:s29+s3] =	stream.linear.scatter [tilespmem:s25], [sflag:$0x2], $0x80, $0x38;
	[tilespmem:$0x17400] =	vst v63  }
0x457: {  	s30 =	sadd.s32 $0x10AD0, s21;
	s31 =	sadd.s32 $0x3020, s23  }
0x458: {  	[hbm4b:s31+s3] =	stream.linear.scatter [tilespmem:s30], [sflag:$0x2], $0x80, $0x38;
	[tilespmem:$0x17400] =	vst v63  }
0x459: {  	s25 =	sadd.s32 $0x10B58, s21;
	s29 =	sadd.s32 $0x3030, s23  }
0x45a: {  	[hbm4b:s29+s3] =	stream.linear.scatter [tilespmem:s25], [sflag:$0x2], $0x80, $0x38;
	[tilespmem:$0x17400] =	vst v63  }
0x45b: {  	s30 =	sadd.s32 $0x10BE0, s21;
	s31 =	sadd.s32 $0x3040, s23  }
0x45c: {  	[hbm4b:s31+s3] =	stream.linear.scatter [tilespmem:s30], [sflag:$0x2], $0x80, $0x38;
	[tilespmem:$0x17400] =	vst v63  }
0x45d: {  	s24 =	sadd.s32 $0x10C68, s21;
	s25 =	sadd.s32 $0x3050, s23  }
0x45e: {  	[hbm4b:s25+s3] =	stream.linear.scatter [tilespmem:s24], [sflag:$0x2], $0x80, $0x38;
	[tilespmem:$0x17400] =	vst v63  }
0x45f: {  	s29 =	sadd.s32 $0x10CF0, s21;
	s30 =	sadd.s32 $0x3060, s23  }
0x460: {  	[hbm4b:s30+s3] =	stream.linear.scatter [tilespmem:s29], [sflag:$0x2], $0x80, $0x38;
	[tilespmem:$0x17400] =	vst v63  }
0x461: {  	s31 =	sadd.s32 $0x10D78, s21;
	s23 =	sadd.s32 $0x3070, s23  }
0x462: {  	[hbm4b:s23+s3] =	stream.linear.scatter [tilespmem:s31], [sflag:$0x2], $0x80, $0x38;
	[tilespmem:$0x17400] =	vst v63  }
0x463: {  	s23 =	sadd.s32 s22, s8  }
0x464: {  	[hbm4b:s23+s3] =	stream.linear.scatter [tilespmem:s28], [sflag:$0x2], $0x80, $0x38;
	[tilespmem:$0x17400] =	vst v63  }
0x465: {  	s24 =	sadd.s32 $0x10E88, s21;
	s25 =	sadd.s32 $0x10, s23  }
0x466: {  	[hbm4b:s25+s3] =	stream.linear.scatter [tilespmem:s24], [sflag:$0x2], $0x80, $0x38;
	[tilespmem:$0x17400] =	vst v63  }
0x467: {  	s29 =	sadd.s32 $0x20, s23;
	s28 =	sadd.s32 $0x10F10, s21  }
0x468: {  	[hbm4b:s29+s3] =	stream.linear.scatter [tilespmem:s28], [sflag:$0x2], $0x80, $0x38;
	[tilespmem:$0x17400] =	vst v63  }
0x469: {  	s30 =	sadd.s32 $0x10F98, s21;
	s31 =	sadd.s32 $0x30, s23  }
0x46a: {  	[hbm4b:s31+s3] =	stream.linear.scatter [tilespmem:s30], [sflag:$0x2], $0x80, $0x38;
	[tilespmem:$0x17400] =	vst v63  }
0x46b: {  	s24 =	sadd.s32 $0x11020, s21;
	s25 =	sadd.s32 $0x40, s23  }
0x46c: {  	[hbm4b:s25+s3] =	stream.linear.scatter [tilespmem:s24], [sflag:$0x2], $0x80, $0x38;
	[tilespmem:$0x17400] =	vst v63  }
0x46d: {  	s28 =	sadd.s32 $0x110A8, s21;
	s29 =	sadd.s32 $0x50, s23  }
0x46e: {  	[hbm4b:s29+s3] =	stream.linear.scatter [tilespmem:s28], [sflag:$0x2], $0x80, $0x38;
	[tilespmem:$0x17400] =	vst v63  }
0x46f: {  	s30 =	sadd.s32 $0x11130, s21;
	s31 =	sadd.s32 $0x60, s23  }
0x470: {  	[hbm4b:s31+s3] =	stream.linear.scatter [tilespmem:s30], [sflag:$0x2], $0x80, $0x38;
	[tilespmem:$0x17400] =	vst v63  }
0x471: {  	s24 =	sadd.s32 $0x111B8, s21;
	s25 =	sadd.s32 $0x70, s23  }
0x472: {  	[hbm4b:s25+s3] =	stream.linear.scatter [tilespmem:s24], [sflag:$0x2], $0x80, $0x38;
	[tilespmem:$0x17400] =	vst v63  }
0x473: {  	s28 =	sadd.s32 $0x11240, s21;
	s29 =	sadd.s32 $0x1000, s23  }
0x474: {  	[hbm4b:s29+s3] =	stream.linear.scatter [tilespmem:s28], [sflag:$0x2], $0x80, $0x38;
	[tilespmem:$0x17400] =	vst v63  }
0x475: {  	s30 =	sadd.s32 $0x112C8, s21;
	s31 =	sadd.s32 $0x1010, s23  }
0x476: {  	[hbm4b:s31+s3] =	stream.linear.scatter [tilespmem:s30], [sflag:$0x2], $0x80, $0x38;
	[tilespmem:$0x17400] =	vst v63  }
0x477: {  	s24 =	sadd.s32 $0x11350, s21;
	s25 =	sadd.s32 $0x1020, s23  }
0x478: {  	[hbm4b:s25+s3] =	stream.linear.scatter [tilespmem:s24], [sflag:$0x2], $0x80, $0x38;
	[tilespmem:$0x17400] =	vst v63  }
0x479: {  	s28 =	sadd.s32 $0x113D8, s21;
	s29 =	sadd.s32 $0x1030, s23  }
0x47a: {  	[hbm4b:s29+s3] =	stream.linear.scatter [tilespmem:s28], [sflag:$0x2], $0x80, $0x38;
	[tilespmem:$0x17400] =	vst v63  }
0x47b: {  	s30 =	sadd.s32 $0x11460, s21;
	s31 =	sadd.s32 $0x1040, s23  }
0x47c: {  	[hbm4b:s31+s3] =	stream.linear.scatter [tilespmem:s30], [sflag:$0x2], $0x80, $0x38;
	[tilespmem:$0x17400] =	vst v63  }
0x47d: {  	s24 =	sadd.s32 $0x114E8, s21;
	s25 =	sadd.s32 $0x1050, s23  }
0x47e: {  	[hbm4b:s25+s3] =	stream.linear.scatter [tilespmem:s24], [sflag:$0x2], $0x80, $0x38;
	[tilespmem:$0x17400] =	vst v63  }
0x47f: {  	s28 =	sadd.s32 $0x11570, s21;
	s29 =	sadd.s32 $0x1060, s23  }
0x480: {  	[hbm4b:s29+s3] =	stream.linear.scatter [tilespmem:s28], [sflag:$0x2], $0x80, $0x38;
	[tilespmem:$0x17400] =	vst v63  }
0x481: {  	s30 =	sadd.s32 $0x115F8, s21;
	s31 =	sadd.s32 $0x1070, s23  }
0x482: {  	[hbm4b:s31+s3] =	stream.linear.scatter [tilespmem:s30], [sflag:$0x2], $0x80, $0x38;
	[tilespmem:$0x17400] =	vst v63  }
0x483: {  	s24 =	sadd.s32 $0x11680, s21;
	s25 =	sadd.s32 $0x2000, s23  }
0x484: {  	[hbm4b:s25+s3] =	stream.linear.scatter [tilespmem:s24], [sflag:$0x2], $0x80, $0x38;
	[tilespmem:$0x17400] =	vst v63  }
0x485: {  	s28 =	sadd.s32 $0x11708, s21;
	s29 =	sadd.s32 $0x2010, s23  }
0x486: {  	[hbm4b:s29+s3] =	stream.linear.scatter [tilespmem:s28], [sflag:$0x2], $0x80, $0x38;
	[tilespmem:$0x17400] =	vst v63  }
0x487: {  	s30 =	sadd.s32 $0x11790, s21;
	s31 =	sadd.s32 $0x2020, s23  }
0x488: {  	[hbm4b:s31+s3] =	stream.linear.scatter [tilespmem:s30], [sflag:$0x2], $0x80, $0x38;
	[tilespmem:$0x17400] =	vst v63  }
0x489: {  	s24 =	sadd.s32 $0x11818, s21;
	s25 =	sadd.s32 $0x2030, s23  }
0x48a: {  	[hbm4b:s25+s3] =	stream.linear.scatter [tilespmem:s24], [sflag:$0x2], $0x80, $0x38;
	[tilespmem:$0x17400] =	vst v63  }
0x48b: {  	s28 =	sadd.s32 $0x118A0, s21;
	s29 =	sadd.s32 $0x2040, s23  }
0x48c: {  	[hbm4b:s29+s3] =	stream.linear.scatter [tilespmem:s28], [sflag:$0x2], $0x80, $0x38;
	[tilespmem:$0x17400] =	vst v63  }
0x48d: {  	s30 =	sadd.s32 $0x11928, s21;
	s31 =	sadd.s32 $0x2050, s23  }
0x48e: {  	[hbm4b:s31+s3] =	stream.linear.scatter [tilespmem:s30], [sflag:$0x2], $0x80, $0x38;
	[tilespmem:$0x17400] =	vst v63  }
0x48f: {  	s24 =	sadd.s32 $0x119B0, s21;
	s25 =	sadd.s32 $0x2060, s23  }
0x490: {  	[hbm4b:s25+s3] =	stream.linear.scatter [tilespmem:s24], [sflag:$0x2], $0x80, $0x38;
	[tilespmem:$0x17400] =	vst v63  }
0x491: {  	s28 =	sadd.s32 $0x11A38, s21;
	s29 =	sadd.s32 $0x2070, s23  }
0x492: {  	[hbm4b:s29+s3] =	stream.linear.scatter [tilespmem:s28], [sflag:$0x2], $0x80, $0x38;
	[tilespmem:$0x17400] =	vst v63  }
0x493: {  	s30 =	sadd.s32 $0x11AC0, s21;
	s31 =	sadd.s32 $0x3000, s23  }
0x494: {  	[hbm4b:s31+s3] =	stream.linear.scatter [tilespmem:s30], [sflag:$0x2], $0x80, $0x38;
	[tilespmem:$0x17400] =	vst v63  }
0x495: {  	s24 =	sadd.s32 $0x11B48, s21;
	s25 =	sadd.s32 $0x3010, s23  }
0x496: {  	[hbm4b:s25+s3] =	stream.linear.scatter [tilespmem:s24], [sflag:$0x2], $0x80, $0x38;
	[tilespmem:$0x17400] =	vst v63  }
0x497: {  	s28 =	sadd.s32 $0x11BD0, s21;
	s29 =	sadd.s32 $0x3020, s23  }
0x498: {  	[hbm4b:s29+s3] =	stream.linear.scatter [tilespmem:s28], [sflag:$0x2], $0x80, $0x38;
	[tilespmem:$0x17400] =	vst v63  }
0x499: {  	s30 =	sadd.s32 $0x11C58, s21;
	s31 =	sadd.s32 $0x3030, s23  }
0x49a: {  	[hbm4b:s31+s3] =	stream.linear.scatter [tilespmem:s30], [sflag:$0x2], $0x80, $0x38;
	[tilespmem:$0x17400] =	vst v63  }
0x49b: {  	s24 =	sadd.s32 $0x11CE0, s21;
	s25 =	sadd.s32 $0x3040, s23  }
0x49c: {  	[hbm4b:s25+s3] =	stream.linear.scatter [tilespmem:s24], [sflag:$0x2], $0x80, $0x38;
	[tilespmem:$0x17400] =	vst v63  }
0x49d: {  	s28 =	sadd.s32 $0x11D68, s21;
	s29 =	sadd.s32 $0x3050, s23  }
0x49e: {  	[hbm4b:s29+s3] =	stream.linear.scatter [tilespmem:s28], [sflag:$0x2], $0x80, $0x38;
	[tilespmem:$0x17400] =	vst v63  }
0x49f: {  	s30 =	sadd.s32 $0x11DF0, s21;
	s31 =	sadd.s32 $0x3060, s23  }
0x4a0: {  	[hbm4b:s31+s3] =	stream.linear.scatter [tilespmem:s30], [sflag:$0x2], $0x80, $0x38;
	[tilespmem:$0x17400] =	vst v63  }
0x4a1: {  	s23 =	sadd.s32 $0x3070, s23;
	s24 =	sadd.s32 $0x11E78, s21  }
0x4a2: {  	[hbm4b:s23+s3] =	stream.linear.scatter [tilespmem:s24], [sflag:$0x2], $0x80, $0x38;
	[tilespmem:$0x17400] =	vst v63  }
0x4a3: {  	s22 =	sadd.s32 s22, s9  }
0x4a4: {  	[hbm4b:s22+s3] =	stream.linear.scatter [tilespmem:s26], [sflag:$0x2], $0x80, $0x38;
	[tilespmem:$0x17400] =	vst v63  }
0x4a5: {  	s25 =	sadd.s32 $0x11F88, s21;
	s26 =	sadd.s32 $0x10, s22  }
0x4a6: {  	[hbm4b:s26+s3] =	stream.linear.scatter [tilespmem:s25], [sflag:$0x2], $0x80, $0x38;
	[tilespmem:$0x17400] =	vst v63  }
0x4a7: {  	s28 =	sadd.s32 $0x12010, s21;
	s29 =	sadd.s32 $0x20, s22  }
0x4a8: {  	[hbm4b:s29+s3] =	stream.linear.scatter [tilespmem:s28], [sflag:$0x2], $0x80, $0x38;
	[tilespmem:$0x17400] =	vst v63  }
0x4a9: {  	s30 =	sadd.s32 $0x12098, s21;
	s31 =	sadd.s32 $0x30, s22  }
0x4aa: {  	[hbm4b:s31+s3] =	stream.linear.scatter [tilespmem:s30], [sflag:$0x2], $0x80, $0x38;
	[tilespmem:$0x17400] =	vst v63  }
0x4ab: {  	s23 =	sadd.s32 $0x12120, s21;
	s24 =	sadd.s32 $0x40, s22  }
0x4ac: {  	[hbm4b:s24+s3] =	stream.linear.scatter [tilespmem:s23], [sflag:$0x2], $0x80, $0x38;
	[tilespmem:$0x17400] =	vst v63  }
0x4ad: {  	s25 =	sadd.s32 $0x121A8, s21;
	s26 =	sadd.s32 $0x50, s22  }
0x4ae: {  	[hbm4b:s26+s3] =	stream.linear.scatter [tilespmem:s25], [sflag:$0x2], $0x80, $0x38;
	[tilespmem:$0x17400] =	vst v63  }
0x4af: {  	s28 =	sadd.s32 $0x12230, s21;
	s29 =	sadd.s32 $0x60, s22  }
0x4b0: {  	[hbm4b:s29+s3] =	stream.linear.scatter [tilespmem:s28], [sflag:$0x2], $0x80, $0x38;
	[tilespmem:$0x17400] =	vst v63  }
0x4b1: {  	s30 =	sadd.s32 $0x122B8, s21;
	s31 =	sadd.s32 $0x70, s22  }
0x4b2: {  	[hbm4b:s31+s3] =	stream.linear.scatter [tilespmem:s30], [sflag:$0x2], $0x80, $0x38;
	[tilespmem:$0x17400] =	vst v63  }
0x4b3: {  	s23 =	sadd.s32 $0x12340, s21;
	s24 =	sadd.s32 $0x1000, s22  }
0x4b4: {  	[hbm4b:s24+s3] =	stream.linear.scatter [tilespmem:s23], [sflag:$0x2], $0x80, $0x38;
	[tilespmem:$0x17400] =	vst v63  }
0x4b5: {  	s25 =	sadd.s32 $0x123C8, s21;
	s26 =	sadd.s32 $0x1010, s22  }
0x4b6: {  	[hbm4b:s26+s3] =	stream.linear.scatter [tilespmem:s25], [sflag:$0x2], $0x80, $0x38;
	[tilespmem:$0x17400] =	vst v63  }
0x4b7: {  	s28 =	sadd.s32 $0x12450, s21;
	s29 =	sadd.s32 $0x1020, s22  }
0x4b8: {  	[hbm4b:s29+s3] =	stream.linear.scatter [tilespmem:s28], [sflag:$0x2], $0x80, $0x38;
	[tilespmem:$0x17400] =	vst v63  }
0x4b9: {  	s30 =	sadd.s32 $0x124D8, s21;
	s31 =	sadd.s32 $0x1030, s22  }
0x4ba: {  	[hbm4b:s31+s3] =	stream.linear.scatter [tilespmem:s30], [sflag:$0x2], $0x80, $0x38;
	[tilespmem:$0x17400] =	vst v63  }
0x4bb: {  	s23 =	sadd.s32 $0x12560, s21;
	s24 =	sadd.s32 $0x1040, s22  }
0x4bc: {  	[hbm4b:s24+s3] =	stream.linear.scatter [tilespmem:s23], [sflag:$0x2], $0x80, $0x38;
	[tilespmem:$0x17400] =	vst v63  }
0x4bd: {  	s25 =	sadd.s32 $0x125E8, s21;
	s26 =	sadd.s32 $0x1050, s22  }
0x4be: {  	[hbm4b:s26+s3] =	stream.linear.scatter [tilespmem:s25], [sflag:$0x2], $0x80, $0x38;
	[tilespmem:$0x17400] =	vst v63  }
0x4bf: {  	s28 =	sadd.s32 $0x12670, s21;
	s29 =	sadd.s32 $0x1060, s22  }
0x4c0: {  	[hbm4b:s29+s3] =	stream.linear.scatter [tilespmem:s28], [sflag:$0x2], $0x80, $0x38;
	[tilespmem:$0x17400] =	vst v63  }
0x4c1: {  	s30 =	sadd.s32 $0x126F8, s21;
	s31 =	sadd.s32 $0x1070, s22  }
0x4c2: {  	[hbm4b:s31+s3] =	stream.linear.scatter [tilespmem:s30], [sflag:$0x2], $0x80, $0x38;
	[tilespmem:$0x17400] =	vst v63  }
0x4c3: {  	s23 =	sadd.s32 $0x12780, s21;
	s24 =	sadd.s32 $0x2000, s22  }
0x4c4: {  	[hbm4b:s24+s3] =	stream.linear.scatter [tilespmem:s23], [sflag:$0x2], $0x80, $0x38;
	[tilespmem:$0x17400] =	vst v63  }
0x4c5: {  	s25 =	sadd.s32 $0x12808, s21;
	s26 =	sadd.s32 $0x2010, s22  }
0x4c6: {  	[hbm4b:s26+s3] =	stream.linear.scatter [tilespmem:s25], [sflag:$0x2], $0x80, $0x38;
	[tilespmem:$0x17400] =	vst v63  }
0x4c7: {  	s28 =	sadd.s32 $0x12890, s21;
	s29 =	sadd.s32 $0x2020, s22  }
0x4c8: {  	[hbm4b:s29+s3] =	stream.linear.scatter [tilespmem:s28], [sflag:$0x2], $0x80, $0x38;
	[tilespmem:$0x17400] =	vst v63  }
0x4c9: {  	s30 =	sadd.s32 $0x12918, s21;
	s31 =	sadd.s32 $0x2030, s22  }
0x4ca: {  	[hbm4b:s31+s3] =	stream.linear.scatter [tilespmem:s30], [sflag:$0x2], $0x80, $0x38;
	[tilespmem:$0x17400] =	vst v63  }
0x4cb: {  	s23 =	sadd.s32 $0x129A0, s21;
	s24 =	sadd.s32 $0x2040, s22  }
0x4cc: {  	[hbm4b:s24+s3] =	stream.linear.scatter [tilespmem:s23], [sflag:$0x2], $0x80, $0x38;
	[tilespmem:$0x17400] =	vst v63  }
0x4cd: {  	s25 =	sadd.s32 $0x12A28, s21;
	s26 =	sadd.s32 $0x2050, s22  }
0x4ce: {  	[hbm4b:s26+s3] =	stream.linear.scatter [tilespmem:s25], [sflag:$0x2], $0x80, $0x38;
	[tilespmem:$0x17400] =	vst v63  }
0x4cf: {  	s28 =	sadd.s32 $0x12AB0, s21;
	s29 =	sadd.s32 $0x2060, s22  }
0x4d0: {  	[hbm4b:s29+s3] =	stream.linear.scatter [tilespmem:s28], [sflag:$0x2], $0x80, $0x38;
	[tilespmem:$0x17400] =	vst v63  }
0x4d1: {  	s30 =	sadd.s32 $0x12B38, s21;
	s31 =	sadd.s32 $0x2070, s22  }
0x4d2: {  	[hbm4b:s31+s3] =	stream.linear.scatter [tilespmem:s30], [sflag:$0x2], $0x80, $0x38;
	[tilespmem:$0x17400] =	vst v63  }
0x4d3: {  	s23 =	sadd.s32 $0x12BC0, s21;
	s24 =	sadd.s32 $0x3000, s22  }
0x4d4: {  	[hbm4b:s24+s3] =	stream.linear.scatter [tilespmem:s23], [sflag:$0x2], $0x80, $0x38;
	[tilespmem:$0x17400] =	vst v63  }
0x4d5: {  	s25 =	sadd.s32 $0x12C48, s21;
	s26 =	sadd.s32 $0x3010, s22  }
0x4d6: {  	[hbm4b:s26+s3] =	stream.linear.scatter [tilespmem:s25], [sflag:$0x2], $0x80, $0x38;
	[tilespmem:$0x17400] =	vst v63  }
0x4d7: {  	s28 =	sadd.s32 $0x12CD0, s21;
	s29 =	sadd.s32 $0x3020, s22  }
0x4d8: {  	[hbm4b:s29+s3] =	stream.linear.scatter [tilespmem:s28], [sflag:$0x2], $0x80, $0x38;
	[tilespmem:$0x17400] =	vst v63  }
0x4d9: {  	s30 =	sadd.s32 $0x12D58, s21;
	s31 =	sadd.s32 $0x3030, s22  }
0x4da: {  	[hbm4b:s31+s3] =	stream.linear.scatter [tilespmem:s30], [sflag:$0x2], $0x80, $0x38;
	[tilespmem:$0x17400] =	vst v63  }
0x4db: {  	s23 =	sadd.s32 $0x12DE0, s21;
	s24 =	sadd.s32 $0x3040, s22  }
0x4dc: {  	[hbm4b:s24+s3] =	stream.linear.scatter [tilespmem:s23], [sflag:$0x2], $0x80, $0x38;
	[tilespmem:$0x17400] =	vst v63  }
0x4dd: {  	p1 =	sne.s32 s20, $0x32;
	s25 =	sadd.s32 $0x12E68, s21;
	s26 =	sadd.s32 $0x3050, s22  }
0x4de: {  	[hbm4b:s26+s3] =	stream.linear.scatter [tilespmem:s25], [sflag:$0x2], $0x80, $0x38;
	[tilespmem:$0x17400] =	vst v63  }
.Ltmp5:
0x4df: {  	_ = 	snop;
	(pc) =	sbr.rel @p1 .LBB2_2-.Ltmp5, $4  }
0x4e0: {  	p0 =	por !p0, !p0;
	s28 =	sadd.s32 $0x12EF0, s21;
	s29 =	sadd.s32 $0x3060, s22  }
0x4e1: {  	[hbm4b:s29+s3] =	stream.linear.scatter [tilespmem:s28], [sflag:$0x2], $0x80, $0x38;
	[tilespmem:$0x17400] =	vst v63  }
0x4e2: {  	s30 =	sadd.s32 $0x12F78, s21;
	s31 =	sadd.s32 $0x3070, s22;
	s22 =	smov.u32 s20  }
0x4e3: {  	[hbm4b:s31+s3] =	stream.linear.scatter [tilespmem:s30], [sflag:$0x2], $0x80, $0x38;
	[tilespmem:$0x17400] =	vst v63  }
0x4e4: {  	_ =	swait.ge [sflag:s18], $0x1000  }
0x4e5: {  	[sflag:s18] =	ssyncset.done $0x0  }
0x4e6: {  	[sflag:s18] =	ssyncadd.s32 $0xFFFFF000  }
0x4e7: {  	_ =	swait.ge [sflag:s18], $0x1000  }
0x4e8: {  	[sflag:s18] =	ssyncset.done $0x0  }
0x4e9: {  	[sflag:s18] =	ssyncadd.s32 $0xFFFFF000  }
0x4ea: {  	_ =	swait.ge [sflag:s18], $0x1000  }
0x4eb: {  	[sflag:s18] =	ssyncset.done $0x0  }
0x4ec: {  	[sflag:s18] =	ssyncadd.s32 $0xFFFFF000  }
0x4ed: {  	_ =	swait.ge [sflag:s18], $0x1000  }
0x4ee: {  	[sflag:s18] =	ssyncset.done $0x0  }
0x4ef: {  	[sflag:s18] =	ssyncadd.s32 $0xFFFFF000  }
0x4f0: {  	_ =	swait.ge [sflag:s18], $0x1000  }
0x4f1: {  	[sflag:s18] =	ssyncset.done $0x0  }
0x4f2: {  	[sflag:s18] =	ssyncadd.s32 $0xFFFFF000  }
0x4f3: {  	_ =	swait.ge [sflag:s18], $0x1000  }
0x4f4: {  	[sflag:s18] =	ssyncset.done $0x0  }
0x4f5: {  	s19 =	sadd.s32 $0x1, s19;
	[sflag:s18] =	ssyncadd.s32 $0xFFFFF000  }
0x4f6: {  	p0 =	sne.s32 s19, s10;
	_ =	swait.ge [sflag:s18], $0x1000  }
.Ltmp6:
0x4f7: {  	[sflag:s18] =	ssyncset.done $0x0;
	(pc) =	sbr.rel @p0 .LBB2_1-.Ltmp6, $4  }
0x4f8: {  	[sflag:s18] =	ssyncadd.s32 $0xFFFFF000  }
0x4f9: {  	_ =	swait.ge [sflag:s18], $0x1000  }
0x4fa: {  	[sflag:s18] =	ssyncset.done $0x0  }
0x4fb: {  	[sflag:s18] =	ssyncadd.s32 $0xFFFFF000  }
0x4fc: {  	_ =	sfence.sel $0x180000  }
0x4fd: {  	[bflag:$0x0] =	sbarrier.arrive $0xFFFF  }
0x4fe: {  	_ =	strace $0x9000004A  }
0x4ff: {  	[bflag:$0x2] =	sbarrier.arrive $0xFFFF  }
0x500: {  	p0 =	sne.s32 s2, $0x0;
	s0 =	rddreg [dreg:$0x2]  }
0x501: {  	s0 =	sadd.s32 @!p0 $0x100000, s0  }
0x502: {  	[sflag:s0] =	ssyncadd.tile.s32 @!p0 $0x1;
	_ =	shalt  }
.Lfunc_end2:
_tile_overlayer_lowered:
.L_overlay_start_2:
0x503: {  	(tag) =	ssettag $0x2  }
0x504: {  	s0 =	rddreg [dreg:$0x0];
	s2 =	stileid.u32  }
0x505: {  	s1 =	rddreg [dreg:$0x1];
	p0 =	sne.s32 s2, $0x0  }
0x506: {  	s3 =	rddreg [dreg:$0x2];
	[bflag:$0x3] =	sbarrier.arrive $0xFFFF;
	s2 =	simm.s32 @!p0 $0x1C03  }
0x507: {  	[timem:s3], [sflag:s2] =	dma.local @!p0 [hbm:s0], s1  }
0x508: {  	s0 =	simm.s32 @!p0 $0x3  }
0x509: {  	_ =	swait.ge @!p0 [sflag:s0], s1  }
0x50a: {  	s1 =	ssub.s32 @!p0 $0x0, s1;
	[sflag:s0] =	ssyncset.done @!p0 $0x0  }
0x50b: {  	[sflag:s0] =	ssyncadd.s32 @!p0 s1  }
0x50c: {  	[bflag:$0x3] =	sbarrier.arrive $0xFFFF  }
0x50d: {  	_ =	shalt  }

// kernel: sparse-core-data-format-call.cloned.1.call-start
scs
called_computation_lowered:
.L_overlay_start_0:
0x0: {  	s2 =	sld [smem:$0x3FD9]  }
0x1: {  	s3 =	sld [smem:$0x3FFE];
	_ =	sdelay $0x1  }
0x2: {  	s1 =	srdreg.scid  }
0x3: {  	s0 =	sand.u32 $0x1, s1  }
0x4: {  	s18 =	sshll.u32 s0, $0xA;
	s2 =	sadd.s32 s3, s2  }
0x5: {  	s2 =	sadd.s32 s2, s18  }
0x6: {  	[smem:$0x3FC6] =	sst s2  }
0x7: {  	_ = 	snop  }
0x8: {  	s2 =	sld [smem:$0x3FC8];
	(tm) =	ssettm $0x1  }
0x9: {  	s19 =	sld [smem:$0x3FFB];
	_ =	sdelay $0x3  }
0xa: {  	_ =	strace s19  }
0xb: {  	s3 =	sld [smem:$0x3FFC];
	_ =	sdelay $0x3  }
0xc: {  	_ =	strace s3  }
0xd: {  	s3 =	sld [smem:$0x3FFD];
	_ =	sdelay $0x3  }
0xe: {  	_ =	strace s3  }
0xf: {  	_ =	strace $0x8FFFFFFF  }
0x10: {  	s20 =	sld [smem:$0x3FDB];
	_ =	sdelay $0x1  }
0x11: {  	s4 =	simm.s32 $_scs_section_size  }
0x12: {  	s5 =	simm.s32 $_size__tile_overlayer_lowered;
	s6 =	simm.s32 $_tile_overlayer_lowered  }
0x13: {  	s23 =	simm.s32 $0x1BFF;
	s22 =	sshll.u32 s6, $0x1;
	s3 =	sadd.s32 s4, s20  }
0x14: {  	s7 =	simm.s32 $0x0;
	s21 =	sshll.u32 s5, $0x1;
	s5 =	sadd.s32 s22, s3  }
0x15: {  	[timem:s7], [sflag:s23] =	dma.local [hbm:s5], s21  }
0x16: {  	_ =	swait.ge [sflag:s23], s21  }
0x17: {  	s4 =	ssub.s32 $0x0, s21;
	[sflag:s23] =	ssyncset.done $0x0  }
0x18: {  	[sflag:s23] =	ssyncadd.s32 s4;
	_ =	sdelay $0x1  }
0x19: {  	s24 =	simm.s32 $0x1B8B  }
0x1a: {  	_ =	swait.ge [sflag:s24], $0x1  }
0x1b: {  	[sflag:s24] =	ssyncset.done $0x0  }
0x1c: {  	s26 =	simm.s32 $0x1B8E;
	s25 =	sld [smem:$0x3FFE];
	[sflag:s24] =	ssyncadd.s32 $0xFFFFFFFF  }
0x1d: {  	s27 =	simm.s32 $execute0_lowered;
	[smem:$0x3FD2] =	sst s26  }
0x1e: {  	s5 =	sshll.u32 s27, $0x1;
	_ =	strace $0x80000046;
	[dreg:$0x1] =	wrdreg $0xFFFFFFFF  }
0x1f: {  	s28 =	simm.s32 $_size_execute0_lowered;
	s3 =	sadd.s32 s3, s5;
	[dreg:$0x0] =	wrdreg $0x0  }
0x20: {  	s5 =	sshll.u32 s28, $0x1;
	[dreg:$0x2] =	wrdreg s3  }
0x21: {  	[dreg:$0x3] =	wrdreg s5  }
0x22: {  	[dreg:$0x4] =	wrdreg $0xC0  }
0x23: {  	_ =	task [dreg:s7], $0x5FFFF  }
0x24: {  	[dreg:$0x1] =	wrdreg $0xFFFFFFFF  }
0x25: {  	[dreg:$0x0] =	wrdreg $0x60  }
0x26: {  	[dreg:$0x2] =	wrdreg s2  }
0x27: {  	[dreg:$0x3] =	wrdreg s25  }
0x28: {  	[dreg:$0x4] =	wrdreg $0x9  }
0x29: {  	_ =	task.clear_ibuf [dreg:s7], $0x5FFFF;
	_ =	strace $0x90000046  }
0x2a: {  	s29 =	simm.s32 $0x9;
	_ =	strace $0x80000048  }
0x2b: {  	_ =	swait.ge [sflag:s29], $0x1  }
0x2c: {  	[sflag:s29] =	ssyncadd.s32 $0xFFFFFFFF  }
0x2d: {  	_ =	strace $0x90000048  }
0x2e: {  	_ =	sfence  }
0x2f: {  	s30 =	sld [smem:$0x0];
	_ =	sdelay $0x2  }
0x30: {  	s31 =	sshll.u32 s1, $0xD;
	s1 =	sshrl.u32 s1, $0x2  }
0x31: {  	s3 =	sand.u32 $0x4000, s31;
	s1 =	sadd.s32 s1, s30  }
0x32: {  	s0 =	sor.u32 s3, s0;
	s1 =	sshll.u32 s1, $0x11  }
0x33: {  	s0 =	sor.u32 s1, s0  }
0x34: {  	s0 =	sadd.s32 $0x8F2B, s0  }
0x35: {  	[sflag:s0] =	ssyncadd.remote.s32 $0x1  }
0x36: {  	_ =	sfence.sel $0xFFFF  }
0x37: {  	[dreg:$0x0] =	wrdreg $0xFFFFFFFF;
	(pc) =	sbr.abs _section_cstart, $3  }
0x38: {  	[dreg:$0x1] =	wrdreg $0xFFFFFFFF  }
0x39: {  	_ =	task.clear_ibuf [dreg:s7], $0x2FFFF;
	_ =	strace $0x9FFFFFFF  }
0x3a: {  	(tm) =	ssettm $0x7FFFFFFF  }
0x3b: {  	_ =	shalt  }
tec
execute0_lowered:
.L_overlay_start_1:
0x0: {  	(tag) =	ssettag $0x1  }
0x1: {  	s0 =	srdreg.scid;
	s2 =	rddreg [dreg:$0x0]  }
0x2: {  	s5 =	rddreg [dreg:$0x1];
	s1 =	stileid.u32  }
0x3: {  	s4 =	simm.s32 $0x1;
	s6 =	simm.s32 $0x2;
	s15 =	simm.s32 $0x0  }
0x4: {  	p0 =	por $0x0, $0x0;
	s8 =	simm.s32 $0x80;
	s0 =	sshll.u32 s0, $0x4  }
0x5: {  	s14 =	simm.s32 $0x0;
	s9 =	simm.s32 $0x0;
	s3 =	sand.u32 $0x10, s0  }
.Ltmp0:
0x6: {  	s10 =	simm.s32 $0x0;
	s3 =	sor.u32 s1, s3;
	(pc) =	sbr.rel .LBB1_1-.Ltmp0, $4  }
0x7: {  	s0 =	rddreg [dreg:$0x2];
	_ =	strace $0x80000047;
	s3 =	sshll.u32 s3, $0x7  }
0x8: {  	s12 =	simm.s32 $0x0;
	[sflag:s4] =	ssyncpa.u1 $0x0;
	s7 =	ssub.s32 $0xF4200, s3  }
0x9: {  	s13 =	simm.s32 $0x0;
	[sflag:s6] =	ssyncpa.u1 $0x0;
	s6 =	sshrl.u32 s7, $0xC  }
0xa: {  	s5 =	sadd.s32 $0xA00, s5;
	s11 =	smov.u32 s3;
	s7 =	sadd.s32 $0x2, s6  }
.LBB1_5:
0xb: {  	p1 =	slt.u32 s13, $0x2  }
0xc: {  	s17 =	smov.u32 s15;
	p2 =	sgt.s32 @!p1 s15, $0xF41C0;
	s16 =	sshra.s32 @!p1 s15, $0x1F  }
0xd: {  	p3 =	sgt.s32 @!p1 s14, $0x60;
	s18 =	sshra.s32 @!p1 s14, $0x1F;
	p2 =	por !p2, p1  }
0xe: {  	s15 =	sand.u32 @!p1 s16, s15;
	p3 =	por !p3, p1;
	s16 =	smov.u32 s14  }
0xf: {  	s14 =	sand.u32 @!p1 s18, s14;
	s17 =	simm.s32 @p2 $0xF41C0;
	s16 =	simm.s32 @p3 $0x60  }
0x10: {  	s15 =	ssub.s32 @!p1 s17, s15;
	s14 =	ssub.s32 @!p1 s16, s14  }
0x11: {  	s18 =	smov.u32 s12;
	s16 =	sadd.s32 @!p1 $0xFFF0BE40, s15;
	s17 =	sadd.s32 @!p1 $0xFFFFFFA0, s14  }
0x12: {  	s15 =	ssub.s32 @!p1 $0xF4240, s15;
	p2 =	sgt.s32 @!p1 s16, $0x7F;
	p3 =	sgt.s32 @!p1 s17, $0x1F  }
0x13: {  	s14 =	ssub.s32 @!p1 $0x80, s14;
	p2 =	por !p2, p1;
	p3 =	por !p3, p1  }
0x14: {  	s16 =	sadd.s32 $0x1000, s11;
	s15 =	simm.s32 @!p2 $0x0;
	s14 =	simm.s32 @!p3 $0x0  }
0x15: {  	p2 =	sgt.s32 s16, $0xF423F;
	s14 =	smul.u32 @!p1 s14, s15;
	s15 =	sadd.s32 $0x20, s12  }
0x16: {  	s18 =	smov.u32 @p2 s15  }
0x17: {  	s16 =	smov.u32 @p2 s3;
	p2 =	sgt.s32 s18, $0x1F  }
0x18: {  	s18 =	simm.s32 @p2 $0x0;
	p2 =	sne.s32 s13, s7  }
.Ltmp1:
0x19: {  	p0 =	por !p0, !p0;
	s17 =	simm.s32 @!p1 $0x2;
	(pc) =	sbr.rel @!p2 .LBB1_6-.Ltmp1, $4  }
0x1a: {  	s15 =	smov.u32 s9;
	s9 =	smov.u32 s11;
	s14 =	sand.u32 @!p1 $0x3FFFFFFF, s14  }
0x1b: {  	s11 =	smov.u32 s16;
	_ =	swait.ge @!p1 [sflag:s17], s14;
	s19 =	ssub.s32 @!p1 $0x0, s14  }
0x1c: {  	s14 =	smov.u32 s10;
	s13 =	sadd.s32 $0x1, s13;
	[sflag:s17] =	ssyncset.done @!p1 $0x0  }
0x1d: {  	s10 =	smov.u32 s12;
	s12 =	smov.u32 s18;
	[sflag:s17] =	ssyncadd.s32 @!p1 s19  }
.LBB1_1:
0x1e: {  	p1 =	sgt.u32 s13, s6  }
0x1f: {  	s16 =	sshrl.u32 @!p1 s12, $0x3  }
0x20: {  	s17 =	sshll.u32 @!p1 s11, $0x3;
	s16 =	smul.u32 @!p1 $0x7A1400, s16  }
0x21: {  	s18 =	sshll.u32 @!p1 s12, $0x7;
	s17 =	sand.u32 @!p1 $0xFFFFFC00, s17  }
0x22: {  	s16 =	sadd.s32 @!p1 s16, s17;
	s17 =	sand.u32 @!p1 $0x380, s18  }
0x23: {  	s18 =	sand.u32 @!p1 $0x7F, s11;
	s16 =	sor.u32 @!p1 s17, s16  }
0x24: {  	s17 =	sor.u32 @!p1 s18, s16  }
0x25: {  	s18 =	smulhi.u32 @!p1 $0x218D6287, s17;
	_ =	sdelay $0x1  }
0x26: {  	s16 =	smulhi.u32 @!p1 $0x218D6287, s16;
	s18 =	sshrl.u32 @!p1 s18, $0x11  }
0x27: {  	s18 =	smul.u32 @!p1 $0xF4280, s18  }
0x28: {  	s19 =	sxor.u32 @!p1 $0xFFFFFFFF, s13;
	s16 =	sshrl.u32 @!p1 s16, $0x11  }
0x29: {  	s19 =	sshll.u32 @!p1 s19, $0xC;
	s16 =	sand.u32 @!p1 $0x1F, s16;
	s17 =	ssub.s32 @!p1 s17, s18  }
0x2a: {  	s16 =	smul.u32 @!p1 $0x1E850, s16;
	s18 =	sshrl.u32 @!p1 s17, $0x3;
	s17 =	sand.u32 @!p1 $0x7, s17  }
0x2b: {  	s19 =	sand.u32 @!p1 $0x1000, s19;
	s18 =	sadd.s32 @!p1 s2, s18;
	s17 =	sshll.u32 @!p1 s17, $0x12  }
0x2c: {  	s16 =	sadd.s32 @!p1 s16, s18;
	s17 =	sor.u32 @!p1 $0x400, s17;
	s18 =	simm.s32 @!p1 $0x7A1400  }
0x2d: {  	[tilespmem:s19], [sflag:$0x1] =	stream.strided.gather @!p1 [hbm4b:s16+s17], $0x1000, s18, s17, $0x38;
	[tilespmem:$0x4100] =	vst v63  }
0x2e: {  	p1 =	seq.s32 s13, $0x0  }
0x2f: {  	p2 =	sge.u32 @!p1 s13, s7  }
0x30: {  	p1 =	por p1, p2  }
.Ltmp2:
0x31: {  	_ = 	snop;
	(pc) =	sbr.rel @p1 .LBB1_5-.Ltmp2, $1  }
0x32: {  	_ =	sdelay $0x3  }
0x33: {  	s16 =	simm.s32 $0x1  }
0x34: {  	_ =	swait.ge [sflag:s4], $0x1000;
	s16 =	simm.s32 @!p0 $0x0  }
0x35: {  	[sflag:s4] =	ssyncset.done $0x0;
	s17 =	sshll.u32 s16, $0xC  }
0x36: {  	[sflag:s4] =	ssyncadd.s32 $0xFFFFF000;
	s17 =	sor.u32 $0x40, s17  }
0x37: {  	s16 =	smul.u32 $0x4200, s16;
	v0 =	vld [tilespmem:s17+$0x30]  }
0x38: {  	v1 =	vld [tilespmem:s17+$0xFFFFFFD0]  }
0x39: {  	s16 =	sshrl.u32 s16, $0x2;
	v5 =	vld [tilespmem:s17+$0xFFFFFFE0]  }
0x3a: {  	v6 =	vld [tilespmem:s17+$0xFFFFFFF0];
	s19 =	sor.u32 $0x2000, s16  }
0x3b: {  	s31 =	sand.u32 $0x1, s13;
	v4 =	vld [tilespmem:s17+$0x0];
	s18 =	sadd.s32 $0x0, s19  }
0x3c: {  	v3 =	vld [tilespmem:s17+$0x10];
	s16 =	smul.u32 $0x4200, s31;
	[tilespmem:s18+$0xE70 ss:$0x21] =	vst.msk $0xffff, v0  }
0x3d: {  	v2 =	vld [tilespmem:s17+$0x20];
	[tilespmem:s18+$0x210 ss:$0x21] =	vst.msk $0xffff, v1  }
0x3e: {  	s16 =	sshrl.u32 s16, $0x2;
	v1 =	vld [tilespmem:s17+$0xFFFFFFC0];
	[tilespmem:s18+$0x420 ss:$0x21] =	vst.msk $0xffff, v5;
	s17 =	sadd.s32 $0x80, s17  }
0x3f: {  	s20 =	simm.s32 $0x4;
	s21 =	simm.s32 $0x8;
	s16 =	sor.u32 $0x2000, s16;
	[tilespmem:s18+$0x630 ss:$0x21] =	vst.msk $0xffff, v6;
	v0 =	vld [tilespmem:s17+$0x30]  }
.LBB1_3:
0x40: {  	p1 =	sne.s32 s21, $0x7C;
	v5 =	vld [tilespmem:s17+$0xFFFFFFD0];
	[tilespmem:s18+$0x840 ss:$0x21] =	vst.msk $0xffff, v4  }
0x41: {  	v6 =	vld [tilespmem:s17+$0xFFFFFFE0];
	[tilespmem:s18+$0xA50 ss:$0x21] =	vst.msk $0xffff, v3  }
0x42: {  	s22 =	sshra.s32 s20, $0x2;
	s20 =	smov.u32 s21;
	v7 =	vld [tilespmem:s17+$0xFFFFFFF0];
	[tilespmem:s18+$0xC60 ss:$0x21] =	vst.msk $0xffff, v2  }
.Ltmp3:
0x43: {  	v4 =	vld [tilespmem:s17+$0x0];
	[tilespmem:s18+$0x0 ss:$0x21] =	vst.msk $0xffff, v1;
	s18 =	sadd.s32 s22, s19;
	(pc) =	sbr.rel @p1 .LBB1_3-.Ltmp3, $4  }
0x44: {  	v3 =	vld [tilespmem:s17+$0x10];
	[tilespmem:s18+$0xE70 ss:$0x21] =	vst.msk $0xffff, v0  }
0x45: {  	[tilespmem:s18+$0x210 ss:$0x21] =	vst.msk $0xffff, v5;
	v2 =	vld [tilespmem:s17+$0x20]  }
0x46: {  	v1 =	vld [tilespmem:s17+$0xFFFFFFC0];
	[tilespmem:s18+$0x420 ss:$0x21] =	vst.msk $0xffff, v6;
	s17 =	sadd.s32 $0x80, s17  }
0x47: {  	s21 =	sadd.s32 $0x4, s21;
	v0 =	vld [tilespmem:s17+$0x30];
	[tilespmem:s18+$0x630 ss:$0x21] =	vst.msk $0xffff, v7  }
0x48: {  	s21 =	sshll.u32 s9, $0x7;
	s22 =	sshll.u32 s10, $0x3;
	s20 =	sshra.s32 s20, $0x2  }
0x49: {  	p1 =	sgt.s32 s9, $0xF41C0;
	s30 =	sshra.s32 s9, $0x1F;
	s25 =	sshra.s32 s10, $0x1F  }
0x4a: {  	v5 =	vld [tilespmem:s17+$0xFFFFFFD0];
	s28 =	sshrl.u32 s10, $0x3;
	s23 =	sand.u32 $0xFFFFFC00, s21;
	s22 =	sand.u32 $0xFFFFFC00, s22  }
0x4b: {  	[tilespmem:s18+$0x840 ss:$0x21] =	vst.msk $0xffff, v4;
	v58 =	vld [tilespmem:s17+$0xFFFFFFE0];
	s21 =	sand.u32 $0x380, s21;
	s19 =	sadd.s32 s20, s19;
	s22 =	sadd.s32 s22, s23  }
0x4c: {  	v59 =	vld [tilespmem:s17+$0xFFFFFFF0];
	[tilespmem:s18+$0xA50 ss:$0x21] =	vst.msk $0xffff, v3;
	s29 =	sor.u32 s21, s22;
	s21 =	smov.u32 s9;
	s22 =	sand.u32 s30, s9  }
0x4d: {  	v60 =	vld [tilespmem:s17+$0x0];
	[tilespmem:s18+$0xC60 ss:$0x21] =	vst.msk $0xffff, v2;
	s30 =	sand.u32 $0x7, s10;
	s20 =	sshrl.u32 s29, $0x7;
	s21 =	simm.s32 @!p1 $0xF41C0  }
0x4e: {  	v61 =	vld [tilespmem:s17+$0x10];
	[tilespmem:s18+$0x0 ss:$0x21] =	vst.msk $0xffff, v1;
	p1 =	sgt.s32 s10, $0x60;
	s24 =	ssub.s32 s21, s22;
	s21 =	smov.u32 s10  }
0x4f: {  	v62 =	vld [tilespmem:s17+$0x20];
	[tilespmem:s19+$0xE70 ss:$0x21] =	vst.msk $0xffff, v0;
	s31 =	smulhi.u32 $0x218DEF5, s20;
	s22 =	sand.u32 s25, s10;
	s21 =	simm.s32 @!p1 $0x60  }
0x50: {  	v63 =	vld [tilespmem:s17+$0xFFFFFFC0];
	[tilespmem:s19+$0x210 ss:$0x21] =	vst.msk $0xffff, v5;
	s26 =	sadd.s32 $0xFFF0BE40, s24;
	s17 =	ssub.s32 $0xF4240, s24;
	s21 =	ssub.s32 s21, s22  }
0x51: {  	[tilespmem:s19+$0x420 ss:$0x21] =	vst.msk $0xffff, v58;
	s23 =	sshrl.u32 s31, $0xD;
	p1 =	sgt.s32 s26, $0x7F;
	s27 =	sadd.s32 $0xFFFFFFA0, s21  }
0x52: {  	[tilespmem:s19+$0x630 ss:$0x21] =	vst.msk $0xffff, v59;
	s23 =	smul.u32 $0xF4240, s23;
	s18 =	ssub.s32 $0x80, s21;
	p2 =	sgt.s32 s27, $0x1F  }
.Ltmp4:
0x53: {  	[tilespmem:s19+$0x840 ss:$0x21] =	vst.msk $0xffff, v60;
	s17 =	simm.s32 @p1 $0x0;
	s18 =	simm.s32 @p2 $0x0;
	(pc) =	sbr.rel .LBB1_5-.Ltmp4, $4  }
0x54: {  	s29 =	sand.u32 $0xF, s28;
	[tilespmem:s19+$0xA50 ss:$0x21] =	vst.msk $0xffff, v61;
	s20 =	ssub.s32 s20, s23;
	s17 =	smul.u32 s18, s17  }
0x55: {  	[tilespmem:s19+$0xC60 ss:$0x21] =	vst.msk $0xffff, v62;
	s21 =	sshll.u32 s30, $0x12;
	s20 =	sshll.u32 s20, $0x4;
	s18 =	sadd.s32 s5, s29  }
0x56: {  	[tilespmem:s19+$0x0 ss:$0x21] =	vst.msk $0xffff, v63;
	s31 =	sor.u32 $0x20, s21;
	s18 =	sadd.s32 s20, s18;
	s17 =	sand.u32 $0x3FFFFFFF, s17  }
0x57: {  	[hbm4b:s18+s31] =	stream.strided.scatter [tilespmem:s16], [sflag:$0x2], s17, s8, s31, $0x10;
	[tilespmem:$0x4100] =	vst v63  }
.LBB1_6:
0x58: {  	_ =	sfence.sel $0x180000  }
0x59: {  	s2 =	simm.s32 $0x1;
	[bflag:$0x0] =	sbarrier.arrive $0xFFFF  }
0x5a: {  	s31 =	simm.s32 $0x2;
	[sflag:s2] =	ssyncpa.u1 $0x1  }
0x5b: {  	[sflag:s31] =	ssyncpa.u1 $0x1  }
0x5c: {  	p0 =	sne.s32 s1, $0x0;
	_ =	strace $0x90000047  }
0x5d: {  	s0 =	sadd.s32 @!p0 $0x100000, s0;
	[bflag:$0x2] =	sbarrier.arrive $0xFFFF  }
0x5e: {  	[sflag:s0] =	ssyncadd.tile.s32 @!p0 $0x1;
	_ =	shalt  }
.Lfunc_end1:
_tile_overlayer_lowered:
.L_overlay_start_2:
0x5f: {  	(tag) =	ssettag $0x2  }
0x60: {  	s0 =	rddreg [dreg:$0x0];
	s2 =	stileid.u32  }
0x61: {  	s1 =	rddreg [dreg:$0x1];
	p0 =	sne.s32 s2, $0x0  }
0x62: {  	s3 =	rddreg [dreg:$0x2];
	[bflag:$0x3] =	sbarrier.arrive $0xFFFF;
	s2 =	simm.s32 @!p0 $0x1C01  }
0x63: {  	[timem:s3], [sflag:s2] =	dma.local @!p0 [hbm:s0], s1  }
0x64: {  	s0 =	simm.s32 @!p0 $0x1  }
0x65: {  	_ =	swait.ge @!p0 [sflag:s0], s1  }
0x66: {  	s1 =	ssub.s32 @!p0 $0x0, s1;
	[sflag:s0] =	ssyncset.done @!p0 $0x0  }
0x67: {  	[sflag:s0] =	ssyncadd.s32 @!p0 s1  }
0x68: {  	[bflag:$0x3] =	sbarrier.arrive $0xFFFF  }
0x69: {  	_ =	shalt  }

</sc_bundles>
